<compile_context>
chip_gen: v7x
topology: tpu7x:2x2x1
jax: 0.10.2.dev20260603
libtpu: 0.0.44.dev20260713+nightly
codegen_flags: <defaults>
</compile_context>

<pallas_src>
import functools

import jax
import jax.numpy as jnp
from jax import lax
from jax.experimental import pallas as pl
from jax.experimental.pallas import tpu as pltpu
from jax.experimental.pallas import tpu_sc as plsc

_PATHS = [[], [0], [0, 1], [0, 1, 2], [3], [3, 4], [3, 4, 5], [6], [6, 7],
          [6, 7, 8], [9], [9, 10]]
_P = 12
_E = 11
_T = 16
_NPAD = 10240
_BQ = 512
_BK = 2048
_BA = 512




def _sc_gather(table, idx):
    b = idx.shape[0]
    info = plsc.get_sparse_core_info()
    nw = info.num_cores * info.num_subcores
    bpw = b // nw
    mesh = plsc.VectorSubcoreMesh(core_axis_name="c", subcore_axis_name="s")

    @functools.partial(
        pl.kernel,
        out_type=jax.ShapeDtypeStruct((b,), jnp.int32),
        mesh=mesh,
        scratch_types=[
            pltpu.VMEM((bpw,), jnp.int32),
            pltpu.VMEM((bpw,), jnp.int32),
            pltpu.SemaphoreType.DMA,
        ],
    )
    def k(table_hbm, idx_hbm, out_hbm, idx_v, rows_v, sem):
        wid = lax.axis_index("s") * info.num_cores + lax.axis_index("c")
        base = wid * bpw
        pltpu.sync_copy(idx_hbm.at[pl.ds(base, bpw)], idx_v)
        pltpu.async_copy(table_hbm.at[idx_v], rows_v, sem).wait()
        pltpu.sync_copy(rows_v, out_hbm.at[pl.ds(base, bpw)])

    return k(table, idx)


def _fk_body(axis_ref, mom_ref, tht_ref, trans_ref, c_ref):
    ax = axis_ref[...]
    mo = mom_ref[...]
    nrm = jnp.sqrt((ax[:, 0:1] * ax[:, 0:1] + ax[:, 1:2] * ax[:, 1:2])
                   + ax[:, 2:3] * ax[:, 2:3])
    a = ax / (nrm + 1e-8)
    a0, a1, a2 = a[:, 0:1], a[:, 1:2], a[:, 2:3]
    m0, m1, m2 = mo[:, 0:1], mo[:, 1:2], mo[:, 2:3]
    q0 = a1 * m2 - a2 * m1
    q1 = a2 * m0 - a0 * m2
    q2 = a0 * m1 - a1 * m0
    th = tht_ref[...]
    s = jnp.sin(th)
    c = jnp.cos(th)
    one_c = 1.0 - c

    ident_r = [[jnp.full((1, _T), jnp.float32(1.0 if i == j else 0.0))
                for j in range(3)] for i in range(3)]
    ident_t = [jnp.zeros((1, _T), jnp.float32) for _ in range(3)]

    edges = []
    for e in range(_E):
        se = s[e:e + 1, :]
        oce = one_c[e:e + 1, :]
        v0, v1, v2 = a0[e:e + 1], a1[e:e + 1], a2[e:e + 1]
        kq = [q0[e:e + 1], q1[e:e + 1], q2[e:e + 1]]
        km = [[jnp.zeros((1, 1)), -v2, v1],
              [v2, jnp.zeros((1, 1)), -v0],
              [-v1, v0, jnp.zeros((1, 1))]]
        k2 = [[-(v2 * v2 + v1 * v1), v0 * v1, v0 * v2],
              [v0 * v1, -(v2 * v2 + v0 * v0), v1 * v2],
              [v0 * v2, v1 * v2, -(v1 * v1 + v0 * v0)]]
        r = [[(1.0 if i == j else 0.0) + se * km[i][j] + oce * k2[i][j]
              for j in range(3)] for i in range(3)]
        t = [kq[i] - (r[i][0] * kq[0] + r[i][1] * kq[1] + r[i][2] * kq[2])
             for i in range(3)]
        edges.append((r, t))

    def compose(m1_, m2_):
        r1, t1 = m1_
        r2, t2 = m2_
        r = [[r1[i][0] * r2[0][j] + r1[i][1] * r2[1][j] + r1[i][2] * r2[2][j]
              for j in range(3)] for i in range(3)]
        t = [t1[i] + (r1[i][0] * t2[0] + r1[i][1] * t2[1] + r1[i][2] * t2[2])
             for i in range(3)]
        return r, t

    parts = []
    for path in _PATHS:
        m = (ident_r, ident_t)
        for e in path:
            m = compose(m, edges[e])
        parts.append(m)

    zero = jnp.zeros((1, _T), jnp.float32)
    one = jnp.ones((1, _T), jnp.float32)
    trans_rows = []
    for (r, t) in parts:
        for i in range(3):
            trans_rows.extend([r[i][0] + zero, r[i][1] + zero,
                               r[i][2] + zero, t[i] + zero])
        trans_rows.extend([zero, zero, zero, one])
    trans_ref[...] = jnp.concatenate(trans_rows, axis=0)

    c_rows = []
    for (r, t) in parts:
        for j in range(3):
            c_rows.append(jnp.concatenate(
                [r[0][j] + zero, r[1][j] + zero, r[2][j] + zero], axis=1))
        c_rows.append(jnp.concatenate(
            [t[0] + zero, t[1] + zero, t[2] + zero], axis=1))
    c_ref[...] = jnp.concatenate(c_rows, axis=0)


def _fk_call(axis_list, moment_list, theta_t, interpret=False):
    return pl.pallas_call(
        _fk_body,
        out_shape=(jax.ShapeDtypeStruct((16 * _P, _T), jnp.float32),
                   jax.ShapeDtypeStruct((4 * _P, 3 * _T), jnp.float32)),
        interpret=interpret,
    )(axis_list, moment_list, theta_t)


def _apply_body(x_ref, seg_ref, c_ref, out_ref):
    xb = x_ref[...]
    seg = seg_ref[...]
    f4 = jnp.concatenate([xb, jnp.ones((_BA, 1), jnp.float32)], axis=1)
    ft = jnp.concatenate([f4] * _P, axis=1)
    colp = lax.broadcasted_iota(jnp.int32, (_BA, 4 * _P), 1) // 4
    u = jnp.where(colp == seg, ft, 0.0)
    out_ref[...] = jnp.dot(u, c_ref[...], preferred_element_type=jnp.float32)


def _apply_call(x_pad, seg_pad, cmat, interpret=False):
    return pl.pallas_call(
        _apply_body,
        grid=(_NPAD // _BA,),
        in_specs=[
            pl.BlockSpec((_BA, 3), lambda i: (i, 0)),
            pl.BlockSpec((_BA, 1), lambda i: (i, 0)),
            pl.BlockSpec((4 * _P, 3 * _T), lambda i: (0, 0)),
        ],
        out_specs=pl.BlockSpec((_BA, 3 * _T), lambda i: (i, 0)),
        out_shape=jax.ShapeDtypeStruct((_NPAD, 3 * _T), jnp.float32),
        interpret=interpret,
    )(x_pad, seg_pad, cmat)


def kernel(input_pc, cano_pc, seg_part, axis_list, moment_list, theta_list):
    n = input_pc.shape[0]
    x_pad = jnp.pad(input_pc, ((0, _NPAD - n), (0, 0)))

    x2 = jnp.sum(input_pc * input_pc, axis=1, keepdims=True)
    y2 = jnp.sum(cano_pc * cano_pc, axis=1)[None, :]
    d2 = x2 + y2 - 2.0 * (input_pc @ cano_pc.T)
    nn_idx = jnp.argmin(d2, axis=1).astype(jnp.int32)
    nn_pad = jnp.pad(nn_idx, (0, _NPAD - n))

    seg_tab = jnp.pad(seg_part.astype(jnp.int32),
                      (0, _NPAD - seg_part.shape[0]))
    seg_pad = _sc_gather(seg_tab, nn_pad)

    trans_out, cmat = _fk_call(axis_list, moment_list, theta_list.T)
    trans_list = trans_out.T.reshape(_T, _P, 4, 4)

    out_flat = _apply_call(x_pad, seg_pad[:, None], cmat)
    out = out_flat[:n].reshape(n, 3, _T).transpose(2, 0, 1)
    return (out, seg_pad[:n], trans_list)

# --- scband reference (transcript-rebuilt; emitter-appended) ---
"""Pipeline reference for scband-kinematic-model-87780541595880 (READ-ONLY COPY).

The authoritative reference and input builder live on the scoring server;
editing this copy changes nothing except your own understanding.
"""

import jax, jax.numpy as jnp
import numpy as np

NUM_PARTS = 12
NUM_EDGES = 11
POSE_LEN = 16
N_INPUT = 10000
N_CANO = 10000
PATHS_TO_BASE = [[], [0], [0, 1], [0, 1, 2], [3], [3, 4], [3, 4, 5], [6], [6, 7], [6, 7, 8], [9], [9, 10]]


def setup_inputs(seed: int = 0):
    key = jax.random.key(seed)
    k1, k2, k3, k4, k5, k6 = jax.random.split(key, 6)
    input_pc = jax.random.normal(k1, (N_INPUT, 3), dtype=jnp.float32)
    cano_pc = jax.random.normal(k2, (N_CANO, 3), dtype=jnp.float32)
    seg_part = jax.random.randint(k3, (N_CANO,), 0, NUM_PARTS)
    axis_list = jax.random.normal(k4, (NUM_EDGES, 3), dtype=jnp.float32)
    moment_list = 0.1 * jax.random.normal(k5, (NUM_EDGES, 3), dtype=jnp.float32)
    theta_list = 0.5 * jax.random.normal(k6, (POSE_LEN, NUM_EDGES), dtype=jnp.float32)
    return {"input_pc": input_pc, "cano_pc": cano_pc, "seg_part": seg_part,
            "axis_list": axis_list, "moment_list": moment_list, "theta_list": theta_list}


def _knn_query(input_pc, cano_pc, seg_part):
    # brute-force 1-NN: assign each input point the segment label of its nearest canonical point
    x2 = jnp.sum(input_pc * input_pc, axis=1, keepdims=True)
    y2 = jnp.sum(cano_pc * cano_pc, axis=1)[None, :]
    d2 = x2 + y2 - 2.0 * (input_pc @ cano_pc.T)
    nn_idx = jnp.argmin(d2, axis=1)
    return jnp.take(seg_part, nn_idx, axis=0)


def _skew(v):
    zeros = jnp.zeros(v.shape[:-1], dtype=v.dtype)
    r0 = jnp.stack([zeros, -v[..., 2], v[..., 1]], axis=-1)
    r1 = jnp.stack([v[..., 2], zeros, -v[..., 0]], axis=-1)
    r2 = jnp.stack([-v[..., 1], v[..., 0], zeros], axis=-1)
    return jnp.stack([r0, r1, r2], axis=-2)


def _fk(paths_to_base, axis_list, moment_list, theta_list):
    # screw-motion (Pluecker line) forward kinematics for revolute joints
    T = theta_list.shape[0]
    a = axis_list / (jnp.linalg.norm(axis_list, axis=1, keepdims=True) + 1e-8)
    K = _skew(a)                      # [E,3,3]
    K2 = jnp.matmul(K, K)
    th = theta_list[:, :, None, None]  # [T,E,1,1]
    I3 = jnp.eye(3, dtype=axis_list.dtype)
    R = I3[None, None] + jnp.sin(th) * K[None] + (1.0 - jnp.cos(th)) * K2[None]  # [T,E,3,3]
    q = jnp.cross(a, moment_list)     # point on joint axis [E,3]
    t = q[None, :, :] - jnp.einsum('teij,ej->tei', R, q)  # [T,E,3]
    top = jnp.concatenate([R, t[..., None]], axis=-1)      # [T,E,3,4]
    bottom = jnp.broadcast_to(jnp.array([0.0, 0.0, 0.0, 1.0], dtype=axis_list.dtype), top.shape[:2] + (1, 4))
    G = jnp.concatenate([top, bottom], axis=-2)             # [T,E,4,4]
    eye = jnp.broadcast_to(jnp.eye(4, dtype=axis_list.dtype), (T, 4, 4))
    parts = []
    for path in paths_to_base:
        Mt = eye
        for e in path:
            Mt = jnp.matmul(Mt, G[:, e])
        parts.append(Mt)
    return jnp.stack(parts, axis=1)  # [T, P, 4, 4]


def reference(input_pc, cano_pc, seg_part, axis_list, moment_list, theta_list):
    seg = _knn_query(input_pc, cano_pc, seg_part)          # [N]
    T = theta_list.shape[0]
    N = input_pc.shape[0]
    weight = jax.nn.one_hot(seg, NUM_PARTS, dtype=input_pc.dtype)  # [N,P]
    trans_list = _fk(PATHS_TO_BASE, axis_list, moment_list, theta_list)  # [T,P,4,4]
    rotation = trans_list[:, :, :3, :3].reshape(-1, 3, 3)
    translation = trans_list[:, :, :3, 3].reshape(-1, 3)
    pc = jnp.broadcast_to(input_pc[None, None], (T, NUM_PARTS, N, 3)).reshape(-1, N, 3)
    pc_trans = jnp.einsum('bnj,bkj->bnk', pc, rotation) + translation[:, None, :]
    pc_trans = pc_trans.reshape(T, NUM_PARTS, N, 3)
    out = jnp.sum(weight.T[None, :, :, None] * pc_trans, axis=1)  # [T,N,3]
    return (out, seg, trans_list)

if __name__ == "__main__":
    import jax
    _d = setup_inputs()
    print(jax.jit(kernel)(*tuple(_d.values())))

</pallas_src>

<mosaic_0001>
#map = affine_map<(d0, d1) -> (0)>
module attributes {stable_mosaic.version = 14 : i64} {
  func.func @k(%arg0: i32, %arg1: i32, %arg2: memref<10240xi32, #tpu.memory_space<hbm>>, %arg3: memref<10240xi32, #tpu.memory_space<hbm>>, %arg4: memref<10240xi32, #tpu.memory_space<hbm>>, %arg5: memref<320xi32, #tpu.memory_space<vmem>>, %arg6: memref<320xi32, #tpu.memory_space<vmem>>, %arg7: memref<!tpu.dma_semaphore, #tpu.memory_space<semaphore_mem>>) attributes {dimension_semantics = [#tpu.dimension_semantics<core_parallel>, #tpu.dimension_semantics<subcore_parallel>], iteration_bounds = array<i64: 2, 16>, scalar_prefetch = 0 : i64, scratch_operands = 3 : i64, tpu.core_type = #tpu.core_type<sc_vector_subcore>, window_params = [{transform_indices = #map}, {transform_indices = #map}, {transform_indices = #map}]} {
    %mul3A = arith.constant 2 : i32
    %mul3A_0 = arith.muli %arg1, %mul3A : i32
    %add3A = arith.addi %mul3A_0, %arg0 : i32
    %mul3A_1 = arith.constant 320 : i32
    %mul3A_2 = arith.muli %add3A, %mul3A_1 : i32
    "tpu.region"() ({
      %run_scoped3A = tpu.sem_alloc : memref<!tpu.dma_semaphore, #tpu.memory_space<semaphore_mem>>
      %dma_start3A_5 = tpu.memref_slice %arg3[%mul3A_2] : memref<10240xi32, #tpu.memory_space<hbm>> -> memref<320xi32, #tpu.memory_space<hbm>>
      %dma_start3A_6 = tpu.memref_slice %arg3[%mul3A_2] : memref<10240xi32, #tpu.memory_space<hbm>> -> memref<320xi32, #tpu.memory_space<hbm>>
      tpu.enqueue_dma source(%dma_start3A_6 : memref<320xi32, #tpu.memory_space<hbm>>) target(%arg5 : memref<320xi32, #tpu.memory_space<vmem>>) target_semaphore(%run_scoped3A : memref<!tpu.dma_semaphore, #tpu.memory_space<semaphore_mem>>)
      %dma_wait3A_7 = tpu.memref_slice %arg3[%mul3A_2] : memref<10240xi32, #tpu.memory_space<hbm>> -> memref<320xi32, #tpu.memory_space<hbm>>
      %dma_wait3A_8 = tpu.memref_slice %arg3[%mul3A_2] : memref<10240xi32, #tpu.memory_space<hbm>> -> memref<320xi32, #tpu.memory_space<hbm>>
      tpu.wait_dma2 semaphore(%run_scoped3A : memref<!tpu.dma_semaphore, #tpu.memory_space<semaphore_mem>>) src(%dma_wait3A_8 : memref<320xi32, #tpu.memory_space<hbm>>) dst(%arg5 : memref<320xi32, #tpu.memory_space<vmem>>)
      tpu.yield
    }) : () -> ()
    %dma_start3A = arith.constant 0 : i32
    %dma_start3A_3 = tpu.memref_slice %arg2[%dma_start3A] : memref<10240xi32, #tpu.memory_space<hbm>> -> memref<10240xi32, #tpu.memory_space<hbm>>
    tpu.enqueue_indirect_dma source(%dma_start3A_3 : memref<10240xi32, #tpu.memory_space<hbm>>) target(%arg6 : memref<320xi32, #tpu.memory_space<vmem>>) offsets(%arg5 : memref<320xi32, #tpu.memory_space<vmem>>) semaphore(%arg7 : memref<!tpu.dma_semaphore, #tpu.memory_space<semaphore_mem>>)
    %dma_wait3A = arith.constant 0 : i32
    %dma_wait3A_4 = tpu.memref_slice %arg2[%dma_wait3A] : memref<10240xi32, #tpu.memory_space<hbm>> -> memref<10240xi32, #tpu.memory_space<hbm>>
    tpu.wait_indirect_dma semaphore(%arg7 : memref<!tpu.dma_semaphore, #tpu.memory_space<semaphore_mem>>) src(%dma_wait3A_4 : memref<10240xi32, #tpu.memory_space<hbm>>) dst(%arg6 : memref<320xi32, #tpu.memory_space<vmem>>)
    "tpu.region"() ({
      %run_scoped3A = tpu.sem_alloc : memref<!tpu.dma_semaphore, #tpu.memory_space<semaphore_mem>>
      %dma_start3A_5 = tpu.memref_slice %arg4[%mul3A_2] : memref<10240xi32, #tpu.memory_space<hbm>> -> memref<320xi32, #tpu.memory_space<hbm>>
      %dma_start3A_6 = tpu.memref_slice %arg4[%mul3A_2] : memref<10240xi32, #tpu.memory_space<hbm>> -> memref<320xi32, #tpu.memory_space<hbm>>
      tpu.enqueue_dma source(%arg6 : memref<320xi32, #tpu.memory_space<vmem>>) target(%dma_start3A_6 : memref<320xi32, #tpu.memory_space<hbm>>) target_semaphore(%run_scoped3A : memref<!tpu.dma_semaphore, #tpu.memory_space<semaphore_mem>>)
      %dma_wait3A_7 = tpu.memref_slice %arg4[%mul3A_2] : memref<10240xi32, #tpu.memory_space<hbm>> -> memref<320xi32, #tpu.memory_space<hbm>>
      %dma_wait3A_8 = tpu.memref_slice %arg4[%mul3A_2] : memref<10240xi32, #tpu.memory_space<hbm>> -> memref<320xi32, #tpu.memory_space<hbm>>
      tpu.wait_dma2 semaphore(%run_scoped3A : memref<!tpu.dma_semaphore, #tpu.memory_space<semaphore_mem>>) src(%arg6 : memref<320xi32, #tpu.memory_space<vmem>>) dst(%dma_wait3A_8 : memref<320xi32, #tpu.memory_space<hbm>>)
      tpu.yield
    }) : () -> ()
    return
  }
}

module attributes {stable_mosaic.version = 14 : i64} {
  func.func @_fk_body(%arg0: memref<11x3xf32, #tpu.memory_space<vmem>>, %arg1: memref<11x3xf32, #tpu.memory_space<vmem>>, %arg2: memref<11x16xf32, #tpu.memory_space<vmem>>, %arg3: memref<192x16xf32, #tpu.memory_space<vmem>>, %arg4: memref<48x48xf32, #tpu.memory_space<vmem>>) attributes {dimension_semantics = [], scalar_prefetch = 0 : i64, scratch_operands = 0 : i64, tpu.core_type = #tpu.core_type<tc>} {
    %get3A = arith.constant 0 : index
    %get3A_0 = arith.constant 0 : index
    %get3A_1 = vector.load %arg0[%get3A, %get3A_0] : memref<11x3xf32, #tpu.memory_space<vmem>>, vector<11x3xf32>
    %get3A_2 = arith.constant 0 : index
    %get3A_3 = arith.constant 0 : index
    %get3A_4 = vector.load %arg1[%get3A_2, %get3A_3] : memref<11x3xf32, #tpu.memory_space<vmem>>, vector<11x3xf32>
    %slice3A = vector.extract_strided_slice %get3A_1 {offsets = [0, 0], sizes = [11, 1], strides = [1, 1]} : vector<11x3xf32> to vector<11x1xf32>
    %slice3A_5 = vector.extract_strided_slice %get3A_1 {offsets = [0, 0], sizes = [11, 1], strides = [1, 1]} : vector<11x3xf32> to vector<11x1xf32>
    %mul3A = arith.mulf %slice3A, %slice3A_5 : vector<11x1xf32>
    %slice3A_6 = vector.extract_strided_slice %get3A_1 {offsets = [0, 1], sizes = [11, 1], strides = [1, 1]} : vector<11x3xf32> to vector<11x1xf32>
    %slice3A_7 = vector.extract_strided_slice %get3A_1 {offsets = [0, 1], sizes = [11, 1], strides = [1, 1]} : vector<11x3xf32> to vector<11x1xf32>
    %mul3A_8 = arith.mulf %slice3A_6, %slice3A_7 : vector<11x1xf32>
    %add3A = arith.addf %mul3A, %mul3A_8 : vector<11x1xf32>
    %slice3A_9 = vector.extract_strided_slice %get3A_1 {offsets = [0, 2], sizes = [11, 1], strides = [1, 1]} : vector<11x3xf32> to vector<11x1xf32>
    %slice3A_10 = vector.extract_strided_slice %get3A_1 {offsets = [0, 2], sizes = [11, 1], strides = [1, 1]} : vector<11x3xf32> to vector<11x1xf32>
    %mul3A_11 = arith.mulf %slice3A_9, %slice3A_10 : vector<11x1xf32>
    %add3A_12 = arith.addf %add3A, %mul3A_11 : vector<11x1xf32>
    %sqrt3A = math.sqrt %add3A_12 : vector<11x1xf32>
    %add3A_13 = arith.constant 9.99999993E-9 : f32
    %add3A_14 = vector.broadcast %add3A_13 : f32 to vector<11x1xf32>
    %add3A_15 = arith.addf %sqrt3A, %add3A_14 : vector<11x1xf32>
    %div3A = vector.broadcast %add3A_15 : vector<11x1xf32> to vector<11x3xf32>
    %div3A_16 = arith.divf %get3A_1, %div3A : vector<11x3xf32>
    %slice3A_17 = vector.extract_strided_slice %div3A_16 {offsets = [0, 0], sizes = [11, 1], strides = [1, 1]} : vector<11x3xf32> to vector<11x1xf32>
    %slice3A_18 = vector.extract_strided_slice %div3A_16 {offsets = [0, 1], sizes = [11, 1], strides = [1, 1]} : vector<11x3xf32> to vector<11x1xf32>
    %slice3A_19 = vector.extract_strided_slice %div3A_16 {offsets = [0, 2], sizes = [11, 1], strides = [1, 1]} : vector<11x3xf32> to vector<11x1xf32>
    %slice3A_20 = vector.extract_strided_slice %get3A_4 {offsets = [0, 0], sizes = [11, 1], strides = [1, 1]} : vector<11x3xf32> to vector<11x1xf32>
    %slice3A_21 = vector.extract_strided_slice %get3A_4 {offsets = [0, 1], sizes = [11, 1], strides = [1, 1]} : vector<11x3xf32> to vector<11x1xf32>
    %slice3A_22 = vector.extract_strided_slice %get3A_4 {offsets = [0, 2], sizes = [11, 1], strides = [1, 1]} : vector<11x3xf32> to vector<11x1xf32>
    %mul3A_23 = arith.mulf %slice3A_18, %slice3A_22 : vector<11x1xf32>
    %mul3A_24 = arith.mulf %slice3A_19, %slice3A_21 : vector<11x1xf32>
    %sub3A = arith.subf %mul3A_23, %mul3A_24 : vector<11x1xf32>
    %mul3A_25 = arith.mulf %slice3A_19, %slice3A_20 : vector<11x1xf32>
    %mul3A_26 = arith.mulf %slice3A_17, %slice3A_22 : vector<11x1xf32>
    %sub3A_27 = arith.subf %mul3A_25, %mul3A_26 : vector<11x1xf32>
    %mul3A_28 = arith.mulf %slice3A_17, %slice3A_21 : vector<11x1xf32>
    %mul3A_29 = arith.mulf %slice3A_18, %slice3A_20 : vector<11x1xf32>
    %sub3A_30 = arith.subf %mul3A_28, %mul3A_29 : vector<11x1xf32>
    %get3A_31 = arith.constant 0 : index
    %get3A_32 = arith.constant 0 : index
    %get3A_33 = vector.load %arg2[%get3A_31, %get3A_32] : memref<11x16xf32, #tpu.memory_space<vmem>>, vector<11x16xf32>
    %sin3A = math.sin %get3A_33 : vector<11x16xf32>
    %cos3A = math.cos %get3A_33 : vector<11x16xf32>
    %sub3A_34 = arith.constant 1.000000e+00 : f32
    %sub3A_35 = vector.broadcast %sub3A_34 : f32 to vector<11x16xf32>
    %sub3A_36 = arith.subf %sub3A_35, %cos3A : vector<11x16xf32>
    %broadcast_in_dim3A = arith.constant 1.000000e+00 : f32
    %broadcast_in_dim3A_37 = vector.broadcast %broadcast_in_dim3A : f32 to vector<1x16xf32>
    %broadcast_in_dim3A_38 = arith.constant 0.000000e+00 : f32
    %broadcast_in_dim3A_39 = vector.broadcast %broadcast_in_dim3A_38 : f32 to vector<1x16xf32>
    %broadcast_in_dim3A_40 = arith.constant 0.000000e+00 : f32
    %broadcast_in_dim3A_41 = vector.broadcast %broadcast_in_dim3A_40 : f32 to vector<1x16xf32>
    %broadcast_in_dim3A_42 = arith.constant 0.000000e+00 : f32
    %broadcast_in_dim3A_43 = vector.broadcast %broadcast_in_dim3A_42 : f32 to vector<1x16xf32>
    %broadcast_in_dim3A_44 = arith.constant 1.000000e+00 : f32
    %broadcast_in_dim3A_45 = vector.broadcast %broadcast_in_dim3A_44 : f32 to vector<1x16xf32>
    %broadcast_in_dim3A_46 = arith.constant 0.000000e+00 : f32
    %broadcast_in_dim3A_47 = vector.broadcast %broadcast_in_dim3A_46 : f32 to vector<1x16xf32>
    %broadcast_in_dim3A_48 = arith.constant 0.000000e+00 : f32
    %broadcast_in_dim3A_49 = vector.broadcast %broadcast_in_dim3A_48 : f32 to vector<1x16xf32>
    %broadcast_in_dim3A_50 = arith.constant 0.000000e+00 : f32
    %broadcast_in_dim3A_51 = vector.broadcast %broadcast_in_dim3A_50 : f32 to vector<1x16xf32>
    %broadcast_in_dim3A_52 = arith.constant 1.000000e+00 : f32
    %broadcast_in_dim3A_53 = vector.broadcast %broadcast_in_dim3A_52 : f32 to vector<1x16xf32>
    %broadcast_in_dim3A_54 = arith.constant 0.000000e+00 : f32
    %broadcast_in_dim3A_55 = vector.broadcast %broadcast_in_dim3A_54 : f32 to vector<1x16xf32>
    %broadcast_in_dim3A_56 = arith.constant 0.000000e+00 : f32
    %broadcast_in_dim3A_57 = vector.broadcast %broadcast_in_dim3A_56 : f32 to vector<1x16xf32>
    %broadcast_in_dim3A_58 = arith.constant 0.000000e+00 : f32
    %broadcast_in_dim3A_59 = vector.broadcast %broadcast_in_dim3A_58 : f32 to vector<1x16xf32>
    %slice3A_60 = vector.extract_strided_slice %sin3A {offsets = [0, 0], sizes = [1, 16], strides = [1, 1]} : vector<11x16xf32> to vector<1x16xf32>
    %slice3A_61 = vector.extract_strided_slice %sub3A_36 {offsets = [0, 0], sizes = [1, 16], strides = [1, 1]} : vector<11x16xf32> to vector<1x16xf32>
    %slice3A_62 = vector.extract_strided_slice %slice3A_17 {offsets = [0, 0], sizes = [1, 1], strides = [1, 1]} : vector<11x1xf32> to vector<1x1xf32>
    %slice3A_63 = vector.extract_strided_slice %slice3A_18 {offsets = [0, 0], sizes = [1, 1], strides = [1, 1]} : vector<11x1xf32> to vector<1x1xf32>
    %slice3A_64 = vector.extract_strided_slice %slice3A_19 {offsets = [0, 0], sizes = [1, 1], strides = [1, 1]} : vector<11x1xf32> to vector<1x1xf32>
    %slice3A_65 = vector.extract_strided_slice %sub3A {offsets = [0, 0], sizes = [1, 1], strides = [1, 1]} : vector<11x1xf32> to vector<1x1xf32>
    %slice3A_66 = vector.extract_strided_slice %sub3A_27 {offsets = [0, 0], sizes = [1, 1], strides = [1, 1]} : vector<11x1xf32> to vector<1x1xf32>
    %slice3A_67 = vector.extract_strided_slice %sub3A_30 {offsets = [0, 0], sizes = [1, 1], strides = [1, 1]} : vector<11x1xf32> to vector<1x1xf32>
    %broadcast_in_dim3A_68 = arith.constant 0.000000e+00 : f32
    %broadcast_in_dim3A_69 = vector.broadcast %broadcast_in_dim3A_68 : f32 to vector<1x1xf32>
    %neg3A = arith.constant 0.000000e+00 : f32
    %neg3A_70 = vector.broadcast %neg3A : f32 to vector<1x1xf32>
    %neg3A_71 = arith.subf %neg3A_70, %slice3A_64 : vector<1x1xf32>
    %broadcast_in_dim3A_72 = arith.constant 0.000000e+00 : f32
    %broadcast_in_dim3A_73 = vector.broadcast %broadcast_in_dim3A_72 : f32 to vector<1x1xf32>
    %neg3A_74 = arith.constant 0.000000e+00 : f32
    %neg3A_75 = vector.broadcast %neg3A_74 : f32 to vector<1x1xf32>
    %neg3A_76 = arith.subf %neg3A_75, %slice3A_62 : vector<1x1xf32>
    %neg3A_77 = arith.constant 0.000000e+00 : f32
    %neg3A_78 = vector.broadcast %neg3A_77 : f32 to vector<1x1xf32>
    %neg3A_79 = arith.subf %neg3A_78, %slice3A_63 : vector<1x1xf32>
    %broadcast_in_dim3A_80 = arith.constant 0.000000e+00 : f32
    %broadcast_in_dim3A_81 = vector.broadcast %broadcast_in_dim3A_80 : f32 to vector<1x1xf32>
    %mul3A_82 = arith.mulf %slice3A_64, %slice3A_64 : vector<1x1xf32>
    %mul3A_83 = arith.mulf %slice3A_63, %slice3A_63 : vector<1x1xf32>
    %add3A_84 = arith.addf %mul3A_82, %mul3A_83 : vector<1x1xf32>
    %neg3A_85 = arith.constant 0.000000e+00 : f32
    %neg3A_86 = vector.broadcast %neg3A_85 : f32 to vector<1x1xf32>
    %neg3A_87 = arith.subf %neg3A_86, %add3A_84 : vector<1x1xf32>
    %mul3A_88 = arith.mulf %slice3A_62, %slice3A_63 : vector<1x1xf32>
    %mul3A_89 = arith.mulf %slice3A_62, %slice3A_64 : vector<1x1xf32>
    %mul3A_90 = arith.mulf %slice3A_62, %slice3A_63 : vector<1x1xf32>
    %mul3A_91 = arith.mulf %slice3A_64, %slice3A_64 : vector<1x1xf32>
    %mul3A_92 = arith.mulf %slice3A_62, %slice3A_62 : vector<1x1xf32>
    %add3A_93 = arith.addf %mul3A_91, %mul3A_92 : vector<1x1xf32>
    %neg3A_94 = arith.constant 0.000000e+00 : f32
    %neg3A_95 = vector.broadcast %neg3A_94 : f32 to vector<1x1xf32>
    %neg3A_96 = arith.subf %neg3A_95, %add3A_93 : vector<1x1xf32>
    %mul3A_97 = arith.mulf %slice3A_63, %slice3A_64 : vector<1x1xf32>
    %mul3A_98 = arith.mulf %slice3A_62, %slice3A_64 : vector<1x1xf32>
    %mul3A_99 = arith.mulf %slice3A_63, %slice3A_64 : vector<1x1xf32>
    %mul3A_100 = arith.mulf %slice3A_63, %slice3A_63 : vector<1x1xf32>
    %mul3A_101 = arith.mulf %slice3A_62, %slice3A_62 : vector<1x1xf32>
    %add3A_102 = arith.addf %mul3A_100, %mul3A_101 : vector<1x1xf32>
    %neg3A_103 = arith.constant 0.000000e+00 : f32
    %neg3A_104 = vector.broadcast %neg3A_103 : f32 to vector<1x1xf32>
    %neg3A_105 = arith.subf %neg3A_104, %add3A_102 : vector<1x1xf32>
    %mul3A_106 = vector.broadcast %broadcast_in_dim3A_69 : vector<1x1xf32> to vector<1x16xf32>
    %mul3A_107 = arith.mulf %slice3A_60, %mul3A_106 : vector<1x16xf32>
    %add3A_108 = arith.constant 1.000000e+00 : f32
    %add3A_109 = vector.broadcast %add3A_108 : f32 to vector<1x16xf32>
    %add3A_110 = arith.addf %add3A_109, %mul3A_107 : vector<1x16xf32>
    %mul3A_111 = vector.broadcast %neg3A_87 : vector<1x1xf32> to vector<1x16xf32>
    %mul3A_112 = arith.mulf %slice3A_61, %mul3A_111 : vector<1x16xf32>
    %add3A_113 = arith.addf %add3A_110, %mul3A_112 : vector<1x16xf32>
    %mul3A_114 = vector.broadcast %neg3A_71 : vector<1x1xf32> to vector<1x16xf32>
    %mul3A_115 = arith.mulf %slice3A_60, %mul3A_114 : vector<1x16xf32>
    %add3A_116 = arith.constant 0.000000e+00 : f32
    %add3A_117 = vector.broadcast %add3A_116 : f32 to vector<1x16xf32>
    %add3A_118 = arith.addf %add3A_117, %mul3A_115 : vector<1x16xf32>
    %mul3A_119 = vector.broadcast %mul3A_88 : vector<1x1xf32> to vector<1x16xf32>
    %mul3A_120 = arith.mulf %slice3A_61, %mul3A_119 : vector<1x16xf32>
    %add3A_121 = arith.addf %add3A_118, %mul3A_120 : vector<1x16xf32>
    %mul3A_122 = vector.broadcast %slice3A_63 : vector<1x1xf32> to vector<1x16xf32>
    %mul3A_123 = arith.mulf %slice3A_60, %mul3A_122 : vector<1x16xf32>
    %add3A_124 = arith.constant 0.000000e+00 : f32
    %add3A_125 = vector.broadcast %add3A_124 : f32 to vector<1x16xf32>
    %add3A_126 = arith.addf %add3A_125, %mul3A_123 : vector<1x16xf32>
    %mul3A_127 = vector.broadcast %mul3A_89 : vector<1x1xf32> to vector<1x16xf32>
    %mul3A_128 = arith.mulf %slice3A_61, %mul3A_127 : vector<1x16xf32>
    %add3A_129 = arith.addf %add3A_126, %mul3A_128 : vector<1x16xf32>
    %mul3A_130 = vector.broadcast %slice3A_64 : vector<1x1xf32> to vector<1x16xf32>
    %mul3A_131 = arith.mulf %slice3A_60, %mul3A_130 : vector<1x16xf32>
    %add3A_132 = arith.constant 0.000000e+00 : f32
    %add3A_133 = vector.broadcast %add3A_132 : f32 to vector<1x16xf32>
    %add3A_134 = arith.addf %add3A_133, %mul3A_131 : vector<1x16xf32>
    %mul3A_135 = vector.broadcast %mul3A_90 : vector<1x1xf32> to vector<1x16xf32>
    %mul3A_136 = arith.mulf %slice3A_61, %mul3A_135 : vector<1x16xf32>
    %add3A_137 = arith.addf %add3A_134, %mul3A_136 : vector<1x16xf32>
    %mul3A_138 = vector.broadcast %broadcast_in_dim3A_73 : vector<1x1xf32> to vector<1x16xf32>
    %mul3A_139 = arith.mulf %slice3A_60, %mul3A_138 : vector<1x16xf32>
    %add3A_140 = arith.constant 1.000000e+00 : f32
    %add3A_141 = vector.broadcast %add3A_140 : f32 to vector<1x16xf32>
    %add3A_142 = arith.addf %add3A_141, %mul3A_139 : vector<1x16xf32>
    %mul3A_143 = vector.broadcast %neg3A_96 : vector<1x1xf32> to vector<1x16xf32>
    %mul3A_144 = arith.mulf %slice3A_61, %mul3A_143 : vector<1x16xf32>
    %add3A_145 = arith.addf %add3A_142, %mul3A_144 : vector<1x16xf32>
    %mul3A_146 = vector.broadcast %neg3A_76 : vector<1x1xf32> to vector<1x16xf32>
    %mul3A_147 = arith.mulf %slice3A_60, %mul3A_146 : vector<1x16xf32>
    %add3A_148 = arith.constant 0.000000e+00 : f32
    %add3A_149 = vector.broadcast %add3A_148 : f32 to vector<1x16xf32>
    %add3A_150 = arith.addf %add3A_149, %mul3A_147 : vector<1x16xf32>
    %mul3A_151 = vector.broadcast %mul3A_97 : vector<1x1xf32> to vector<1x16xf32>
    %mul3A_152 = arith.mulf %slice3A_61, %mul3A_151 : vector<1x16xf32>
    %add3A_153 = arith.addf %add3A_150, %mul3A_152 : vector<1x16xf32>
    %mul3A_154 = vector.broadcast %neg3A_79 : vector<1x1xf32> to vector<1x16xf32>
    %mul3A_155 = arith.mulf %slice3A_60, %mul3A_154 : vector<1x16xf32>
    %add3A_156 = arith.constant 0.000000e+00 : f32
    %add3A_157 = vector.broadcast %add3A_156 : f32 to vector<1x16xf32>
    %add3A_158 = arith.addf %add3A_157, %mul3A_155 : vector<1x16xf32>
    %mul3A_159 = vector.broadcast %mul3A_98 : vector<1x1xf32> to vector<1x16xf32>
    %mul3A_160 = arith.mulf %slice3A_61, %mul3A_159 : vector<1x16xf32>
    %add3A_161 = arith.addf %add3A_158, %mul3A_160 : vector<1x16xf32>
    %mul3A_162 = vector.broadcast %slice3A_62 : vector<1x1xf32> to vector<1x16xf32>
    %mul3A_163 = arith.mulf %slice3A_60, %mul3A_162 : vector<1x16xf32>
    %add3A_164 = arith.constant 0.000000e+00 : f32
    %add3A_165 = vector.broadcast %add3A_164 : f32 to vector<1x16xf32>
    %add3A_166 = arith.addf %add3A_165, %mul3A_163 : vector<1x16xf32>
    %mul3A_167 = vector.broadcast %mul3A_99 : vector<1x1xf32> to vector<1x16xf32>
    %mul3A_168 = arith.mulf %slice3A_61, %mul3A_167 : vector<1x16xf32>
    %add3A_169 = arith.addf %add3A_166, %mul3A_168 : vector<1x16xf32>
    %mul3A_170 = vector.broadcast %broadcast_in_dim3A_81 : vector<1x1xf32> to vector<1x16xf32>
    %mul3A_171 = arith.mulf %slice3A_60, %mul3A_170 : vector<1x16xf32>
    %add3A_172 = arith.constant 1.000000e+00 : f32
    %add3A_173 = vector.broadcast %add3A_172 : f32 to vector<1x16xf32>
    %add3A_174 = arith.addf %add3A_173, %mul3A_171 : vector<1x16xf32>
    %mul3A_175 = vector.broadcast %neg3A_105 : vector<1x1xf32> to vector<1x16xf32>
    %mul3A_176 = arith.mulf %slice3A_61, %mul3A_175 : vector<1x16xf32>
    %add3A_177 = arith.addf %add3A_174, %mul3A_176 : vector<1x16xf32>
    %mul3A_178 = vector.broadcast %slice3A_65 : vector<1x1xf32> to vector<1x16xf32>
    %mul3A_179 = arith.mulf %add3A_113, %mul3A_178 : vector<1x16xf32>
    %mul3A_180 = vector.broadcast %slice3A_66 : vector<1x1xf32> to vector<1x16xf32>
    %mul3A_181 = arith.mulf %add3A_121, %mul3A_180 : vector<1x16xf32>
    %add3A_182 = arith.addf %mul3A_179, %mul3A_181 : vector<1x16xf32>
    %mul3A_183 = vector.broadcast %slice3A_67 : vector<1x1xf32> to vector<1x16xf32>
    %mul3A_184 = arith.mulf %add3A_129, %mul3A_183 : vector<1x16xf32>
    %add3A_185 = arith.addf %add3A_182, %mul3A_184 : vector<1x16xf32>
    %sub3A_186 = vector.broadcast %slice3A_65 : vector<1x1xf32> to vector<1x16xf32>
    %sub3A_187 = arith.subf %sub3A_186, %add3A_185 : vector<1x16xf32>
    %mul3A_188 = vector.broadcast %slice3A_65 : vector<1x1xf32> to vector<1x16xf32>
    %mul3A_189 = arith.mulf %add3A_137, %mul3A_188 : vector<1x16xf32>
    %mul3A_190 = vector.broadcast %slice3A_66 : vector<1x1xf32> to vector<1x16xf32>
    %mul3A_191 = arith.mulf %add3A_145, %mul3A_190 : vector<1x16xf32>
    %add3A_192 = arith.addf %mul3A_189, %mul3A_191 : vector<1x16xf32>
    %mul3A_193 = vector.broadcast %slice3A_67 : vector<1x1xf32> to vector<1x16xf32>
    %mul3A_194 = arith.mulf %add3A_153, %mul3A_193 : vector<1x16xf32>
    %add3A_195 = arith.addf %add3A_192, %mul3A_194 : vector<1x16xf32>
    %sub3A_196 = vector.broadcast %slice3A_66 : vector<1x1xf32> to vector<1x16xf32>
    %sub3A_197 = arith.subf %sub3A_196, %add3A_195 : vector<1x16xf32>
    %mul3A_198 = vector.broadcast %slice3A_65 : vector<1x1xf32> to vector<1x16xf32>
    %mul3A_199 = arith.mulf %add3A_161, %mul3A_198 : vector<1x16xf32>
    %mul3A_200 = vector.broadcast %slice3A_66 : vector<1x1xf32> to vector<1x16xf32>
    %mul3A_201 = arith.mulf %add3A_169, %mul3A_200 : vector<1x16xf32>
    %add3A_202 = arith.addf %mul3A_199, %mul3A_201 : vector<1x16xf32>
    %mul3A_203 = vector.broadcast %slice3A_67 : vector<1x1xf32> to vector<1x16xf32>
    %mul3A_204 = arith.mulf %add3A_177, %mul3A_203 : vector<1x16xf32>
    %add3A_205 = arith.addf %add3A_202, %mul3A_204 : vector<1x16xf32>
    %sub3A_206 = vector.broadcast %slice3A_67 : vector<1x1xf32> to vector<1x16xf32>
    %sub3A_207 = arith.subf %sub3A_206, %add3A_205 : vector<1x16xf32>
    %slice3A_208 = vector.extract_strided_slice %sin3A {offsets = [1, 0], sizes = [1, 16], strides = [1, 1]} : vector<11x16xf32> to vector<1x16xf32>
    %slice3A_209 = vector.extract_strided_slice %sub3A_36 {offsets = [1, 0], sizes = [1, 16], strides = [1, 1]} : vector<11x16xf32> to vector<1x16xf32>
    %slice3A_210 = vector.extract_strided_slice %slice3A_17 {offsets = [1, 0], sizes = [1, 1], strides = [1, 1]} : vector<11x1xf32> to vector<1x1xf32>
    %slice3A_211 = vector.extract_strided_slice %slice3A_18 {offsets = [1, 0], sizes = [1, 1], strides = [1, 1]} : vector<11x1xf32> to vector<1x1xf32>
    %slice3A_212 = vector.extract_strided_slice %slice3A_19 {offsets = [1, 0], sizes = [1, 1], strides = [1, 1]} : vector<11x1xf32> to vector<1x1xf32>
    %slice3A_213 = vector.extract_strided_slice %sub3A {offsets = [1, 0], sizes = [1, 1], strides = [1, 1]} : vector<11x1xf32> to vector<1x1xf32>
    %slice3A_214 = vector.extract_strided_slice %sub3A_27 {offsets = [1, 0], sizes = [1, 1], strides = [1, 1]} : vector<11x1xf32> to vector<1x1xf32>
    %slice3A_215 = vector.extract_strided_slice %sub3A_30 {offsets = [1, 0], sizes = [1, 1], strides = [1, 1]} : vector<11x1xf32> to vector<1x1xf32>
    %broadcast_in_dim3A_216 = arith.constant 0.000000e+00 : f32
    %broadcast_in_dim3A_217 = vector.broadcast %broadcast_in_dim3A_216 : f32 to vector<1x1xf32>
    %neg3A_218 = arith.constant 0.000000e+00 : f32
    %neg3A_219 = vector.broadcast %neg3A_218 : f32 to vector<1x1xf32>
    %neg3A_220 = arith.subf %neg3A_219, %slice3A_212 : vector<1x1xf32>
    %broadcast_in_dim3A_221 = arith.constant 0.000000e+00 : f32
    %broadcast_in_dim3A_222 = vector.broadcast %broadcast_in_dim3A_221 : f32 to vector<1x1xf32>
    %neg3A_223 = arith.constant 0.000000e+00 : f32
    %neg3A_224 = vector.broadcast %neg3A_223 : f32 to vector<1x1xf32>
    %neg3A_225 = arith.subf %neg3A_224, %slice3A_210 : vector<1x1xf32>
    %neg3A_226 = arith.constant 0.000000e+00 : f32
    %neg3A_227 = vector.broadcast %neg3A_226 : f32 to vector<1x1xf32>
    %neg3A_228 = arith.subf %neg3A_227, %slice3A_211 : vector<1x1xf32>
    %broadcast_in_dim3A_229 = arith.constant 0.000000e+00 : f32
    %broadcast_in_dim3A_230 = vector.broadcast %broadcast_in_dim3A_229 : f32 to vector<1x1xf32>
    %mul3A_231 = arith.mulf %slice3A_212, %slice3A_212 : vector<1x1xf32>
    %mul3A_232 = arith.mulf %slice3A_211, %slice3A_211 : vector<1x1xf32>
    %add3A_233 = arith.addf %mul3A_231, %mul3A_232 : vector<1x1xf32>
    %neg3A_234 = arith.constant 0.000000e+00 : f32
    %neg3A_235 = vector.broadcast %neg3A_234 : f32 to vector<1x1xf32>
    %neg3A_236 = arith.subf %neg3A_235, %add3A_233 : vector<1x1xf32>
    %mul3A_237 = arith.mulf %slice3A_210, %slice3A_211 : vector<1x1xf32>
    %mul3A_238 = arith.mulf %slice3A_210, %slice3A_212 : vector<1x1xf32>
    %mul3A_239 = arith.mulf %slice3A_210, %slice3A_211 : vector<1x1xf32>
    %mul3A_240 = arith.mulf %slice3A_212, %slice3A_212 : vector<1x1xf32>
    %mul3A_241 = arith.mulf %slice3A_210, %slice3A_210 : vector<1x1xf32>
    %add3A_242 = arith.addf %mul3A_240, %mul3A_241 : vector<1x1xf32>
    %neg3A_243 = arith.constant 0.000000e+00 : f32
    %neg3A_244 = vector.broadcast %neg3A_243 : f32 to vector<1x1xf32>
    %neg3A_245 = arith.subf %neg3A_244, %add3A_242 : vector<1x1xf32>
    %mul3A_246 = arith.mulf %slice3A_211, %slice3A_212 : vector<1x1xf32>
    %mul3A_247 = arith.mulf %slice3A_210, %slice3A_212 : vector<1x1xf32>
    %mul3A_248 = arith.mulf %slice3A_211, %slice3A_212 : vector<1x1xf32>
    %mul3A_249 = arith.mulf %slice3A_211, %slice3A_211 : vector<1x1xf32>
    %mul3A_250 = arith.mulf %slice3A_210, %slice3A_210 : vector<1x1xf32>
    %add3A_251 = arith.addf %mul3A_249, %mul3A_250 : vector<1x1xf32>
    %neg3A_252 = arith.constant 0.000000e+00 : f32
    %neg3A_253 = vector.broadcast %neg3A_252 : f32 to vector<1x1xf32>
    %neg3A_254 = arith.subf %neg3A_253, %add3A_251 : vector<1x1xf32>
    %mul3A_255 = vector.broadcast %broadcast_in_dim3A_217 : vector<1x1xf32> to vector<1x16xf32>
    %mul3A_256 = arith.mulf %slice3A_208, %mul3A_255 : vector<1x16xf32>
    %add3A_257 = arith.constant 1.000000e+00 : f32
    %add3A_258 = vector.broadcast %add3A_257 : f32 to vector<1x16xf32>
    %add3A_259 = arith.addf %add3A_258, %mul3A_256 : vector<1x16xf32>
    %mul3A_260 = vector.broadcast %neg3A_236 : vector<1x1xf32> to vector<1x16xf32>
    %mul3A_261 = arith.mulf %slice3A_209, %mul3A_260 : vector<1x16xf32>
    %add3A_262 = arith.addf %add3A_259, %mul3A_261 : vector<1x16xf32>
    %mul3A_263 = vector.broadcast %neg3A_220 : vector<1x1xf32> to vector<1x16xf32>
    %mul3A_264 = arith.mulf %slice3A_208, %mul3A_263 : vector<1x16xf32>
    %add3A_265 = arith.constant 0.000000e+00 : f32
    %add3A_266 = vector.broadcast %add3A_265 : f32 to vector<1x16xf32>
    %add3A_267 = arith.addf %add3A_266, %mul3A_264 : vector<1x16xf32>
    %mul3A_268 = vector.broadcast %mul3A_237 : vector<1x1xf32> to vector<1x16xf32>
    %mul3A_269 = arith.mulf %slice3A_209, %mul3A_268 : vector<1x16xf32>
    %add3A_270 = arith.addf %add3A_267, %mul3A_269 : vector<1x16xf32>
    %mul3A_271 = vector.broadcast %slice3A_211 : vector<1x1xf32> to vector<1x16xf32>
    %mul3A_272 = arith.mulf %slice3A_208, %mul3A_271 : vector<1x16xf32>
    %add3A_273 = arith.constant 0.000000e+00 : f32
    %add3A_274 = vector.broadcast %add3A_273 : f32 to vector<1x16xf32>
    %add3A_275 = arith.addf %add3A_274, %mul3A_272 : vector<1x16xf32>
    %mul3A_276 = vector.broadcast %mul3A_238 : vector<1x1xf32> to vector<1x16xf32>
    %mul3A_277 = arith.mulf %slice3A_209, %mul3A_276 : vector<1x16xf32>
    %add3A_278 = arith.addf %add3A_275, %mul3A_277 : vector<1x16xf32>
    %mul3A_279 = vector.broadcast %slice3A_212 : vector<1x1xf32> to vector<1x16xf32>
    %mul3A_280 = arith.mulf %slice3A_208, %mul3A_279 : vector<1x16xf32>
    %add3A_281 = arith.constant 0.000000e+00 : f32
    %add3A_282 = vector.broadcast %add3A_281 : f32 to vector<1x16xf32>
    %add3A_283 = arith.addf %add3A_282, %mul3A_280 : vector<1x16xf32>
    %mul3A_284 = vector.broadcast %mul3A_239 : vector<1x1xf32> to vector<1x16xf32>
    %mul3A_285 = arith.mulf %slice3A_209, %mul3A_284 : vector<1x16xf32>
    %add3A_286 = arith.addf %add3A_283, %mul3A_285 : vector<1x16xf32>
    %mul3A_287 = vector.broadcast %broadcast_in_dim3A_222 : vector<1x1xf32> to vector<1x16xf32>
    %mul3A_288 = arith.mulf %slice3A_208, %mul3A_287 : vector<1x16xf32>
    %add3A_289 = arith.constant 1.000000e+00 : f32
    %add3A_290 = vector.broadcast %add3A_289 : f32 to vector<1x16xf32>
    %add3A_291 = arith.addf %add3A_290, %mul3A_288 : vector<1x16xf32>
    %mul3A_292 = vector.broadcast %neg3A_245 : vector<1x1xf32> to vector<1x16xf32>
    %mul3A_293 = arith.mulf %slice3A_209, %mul3A_292 : vector<1x16xf32>
    %add3A_294 = arith.addf %add3A_291, %mul3A_293 : vector<1x16xf32>
    %mul3A_295 = vector.broadcast %neg3A_225 : vector<1x1xf32> to vector<1x16xf32>
    %mul3A_296 = arith.mulf %slice3A_208, %mul3A_295 : vector<1x16xf32>
    %add3A_297 = arith.constant 0.000000e+00 : f32
    %add3A_298 = vector.broadcast %add3A_297 : f32 to vector<1x16xf32>
    %add3A_299 = arith.addf %add3A_298, %mul3A_296 : vector<1x16xf32>
    %mul3A_300 = vector.broadcast %mul3A_246 : vector<1x1xf32> to vector<1x16xf32>
    %mul3A_301 = arith.mulf %slice3A_209, %mul3A_300 : vector<1x16xf32>
    %add3A_302 = arith.addf %add3A_299, %mul3A_301 : vector<1x16xf32>
    %mul3A_303 = vector.broadcast %neg3A_228 : vector<1x1xf32> to vector<1x16xf32>
    %mul3A_304 = arith.mulf %slice3A_208, %mul3A_303 : vector<1x16xf32>
    %add3A_305 = arith.constant 0.000000e+00 : f32
    %add3A_306 = vector.broadcast %add3A_305 : f32 to vector<1x16xf32>
    %add3A_307 = arith.addf %add3A_306, %mul3A_304 : vector<1x16xf32>
    %mul3A_308 = vector.broadcast %mul3A_247 : vector<1x1xf32> to vector<1x16xf32>
    %mul3A_309 = arith.mulf %slice3A_209, %mul3A_308 : vector<1x16xf32>
    %add3A_310 = arith.addf %add3A_307, %mul3A_309 : vector<1x16xf32>
    %mul3A_311 = vector.broadcast %slice3A_210 : vector<1x1xf32> to vector<1x16xf32>
    %mul3A_312 = arith.mulf %slice3A_208, %mul3A_311 : vector<1x16xf32>
    %add3A_313 = arith.constant 0.000000e+00 : f32
    %add3A_314 = vector.broadcast %add3A_313 : f32 to vector<1x16xf32>
    %add3A_315 = arith.addf %add3A_314, %mul3A_312 : vector<1x16xf32>
    %mul3A_316 = vector.broadcast %mul3A_248 : vector<1x1xf32> to vector<1x16xf32>
    %mul3A_317 = arith.mulf %slice3A_209, %mul3A_316 : vector<1x16xf32>
    %add3A_318 = arith.addf %add3A_315, %mul3A_317 : vector<1x16xf32>
    %mul3A_319 = vector.broadcast %broadcast_in_dim3A_230 : vector<1x1xf32> to vector<1x16xf32>
    %mul3A_320 = arith.mulf %slice3A_208, %mul3A_319 : vector<1x16xf32>
    %add3A_321 = arith.constant 1.000000e+00 : f32
    %add3A_322 = vector.broadcast %add3A_321 : f32 to vector<1x16xf32>
    %add3A_323 = arith.addf %add3A_322, %mul3A_320 : vector<1x16xf32>
    %mul3A_324 = vector.broadcast %neg3A_254 : vector<1x1xf32> to vector<1x16xf32>
    %mul3A_325 = arith.mulf %slice3A_209, %mul3A_324 : vector<1x16xf32>
    %add3A_326 = arith.addf %add3A_323, %mul3A_325 : vector<1x16xf32>
    %mul3A_327 = vector.broadcast %slice3A_213 : vector<1x1xf32> to vector<1x16xf32>
    %mul3A_328 = arith.mulf %add3A_262, %mul3A_327 : vector<1x16xf32>
    %mul3A_329 = vector.broadcast %slice3A_214 : vector<1x1xf32> to vector<1x16xf32>
    %mul3A_330 = arith.mulf %add3A_270, %mul3A_329 : vector<1x16xf32>
    %add3A_331 = arith.addf %mul3A_328, %mul3A_330 : vector<1x16xf32>
    %mul3A_332 = vector.broadcast %slice3A_215 : vector<1x1xf32> to vector<1x16xf32>
    %mul3A_333 = arith.mulf %add3A_278, %mul3A_332 : vector<1x16xf32>
    %add3A_334 = arith.addf %add3A_331, %mul3A_333 : vector<1x16xf32>
    %sub3A_335 = vector.broadcast %slice3A_213 : vector<1x1xf32> to vector<1x16xf32>
    %sub3A_336 = arith.subf %sub3A_335, %add3A_334 : vector<1x16xf32>
    %mul3A_337 = vector.broadcast %slice3A_213 : vector<1x1xf32> to vector<1x16xf32>
    %mul3A_338 = arith.mulf %add3A_286, %mul3A_337 : vector<1x16xf32>
    %mul3A_339 = vector.broadcast %slice3A_214 : vector<1x1xf32> to vector<1x16xf32>
    %mul3A_340 = arith.mulf %add3A_294, %mul3A_339 : vector<1x16xf32>
    %add3A_341 = arith.addf %mul3A_338, %mul3A_340 : vector<1x16xf32>
    %mul3A_342 = vector.broadcast %slice3A_215 : vector<1x1xf32> to vector<1x16xf32>
    %mul3A_343 = arith.mulf %add3A_302, %mul3A_342 : vector<1x16xf32>
    %add3A_344 = arith.addf %add3A_341, %mul3A_343 : vector<1x16xf32>
    %sub3A_345 = vector.broadcast %slice3A_214 : vector<1x1xf32> to vector<1x16xf32>
    %sub3A_346 = arith.subf %sub3A_345, %add3A_344 : vector<1x16xf32>
    %mul3A_347 = vector.broadcast %slice3A_213 : vector<1x1xf32> to vector<1x16xf32>
    %mul3A_348 = arith.mulf %add3A_310, %mul3A_347 : vector<1x16xf32>
    %mul3A_349 = vector.broadcast %slice3A_214 : vector<1x1xf32> to vector<1x16xf32>
    %mul3A_350 = arith.mulf %add3A_318, %mul3A_349 : vector<1x16xf32>
    %add3A_351 = arith.addf %mul3A_348, %mul3A_350 : vector<1x16xf32>
    %mul3A_352 = vector.broadcast %slice3A_215 : vector<1x1xf32> to vector<1x16xf32>
    %mul3A_353 = arith.mulf %add3A_326, %mul3A_352 : vector<1x16xf32>
    %add3A_354 = arith.addf %add3A_351, %mul3A_353 : vector<1x16xf32>
    %sub3A_355 = vector.broadcast %slice3A_215 : vector<1x1xf32> to vector<1x16xf32>
    %sub3A_356 = arith.subf %sub3A_355, %add3A_354 : vector<1x16xf32>
    %slice3A_357 = vector.extract_strided_slice %sin3A {offsets = [2, 0], sizes = [1, 16], strides = [1, 1]} : vector<11x16xf32> to vector<1x16xf32>
    %slice3A_358 = vector.extract_strided_slice %sub3A_36 {offsets = [2, 0], sizes = [1, 16], strides = [1, 1]} : vector<11x16xf32> to vector<1x16xf32>
    %slice3A_359 = vector.extract_strided_slice %slice3A_17 {offsets = [2, 0], sizes = [1, 1], strides = [1, 1]} : vector<11x1xf32> to vector<1x1xf32>
    %slice3A_360 = vector.extract_strided_slice %slice3A_18 {offsets = [2, 0], sizes = [1, 1], strides = [1, 1]} : vector<11x1xf32> to vector<1x1xf32>
    %slice3A_361 = vector.extract_strided_slice %slice3A_19 {offsets = [2, 0], sizes = [1, 1], strides = [1, 1]} : vector<11x1xf32> to vector<1x1xf32>
    %slice3A_362 = vector.extract_strided_slice %sub3A {offsets = [2, 0], sizes = [1, 1], strides = [1, 1]} : vector<11x1xf32> to vector<1x1xf32>
    %slice3A_363 = vector.extract_strided_slice %sub3A_27 {offsets = [2, 0], sizes = [1, 1], strides = [1, 1]} : vector<11x1xf32> to vector<1x1xf32>
    %slice3A_364 = vector.extract_strided_slice %sub3A_30 {offsets = [2, 0], sizes = [1, 1], strides = [1, 1]} : vector<11x1xf32> to vector<1x1xf32>
    %broadcast_in_dim3A_365 = arith.constant 0.000000e+00 : f32
    %broadcast_in_dim3A_366 = vector.broadcast %broadcast_in_dim3A_365 : f32 to vector<1x1xf32>
    %neg3A_367 = arith.constant 0.000000e+00 : f32
    %neg3A_368 = vector.broadcast %neg3A_367 : f32 to vector<1x1xf32>
    %neg3A_369 = arith.subf %neg3A_368, %slice3A_361 : vector<1x1xf32>
    %broadcast_in_dim3A_370 = arith.constant 0.000000e+00 : f32
    %broadcast_in_dim3A_371 = vector.broadcast %broadcast_in_dim3A_370 : f32 to vector<1x1xf32>
    %neg3A_372 = arith.constant 0.000000e+00 : f32
    %neg3A_373 = vector.broadcast %neg3A_372 : f32 to vector<1x1xf32>
    %neg3A_374 = arith.subf %neg3A_373, %slice3A_359 : vector<1x1xf32>
    %neg3A_375 = arith.constant 0.000000e+00 : f32
    %neg3A_376 = vector.broadcast %neg3A_375 : f32 to vector<1x1xf32>
    %neg3A_377 = arith.subf %neg3A_376, %slice3A_360 : vector<1x1xf32>
    %broadcast_in_dim3A_378 = arith.constant 0.000000e+00 : f32
    %broadcast_in_dim3A_379 = vector.broadcast %broadcast_in_dim3A_378 : f32 to vector<1x1xf32>
    %mul3A_380 = arith.mulf %slice3A_361, %slice3A_361 : vector<1x1xf32>
    %mul3A_381 = arith.mulf %slice3A_360, %slice3A_360 : vector<1x1xf32>
    %add3A_382 = arith.addf %mul3A_380, %mul3A_381 : vector<1x1xf32>
    %neg3A_383 = arith.constant 0.000000e+00 : f32
    %neg3A_384 = vector.broadcast %neg3A_383 : f32 to vector<1x1xf32>
    %neg3A_385 = arith.subf %neg3A_384, %add3A_382 : vector<1x1xf32>
    %mul3A_386 = arith.mulf %slice3A_359, %slice3A_360 : vector<1x1xf32>
    %mul3A_387 = arith.mulf %slice3A_359, %slice3A_361 : vector<1x1xf32>
    %mul3A_388 = arith.mulf %slice3A_359, %slice3A_360 : vector<1x1xf32>
    %mul3A_389 = arith.mulf %slice3A_361, %slice3A_361 : vector<1x1xf32>
    %mul3A_390 = arith.mulf %slice3A_359, %slice3A_359 : vector<1x1xf32>
    %add3A_391 = arith.addf %mul3A_389, %mul3A_390 : vector<1x1xf32>
    %neg3A_392 = arith.constant 0.000000e+00 : f32
    %neg3A_393 = vector.broadcast %neg3A_392 : f32 to vector<1x1xf32>
    %neg3A_394 = arith.subf %neg3A_393, %add3A_391 : vector<1x1xf32>
    %mul3A_395 = arith.mulf %slice3A_360, %slice3A_361 : vector<1x1xf32>
    %mul3A_396 = arith.mulf %slice3A_359, %slice3A_361 : vector<1x1xf32>
    %mul3A_397 = arith.mulf %slice3A_360, %slice3A_361 : vector<1x1xf32>
    %mul3A_398 = arith.mulf %slice3A_360, %slice3A_360 : vector<1x1xf32>
    %mul3A_399 = arith.mulf %slice3A_359, %slice3A_359 : vector<1x1xf32>
    %add3A_400 = arith.addf %mul3A_398, %mul3A_399 : vector<1x1xf32>
    %neg3A_401 = arith.constant 0.000000e+00 : f32
    %neg3A_402 = vector.broadcast %neg3A_401 : f32 to vector<1x1xf32>
    %neg3A_403 = arith.subf %neg3A_402, %add3A_400 : vector<1x1xf32>
    %mul3A_404 = vector.broadcast %broadcast_in_dim3A_366 : vector<1x1xf32> to vector<1x16xf32>
    %mul3A_405 = arith.mulf %slice3A_357, %mul3A_404 : vector<1x16xf32>
    %add3A_406 = arith.constant 1.000000e+00 : f32
    %add3A_407 = vector.broadcast %add3A_406 : f32 to vector<1x16xf32>
    %add3A_408 = arith.addf %add3A_407, %mul3A_405 : vector<1x16xf32>
    %mul3A_409 = vector.broadcast %neg3A_385 : vector<1x1xf32> to vector<1x16xf32>
    %mul3A_410 = arith.mulf %slice3A_358, %mul3A_409 : vector<1x16xf32>
    %add3A_411 = arith.addf %add3A_408, %mul3A_410 : vector<1x16xf32>
    %mul3A_412 = vector.broadcast %neg3A_369 : vector<1x1xf32> to vector<1x16xf32>
    %mul3A_413 = arith.mulf %slice3A_357, %mul3A_412 : vector<1x16xf32>
    %add3A_414 = arith.constant 0.000000e+00 : f32
    %add3A_415 = vector.broadcast %add3A_414 : f32 to vector<1x16xf32>
    %add3A_416 = arith.addf %add3A_415, %mul3A_413 : vector<1x16xf32>
    %mul3A_417 = vector.broadcast %mul3A_386 : vector<1x1xf32> to vector<1x16xf32>
    %mul3A_418 = arith.mulf %slice3A_358, %mul3A_417 : vector<1x16xf32>
    %add3A_419 = arith.addf %add3A_416, %mul3A_418 : vector<1x16xf32>
    %mul3A_420 = vector.broadcast %slice3A_360 : vector<1x1xf32> to vector<1x16xf32>
    %mul3A_421 = arith.mulf %slice3A_357, %mul3A_420 : vector<1x16xf32>
    %add3A_422 = arith.constant 0.000000e+00 : f32
    %add3A_423 = vector.broadcast %add3A_422 : f32 to vector<1x16xf32>
    %add3A_424 = arith.addf %add3A_423, %mul3A_421 : vector<1x16xf32>
    %mul3A_425 = vector.broadcast %mul3A_387 : vector<1x1xf32> to vector<1x16xf32>
    %mul3A_426 = arith.mulf %slice3A_358, %mul3A_425 : vector<1x16xf32>
    %add3A_427 = arith.addf %add3A_424, %mul3A_426 : vector<1x16xf32>
    %mul3A_428 = vector.broadcast %slice3A_361 : vector<1x1xf32> to vector<1x16xf32>
    %mul3A_429 = arith.mulf %slice3A_357, %mul3A_428 : vector<1x16xf32>
    %add3A_430 = arith.constant 0.000000e+00 : f32
    %add3A_431 = vector.broadcast %add3A_430 : f32 to vector<1x16xf32>
    %add3A_432 = arith.addf %add3A_431, %mul3A_429 : vector<1x16xf32>
    %mul3A_433 = vector.broadcast %mul3A_388 : vector<1x1xf32> to vector<1x16xf32>
    %mul3A_434 = arith.mulf %slice3A_358, %mul3A_433 : vector<1x16xf32>
    %add3A_435 = arith.addf %add3A_432, %mul3A_434 : vector<1x16xf32>
    %mul3A_436 = vector.broadcast %broadcast_in_dim3A_371 : vector<1x1xf32> to vector<1x16xf32>
    %mul3A_437 = arith.mulf %slice3A_357, %mul3A_436 : vector<1x16xf32>
    %add3A_438 = arith.constant 1.000000e+00 : f32
    %add3A_439 = vector.broadcast %add3A_438 : f32 to vector<1x16xf32>
    %add3A_440 = arith.addf %add3A_439, %mul3A_437 : vector<1x16xf32>
    %mul3A_441 = vector.broadcast %neg3A_394 : vector<1x1xf32> to vector<1x16xf32>
    %mul3A_442 = arith.mulf %slice3A_358, %mul3A_441 : vector<1x16xf32>
    %add3A_443 = arith.addf %add3A_440, %mul3A_442 : vector<1x16xf32>
    %mul3A_444 = vector.broadcast %neg3A_374 : vector<1x1xf32> to vector<1x16xf32>
    %mul3A_445 = arith.mulf %slice3A_357, %mul3A_444 : vector<1x16xf32>
    %add3A_446 = arith.constant 0.000000e+00 : f32
    %add3A_447 = vector.broadcast %add3A_446 : f32 to vector<1x16xf32>
    %add3A_448 = arith.addf %add3A_447, %mul3A_445 : vector<1x16xf32>
    %mul3A_449 = vector.broadcast %mul3A_395 : vector<1x1xf32> to vector<1x16xf32>
    %mul3A_450 = arith.mulf %slice3A_358, %mul3A_449 : vector<1x16xf32>
    %add3A_451 = arith.addf %add3A_448, %mul3A_450 : vector<1x16xf32>
    %mul3A_452 = vector.broadcast %neg3A_377 : vector<1x1xf32> to vector<1x16xf32>
    %mul3A_453 = arith.mulf %slice3A_357, %mul3A_452 : vector<1x16xf32>
    %add3A_454 = arith.constant 0.000000e+00 : f32
    %add3A_455 = vector.broadcast %add3A_454 : f32 to vector<1x16xf32>
    %add3A_456 = arith.addf %add3A_455, %mul3A_453 : vector<1x16xf32>
    %mul3A_457 = vector.broadcast %mul3A_396 : vector<1x1xf32> to vector<1x16xf32>
    %mul3A_458 = arith.mulf %slice3A_358, %mul3A_457 : vector<1x16xf32>
    %add3A_459 = arith.addf %add3A_456, %mul3A_458 : vector<1x16xf32>
    %mul3A_460 = vector.broadcast %slice3A_359 : vector<1x1xf32> to vector<1x16xf32>
    %mul3A_461 = arith.mulf %slice3A_357, %mul3A_460 : vector<1x16xf32>
    %add3A_462 = arith.constant 0.000000e+00 : f32
    %add3A_463 = vector.broadcast %add3A_462 : f32 to vector<1x16xf32>
    %add3A_464 = arith.addf %add3A_463, %mul3A_461 : vector<1x16xf32>
    %mul3A_465 = vector.broadcast %mul3A_397 : vector<1x1xf32> to vector<1x16xf32>
    %mul3A_466 = arith.mulf %slice3A_358, %mul3A_465 : vector<1x16xf32>
    %add3A_467 = arith.addf %add3A_464, %mul3A_466 : vector<1x16xf32>
    %mul3A_468 = vector.broadcast %broadcast_in_dim3A_379 : vector<1x1xf32> to vector<1x16xf32>
    %mul3A_469 = arith.mulf %slice3A_357, %mul3A_468 : vector<1x16xf32>
    %add3A_470 = arith.constant 1.000000e+00 : f32
    %add3A_471 = vector.broadcast %add3A_470 : f32 to vector<1x16xf32>
    %add3A_472 = arith.addf %add3A_471, %mul3A_469 : vector<1x16xf32>
    %mul3A_473 = vector.broadcast %neg3A_403 : vector<1x1xf32> to vector<1x16xf32>
    %mul3A_474 = arith.mulf %slice3A_358, %mul3A_473 : vector<1x16xf32>
    %add3A_475 = arith.addf %add3A_472, %mul3A_474 : vector<1x16xf32>
    %mul3A_476 = vector.broadcast %slice3A_362 : vector<1x1xf32> to vector<1x16xf32>
    %mul3A_477 = arith.mulf %add3A_411, %mul3A_476 : vector<1x16xf32>
    %mul3A_478 = vector.broadcast %slice3A_363 : vector<1x1xf32> to vector<1x16xf32>
    %mul3A_479 = arith.mulf %add3A_419, %mul3A_478 : vector<1x16xf32>
    %add3A_480 = arith.addf %mul3A_477, %mul3A_479 : vector<1x16xf32>
    %mul3A_481 = vector.broadcast %slice3A_364 : vector<1x1xf32> to vector<1x16xf32>
    %mul3A_482 = arith.mulf %add3A_427, %mul3A_481 : vector<1x16xf32>
    %add3A_483 = arith.addf %add3A_480, %mul3A_482 : vector<1x16xf32>
    %sub3A_484 = vector.broadcast %slice3A_362 : vector<1x1xf32> to vector<1x16xf32>
    %sub3A_485 = arith.subf %sub3A_484, %add3A_483 : vector<1x16xf32>
    %mul3A_486 = vector.broadcast %slice3A_362 : vector<1x1xf32> to vector<1x16xf32>
    %mul3A_487 = arith.mulf %add3A_435, %mul3A_486 : vector<1x16xf32>
    %mul3A_488 = vector.broadcast %slice3A_363 : vector<1x1xf32> to vector<1x16xf32>
    %mul3A_489 = arith.mulf %add3A_443, %mul3A_488 : vector<1x16xf32>
    %add3A_490 = arith.addf %mul3A_487, %mul3A_489 : vector<1x16xf32>
    %mul3A_491 = vector.broadcast %slice3A_364 : vector<1x1xf32> to vector<1x16xf32>
    %mul3A_492 = arith.mulf %add3A_451, %mul3A_491 : vector<1x16xf32>
    %add3A_493 = arith.addf %add3A_490, %mul3A_492 : vector<1x16xf32>
    %sub3A_494 = vector.broadcast %slice3A_363 : vector<1x1xf32> to vector<1x16xf32>
    %sub3A_495 = arith.subf %sub3A_494, %add3A_493 : vector<1x16xf32>
    %mul3A_496 = vector.broadcast %slice3A_362 : vector<1x1xf32> to vector<1x16xf32>
    %mul3A_497 = arith.mulf %add3A_459, %mul3A_496 : vector<1x16xf32>
    %mul3A_498 = vector.broadcast %slice3A_363 : vector<1x1xf32> to vector<1x16xf32>
    %mul3A_499 = arith.mulf %add3A_467, %mul3A_498 : vector<1x16xf32>
    %add3A_500 = arith.addf %mul3A_497, %mul3A_499 : vector<1x16xf32>
    %mul3A_501 = vector.broadcast %slice3A_364 : vector<1x1xf32> to vector<1x16xf32>
    %mul3A_502 = arith.mulf %add3A_475, %mul3A_501 : vector<1x16xf32>
    %add3A_503 = arith.addf %add3A_500, %mul3A_502 : vector<1x16xf32>
    %sub3A_504 = vector.broadcast %slice3A_364 : vector<1x1xf32> to vector<1x16xf32>
    %sub3A_505 = arith.subf %sub3A_504, %add3A_503 : vector<1x16xf32>
    %slice3A_506 = vector.extract_strided_slice %sin3A {offsets = [3, 0], sizes = [1, 16], strides = [1, 1]} : vector<11x16xf32> to vector<1x16xf32>
    %slice3A_507 = vector.extract_strided_slice %sub3A_36 {offsets = [3, 0], sizes = [1, 16], strides = [1, 1]} : vector<11x16xf32> to vector<1x16xf32>
    %slice3A_508 = vector.extract_strided_slice %slice3A_17 {offsets = [3, 0], sizes = [1, 1], strides = [1, 1]} : vector<11x1xf32> to vector<1x1xf32>
    %slice3A_509 = vector.extract_strided_slice %slice3A_18 {offsets = [3, 0], sizes = [1, 1], strides = [1, 1]} : vector<11x1xf32> to vector<1x1xf32>
    %slice3A_510 = vector.extract_strided_slice %slice3A_19 {offsets = [3, 0], sizes = [1, 1], strides = [1, 1]} : vector<11x1xf32> to vector<1x1xf32>
    %slice3A_511 = vector.extract_strided_slice %sub3A {offsets = [3, 0], sizes = [1, 1], strides = [1, 1]} : vector<11x1xf32> to vector<1x1xf32>
    %slice3A_512 = vector.extract_strided_slice %sub3A_27 {offsets = [3, 0], sizes = [1, 1], strides = [1, 1]} : vector<11x1xf32> to vector<1x1xf32>
    %slice3A_513 = vector.extract_strided_slice %sub3A_30 {offsets = [3, 0], sizes = [1, 1], strides = [1, 1]} : vector<11x1xf32> to vector<1x1xf32>
    %broadcast_in_dim3A_514 = arith.constant 0.000000e+00 : f32
    %broadcast_in_dim3A_515 = vector.broadcast %broadcast_in_dim3A_514 : f32 to vector<1x1xf32>
    %neg3A_516 = arith.constant 0.000000e+00 : f32
    %neg3A_517 = vector.broadcast %neg3A_516 : f32 to vector<1x1xf32>
    %neg3A_518 = arith.subf %neg3A_517, %slice3A_510 : vector<1x1xf32>
    %broadcast_in_dim3A_519 = arith.constant 0.000000e+00 : f32
    %broadcast_in_dim3A_520 = vector.broadcast %broadcast_in_dim3A_519 : f32 to vector<1x1xf32>
    %neg3A_521 = arith.constant 0.000000e+00 : f32
    %neg3A_522 = vector.broadcast %neg3A_521 : f32 to vector<1x1xf32>
    %neg3A_523 = arith.subf %neg3A_522, %slice3A_508 : vector<1x1xf32>
    %neg3A_524 = arith.constant 0.000000e+00 : f32
    %neg3A_525 = vector.broadcast %neg3A_524 : f32 to vector<1x1xf32>
    %neg3A_526 = arith.subf %neg3A_525, %slice3A_509 : vector<1x1xf32>
    %broadcast_in_dim3A_527 = arith.constant 0.000000e+00 : f32
    %broadcast_in_dim3A_528 = vector.broadcast %broadcast_in_dim3A_527 : f32 to vector<1x1xf32>
    %mul3A_529 = arith.mulf %slice3A_510, %slice3A_510 : vector<1x1xf32>
    %mul3A_530 = arith.mulf %slice3A_509, %slice3A_509 : vector<1x1xf32>
    %add3A_531 = arith.addf %mul3A_529, %mul3A_530 : vector<1x1xf32>
    %neg3A_532 = arith.constant 0.000000e+00 : f32
    %neg3A_533 = vector.broadcast %neg3A_532 : f32 to vector<1x1xf32>
    %neg3A_534 = arith.subf %neg3A_533, %add3A_531 : vector<1x1xf32>
    %mul3A_535 = arith.mulf %slice3A_508, %slice3A_509 : vector<1x1xf32>
    %mul3A_536 = arith.mulf %slice3A_508, %slice3A_510 : vector<1x1xf32>
    %mul3A_537 = arith.mulf %slice3A_508, %slice3A_509 : vector<1x1xf32>
    %mul3A_538 = arith.mulf %slice3A_510, %slice3A_510 : vector<1x1xf32>
    %mul3A_539 = arith.mulf %slice3A_508, %slice3A_508 : vector<1x1xf32>
    %add3A_540 = arith.addf %mul3A_538, %mul3A_539 : vector<1x1xf32>
    %neg3A_541 = arith.constant 0.000000e+00 : f32
    %neg3A_542 = vector.broadcast %neg3A_541 : f32 to vector<1x1xf32>
    %neg3A_543 = arith.subf %neg3A_542, %add3A_540 : vector<1x1xf32>
    %mul3A_544 = arith.mulf %slice3A_509, %slice3A_510 : vector<1x1xf32>
    %mul3A_545 = arith.mulf %slice3A_508, %slice3A_510 : vector<1x1xf32>
    %mul3A_546 = arith.mulf %slice3A_509, %slice3A_510 : vector<1x1xf32>
    %mul3A_547 = arith.mulf %slice3A_509, %slice3A_509 : vector<1x1xf32>
    %mul3A_548 = arith.mulf %slice3A_508, %slice3A_508 : vector<1x1xf32>
    %add3A_549 = arith.addf %mul3A_547, %mul3A_548 : vector<1x1xf32>
    %neg3A_550 = arith.constant 0.000000e+00 : f32
    %neg3A_551 = vector.broadcast %neg3A_550 : f32 to vector<1x1xf32>
    %neg3A_552 = arith.subf %neg3A_551, %add3A_549 : vector<1x1xf32>
    %mul3A_553 = vector.broadcast %broadcast_in_dim3A_515 : vector<1x1xf32> to vector<1x16xf32>
    %mul3A_554 = arith.mulf %slice3A_506, %mul3A_553 : vector<1x16xf32>
    %add3A_555 = arith.constant 1.000000e+00 : f32
    %add3A_556 = vector.broadcast %add3A_555 : f32 to vector<1x16xf32>
    %add3A_557 = arith.addf %add3A_556, %mul3A_554 : vector<1x16xf32>
    %mul3A_558 = vector.broadcast %neg3A_534 : vector<1x1xf32> to vector<1x16xf32>
    %mul3A_559 = arith.mulf %slice3A_507, %mul3A_558 : vector<1x16xf32>
    %add3A_560 = arith.addf %add3A_557, %mul3A_559 : vector<1x16xf32>
    %mul3A_561 = vector.broadcast %neg3A_518 : vector<1x1xf32> to vector<1x16xf32>
    %mul3A_562 = arith.mulf %slice3A_506, %mul3A_561 : vector<1x16xf32>
    %add3A_563 = arith.constant 0.000000e+00 : f32
    %add3A_564 = vector.broadcast %add3A_563 : f32 to vector<1x16xf32>
    %add3A_565 = arith.addf %add3A_564, %mul3A_562 : vector<1x16xf32>
    %mul3A_566 = vector.broadcast %mul3A_535 : vector<1x1xf32> to vector<1x16xf32>
    %mul3A_567 = arith.mulf %slice3A_507, %mul3A_566 : vector<1x16xf32>
    %add3A_568 = arith.addf %add3A_565, %mul3A_567 : vector<1x16xf32>
    %mul3A_569 = vector.broadcast %slice3A_509 : vector<1x1xf32> to vector<1x16xf32>
    %mul3A_570 = arith.mulf %slice3A_506, %mul3A_569 : vector<1x16xf32>
    %add3A_571 = arith.constant 0.000000e+00 : f32
    %add3A_572 = vector.broadcast %add3A_571 : f32 to vector<1x16xf32>
    %add3A_573 = arith.addf %add3A_572, %mul3A_570 : vector<1x16xf32>
    %mul3A_574 = vector.broadcast %mul3A_536 : vector<1x1xf32> to vector<1x16xf32>
    %mul3A_575 = arith.mulf %slice3A_507, %mul3A_574 : vector<1x16xf32>
    %add3A_576 = arith.addf %add3A_573, %mul3A_575 : vector<1x16xf32>
    %mul3A_577 = vector.broadcast %slice3A_510 : vector<1x1xf32> to vector<1x16xf32>
    %mul3A_578 = arith.mulf %slice3A_506, %mul3A_577 : vector<1x16xf32>
    %add3A_579 = arith.constant 0.000000e+00 : f32
    %add3A_580 = vector.broadcast %add3A_579 : f32 to vector<1x16xf32>
    %add3A_581 = arith.addf %add3A_580, %mul3A_578 : vector<1x16xf32>
    %mul3A_582 = vector.broadcast %mul3A_537 : vector<1x1xf32> to vector<1x16xf32>
    %mul3A_583 = arith.mulf %slice3A_507, %mul3A_582 : vector<1x16xf32>
    %add3A_584 = arith.addf %add3A_581, %mul3A_583 : vector<1x16xf32>
    %mul3A_585 = vector.broadcast %broadcast_in_dim3A_520 : vector<1x1xf32> to vector<1x16xf32>
    %mul3A_586 = arith.mulf %slice3A_506, %mul3A_585 : vector<1x16xf32>
    %add3A_587 = arith.constant 1.000000e+00 : f32
    %add3A_588 = vector.broadcast %add3A_587 : f32 to vector<1x16xf32>
    %add3A_589 = arith.addf %add3A_588, %mul3A_586 : vector<1x16xf32>
    %mul3A_590 = vector.broadcast %neg3A_543 : vector<1x1xf32> to vector<1x16xf32>
    %mul3A_591 = arith.mulf %slice3A_507, %mul3A_590 : vector<1x16xf32>
    %add3A_592 = arith.addf %add3A_589, %mul3A_591 : vector<1x16xf32>
    %mul3A_593 = vector.broadcast %neg3A_523 : vector<1x1xf32> to vector<1x16xf32>
    %mul3A_594 = arith.mulf %slice3A_506, %mul3A_593 : vector<1x16xf32>
    %add3A_595 = arith.constant 0.000000e+00 : f32
    %add3A_596 = vector.broadcast %add3A_595 : f32 to vector<1x16xf32>
    %add3A_597 = arith.addf %add3A_596, %mul3A_594 : vector<1x16xf32>
    %mul3A_598 = vector.broadcast %mul3A_544 : vector<1x1xf32> to vector<1x16xf32>
    %mul3A_599 = arith.mulf %slice3A_507, %mul3A_598 : vector<1x16xf32>
    %add3A_600 = arith.addf %add3A_597, %mul3A_599 : vector<1x16xf32>
    %mul3A_601 = vector.broadcast %neg3A_526 : vector<1x1xf32> to vector<1x16xf32>
    %mul3A_602 = arith.mulf %slice3A_506, %mul3A_601 : vector<1x16xf32>
    %add3A_603 = arith.constant 0.000000e+00 : f32
    %add3A_604 = vector.broadcast %add3A_603 : f32 to vector<1x16xf32>
    %add3A_605 = arith.addf %add3A_604, %mul3A_602 : vector<1x16xf32>
    %mul3A_606 = vector.broadcast %mul3A_545 : vector<1x1xf32> to vector<1x16xf32>
    %mul3A_607 = arith.mulf %slice3A_507, %mul3A_606 : vector<1x16xf32>
    %add3A_608 = arith.addf %add3A_605, %mul3A_607 : vector<1x16xf32>
    %mul3A_609 = vector.broadcast %slice3A_508 : vector<1x1xf32> to vector<1x16xf32>
    %mul3A_610 = arith.mulf %slice3A_506, %mul3A_609 : vector<1x16xf32>
    %add3A_611 = arith.constant 0.000000e+00 : f32
    %add3A_612 = vector.broadcast %add3A_611 : f32 to vector<1x16xf32>
    %add3A_613 = arith.addf %add3A_612, %mul3A_610 : vector<1x16xf32>
    %mul3A_614 = vector.broadcast %mul3A_546 : vector<1x1xf32> to vector<1x16xf32>
    %mul3A_615 = arith.mulf %slice3A_507, %mul3A_614 : vector<1x16xf32>
    %add3A_616 = arith.addf %add3A_613, %mul3A_615 : vector<1x16xf32>
    %mul3A_617 = vector.broadcast %broadcast_in_dim3A_528 : vector<1x1xf32> to vector<1x16xf32>
    %mul3A_618 = arith.mulf %slice3A_506, %mul3A_617 : vector<1x16xf32>
    %add3A_619 = arith.constant 1.000000e+00 : f32
    %add3A_620 = vector.broadcast %add3A_619 : f32 to vector<1x16xf32>
    %add3A_621 = arith.addf %add3A_620, %mul3A_618 : vector<1x16xf32>
    %mul3A_622 = vector.broadcast %neg3A_552 : vector<1x1xf32> to vector<1x16xf32>
    %mul3A_623 = arith.mulf %slice3A_507, %mul3A_622 : vector<1x16xf32>
    %add3A_624 = arith.addf %add3A_621, %mul3A_623 : vector<1x16xf32>
    %mul3A_625 = vector.broadcast %slice3A_511 : vector<1x1xf32> to vector<1x16xf32>
    %mul3A_626 = arith.mulf %add3A_560, %mul3A_625 : vector<1x16xf32>
    %mul3A_627 = vector.broadcast %slice3A_512 : vector<1x1xf32> to vector<1x16xf32>
    %mul3A_628 = arith.mulf %add3A_568, %mul3A_627 : vector<1x16xf32>
    %add3A_629 = arith.addf %mul3A_626, %mul3A_628 : vector<1x16xf32>
    %mul3A_630 = vector.broadcast %slice3A_513 : vector<1x1xf32> to vector<1x16xf32>
    %mul3A_631 = arith.mulf %add3A_576, %mul3A_630 : vector<1x16xf32>
    %add3A_632 = arith.addf %add3A_629, %mul3A_631 : vector<1x16xf32>
    %sub3A_633 = vector.broadcast %slice3A_511 : vector<1x1xf32> to vector<1x16xf32>
    %sub3A_634 = arith.subf %sub3A_633, %add3A_632 : vector<1x16xf32>
    %mul3A_635 = vector.broadcast %slice3A_511 : vector<1x1xf32> to vector<1x16xf32>
    %mul3A_636 = arith.mulf %add3A_584, %mul3A_635 : vector<1x16xf32>
    %mul3A_637 = vector.broadcast %slice3A_512 : vector<1x1xf32> to vector<1x16xf32>
    %mul3A_638 = arith.mulf %add3A_592, %mul3A_637 : vector<1x16xf32>
    %add3A_639 = arith.addf %mul3A_636, %mul3A_638 : vector<1x16xf32>
    %mul3A_640 = vector.broadcast %slice3A_513 : vector<1x1xf32> to vector<1x16xf32>
    %mul3A_641 = arith.mulf %add3A_600, %mul3A_640 : vector<1x16xf32>
    %add3A_642 = arith.addf %add3A_639, %mul3A_641 : vector<1x16xf32>
    %sub3A_643 = vector.broadcast %slice3A_512 : vector<1x1xf32> to vector<1x16xf32>
    %sub3A_644 = arith.subf %sub3A_643, %add3A_642 : vector<1x16xf32>
    %mul3A_645 = vector.broadcast %slice3A_511 : vector<1x1xf32> to vector<1x16xf32>
    %mul3A_646 = arith.mulf %add3A_608, %mul3A_645 : vector<1x16xf32>
    %mul3A_647 = vector.broadcast %slice3A_512 : vector<1x1xf32> to vector<1x16xf32>
    %mul3A_648 = arith.mulf %add3A_616, %mul3A_647 : vector<1x16xf32>
    %add3A_649 = arith.addf %mul3A_646, %mul3A_648 : vector<1x16xf32>
    %mul3A_650 = vector.broadcast %slice3A_513 : vector<1x1xf32> to vector<1x16xf32>
    %mul3A_651 = arith.mulf %add3A_624, %mul3A_650 : vector<1x16xf32>
    %add3A_652 = arith.addf %add3A_649, %mul3A_651 : vector<1x16xf32>
    %sub3A_653 = vector.broadcast %slice3A_513 : vector<1x1xf32> to vector<1x16xf32>
    %sub3A_654 = arith.subf %sub3A_653, %add3A_652 : vector<1x16xf32>
    %slice3A_655 = vector.extract_strided_slice %sin3A {offsets = [4, 0], sizes = [1, 16], strides = [1, 1]} : vector<11x16xf32> to vector<1x16xf32>
    %slice3A_656 = vector.extract_strided_slice %sub3A_36 {offsets = [4, 0], sizes = [1, 16], strides = [1, 1]} : vector<11x16xf32> to vector<1x16xf32>
    %slice3A_657 = vector.extract_strided_slice %slice3A_17 {offsets = [4, 0], sizes = [1, 1], strides = [1, 1]} : vector<11x1xf32> to vector<1x1xf32>
    %slice3A_658 = vector.extract_strided_slice %slice3A_18 {offsets = [4, 0], sizes = [1, 1], strides = [1, 1]} : vector<11x1xf32> to vector<1x1xf32>
    %slice3A_659 = vector.extract_strided_slice %slice3A_19 {offsets = [4, 0], sizes = [1, 1], strides = [1, 1]} : vector<11x1xf32> to vector<1x1xf32>
    %slice3A_660 = vector.extract_strided_slice %sub3A {offsets = [4, 0], sizes = [1, 1], strides = [1, 1]} : vector<11x1xf32> to vector<1x1xf32>
    %slice3A_661 = vector.extract_strided_slice %sub3A_27 {offsets = [4, 0], sizes = [1, 1], strides = [1, 1]} : vector<11x1xf32> to vector<1x1xf32>
    %slice3A_662 = vector.extract_strided_slice %sub3A_30 {offsets = [4, 0], sizes = [1, 1], strides = [1, 1]} : vector<11x1xf32> to vector<1x1xf32>
    %broadcast_in_dim3A_663 = arith.constant 0.000000e+00 : f32
    %broadcast_in_dim3A_664 = vector.broadcast %broadcast_in_dim3A_663 : f32 to vector<1x1xf32>
    %neg3A_665 = arith.constant 0.000000e+00 : f32
    %neg3A_666 = vector.broadcast %neg3A_665 : f32 to vector<1x1xf32>
    %neg3A_667 = arith.subf %neg3A_666, %slice3A_659 : vector<1x1xf32>
    %broadcast_in_dim3A_668 = arith.constant 0.000000e+00 : f32
    %broadcast_in_dim3A_669 = vector.broadcast %broadcast_in_dim3A_668 : f32 to vector<1x1xf32>
    %neg3A_670 = arith.constant 0.000000e+00 : f32
    %neg3A_671 = vector.broadcast %neg3A_670 : f32 to vector<1x1xf32>
    %neg3A_672 = arith.subf %neg3A_671, %slice3A_657 : vector<1x1xf32>
    %neg3A_673 = arith.constant 0.000000e+00 : f32
    %neg3A_674 = vector.broadcast %neg3A_673 : f32 to vector<1x1xf32>
    %neg3A_675 = arith.subf %neg3A_674, %slice3A_658 : vector<1x1xf32>
    %broadcast_in_dim3A_676 = arith.constant 0.000000e+00 : f32
    %broadcast_in_dim3A_677 = vector.broadcast %broadcast_in_dim3A_676 : f32 to vector<1x1xf32>
    %mul3A_678 = arith.mulf %slice3A_659, %slice3A_659 : vector<1x1xf32>
    %mul3A_679 = arith.mulf %slice3A_658, %slice3A_658 : vector<1x1xf32>
    %add3A_680 = arith.addf %mul3A_678, %mul3A_679 : vector<1x1xf32>
    %neg3A_681 = arith.constant 0.000000e+00 : f32
    %neg3A_682 = vector.broadcast %neg3A_681 : f32 to vector<1x1xf32>
    %neg3A_683 = arith.subf %neg3A_682, %add3A_680 : vector<1x1xf32>
    %mul3A_684 = arith.mulf %slice3A_657, %slice3A_658 : vector<1x1xf32>
    %mul3A_685 = arith.mulf %slice3A_657, %slice3A_659 : vector<1x1xf32>
    %mul3A_686 = arith.mulf %slice3A_657, %slice3A_658 : vector<1x1xf32>
    %mul3A_687 = arith.mulf %slice3A_659, %slice3A_659 : vector<1x1xf32>
    %mul3A_688 = arith.mulf %slice3A_657, %slice3A_657 : vector<1x1xf32>
    %add3A_689 = arith.addf %mul3A_687, %mul3A_688 : vector<1x1xf32>
    %neg3A_690 = arith.constant 0.000000e+00 : f32
    %neg3A_691 = vector.broadcast %neg3A_690 : f32 to vector<1x1xf32>
    %neg3A_692 = arith.subf %neg3A_691, %add3A_689 : vector<1x1xf32>
    %mul3A_693 = arith.mulf %slice3A_658, %slice3A_659 : vector<1x1xf32>
    %mul3A_694 = arith.mulf %slice3A_657, %slice3A_659 : vector<1x1xf32>
    %mul3A_695 = arith.mulf %slice3A_658, %slice3A_659 : vector<1x1xf32>
    %mul3A_696 = arith.mulf %slice3A_658, %slice3A_658 : vector<1x1xf32>
    %mul3A_697 = arith.mulf %slice3A_657, %slice3A_657 : vector<1x1xf32>
    %add3A_698 = arith.addf %mul3A_696, %mul3A_697 : vector<1x1xf32>
    %neg3A_699 = arith.constant 0.000000e+00 : f32
    %neg3A_700 = vector.broadcast %neg3A_699 : f32 to vector<1x1xf32>
    %neg3A_701 = arith.subf %neg3A_700, %add3A_698 : vector<1x1xf32>
    %mul3A_702 = vector.broadcast %broadcast_in_dim3A_664 : vector<1x1xf32> to vector<1x16xf32>
    %mul3A_703 = arith.mulf %slice3A_655, %mul3A_702 : vector<1x16xf32>
    %add3A_704 = arith.constant 1.000000e+00 : f32
    %add3A_705 = vector.broadcast %add3A_704 : f32 to vector<1x16xf32>
    %add3A_706 = arith.addf %add3A_705, %mul3A_703 : vector<1x16xf32>
    %mul3A_707 = vector.broadcast %neg3A_683 : vector<1x1xf32> to vector<1x16xf32>
    %mul3A_708 = arith.mulf %slice3A_656, %mul3A_707 : vector<1x16xf32>
    %add3A_709 = arith.addf %add3A_706, %mul3A_708 : vector<1x16xf32>
    %mul3A_710 = vector.broadcast %neg3A_667 : vector<1x1xf32> to vector<1x16xf32>
    %mul3A_711 = arith.mulf %slice3A_655, %mul3A_710 : vector<1x16xf32>
    %add3A_712 = arith.constant 0.000000e+00 : f32
    %add3A_713 = vector.broadcast %add3A_712 : f32 to vector<1x16xf32>
    %add3A_714 = arith.addf %add3A_713, %mul3A_711 : vector<1x16xf32>
    %mul3A_715 = vector.broadcast %mul3A_684 : vector<1x1xf32> to vector<1x16xf32>
    %mul3A_716 = arith.mulf %slice3A_656, %mul3A_715 : vector<1x16xf32>
    %add3A_717 = arith.addf %add3A_714, %mul3A_716 : vector<1x16xf32>
    %mul3A_718 = vector.broadcast %slice3A_658 : vector<1x1xf32> to vector<1x16xf32>
    %mul3A_719 = arith.mulf %slice3A_655, %mul3A_718 : vector<1x16xf32>
    %add3A_720 = arith.constant 0.000000e+00 : f32
    %add3A_721 = vector.broadcast %add3A_720 : f32 to vector<1x16xf32>
    %add3A_722 = arith.addf %add3A_721, %mul3A_719 : vector<1x16xf32>
    %mul3A_723 = vector.broadcast %mul3A_685 : vector<1x1xf32> to vector<1x16xf32>
    %mul3A_724 = arith.mulf %slice3A_656, %mul3A_723 : vector<1x16xf32>
    %add3A_725 = arith.addf %add3A_722, %mul3A_724 : vector<1x16xf32>
    %mul3A_726 = vector.broadcast %slice3A_659 : vector<1x1xf32> to vector<1x16xf32>
    %mul3A_727 = arith.mulf %slice3A_655, %mul3A_726 : vector<1x16xf32>
    %add3A_728 = arith.constant 0.000000e+00 : f32
    %add3A_729 = vector.broadcast %add3A_728 : f32 to vector<1x16xf32>
    %add3A_730 = arith.addf %add3A_729, %mul3A_727 : vector<1x16xf32>
    %mul3A_731 = vector.broadcast %mul3A_686 : vector<1x1xf32> to vector<1x16xf32>
    %mul3A_732 = arith.mulf %slice3A_656, %mul3A_731 : vector<1x16xf32>
    %add3A_733 = arith.addf %add3A_730, %mul3A_732 : vector<1x16xf32>
    %mul3A_734 = vector.broadcast %broadcast_in_dim3A_669 : vector<1x1xf32> to vector<1x16xf32>
    %mul3A_735 = arith.mulf %slice3A_655, %mul3A_734 : vector<1x16xf32>
    %add3A_736 = arith.constant 1.000000e+00 : f32
    %add3A_737 = vector.broadcast %add3A_736 : f32 to vector<1x16xf32>
    %add3A_738 = arith.addf %add3A_737, %mul3A_735 : vector<1x16xf32>
    %mul3A_739 = vector.broadcast %neg3A_692 : vector<1x1xf32> to vector<1x16xf32>
    %mul3A_740 = arith.mulf %slice3A_656, %mul3A_739 : vector<1x16xf32>
    %add3A_741 = arith.addf %add3A_738, %mul3A_740 : vector<1x16xf32>
    %mul3A_742 = vector.broadcast %neg3A_672 : vector<1x1xf32> to vector<1x16xf32>
    %mul3A_743 = arith.mulf %slice3A_655, %mul3A_742 : vector<1x16xf32>
    %add3A_744 = arith.constant 0.000000e+00 : f32
    %add3A_745 = vector.broadcast %add3A_744 : f32 to vector<1x16xf32>
    %add3A_746 = arith.addf %add3A_745, %mul3A_743 : vector<1x16xf32>
    %mul3A_747 = vector.broadcast %mul3A_693 : vector<1x1xf32> to vector<1x16xf32>
    %mul3A_748 = arith.mulf %slice3A_656, %mul3A_747 : vector<1x16xf32>
    %add3A_749 = arith.addf %add3A_746, %mul3A_748 : vector<1x16xf32>
    %mul3A_750 = vector.broadcast %neg3A_675 : vector<1x1xf32> to vector<1x16xf32>
    %mul3A_751 = arith.mulf %slice3A_655, %mul3A_750 : vector<1x16xf32>
    %add3A_752 = arith.constant 0.000000e+00 : f32
    %add3A_753 = vector.broadcast %add3A_752 : f32 to vector<1x16xf32>
    %add3A_754 = arith.addf %add3A_753, %mul3A_751 : vector<1x16xf32>
    %mul3A_755 = vector.broadcast %mul3A_694 : vector<1x1xf32> to vector<1x16xf32>
    %mul3A_756 = arith.mulf %slice3A_656, %mul3A_755 : vector<1x16xf32>
    %add3A_757 = arith.addf %add3A_754, %mul3A_756 : vector<1x16xf32>
    %mul3A_758 = vector.broadcast %slice3A_657 : vector<1x1xf32> to vector<1x16xf32>
    %mul3A_759 = arith.mulf %slice3A_655, %mul3A_758 : vector<1x16xf32>
    %add3A_760 = arith.constant 0.000000e+00 : f32
    %add3A_761 = vector.broadcast %add3A_760 : f32 to vector<1x16xf32>
    %add3A_762 = arith.addf %add3A_761, %mul3A_759 : vector<1x16xf32>
    %mul3A_763 = vector.broadcast %mul3A_695 : vector<1x1xf32> to vector<1x16xf32>
    %mul3A_764 = arith.mulf %slice3A_656, %mul3A_763 : vector<1x16xf32>
    %add3A_765 = arith.addf %add3A_762, %mul3A_764 : vector<1x16xf32>
    %mul3A_766 = vector.broadcast %broadcast_in_dim3A_677 : vector<1x1xf32> to vector<1x16xf32>
    %mul3A_767 = arith.mulf %slice3A_655, %mul3A_766 : vector<1x16xf32>
    %add3A_768 = arith.constant 1.000000e+00 : f32
    %add3A_769 = vector.broadcast %add3A_768 : f32 to vector<1x16xf32>
    %add3A_770 = arith.addf %add3A_769, %mul3A_767 : vector<1x16xf32>
    %mul3A_771 = vector.broadcast %neg3A_701 : vector<1x1xf32> to vector<1x16xf32>
    %mul3A_772 = arith.mulf %slice3A_656, %mul3A_771 : vector<1x16xf32>
    %add3A_773 = arith.addf %add3A_770, %mul3A_772 : vector<1x16xf32>
    %mul3A_774 = vector.broadcast %slice3A_660 : vector<1x1xf32> to vector<1x16xf32>
    %mul3A_775 = arith.mulf %add3A_709, %mul3A_774 : vector<1x16xf32>
    %mul3A_776 = vector.broadcast %slice3A_661 : vector<1x1xf32> to vector<1x16xf32>
    %mul3A_777 = arith.mulf %add3A_717, %mul3A_776 : vector<1x16xf32>
    %add3A_778 = arith.addf %mul3A_775, %mul3A_777 : vector<1x16xf32>
    %mul3A_779 = vector.broadcast %slice3A_662 : vector<1x1xf32> to vector<1x16xf32>
    %mul3A_780 = arith.mulf %add3A_725, %mul3A_779 : vector<1x16xf32>
    %add3A_781 = arith.addf %add3A_778, %mul3A_780 : vector<1x16xf32>
    %sub3A_782 = vector.broadcast %slice3A_660 : vector<1x1xf32> to vector<1x16xf32>
    %sub3A_783 = arith.subf %sub3A_782, %add3A_781 : vector<1x16xf32>
    %mul3A_784 = vector.broadcast %slice3A_660 : vector<1x1xf32> to vector<1x16xf32>
    %mul3A_785 = arith.mulf %add3A_733, %mul3A_784 : vector<1x16xf32>
    %mul3A_786 = vector.broadcast %slice3A_661 : vector<1x1xf32> to vector<1x16xf32>
    %mul3A_787 = arith.mulf %add3A_741, %mul3A_786 : vector<1x16xf32>
    %add3A_788 = arith.addf %mul3A_785, %mul3A_787 : vector<1x16xf32>
    %mul3A_789 = vector.broadcast %slice3A_662 : vector<1x1xf32> to vector<1x16xf32>
    %mul3A_790 = arith.mulf %add3A_749, %mul3A_789 : vector<1x16xf32>
    %add3A_791 = arith.addf %add3A_788, %mul3A_790 : vector<1x16xf32>
    %sub3A_792 = vector.broadcast %slice3A_661 : vector<1x1xf32> to vector<1x16xf32>
    %sub3A_793 = arith.subf %sub3A_792, %add3A_791 : vector<1x16xf32>
    %mul3A_794 = vector.broadcast %slice3A_660 : vector<1x1xf32> to vector<1x16xf32>
    %mul3A_795 = arith.mulf %add3A_757, %mul3A_794 : vector<1x16xf32>
    %mul3A_796 = vector.broadcast %slice3A_661 : vector<1x1xf32> to vector<1x16xf32>
    %mul3A_797 = arith.mulf %add3A_765, %mul3A_796 : vector<1x16xf32>
    %add3A_798 = arith.addf %mul3A_795, %mul3A_797 : vector<1x16xf32>
    %mul3A_799 = vector.broadcast %slice3A_662 : vector<1x1xf32> to vector<1x16xf32>
    %mul3A_800 = arith.mulf %add3A_773, %mul3A_799 : vector<1x16xf32>
    %add3A_801 = arith.addf %add3A_798, %mul3A_800 : vector<1x16xf32>
    %sub3A_802 = vector.broadcast %slice3A_662 : vector<1x1xf32> to vector<1x16xf32>
    %sub3A_803 = arith.subf %sub3A_802, %add3A_801 : vector<1x16xf32>
    %slice3A_804 = vector.extract_strided_slice %sin3A {offsets = [5, 0], sizes = [1, 16], strides = [1, 1]} : vector<11x16xf32> to vector<1x16xf32>
    %slice3A_805 = vector.extract_strided_slice %sub3A_36 {offsets = [5, 0], sizes = [1, 16], strides = [1, 1]} : vector<11x16xf32> to vector<1x16xf32>
    %slice3A_806 = vector.extract_strided_slice %slice3A_17 {offsets = [5, 0], sizes = [1, 1], strides = [1, 1]} : vector<11x1xf32> to vector<1x1xf32>
    %slice3A_807 = vector.extract_strided_slice %slice3A_18 {offsets = [5, 0], sizes = [1, 1], strides = [1, 1]} : vector<11x1xf32> to vector<1x1xf32>
    %slice3A_808 = vector.extract_strided_slice %slice3A_19 {offsets = [5, 0], sizes = [1, 1], strides = [1, 1]} : vector<11x1xf32> to vector<1x1xf32>
    %slice3A_809 = vector.extract_strided_slice %sub3A {offsets = [5, 0], sizes = [1, 1], strides = [1, 1]} : vector<11x1xf32> to vector<1x1xf32>
    %slice3A_810 = vector.extract_strided_slice %sub3A_27 {offsets = [5, 0], sizes = [1, 1], strides = [1, 1]} : vector<11x1xf32> to vector<1x1xf32>
    %slice3A_811 = vector.extract_strided_slice %sub3A_30 {offsets = [5, 0], sizes = [1, 1], strides = [1, 1]} : vector<11x1xf32> to vector<1x1xf32>
    %broadcast_in_dim3A_812 = arith.constant 0.000000e+00 : f32
    %broadcast_in_dim3A_813 = vector.broadcast %broadcast_in_dim3A_812 : f32 to vector<1x1xf32>
    %neg3A_814 = arith.constant 0.000000e+00 : f32
    %neg3A_815 = vector.broadcast %neg3A_814 : f32 to vector<1x1xf32>
    %neg3A_816 = arith.subf %neg3A_815, %slice3A_808 : vector<1x1xf32>
    %broadcast_in_dim3A_817 = arith.constant 0.000000e+00 : f32
    %broadcast_in_dim3A_818 = vector.broadcast %broadcast_in_dim3A_817 : f32 to vector<1x1xf32>
    %neg3A_819 = arith.constant 0.000000e+00 : f32
    %neg3A_820 = vector.broadcast %neg3A_819 : f32 to vector<1x1xf32>
    %neg3A_821 = arith.subf %neg3A_820, %slice3A_806 : vector<1x1xf32>
    %neg3A_822 = arith.constant 0.000000e+00 : f32
    %neg3A_823 = vector.broadcast %neg3A_822 : f32 to vector<1x1xf32>
    %neg3A_824 = arith.subf %neg3A_823, %slice3A_807 : vector<1x1xf32>
    %broadcast_in_dim3A_825 = arith.constant 0.000000e+00 : f32
    %broadcast_in_dim3A_826 = vector.broadcast %broadcast_in_dim3A_825 : f32 to vector<1x1xf32>
    %mul3A_827 = arith.mulf %slice3A_808, %slice3A_808 : vector<1x1xf32>
    %mul3A_828 = arith.mulf %slice3A_807, %slice3A_807 : vector<1x1xf32>
    %add3A_829 = arith.addf %mul3A_827, %mul3A_828 : vector<1x1xf32>
    %neg3A_830 = arith.constant 0.000000e+00 : f32
    %neg3A_831 = vector.broadcast %neg3A_830 : f32 to vector<1x1xf32>
    %neg3A_832 = arith.subf %neg3A_831, %add3A_829 : vector<1x1xf32>
    %mul3A_833 = arith.mulf %slice3A_806, %slice3A_807 : vector<1x1xf32>
    %mul3A_834 = arith.mulf %slice3A_806, %slice3A_808 : vector<1x1xf32>
    %mul3A_835 = arith.mulf %slice3A_806, %slice3A_807 : vector<1x1xf32>
    %mul3A_836 = arith.mulf %slice3A_808, %slice3A_808 : vector<1x1xf32>
    %mul3A_837 = arith.mulf %slice3A_806, %slice3A_806 : vector<1x1xf32>
    %add3A_838 = arith.addf %mul3A_836, %mul3A_837 : vector<1x1xf32>
    %neg3A_839 = arith.constant 0.000000e+00 : f32
    %neg3A_840 = vector.broadcast %neg3A_839 : f32 to vector<1x1xf32>
    %neg3A_841 = arith.subf %neg3A_840, %add3A_838 : vector<1x1xf32>
    %mul3A_842 = arith.mulf %slice3A_807, %slice3A_808 : vector<1x1xf32>
    %mul3A_843 = arith.mulf %slice3A_806, %slice3A_808 : vector<1x1xf32>
    %mul3A_844 = arith.mulf %slice3A_807, %slice3A_808 : vector<1x1xf32>
    %mul3A_845 = arith.mulf %slice3A_807, %slice3A_807 : vector<1x1xf32>
    %mul3A_846 = arith.mulf %slice3A_806, %slice3A_806 : vector<1x1xf32>
    %add3A_847 = arith.addf %mul3A_845, %mul3A_846 : vector<1x1xf32>
    %neg3A_848 = arith.constant 0.000000e+00 : f32
    %neg3A_849 = vector.broadcast %neg3A_848 : f32 to vector<1x1xf32>
    %neg3A_850 = arith.subf %neg3A_849, %add3A_847 : vector<1x1xf32>
    %mul3A_851 = vector.broadcast %broadcast_in_dim3A_813 : vector<1x1xf32> to vector<1x16xf32>
    %mul3A_852 = arith.mulf %slice3A_804, %mul3A_851 : vector<1x16xf32>
    %add3A_853 = arith.constant 1.000000e+00 : f32
    %add3A_854 = vector.broadcast %add3A_853 : f32 to vector<1x16xf32>
    %add3A_855 = arith.addf %add3A_854, %mul3A_852 : vector<1x16xf32>
    %mul3A_856 = vector.broadcast %neg3A_832 : vector<1x1xf32> to vector<1x16xf32>
    %mul3A_857 = arith.mulf %slice3A_805, %mul3A_856 : vector<1x16xf32>
    %add3A_858 = arith.addf %add3A_855, %mul3A_857 : vector<1x16xf32>
    %mul3A_859 = vector.broadcast %neg3A_816 : vector<1x1xf32> to vector<1x16xf32>
    %mul3A_860 = arith.mulf %slice3A_804, %mul3A_859 : vector<1x16xf32>
    %add3A_861 = arith.constant 0.000000e+00 : f32
    %add3A_862 = vector.broadcast %add3A_861 : f32 to vector<1x16xf32>
    %add3A_863 = arith.addf %add3A_862, %mul3A_860 : vector<1x16xf32>
    %mul3A_864 = vector.broadcast %mul3A_833 : vector<1x1xf32> to vector<1x16xf32>
    %mul3A_865 = arith.mulf %slice3A_805, %mul3A_864 : vector<1x16xf32>
    %add3A_866 = arith.addf %add3A_863, %mul3A_865 : vector<1x16xf32>
    %mul3A_867 = vector.broadcast %slice3A_807 : vector<1x1xf32> to vector<1x16xf32>
    %mul3A_868 = arith.mulf %slice3A_804, %mul3A_867 : vector<1x16xf32>
    %add3A_869 = arith.constant 0.000000e+00 : f32
    %add3A_870 = vector.broadcast %add3A_869 : f32 to vector<1x16xf32>
    %add3A_871 = arith.addf %add3A_870, %mul3A_868 : vector<1x16xf32>
    %mul3A_872 = vector.broadcast %mul3A_834 : vector<1x1xf32> to vector<1x16xf32>
    %mul3A_873 = arith.mulf %slice3A_805, %mul3A_872 : vector<1x16xf32>
    %add3A_874 = arith.addf %add3A_871, %mul3A_873 : vector<1x16xf32>
    %mul3A_875 = vector.broadcast %slice3A_808 : vector<1x1xf32> to vector<1x16xf32>
    %mul3A_876 = arith.mulf %slice3A_804, %mul3A_875 : vector<1x16xf32>
    %add3A_877 = arith.constant 0.000000e+00 : f32
    %add3A_878 = vector.broadcast %add3A_877 : f32 to vector<1x16xf32>
    %add3A_879 = arith.addf %add3A_878, %mul3A_876 : vector<1x16xf32>
    %mul3A_880 = vector.broadcast %mul3A_835 : vector<1x1xf32> to vector<1x16xf32>
    %mul3A_881 = arith.mulf %slice3A_805, %mul3A_880 : vector<1x16xf32>
    %add3A_882 = arith.addf %add3A_879, %mul3A_881 : vector<1x16xf32>
    %mul3A_883 = vector.broadcast %broadcast_in_dim3A_818 : vector<1x1xf32> to vector<1x16xf32>
    %mul3A_884 = arith.mulf %slice3A_804, %mul3A_883 : vector<1x16xf32>
    %add3A_885 = arith.constant 1.000000e+00 : f32
    %add3A_886 = vector.broadcast %add3A_885 : f32 to vector<1x16xf32>
    %add3A_887 = arith.addf %add3A_886, %mul3A_884 : vector<1x16xf32>
    %mul3A_888 = vector.broadcast %neg3A_841 : vector<1x1xf32> to vector<1x16xf32>
    %mul3A_889 = arith.mulf %slice3A_805, %mul3A_888 : vector<1x16xf32>
    %add3A_890 = arith.addf %add3A_887, %mul3A_889 : vector<1x16xf32>
    %mul3A_891 = vector.broadcast %neg3A_821 : vector<1x1xf32> to vector<1x16xf32>
    %mul3A_892 = arith.mulf %slice3A_804, %mul3A_891 : vector<1x16xf32>
    %add3A_893 = arith.constant 0.000000e+00 : f32
    %add3A_894 = vector.broadcast %add3A_893 : f32 to vector<1x16xf32>
    %add3A_895 = arith.addf %add3A_894, %mul3A_892 : vector<1x16xf32>
    %mul3A_896 = vector.broadcast %mul3A_842 : vector<1x1xf32> to vector<1x16xf32>
    %mul3A_897 = arith.mulf %slice3A_805, %mul3A_896 : vector<1x16xf32>
    %add3A_898 = arith.addf %add3A_895, %mul3A_897 : vector<1x16xf32>
    %mul3A_899 = vector.broadcast %neg3A_824 : vector<1x1xf32> to vector<1x16xf32>
    %mul3A_900 = arith.mulf %slice3A_804, %mul3A_899 : vector<1x16xf32>
    %add3A_901 = arith.constant 0.000000e+00 : f32
    %add3A_902 = vector.broadcast %add3A_901 : f32 to vector<1x16xf32>
    %add3A_903 = arith.addf %add3A_902, %mul3A_900 : vector<1x16xf32>
    %mul3A_904 = vector.broadcast %mul3A_843 : vector<1x1xf32> to vector<1x16xf32>
    %mul3A_905 = arith.mulf %slice3A_805, %mul3A_904 : vector<1x16xf32>
    %add3A_906 = arith.addf %add3A_903, %mul3A_905 : vector<1x16xf32>
    %mul3A_907 = vector.broadcast %slice3A_806 : vector<1x1xf32> to vector<1x16xf32>
    %mul3A_908 = arith.mulf %slice3A_804, %mul3A_907 : vector<1x16xf32>
    %add3A_909 = arith.constant 0.000000e+00 : f32
    %add3A_910 = vector.broadcast %add3A_909 : f32 to vector<1x16xf32>
    %add3A_911 = arith.addf %add3A_910, %mul3A_908 : vector<1x16xf32>
    %mul3A_912 = vector.broadcast %mul3A_844 : vector<1x1xf32> to vector<1x16xf32>
    %mul3A_913 = arith.mulf %slice3A_805, %mul3A_912 : vector<1x16xf32>
    %add3A_914 = arith.addf %add3A_911, %mul3A_913 : vector<1x16xf32>
    %mul3A_915 = vector.broadcast %broadcast_in_dim3A_826 : vector<1x1xf32> to vector<1x16xf32>
    %mul3A_916 = arith.mulf %slice3A_804, %mul3A_915 : vector<1x16xf32>
    %add3A_917 = arith.constant 1.000000e+00 : f32
    %add3A_918 = vector.broadcast %add3A_917 : f32 to vector<1x16xf32>
    %add3A_919 = arith.addf %add3A_918, %mul3A_916 : vector<1x16xf32>
    %mul3A_920 = vector.broadcast %neg3A_850 : vector<1x1xf32> to vector<1x16xf32>
    %mul3A_921 = arith.mulf %slice3A_805, %mul3A_920 : vector<1x16xf32>
    %add3A_922 = arith.addf %add3A_919, %mul3A_921 : vector<1x16xf32>
    %mul3A_923 = vector.broadcast %slice3A_809 : vector<1x1xf32> to vector<1x16xf32>
    %mul3A_924 = arith.mulf %add3A_858, %mul3A_923 : vector<1x16xf32>
    %mul3A_925 = vector.broadcast %slice3A_810 : vector<1x1xf32> to vector<1x16xf32>
    %mul3A_926 = arith.mulf %add3A_866, %mul3A_925 : vector<1x16xf32>
    %add3A_927 = arith.addf %mul3A_924, %mul3A_926 : vector<1x16xf32>
    %mul3A_928 = vector.broadcast %slice3A_811 : vector<1x1xf32> to vector<1x16xf32>
    %mul3A_929 = arith.mulf %add3A_874, %mul3A_928 : vector<1x16xf32>
    %add3A_930 = arith.addf %add3A_927, %mul3A_929 : vector<1x16xf32>
    %sub3A_931 = vector.broadcast %slice3A_809 : vector<1x1xf32> to vector<1x16xf32>
    %sub3A_932 = arith.subf %sub3A_931, %add3A_930 : vector<1x16xf32>
    %mul3A_933 = vector.broadcast %slice3A_809 : vector<1x1xf32> to vector<1x16xf32>
    %mul3A_934 = arith.mulf %add3A_882, %mul3A_933 : vector<1x16xf32>
    %mul3A_935 = vector.broadcast %slice3A_810 : vector<1x1xf32> to vector<1x16xf32>
    %mul3A_936 = arith.mulf %add3A_890, %mul3A_935 : vector<1x16xf32>
    %add3A_937 = arith.addf %mul3A_934, %mul3A_936 : vector<1x16xf32>
    %mul3A_938 = vector.broadcast %slice3A_811 : vector<1x1xf32> to vector<1x16xf32>
    %mul3A_939 = arith.mulf %add3A_898, %mul3A_938 : vector<1x16xf32>
    %add3A_940 = arith.addf %add3A_937, %mul3A_939 : vector<1x16xf32>
    %sub3A_941 = vector.broadcast %slice3A_810 : vector<1x1xf32> to vector<1x16xf32>
    %sub3A_942 = arith.subf %sub3A_941, %add3A_940 : vector<1x16xf32>
    %mul3A_943 = vector.broadcast %slice3A_809 : vector<1x1xf32> to vector<1x16xf32>
    %mul3A_944 = arith.mulf %add3A_906, %mul3A_943 : vector<1x16xf32>
    %mul3A_945 = vector.broadcast %slice3A_810 : vector<1x1xf32> to vector<1x16xf32>
    %mul3A_946 = arith.mulf %add3A_914, %mul3A_945 : vector<1x16xf32>
    %add3A_947 = arith.addf %mul3A_944, %mul3A_946 : vector<1x16xf32>
    %mul3A_948 = vector.broadcast %slice3A_811 : vector<1x1xf32> to vector<1x16xf32>
    %mul3A_949 = arith.mulf %add3A_922, %mul3A_948 : vector<1x16xf32>
    %add3A_950 = arith.addf %add3A_947, %mul3A_949 : vector<1x16xf32>
    %sub3A_951 = vector.broadcast %slice3A_811 : vector<1x1xf32> to vector<1x16xf32>
    %sub3A_952 = arith.subf %sub3A_951, %add3A_950 : vector<1x16xf32>
    %slice3A_953 = vector.extract_strided_slice %sin3A {offsets = [6, 0], sizes = [1, 16], strides = [1, 1]} : vector<11x16xf32> to vector<1x16xf32>
    %slice3A_954 = vector.extract_strided_slice %sub3A_36 {offsets = [6, 0], sizes = [1, 16], strides = [1, 1]} : vector<11x16xf32> to vector<1x16xf32>
    %slice3A_955 = vector.extract_strided_slice %slice3A_17 {offsets = [6, 0], sizes = [1, 1], strides = [1, 1]} : vector<11x1xf32> to vector<1x1xf32>
    %slice3A_956 = vector.extract_strided_slice %slice3A_18 {offsets = [6, 0], sizes = [1, 1], strides = [1, 1]} : vector<11x1xf32> to vector<1x1xf32>
    %slice3A_957 = vector.extract_strided_slice %slice3A_19 {offsets = [6, 0], sizes = [1, 1], strides = [1, 1]} : vector<11x1xf32> to vector<1x1xf32>
    %slice3A_958 = vector.extract_strided_slice %sub3A {offsets = [6, 0], sizes = [1, 1], strides = [1, 1]} : vector<11x1xf32> to vector<1x1xf32>
    %slice3A_959 = vector.extract_strided_slice %sub3A_27 {offsets = [6, 0], sizes = [1, 1], strides = [1, 1]} : vector<11x1xf32> to vector<1x1xf32>
    %slice3A_960 = vector.extract_strided_slice %sub3A_30 {offsets = [6, 0], sizes = [1, 1], strides = [1, 1]} : vector<11x1xf32> to vector<1x1xf32>
    %broadcast_in_dim3A_961 = arith.constant 0.000000e+00 : f32
    %broadcast_in_dim3A_962 = vector.broadcast %broadcast_in_dim3A_961 : f32 to vector<1x1xf32>
    %neg3A_963 = arith.constant 0.000000e+00 : f32
    %neg3A_964 = vector.broadcast %neg3A_963 : f32 to vector<1x1xf32>
    %neg3A_965 = arith.subf %neg3A_964, %slice3A_957 : vector<1x1xf32>
    %broadcast_in_dim3A_966 = arith.constant 0.000000e+00 : f32
    %broadcast_in_dim3A_967 = vector.broadcast %broadcast_in_dim3A_966 : f32 to vector<1x1xf32>
    %neg3A_968 = arith.constant 0.000000e+00 : f32
    %neg3A_969 = vector.broadcast %neg3A_968 : f32 to vector<1x1xf32>
    %neg3A_970 = arith.subf %neg3A_969, %slice3A_955 : vector<1x1xf32>
    %neg3A_971 = arith.constant 0.000000e+00 : f32
    %neg3A_972 = vector.broadcast %neg3A_971 : f32 to vector<1x1xf32>
    %neg3A_973 = arith.subf %neg3A_972, %slice3A_956 : vector<1x1xf32>
    %broadcast_in_dim3A_974 = arith.constant 0.000000e+00 : f32
    %broadcast_in_dim3A_975 = vector.broadcast %broadcast_in_dim3A_974 : f32 to vector<1x1xf32>
    %mul3A_976 = arith.mulf %slice3A_957, %slice3A_957 : vector<1x1xf32>
    %mul3A_977 = arith.mulf %slice3A_956, %slice3A_956 : vector<1x1xf32>
    %add3A_978 = arith.addf %mul3A_976, %mul3A_977 : vector<1x1xf32>
    %neg3A_979 = arith.constant 0.000000e+00 : f32
    %neg3A_980 = vector.broadcast %neg3A_979 : f32 to vector<1x1xf32>
    %neg3A_981 = arith.subf %neg3A_980, %add3A_978 : vector<1x1xf32>
    %mul3A_982 = arith.mulf %slice3A_955, %slice3A_956 : vector<1x1xf32>
    %mul3A_983 = arith.mulf %slice3A_955, %slice3A_957 : vector<1x1xf32>
    %mul3A_984 = arith.mulf %slice3A_955, %slice3A_956 : vector<1x1xf32>
    %mul3A_985 = arith.mulf %slice3A_957, %slice3A_957 : vector<1x1xf32>
    %mul3A_986 = arith.mulf %slice3A_955, %slice3A_955 : vector<1x1xf32>
    %add3A_987 = arith.addf %mul3A_985, %mul3A_986 : vector<1x1xf32>
    %neg3A_988 = arith.constant 0.000000e+00 : f32
    %neg3A_989 = vector.broadcast %neg3A_988 : f32 to vector<1x1xf32>
    %neg3A_990 = arith.subf %neg3A_989, %add3A_987 : vector<1x1xf32>
    %mul3A_991 = arith.mulf %slice3A_956, %slice3A_957 : vector<1x1xf32>
    %mul3A_992 = arith.mulf %slice3A_955, %slice3A_957 : vector<1x1xf32>
    %mul3A_993 = arith.mulf %slice3A_956, %slice3A_957 : vector<1x1xf32>
    %mul3A_994 = arith.mulf %slice3A_956, %slice3A_956 : vector<1x1xf32>
    %mul3A_995 = arith.mulf %slice3A_955, %slice3A_955 : vector<1x1xf32>
    %add3A_996 = arith.addf %mul3A_994, %mul3A_995 : vector<1x1xf32>
    %neg3A_997 = arith.constant 0.000000e+00 : f32
    %neg3A_998 = vector.broadcast %neg3A_997 : f32 to vector<1x1xf32>
    %neg3A_999 = arith.subf %neg3A_998, %add3A_996 : vector<1x1xf32>
    %mul3A_1000 = vector.broadcast %broadcast_in_dim3A_962 : vector<1x1xf32> to vector<1x16xf32>
    %mul3A_1001 = arith.mulf %slice3A_953, %mul3A_1000 : vector<1x16xf32>
    %add3A_1002 = arith.constant 1.000000e+00 : f32
    %add3A_1003 = vector.broadcast %add3A_1002 : f32 to vector<1x16xf32>
    %add3A_1004 = arith.addf %add3A_1003, %mul3A_1001 : vector<1x16xf32>
    %mul3A_1005 = vector.broadcast %neg3A_981 : vector<1x1xf32> to vector<1x16xf32>
    %mul3A_1006 = arith.mulf %slice3A_954, %mul3A_1005 : vector<1x16xf32>
    %add3A_1007 = arith.addf %add3A_1004, %mul3A_1006 : vector<1x16xf32>
    %mul3A_1008 = vector.broadcast %neg3A_965 : vector<1x1xf32> to vector<1x16xf32>
    %mul3A_1009 = arith.mulf %slice3A_953, %mul3A_1008 : vector<1x16xf32>
    %add3A_1010 = arith.constant 0.000000e+00 : f32
    %add3A_1011 = vector.broadcast %add3A_1010 : f32 to vector<1x16xf32>
    %add3A_1012 = arith.addf %add3A_1011, %mul3A_1009 : vector<1x16xf32>
    %mul3A_1013 = vector.broadcast %mul3A_982 : vector<1x1xf32> to vector<1x16xf32>
    %mul3A_1014 = arith.mulf %slice3A_954, %mul3A_1013 : vector<1x16xf32>
    %add3A_1015 = arith.addf %add3A_1012, %mul3A_1014 : vector<1x16xf32>
    %mul3A_1016 = vector.broadcast %slice3A_956 : vector<1x1xf32> to vector<1x16xf32>
    %mul3A_1017 = arith.mulf %slice3A_953, %mul3A_1016 : vector<1x16xf32>
    %add3A_1018 = arith.constant 0.000000e+00 : f32
    %add3A_1019 = vector.broadcast %add3A_1018 : f32 to vector<1x16xf32>
    %add3A_1020 = arith.addf %add3A_1019, %mul3A_1017 : vector<1x16xf32>
    %mul3A_1021 = vector.broadcast %mul3A_983 : vector<1x1xf32> to vector<1x16xf32>
    %mul3A_1022 = arith.mulf %slice3A_954, %mul3A_1021 : vector<1x16xf32>
    %add3A_1023 = arith.addf %add3A_1020, %mul3A_1022 : vector<1x16xf32>
    %mul3A_1024 = vector.broadcast %slice3A_957 : vector<1x1xf32> to vector<1x16xf32>
    %mul3A_1025 = arith.mulf %slice3A_953, %mul3A_1024 : vector<1x16xf32>
    %add3A_1026 = arith.constant 0.000000e+00 : f32
    %add3A_1027 = vector.broadcast %add3A_1026 : f32 to vector<1x16xf32>
    %add3A_1028 = arith.addf %add3A_1027, %mul3A_1025 : vector<1x16xf32>
    %mul3A_1029 = vector.broadcast %mul3A_984 : vector<1x1xf32> to vector<1x16xf32>
    %mul3A_1030 = arith.mulf %slice3A_954, %mul3A_1029 : vector<1x16xf32>
    %add3A_1031 = arith.addf %add3A_1028, %mul3A_1030 : vector<1x16xf32>
    %mul3A_1032 = vector.broadcast %broadcast_in_dim3A_967 : vector<1x1xf32> to vector<1x16xf32>
    %mul3A_1033 = arith.mulf %slice3A_953, %mul3A_1032 : vector<1x16xf32>
    %add3A_1034 = arith.constant 1.000000e+00 : f32
    %add3A_1035 = vector.broadcast %add3A_1034 : f32 to vector<1x16xf32>
    %add3A_1036 = arith.addf %add3A_1035, %mul3A_1033 : vector<1x16xf32>
    %mul3A_1037 = vector.broadcast %neg3A_990 : vector<1x1xf32> to vector<1x16xf32>
    %mul3A_1038 = arith.mulf %slice3A_954, %mul3A_1037 : vector<1x16xf32>
    %add3A_1039 = arith.addf %add3A_1036, %mul3A_1038 : vector<1x16xf32>
    %mul3A_1040 = vector.broadcast %neg3A_970 : vector<1x1xf32> to vector<1x16xf32>
    %mul3A_1041 = arith.mulf %slice3A_953, %mul3A_1040 : vector<1x16xf32>
    %add3A_1042 = arith.constant 0.000000e+00 : f32
    %add3A_1043 = vector.broadcast %add3A_1042 : f32 to vector<1x16xf32>
    %add3A_1044 = arith.addf %add3A_1043, %mul3A_1041 : vector<1x16xf32>
    %mul3A_1045 = vector.broadcast %mul3A_991 : vector<1x1xf32> to vector<1x16xf32>
    %mul3A_1046 = arith.mulf %slice3A_954, %mul3A_1045 : vector<1x16xf32>
    %add3A_1047 = arith.addf %add3A_1044, %mul3A_1046 : vector<1x16xf32>
    %mul3A_1048 = vector.broadcast %neg3A_973 : vector<1x1xf32> to vector<1x16xf32>
    %mul3A_1049 = arith.mulf %slice3A_953, %mul3A_1048 : vector<1x16xf32>
    %add3A_1050 = arith.constant 0.000000e+00 : f32
    %add3A_1051 = vector.broadcast %add3A_1050 : f32 to vector<1x16xf32>
    %add3A_1052 = arith.addf %add3A_1051, %mul3A_1049 : vector<1x16xf32>
    %mul3A_1053 = vector.broadcast %mul3A_992 : vector<1x1xf32> to vector<1x16xf32>
    %mul3A_1054 = arith.mulf %slice3A_954, %mul3A_1053 : vector<1x16xf32>
    %add3A_1055 = arith.addf %add3A_1052, %mul3A_1054 : vector<1x16xf32>
    %mul3A_1056 = vector.broadcast %slice3A_955 : vector<1x1xf32> to vector<1x16xf32>
    %mul3A_1057 = arith.mulf %slice3A_953, %mul3A_1056 : vector<1x16xf32>
    %add3A_1058 = arith.constant 0.000000e+00 : f32
    %add3A_1059 = vector.broadcast %add3A_1058 : f32 to vector<1x16xf32>
    %add3A_1060 = arith.addf %add3A_1059, %mul3A_1057 : vector<1x16xf32>
    %mul3A_1061 = vector.broadcast %mul3A_993 : vector<1x1xf32> to vector<1x16xf32>
    %mul3A_1062 = arith.mulf %slice3A_954, %mul3A_1061 : vector<1x16xf32>
    %add3A_1063 = arith.addf %add3A_1060, %mul3A_1062 : vector<1x16xf32>
    %mul3A_1064 = vector.broadcast %broadcast_in_dim3A_975 : vector<1x1xf32> to vector<1x16xf32>
    %mul3A_1065 = arith.mulf %slice3A_953, %mul3A_1064 : vector<1x16xf32>
    %add3A_1066 = arith.constant 1.000000e+00 : f32
    %add3A_1067 = vector.broadcast %add3A_1066 : f32 to vector<1x16xf32>
    %add3A_1068 = arith.addf %add3A_1067, %mul3A_1065 : vector<1x16xf32>
    %mul3A_1069 = vector.broadcast %neg3A_999 : vector<1x1xf32> to vector<1x16xf32>
    %mul3A_1070 = arith.mulf %slice3A_954, %mul3A_1069 : vector<1x16xf32>
    %add3A_1071 = arith.addf %add3A_1068, %mul3A_1070 : vector<1x16xf32>
    %mul3A_1072 = vector.broadcast %slice3A_958 : vector<1x1xf32> to vector<1x16xf32>
    %mul3A_1073 = arith.mulf %add3A_1007, %mul3A_1072 : vector<1x16xf32>
    %mul3A_1074 = vector.broadcast %slice3A_959 : vector<1x1xf32> to vector<1x16xf32>
    %mul3A_1075 = arith.mulf %add3A_1015, %mul3A_1074 : vector<1x16xf32>
    %add3A_1076 = arith.addf %mul3A_1073, %mul3A_1075 : vector<1x16xf32>
    %mul3A_1077 = vector.broadcast %slice3A_960 : vector<1x1xf32> to vector<1x16xf32>
    %mul3A_1078 = arith.mulf %add3A_1023, %mul3A_1077 : vector<1x16xf32>
    %add3A_1079 = arith.addf %add3A_1076, %mul3A_1078 : vector<1x16xf32>
    %sub3A_1080 = vector.broadcast %slice3A_958 : vector<1x1xf32> to vector<1x16xf32>
    %sub3A_1081 = arith.subf %sub3A_1080, %add3A_1079 : vector<1x16xf32>
    %mul3A_1082 = vector.broadcast %slice3A_958 : vector<1x1xf32> to vector<1x16xf32>
    %mul3A_1083 = arith.mulf %add3A_1031, %mul3A_1082 : vector<1x16xf32>
    %mul3A_1084 = vector.broadcast %slice3A_959 : vector<1x1xf32> to vector<1x16xf32>
    %mul3A_1085 = arith.mulf %add3A_1039, %mul3A_1084 : vector<1x16xf32>
    %add3A_1086 = arith.addf %mul3A_1083, %mul3A_1085 : vector<1x16xf32>
    %mul3A_1087 = vector.broadcast %slice3A_960 : vector<1x1xf32> to vector<1x16xf32>
    %mul3A_1088 = arith.mulf %add3A_1047, %mul3A_1087 : vector<1x16xf32>
    %add3A_1089 = arith.addf %add3A_1086, %mul3A_1088 : vector<1x16xf32>
    %sub3A_1090 = vector.broadcast %slice3A_959 : vector<1x1xf32> to vector<1x16xf32>
    %sub3A_1091 = arith.subf %sub3A_1090, %add3A_1089 : vector<1x16xf32>
    %mul3A_1092 = vector.broadcast %slice3A_958 : vector<1x1xf32> to vector<1x16xf32>
    %mul3A_1093 = arith.mulf %add3A_1055, %mul3A_1092 : vector<1x16xf32>
    %mul3A_1094 = vector.broadcast %slice3A_959 : vector<1x1xf32> to vector<1x16xf32>
    %mul3A_1095 = arith.mulf %add3A_1063, %mul3A_1094 : vector<1x16xf32>
    %add3A_1096 = arith.addf %mul3A_1093, %mul3A_1095 : vector<1x16xf32>
    %mul3A_1097 = vector.broadcast %slice3A_960 : vector<1x1xf32> to vector<1x16xf32>
    %mul3A_1098 = arith.mulf %add3A_1071, %mul3A_1097 : vector<1x16xf32>
    %add3A_1099 = arith.addf %add3A_1096, %mul3A_1098 : vector<1x16xf32>
    %sub3A_1100 = vector.broadcast %slice3A_960 : vector<1x1xf32> to vector<1x16xf32>
    %sub3A_1101 = arith.subf %sub3A_1100, %add3A_1099 : vector<1x16xf32>
    %slice3A_1102 = vector.extract_strided_slice %sin3A {offsets = [7, 0], sizes = [1, 16], strides = [1, 1]} : vector<11x16xf32> to vector<1x16xf32>
    %slice3A_1103 = vector.extract_strided_slice %sub3A_36 {offsets = [7, 0], sizes = [1, 16], strides = [1, 1]} : vector<11x16xf32> to vector<1x16xf32>
    %slice3A_1104 = vector.extract_strided_slice %slice3A_17 {offsets = [7, 0], sizes = [1, 1], strides = [1, 1]} : vector<11x1xf32> to vector<1x1xf32>
    %slice3A_1105 = vector.extract_strided_slice %slice3A_18 {offsets = [7, 0], sizes = [1, 1], strides = [1, 1]} : vector<11x1xf32> to vector<1x1xf32>
    %slice3A_1106 = vector.extract_strided_slice %slice3A_19 {offsets = [7, 0], sizes = [1, 1], strides = [1, 1]} : vector<11x1xf32> to vector<1x1xf32>
    %slice3A_1107 = vector.extract_strided_slice %sub3A {offsets = [7, 0], sizes = [1, 1], strides = [1, 1]} : vector<11x1xf32> to vector<1x1xf32>
    %slice3A_1108 = vector.extract_strided_slice %sub3A_27 {offsets = [7, 0], sizes = [1, 1], strides = [1, 1]} : vector<11x1xf32> to vector<1x1xf32>
    %slice3A_1109 = vector.extract_strided_slice %sub3A_30 {offsets = [7, 0], sizes = [1, 1], strides = [1, 1]} : vector<11x1xf32> to vector<1x1xf32>
    %broadcast_in_dim3A_1110 = arith.constant 0.000000e+00 : f32
    %broadcast_in_dim3A_1111 = vector.broadcast %broadcast_in_dim3A_1110 : f32 to vector<1x1xf32>
    %neg3A_1112 = arith.constant 0.000000e+00 : f32
    %neg3A_1113 = vector.broadcast %neg3A_1112 : f32 to vector<1x1xf32>
    %neg3A_1114 = arith.subf %neg3A_1113, %slice3A_1106 : vector<1x1xf32>
    %broadcast_in_dim3A_1115 = arith.constant 0.000000e+00 : f32
    %broadcast_in_dim3A_1116 = vector.broadcast %broadcast_in_dim3A_1115 : f32 to vector<1x1xf32>
    %neg3A_1117 = arith.constant 0.000000e+00 : f32
    %neg3A_1118 = vector.broadcast %neg3A_1117 : f32 to vector<1x1xf32>
    %neg3A_1119 = arith.subf %neg3A_1118, %slice3A_1104 : vector<1x1xf32>
    %neg3A_1120 = arith.constant 0.000000e+00 : f32
    %neg3A_1121 = vector.broadcast %neg3A_1120 : f32 to vector<1x1xf32>
    %neg3A_1122 = arith.subf %neg3A_1121, %slice3A_1105 : vector<1x1xf32>
    %broadcast_in_dim3A_1123 = arith.constant 0.000000e+00 : f32
    %broadcast_in_dim3A_1124 = vector.broadcast %broadcast_in_dim3A_1123 : f32 to vector<1x1xf32>
    %mul3A_1125 = arith.mulf %slice3A_1106, %slice3A_1106 : vector<1x1xf32>
    %mul3A_1126 = arith.mulf %slice3A_1105, %slice3A_1105 : vector<1x1xf32>
    %add3A_1127 = arith.addf %mul3A_1125, %mul3A_1126 : vector<1x1xf32>
    %neg3A_1128 = arith.constant 0.000000e+00 : f32
    %neg3A_1129 = vector.broadcast %neg3A_1128 : f32 to vector<1x1xf32>
    %neg3A_1130 = arith.subf %neg3A_1129, %add3A_1127 : vector<1x1xf32>
    %mul3A_1131 = arith.mulf %slice3A_1104, %slice3A_1105 : vector<1x1xf32>
    %mul3A_1132 = arith.mulf %slice3A_1104, %slice3A_1106 : vector<1x1xf32>
    %mul3A_1133 = arith.mulf %slice3A_1104, %slice3A_1105 : vector<1x1xf32>
    %mul3A_1134 = arith.mulf %slice3A_1106, %slice3A_1106 : vector<1x1xf32>
    %mul3A_1135 = arith.mulf %slice3A_1104, %slice3A_1104 : vector<1x1xf32>
    %add3A_1136 = arith.addf %mul3A_1134, %mul3A_1135 : vector<1x1xf32>
    %neg3A_1137 = arith.constant 0.000000e+00 : f32
    %neg3A_1138 = vector.broadcast %neg3A_1137 : f32 to vector<1x1xf32>
    %neg3A_1139 = arith.subf %neg3A_1138, %add3A_1136 : vector<1x1xf32>
    %mul3A_1140 = arith.mulf %slice3A_1105, %slice3A_1106 : vector<1x1xf32>
    %mul3A_1141 = arith.mulf %slice3A_1104, %slice3A_1106 : vector<1x1xf32>
    %mul3A_1142 = arith.mulf %slice3A_1105, %slice3A_1106 : vector<1x1xf32>
    %mul3A_1143 = arith.mulf %slice3A_1105, %slice3A_1105 : vector<1x1xf32>
    %mul3A_1144 = arith.mulf %slice3A_1104, %slice3A_1104 : vector<1x1xf32>
    %add3A_1145 = arith.addf %mul3A_1143, %mul3A_1144 : vector<1x1xf32>
    %neg3A_1146 = arith.constant 0.000000e+00 : f32
    %neg3A_1147 = vector.broadcast %neg3A_1146 : f32 to vector<1x1xf32>
    %neg3A_1148 = arith.subf %neg3A_1147, %add3A_1145 : vector<1x1xf32>
    %mul3A_1149 = vector.broadcast %broadcast_in_dim3A_1111 : vector<1x1xf32> to vector<1x16xf32>
    %mul3A_1150 = arith.mulf %slice3A_1102, %mul3A_1149 : vector<1x16xf32>
    %add3A_1151 = arith.constant 1.000000e+00 : f32
    %add3A_1152 = vector.broadcast %add3A_1151 : f32 to vector<1x16xf32>
    %add3A_1153 = arith.addf %add3A_1152, %mul3A_1150 : vector<1x16xf32>
    %mul3A_1154 = vector.broadcast %neg3A_1130 : vector<1x1xf32> to vector<1x16xf32>
    %mul3A_1155 = arith.mulf %slice3A_1103, %mul3A_1154 : vector<1x16xf32>
    %add3A_1156 = arith.addf %add3A_1153, %mul3A_1155 : vector<1x16xf32>
    %mul3A_1157 = vector.broadcast %neg3A_1114 : vector<1x1xf32> to vector<1x16xf32>
    %mul3A_1158 = arith.mulf %slice3A_1102, %mul3A_1157 : vector<1x16xf32>
    %add3A_1159 = arith.constant 0.000000e+00 : f32
    %add3A_1160 = vector.broadcast %add3A_1159 : f32 to vector<1x16xf32>
    %add3A_1161 = arith.addf %add3A_1160, %mul3A_1158 : vector<1x16xf32>
    %mul3A_1162 = vector.broadcast %mul3A_1131 : vector<1x1xf32> to vector<1x16xf32>
    %mul3A_1163 = arith.mulf %slice3A_1103, %mul3A_1162 : vector<1x16xf32>
    %add3A_1164 = arith.addf %add3A_1161, %mul3A_1163 : vector<1x16xf32>
    %mul3A_1165 = vector.broadcast %slice3A_1105 : vector<1x1xf32> to vector<1x16xf32>
    %mul3A_1166 = arith.mulf %slice3A_1102, %mul3A_1165 : vector<1x16xf32>
    %add3A_1167 = arith.constant 0.000000e+00 : f32
    %add3A_1168 = vector.broadcast %add3A_1167 : f32 to vector<1x16xf32>
    %add3A_1169 = arith.addf %add3A_1168, %mul3A_1166 : vector<1x16xf32>
    %mul3A_1170 = vector.broadcast %mul3A_1132 : vector<1x1xf32> to vector<1x16xf32>
    %mul3A_1171 = arith.mulf %slice3A_1103, %mul3A_1170 : vector<1x16xf32>
    %add3A_1172 = arith.addf %add3A_1169, %mul3A_1171 : vector<1x16xf32>
    %mul3A_1173 = vector.broadcast %slice3A_1106 : vector<1x1xf32> to vector<1x16xf32>
    %mul3A_1174 = arith.mulf %slice3A_1102, %mul3A_1173 : vector<1x16xf32>
    %add3A_1175 = arith.constant 0.000000e+00 : f32
    %add3A_1176 = vector.broadcast %add3A_1175 : f32 to vector<1x16xf32>
    %add3A_1177 = arith.addf %add3A_1176, %mul3A_1174 : vector<1x16xf32>
    %mul3A_1178 = vector.broadcast %mul3A_1133 : vector<1x1xf32> to vector<1x16xf32>
    %mul3A_1179 = arith.mulf %slice3A_1103, %mul3A_1178 : vector<1x16xf32>
    %add3A_1180 = arith.addf %add3A_1177, %mul3A_1179 : vector<1x16xf32>
    %mul3A_1181 = vector.broadcast %broadcast_in_dim3A_1116 : vector<1x1xf32> to vector<1x16xf32>
    %mul3A_1182 = arith.mulf %slice3A_1102, %mul3A_1181 : vector<1x16xf32>
    %add3A_1183 = arith.constant 1.000000e+00 : f32
    %add3A_1184 = vector.broadcast %add3A_1183 : f32 to vector<1x16xf32>
    %add3A_1185 = arith.addf %add3A_1184, %mul3A_1182 : vector<1x16xf32>
    %mul3A_1186 = vector.broadcast %neg3A_1139 : vector<1x1xf32> to vector<1x16xf32>
    %mul3A_1187 = arith.mulf %slice3A_1103, %mul3A_1186 : vector<1x16xf32>
    %add3A_1188 = arith.addf %add3A_1185, %mul3A_1187 : vector<1x16xf32>
    %mul3A_1189 = vector.broadcast %neg3A_1119 : vector<1x1xf32> to vector<1x16xf32>
    %mul3A_1190 = arith.mulf %slice3A_1102, %mul3A_1189 : vector<1x16xf32>
    %add3A_1191 = arith.constant 0.000000e+00 : f32
    %add3A_1192 = vector.broadcast %add3A_1191 : f32 to vector<1x16xf32>
    %add3A_1193 = arith.addf %add3A_1192, %mul3A_1190 : vector<1x16xf32>
    %mul3A_1194 = vector.broadcast %mul3A_1140 : vector<1x1xf32> to vector<1x16xf32>
    %mul3A_1195 = arith.mulf %slice3A_1103, %mul3A_1194 : vector<1x16xf32>
    %add3A_1196 = arith.addf %add3A_1193, %mul3A_1195 : vector<1x16xf32>
    %mul3A_1197 = vector.broadcast %neg3A_1122 : vector<1x1xf32> to vector<1x16xf32>
    %mul3A_1198 = arith.mulf %slice3A_1102, %mul3A_1197 : vector<1x16xf32>
    %add3A_1199 = arith.constant 0.000000e+00 : f32
    %add3A_1200 = vector.broadcast %add3A_1199 : f32 to vector<1x16xf32>
    %add3A_1201 = arith.addf %add3A_1200, %mul3A_1198 : vector<1x16xf32>
    %mul3A_1202 = vector.broadcast %mul3A_1141 : vector<1x1xf32> to vector<1x16xf32>
    %mul3A_1203 = arith.mulf %slice3A_1103, %mul3A_1202 : vector<1x16xf32>
    %add3A_1204 = arith.addf %add3A_1201, %mul3A_1203 : vector<1x16xf32>
    %mul3A_1205 = vector.broadcast %slice3A_1104 : vector<1x1xf32> to vector<1x16xf32>
    %mul3A_1206 = arith.mulf %slice3A_1102, %mul3A_1205 : vector<1x16xf32>
    %add3A_1207 = arith.constant 0.000000e+00 : f32
    %add3A_1208 = vector.broadcast %add3A_1207 : f32 to vector<1x16xf32>
    %add3A_1209 = arith.addf %add3A_1208, %mul3A_1206 : vector<1x16xf32>
    %mul3A_1210 = vector.broadcast %mul3A_1142 : vector<1x1xf32> to vector<1x16xf32>
    %mul3A_1211 = arith.mulf %slice3A_1103, %mul3A_1210 : vector<1x16xf32>
    %add3A_1212 = arith.addf %add3A_1209, %mul3A_1211 : vector<1x16xf32>
    %mul3A_1213 = vector.broadcast %broadcast_in_dim3A_1124 : vector<1x1xf32> to vector<1x16xf32>
    %mul3A_1214 = arith.mulf %slice3A_1102, %mul3A_1213 : vector<1x16xf32>
    %add3A_1215 = arith.constant 1.000000e+00 : f32
    %add3A_1216 = vector.broadcast %add3A_1215 : f32 to vector<1x16xf32>
    %add3A_1217 = arith.addf %add3A_1216, %mul3A_1214 : vector<1x16xf32>
    %mul3A_1218 = vector.broadcast %neg3A_1148 : vector<1x1xf32> to vector<1x16xf32>
    %mul3A_1219 = arith.mulf %slice3A_1103, %mul3A_1218 : vector<1x16xf32>
    %add3A_1220 = arith.addf %add3A_1217, %mul3A_1219 : vector<1x16xf32>
    %mul3A_1221 = vector.broadcast %slice3A_1107 : vector<1x1xf32> to vector<1x16xf32>
    %mul3A_1222 = arith.mulf %add3A_1156, %mul3A_1221 : vector<1x16xf32>
    %mul3A_1223 = vector.broadcast %slice3A_1108 : vector<1x1xf32> to vector<1x16xf32>
    %mul3A_1224 = arith.mulf %add3A_1164, %mul3A_1223 : vector<1x16xf32>
    %add3A_1225 = arith.addf %mul3A_1222, %mul3A_1224 : vector<1x16xf32>
    %mul3A_1226 = vector.broadcast %slice3A_1109 : vector<1x1xf32> to vector<1x16xf32>
    %mul3A_1227 = arith.mulf %add3A_1172, %mul3A_1226 : vector<1x16xf32>
    %add3A_1228 = arith.addf %add3A_1225, %mul3A_1227 : vector<1x16xf32>
    %sub3A_1229 = vector.broadcast %slice3A_1107 : vector<1x1xf32> to vector<1x16xf32>
    %sub3A_1230 = arith.subf %sub3A_1229, %add3A_1228 : vector<1x16xf32>
    %mul3A_1231 = vector.broadcast %slice3A_1107 : vector<1x1xf32> to vector<1x16xf32>
    %mul3A_1232 = arith.mulf %add3A_1180, %mul3A_1231 : vector<1x16xf32>
    %mul3A_1233 = vector.broadcast %slice3A_1108 : vector<1x1xf32> to vector<1x16xf32>
    %mul3A_1234 = arith.mulf %add3A_1188, %mul3A_1233 : vector<1x16xf32>
    %add3A_1235 = arith.addf %mul3A_1232, %mul3A_1234 : vector<1x16xf32>
    %mul3A_1236 = vector.broadcast %slice3A_1109 : vector<1x1xf32> to vector<1x16xf32>
    %mul3A_1237 = arith.mulf %add3A_1196, %mul3A_1236 : vector<1x16xf32>
    %add3A_1238 = arith.addf %add3A_1235, %mul3A_1237 : vector<1x16xf32>
    %sub3A_1239 = vector.broadcast %slice3A_1108 : vector<1x1xf32> to vector<1x16xf32>
    %sub3A_1240 = arith.subf %sub3A_1239, %add3A_1238 : vector<1x16xf32>
    %mul3A_1241 = vector.broadcast %slice3A_1107 : vector<1x1xf32> to vector<1x16xf32>
    %mul3A_1242 = arith.mulf %add3A_1204, %mul3A_1241 : vector<1x16xf32>
    %mul3A_1243 = vector.broadcast %slice3A_1108 : vector<1x1xf32> to vector<1x16xf32>
    %mul3A_1244 = arith.mulf %add3A_1212, %mul3A_1243 : vector<1x16xf32>
    %add3A_1245 = arith.addf %mul3A_1242, %mul3A_1244 : vector<1x16xf32>
    %mul3A_1246 = vector.broadcast %slice3A_1109 : vector<1x1xf32> to vector<1x16xf32>
    %mul3A_1247 = arith.mulf %add3A_1220, %mul3A_1246 : vector<1x16xf32>
    %add3A_1248 = arith.addf %add3A_1245, %mul3A_1247 : vector<1x16xf32>
    %sub3A_1249 = vector.broadcast %slice3A_1109 : vector<1x1xf32> to vector<1x16xf32>
    %sub3A_1250 = arith.subf %sub3A_1249, %add3A_1248 : vector<1x16xf32>
    %slice3A_1251 = vector.extract_strided_slice %sin3A {offsets = [8, 0], sizes = [1, 16], strides = [1, 1]} : vector<11x16xf32> to vector<1x16xf32>
    %slice3A_1252 = vector.extract_strided_slice %sub3A_36 {offsets = [8, 0], sizes = [1, 16], strides = [1, 1]} : vector<11x16xf32> to vector<1x16xf32>
    %slice3A_1253 = vector.extract_strided_slice %slice3A_17 {offsets = [8, 0], sizes = [1, 1], strides = [1, 1]} : vector<11x1xf32> to vector<1x1xf32>
    %slice3A_1254 = vector.extract_strided_slice %slice3A_18 {offsets = [8, 0], sizes = [1, 1], strides = [1, 1]} : vector<11x1xf32> to vector<1x1xf32>
    %slice3A_1255 = vector.extract_strided_slice %slice3A_19 {offsets = [8, 0], sizes = [1, 1], strides = [1, 1]} : vector<11x1xf32> to vector<1x1xf32>
    %slice3A_1256 = vector.extract_strided_slice %sub3A {offsets = [8, 0], sizes = [1, 1], strides = [1, 1]} : vector<11x1xf32> to vector<1x1xf32>
    %slice3A_1257 = vector.extract_strided_slice %sub3A_27 {offsets = [8, 0], sizes = [1, 1], strides = [1, 1]} : vector<11x1xf32> to vector<1x1xf32>
    %slice3A_1258 = vector.extract_strided_slice %sub3A_30 {offsets = [8, 0], sizes = [1, 1], strides = [1, 1]} : vector<11x1xf32> to vector<1x1xf32>
    %broadcast_in_dim3A_1259 = arith.constant 0.000000e+00 : f32
    %broadcast_in_dim3A_1260 = vector.broadcast %broadcast_in_dim3A_1259 : f32 to vector<1x1xf32>
    %neg3A_1261 = arith.constant 0.000000e+00 : f32
    %neg3A_1262 = vector.broadcast %neg3A_1261 : f32 to vector<1x1xf32>
    %neg3A_1263 = arith.subf %neg3A_1262, %slice3A_1255 : vector<1x1xf32>
    %broadcast_in_dim3A_1264 = arith.constant 0.000000e+00 : f32
    %broadcast_in_dim3A_1265 = vector.broadcast %broadcast_in_dim3A_1264 : f32 to vector<1x1xf32>
    %neg3A_1266 = arith.constant 0.000000e+00 : f32
    %neg3A_1267 = vector.broadcast %neg3A_1266 : f32 to vector<1x1xf32>
    %neg3A_1268 = arith.subf %neg3A_1267, %slice3A_1253 : vector<1x1xf32>
    %neg3A_1269 = arith.constant 0.000000e+00 : f32
    %neg3A_1270 = vector.broadcast %neg3A_1269 : f32 to vector<1x1xf32>
    %neg3A_1271 = arith.subf %neg3A_1270, %slice3A_1254 : vector<1x1xf32>
    %broadcast_in_dim3A_1272 = arith.constant 0.000000e+00 : f32
    %broadcast_in_dim3A_1273 = vector.broadcast %broadcast_in_dim3A_1272 : f32 to vector<1x1xf32>
    %mul3A_1274 = arith.mulf %slice3A_1255, %slice3A_1255 : vector<1x1xf32>
    %mul3A_1275 = arith.mulf %slice3A_1254, %slice3A_1254 : vector<1x1xf32>
    %add3A_1276 = arith.addf %mul3A_1274, %mul3A_1275 : vector<1x1xf32>
    %neg3A_1277 = arith.constant 0.000000e+00 : f32
    %neg3A_1278 = vector.broadcast %neg3A_1277 : f32 to vector<1x1xf32>
    %neg3A_1279 = arith.subf %neg3A_1278, %add3A_1276 : vector<1x1xf32>
    %mul3A_1280 = arith.mulf %slice3A_1253, %slice3A_1254 : vector<1x1xf32>
    %mul3A_1281 = arith.mulf %slice3A_1253, %slice3A_1255 : vector<1x1xf32>
    %mul3A_1282 = arith.mulf %slice3A_1253, %slice3A_1254 : vector<1x1xf32>
    %mul3A_1283 = arith.mulf %slice3A_1255, %slice3A_1255 : vector<1x1xf32>
    %mul3A_1284 = arith.mulf %slice3A_1253, %slice3A_1253 : vector<1x1xf32>
    %add3A_1285 = arith.addf %mul3A_1283, %mul3A_1284 : vector<1x1xf32>
    %neg3A_1286 = arith.constant 0.000000e+00 : f32
    %neg3A_1287 = vector.broadcast %neg3A_1286 : f32 to vector<1x1xf32>
    %neg3A_1288 = arith.subf %neg3A_1287, %add3A_1285 : vector<1x1xf32>
    %mul3A_1289 = arith.mulf %slice3A_1254, %slice3A_1255 : vector<1x1xf32>
    %mul3A_1290 = arith.mulf %slice3A_1253, %slice3A_1255 : vector<1x1xf32>
    %mul3A_1291 = arith.mulf %slice3A_1254, %slice3A_1255 : vector<1x1xf32>
    %mul3A_1292 = arith.mulf %slice3A_1254, %slice3A_1254 : vector<1x1xf32>
    %mul3A_1293 = arith.mulf %slice3A_1253, %slice3A_1253 : vector<1x1xf32>
    %add3A_1294 = arith.addf %mul3A_1292, %mul3A_1293 : vector<1x1xf32>
    %neg3A_1295 = arith.constant 0.000000e+00 : f32
    %neg3A_1296 = vector.broadcast %neg3A_1295 : f32 to vector<1x1xf32>
    %neg3A_1297 = arith.subf %neg3A_1296, %add3A_1294 : vector<1x1xf32>
    %mul3A_1298 = vector.broadcast %broadcast_in_dim3A_1260 : vector<1x1xf32> to vector<1x16xf32>
    %mul3A_1299 = arith.mulf %slice3A_1251, %mul3A_1298 : vector<1x16xf32>
    %add3A_1300 = arith.constant 1.000000e+00 : f32
    %add3A_1301 = vector.broadcast %add3A_1300 : f32 to vector<1x16xf32>
    %add3A_1302 = arith.addf %add3A_1301, %mul3A_1299 : vector<1x16xf32>
    %mul3A_1303 = vector.broadcast %neg3A_1279 : vector<1x1xf32> to vector<1x16xf32>
    %mul3A_1304 = arith.mulf %slice3A_1252, %mul3A_1303 : vector<1x16xf32>
    %add3A_1305 = arith.addf %add3A_1302, %mul3A_1304 : vector<1x16xf32>
    %mul3A_1306 = vector.broadcast %neg3A_1263 : vector<1x1xf32> to vector<1x16xf32>
    %mul3A_1307 = arith.mulf %slice3A_1251, %mul3A_1306 : vector<1x16xf32>
    %add3A_1308 = arith.constant 0.000000e+00 : f32
    %add3A_1309 = vector.broadcast %add3A_1308 : f32 to vector<1x16xf32>
    %add3A_1310 = arith.addf %add3A_1309, %mul3A_1307 : vector<1x16xf32>
    %mul3A_1311 = vector.broadcast %mul3A_1280 : vector<1x1xf32> to vector<1x16xf32>
    %mul3A_1312 = arith.mulf %slice3A_1252, %mul3A_1311 : vector<1x16xf32>
    %add3A_1313 = arith.addf %add3A_1310, %mul3A_1312 : vector<1x16xf32>
    %mul3A_1314 = vector.broadcast %slice3A_1254 : vector<1x1xf32> to vector<1x16xf32>
    %mul3A_1315 = arith.mulf %slice3A_1251, %mul3A_1314 : vector<1x16xf32>
    %add3A_1316 = arith.constant 0.000000e+00 : f32
    %add3A_1317 = vector.broadcast %add3A_1316 : f32 to vector<1x16xf32>
    %add3A_1318 = arith.addf %add3A_1317, %mul3A_1315 : vector<1x16xf32>
    %mul3A_1319 = vector.broadcast %mul3A_1281 : vector<1x1xf32> to vector<1x16xf32>
    %mul3A_1320 = arith.mulf %slice3A_1252, %mul3A_1319 : vector<1x16xf32>
    %add3A_1321 = arith.addf %add3A_1318, %mul3A_1320 : vector<1x16xf32>
    %mul3A_1322 = vector.broadcast %slice3A_1255 : vector<1x1xf32> to vector<1x16xf32>
    %mul3A_1323 = arith.mulf %slice3A_1251, %mul3A_1322 : vector<1x16xf32>
    %add3A_1324 = arith.constant 0.000000e+00 : f32
    %add3A_1325 = vector.broadcast %add3A_1324 : f32 to vector<1x16xf32>
    %add3A_1326 = arith.addf %add3A_1325, %mul3A_1323 : vector<1x16xf32>
    %mul3A_1327 = vector.broadcast %mul3A_1282 : vector<1x1xf32> to vector<1x16xf32>
    %mul3A_1328 = arith.mulf %slice3A_1252, %mul3A_1327 : vector<1x16xf32>
    %add3A_1329 = arith.addf %add3A_1326, %mul3A_1328 : vector<1x16xf32>
    %mul3A_1330 = vector.broadcast %broadcast_in_dim3A_1265 : vector<1x1xf32> to vector<1x16xf32>
    %mul3A_1331 = arith.mulf %slice3A_1251, %mul3A_1330 : vector<1x16xf32>
    %add3A_1332 = arith.constant 1.000000e+00 : f32
    %add3A_1333 = vector.broadcast %add3A_1332 : f32 to vector<1x16xf32>
    %add3A_1334 = arith.addf %add3A_1333, %mul3A_1331 : vector<1x16xf32>
    %mul3A_1335 = vector.broadcast %neg3A_1288 : vector<1x1xf32> to vector<1x16xf32>
    %mul3A_1336 = arith.mulf %slice3A_1252, %mul3A_1335 : vector<1x16xf32>
    %add3A_1337 = arith.addf %add3A_1334, %mul3A_1336 : vector<1x16xf32>
    %mul3A_1338 = vector.broadcast %neg3A_1268 : vector<1x1xf32> to vector<1x16xf32>
    %mul3A_1339 = arith.mulf %slice3A_1251, %mul3A_1338 : vector<1x16xf32>
    %add3A_1340 = arith.constant 0.000000e+00 : f32
    %add3A_1341 = vector.broadcast %add3A_1340 : f32 to vector<1x16xf32>
    %add3A_1342 = arith.addf %add3A_1341, %mul3A_1339 : vector<1x16xf32>
    %mul3A_1343 = vector.broadcast %mul3A_1289 : vector<1x1xf32> to vector<1x16xf32>
    %mul3A_1344 = arith.mulf %slice3A_1252, %mul3A_1343 : vector<1x16xf32>
    %add3A_1345 = arith.addf %add3A_1342, %mul3A_1344 : vector<1x16xf32>
    %mul3A_1346 = vector.broadcast %neg3A_1271 : vector<1x1xf32> to vector<1x16xf32>
    %mul3A_1347 = arith.mulf %slice3A_1251, %mul3A_1346 : vector<1x16xf32>
    %add3A_1348 = arith.constant 0.000000e+00 : f32
    %add3A_1349 = vector.broadcast %add3A_1348 : f32 to vector<1x16xf32>
    %add3A_1350 = arith.addf %add3A_1349, %mul3A_1347 : vector<1x16xf32>
    %mul3A_1351 = vector.broadcast %mul3A_1290 : vector<1x1xf32> to vector<1x16xf32>
    %mul3A_1352 = arith.mulf %slice3A_1252, %mul3A_1351 : vector<1x16xf32>
    %add3A_1353 = arith.addf %add3A_1350, %mul3A_1352 : vector<1x16xf32>
    %mul3A_1354 = vector.broadcast %slice3A_1253 : vector<1x1xf32> to vector<1x16xf32>
    %mul3A_1355 = arith.mulf %slice3A_1251, %mul3A_1354 : vector<1x16xf32>
    %add3A_1356 = arith.constant 0.000000e+00 : f32
    %add3A_1357 = vector.broadcast %add3A_1356 : f32 to vector<1x16xf32>
    %add3A_1358 = arith.addf %add3A_1357, %mul3A_1355 : vector<1x16xf32>
    %mul3A_1359 = vector.broadcast %mul3A_1291 : vector<1x1xf32> to vector<1x16xf32>
    %mul3A_1360 = arith.mulf %slice3A_1252, %mul3A_1359 : vector<1x16xf32>
    %add3A_1361 = arith.addf %add3A_1358, %mul3A_1360 : vector<1x16xf32>
    %mul3A_1362 = vector.broadcast %broadcast_in_dim3A_1273 : vector<1x1xf32> to vector<1x16xf32>
    %mul3A_1363 = arith.mulf %slice3A_1251, %mul3A_1362 : vector<1x16xf32>
    %add3A_1364 = arith.constant 1.000000e+00 : f32
    %add3A_1365 = vector.broadcast %add3A_1364 : f32 to vector<1x16xf32>
    %add3A_1366 = arith.addf %add3A_1365, %mul3A_1363 : vector<1x16xf32>
    %mul3A_1367 = vector.broadcast %neg3A_1297 : vector<1x1xf32> to vector<1x16xf32>
    %mul3A_1368 = arith.mulf %slice3A_1252, %mul3A_1367 : vector<1x16xf32>
    %add3A_1369 = arith.addf %add3A_1366, %mul3A_1368 : vector<1x16xf32>
    %mul3A_1370 = vector.broadcast %slice3A_1256 : vector<1x1xf32> to vector<1x16xf32>
    %mul3A_1371 = arith.mulf %add3A_1305, %mul3A_1370 : vector<1x16xf32>
    %mul3A_1372 = vector.broadcast %slice3A_1257 : vector<1x1xf32> to vector<1x16xf32>
    %mul3A_1373 = arith.mulf %add3A_1313, %mul3A_1372 : vector<1x16xf32>
    %add3A_1374 = arith.addf %mul3A_1371, %mul3A_1373 : vector<1x16xf32>
    %mul3A_1375 = vector.broadcast %slice3A_1258 : vector<1x1xf32> to vector<1x16xf32>
    %mul3A_1376 = arith.mulf %add3A_1321, %mul3A_1375 : vector<1x16xf32>
    %add3A_1377 = arith.addf %add3A_1374, %mul3A_1376 : vector<1x16xf32>
    %sub3A_1378 = vector.broadcast %slice3A_1256 : vector<1x1xf32> to vector<1x16xf32>
    %sub3A_1379 = arith.subf %sub3A_1378, %add3A_1377 : vector<1x16xf32>
    %mul3A_1380 = vector.broadcast %slice3A_1256 : vector<1x1xf32> to vector<1x16xf32>
    %mul3A_1381 = arith.mulf %add3A_1329, %mul3A_1380 : vector<1x16xf32>
    %mul3A_1382 = vector.broadcast %slice3A_1257 : vector<1x1xf32> to vector<1x16xf32>
    %mul3A_1383 = arith.mulf %add3A_1337, %mul3A_1382 : vector<1x16xf32>
    %add3A_1384 = arith.addf %mul3A_1381, %mul3A_1383 : vector<1x16xf32>
    %mul3A_1385 = vector.broadcast %slice3A_1258 : vector<1x1xf32> to vector<1x16xf32>
    %mul3A_1386 = arith.mulf %add3A_1345, %mul3A_1385 : vector<1x16xf32>
    %add3A_1387 = arith.addf %add3A_1384, %mul3A_1386 : vector<1x16xf32>
    %sub3A_1388 = vector.broadcast %slice3A_1257 : vector<1x1xf32> to vector<1x16xf32>
    %sub3A_1389 = arith.subf %sub3A_1388, %add3A_1387 : vector<1x16xf32>
    %mul3A_1390 = vector.broadcast %slice3A_1256 : vector<1x1xf32> to vector<1x16xf32>
    %mul3A_1391 = arith.mulf %add3A_1353, %mul3A_1390 : vector<1x16xf32>
    %mul3A_1392 = vector.broadcast %slice3A_1257 : vector<1x1xf32> to vector<1x16xf32>
    %mul3A_1393 = arith.mulf %add3A_1361, %mul3A_1392 : vector<1x16xf32>
    %add3A_1394 = arith.addf %mul3A_1391, %mul3A_1393 : vector<1x16xf32>
    %mul3A_1395 = vector.broadcast %slice3A_1258 : vector<1x1xf32> to vector<1x16xf32>
    %mul3A_1396 = arith.mulf %add3A_1369, %mul3A_1395 : vector<1x16xf32>
    %add3A_1397 = arith.addf %add3A_1394, %mul3A_1396 : vector<1x16xf32>
    %sub3A_1398 = vector.broadcast %slice3A_1258 : vector<1x1xf32> to vector<1x16xf32>
    %sub3A_1399 = arith.subf %sub3A_1398, %add3A_1397 : vector<1x16xf32>
    %slice3A_1400 = vector.extract_strided_slice %sin3A {offsets = [9, 0], sizes = [1, 16], strides = [1, 1]} : vector<11x16xf32> to vector<1x16xf32>
    %slice3A_1401 = vector.extract_strided_slice %sub3A_36 {offsets = [9, 0], sizes = [1, 16], strides = [1, 1]} : vector<11x16xf32> to vector<1x16xf32>
    %slice3A_1402 = vector.extract_strided_slice %slice3A_17 {offsets = [9, 0], sizes = [1, 1], strides = [1, 1]} : vector<11x1xf32> to vector<1x1xf32>
    %slice3A_1403 = vector.extract_strided_slice %slice3A_18 {offsets = [9, 0], sizes = [1, 1], strides = [1, 1]} : vector<11x1xf32> to vector<1x1xf32>
    %slice3A_1404 = vector.extract_strided_slice %slice3A_19 {offsets = [9, 0], sizes = [1, 1], strides = [1, 1]} : vector<11x1xf32> to vector<1x1xf32>
    %slice3A_1405 = vector.extract_strided_slice %sub3A {offsets = [9, 0], sizes = [1, 1], strides = [1, 1]} : vector<11x1xf32> to vector<1x1xf32>
    %slice3A_1406 = vector.extract_strided_slice %sub3A_27 {offsets = [9, 0], sizes = [1, 1], strides = [1, 1]} : vector<11x1xf32> to vector<1x1xf32>
    %slice3A_1407 = vector.extract_strided_slice %sub3A_30 {offsets = [9, 0], sizes = [1, 1], strides = [1, 1]} : vector<11x1xf32> to vector<1x1xf32>
    %broadcast_in_dim3A_1408 = arith.constant 0.000000e+00 : f32
    %broadcast_in_dim3A_1409 = vector.broadcast %broadcast_in_dim3A_1408 : f32 to vector<1x1xf32>
    %neg3A_1410 = arith.constant 0.000000e+00 : f32
    %neg3A_1411 = vector.broadcast %neg3A_1410 : f32 to vector<1x1xf32>
    %neg3A_1412 = arith.subf %neg3A_1411, %slice3A_1404 : vector<1x1xf32>
    %broadcast_in_dim3A_1413 = arith.constant 0.000000e+00 : f32
    %broadcast_in_dim3A_1414 = vector.broadcast %broadcast_in_dim3A_1413 : f32 to vector<1x1xf32>
    %neg3A_1415 = arith.constant 0.000000e+00 : f32
    %neg3A_1416 = vector.broadcast %neg3A_1415 : f32 to vector<1x1xf32>
    %neg3A_1417 = arith.subf %neg3A_1416, %slice3A_1402 : vector<1x1xf32>
    %neg3A_1418 = arith.constant 0.000000e+00 : f32
    %neg3A_1419 = vector.broadcast %neg3A_1418 : f32 to vector<1x1xf32>
    %neg3A_1420 = arith.subf %neg3A_1419, %slice3A_1403 : vector<1x1xf32>
    %broadcast_in_dim3A_1421 = arith.constant 0.000000e+00 : f32
    %broadcast_in_dim3A_1422 = vector.broadcast %broadcast_in_dim3A_1421 : f32 to vector<1x1xf32>
    %mul3A_1423 = arith.mulf %slice3A_1404, %slice3A_1404 : vector<1x1xf32>
    %mul3A_1424 = arith.mulf %slice3A_1403, %slice3A_1403 : vector<1x1xf32>
    %add3A_1425 = arith.addf %mul3A_1423, %mul3A_1424 : vector<1x1xf32>
    %neg3A_1426 = arith.constant 0.000000e+00 : f32
    %neg3A_1427 = vector.broadcast %neg3A_1426 : f32 to vector<1x1xf32>
    %neg3A_1428 = arith.subf %neg3A_1427, %add3A_1425 : vector<1x1xf32>
    %mul3A_1429 = arith.mulf %slice3A_1402, %slice3A_1403 : vector<1x1xf32>
    %mul3A_1430 = arith.mulf %slice3A_1402, %slice3A_1404 : vector<1x1xf32>
    %mul3A_1431 = arith.mulf %slice3A_1402, %slice3A_1403 : vector<1x1xf32>
    %mul3A_1432 = arith.mulf %slice3A_1404, %slice3A_1404 : vector<1x1xf32>
    %mul3A_1433 = arith.mulf %slice3A_1402, %slice3A_1402 : vector<1x1xf32>
    %add3A_1434 = arith.addf %mul3A_1432, %mul3A_1433 : vector<1x1xf32>
    %neg3A_1435 = arith.constant 0.000000e+00 : f32
    %neg3A_1436 = vector.broadcast %neg3A_1435 : f32 to vector<1x1xf32>
    %neg3A_1437 = arith.subf %neg3A_1436, %add3A_1434 : vector<1x1xf32>
    %mul3A_1438 = arith.mulf %slice3A_1403, %slice3A_1404 : vector<1x1xf32>
    %mul3A_1439 = arith.mulf %slice3A_1402, %slice3A_1404 : vector<1x1xf32>
    %mul3A_1440 = arith.mulf %slice3A_1403, %slice3A_1404 : vector<1x1xf32>
    %mul3A_1441 = arith.mulf %slice3A_1403, %slice3A_1403 : vector<1x1xf32>
    %mul3A_1442 = arith.mulf %slice3A_1402, %slice3A_1402 : vector<1x1xf32>
    %add3A_1443 = arith.addf %mul3A_1441, %mul3A_1442 : vector<1x1xf32>
    %neg3A_1444 = arith.constant 0.000000e+00 : f32
    %neg3A_1445 = vector.broadcast %neg3A_1444 : f32 to vector<1x1xf32>
    %neg3A_1446 = arith.subf %neg3A_1445, %add3A_1443 : vector<1x1xf32>
    %mul3A_1447 = vector.broadcast %broadcast_in_dim3A_1409 : vector<1x1xf32> to vector<1x16xf32>
    %mul3A_1448 = arith.mulf %slice3A_1400, %mul3A_1447 : vector<1x16xf32>
    %add3A_1449 = arith.constant 1.000000e+00 : f32
    %add3A_1450 = vector.broadcast %add3A_1449 : f32 to vector<1x16xf32>
    %add3A_1451 = arith.addf %add3A_1450, %mul3A_1448 : vector<1x16xf32>
    %mul3A_1452 = vector.broadcast %neg3A_1428 : vector<1x1xf32> to vector<1x16xf32>
    %mul3A_1453 = arith.mulf %slice3A_1401, %mul3A_1452 : vector<1x16xf32>
    %add3A_1454 = arith.addf %add3A_1451, %mul3A_1453 : vector<1x16xf32>
    %mul3A_1455 = vector.broadcast %neg3A_1412 : vector<1x1xf32> to vector<1x16xf32>
    %mul3A_1456 = arith.mulf %slice3A_1400, %mul3A_1455 : vector<1x16xf32>
    %add3A_1457 = arith.constant 0.000000e+00 : f32
    %add3A_1458 = vector.broadcast %add3A_1457 : f32 to vector<1x16xf32>
    %add3A_1459 = arith.addf %add3A_1458, %mul3A_1456 : vector<1x16xf32>
    %mul3A_1460 = vector.broadcast %mul3A_1429 : vector<1x1xf32> to vector<1x16xf32>
    %mul3A_1461 = arith.mulf %slice3A_1401, %mul3A_1460 : vector<1x16xf32>
    %add3A_1462 = arith.addf %add3A_1459, %mul3A_1461 : vector<1x16xf32>
    %mul3A_1463 = vector.broadcast %slice3A_1403 : vector<1x1xf32> to vector<1x16xf32>
    %mul3A_1464 = arith.mulf %slice3A_1400, %mul3A_1463 : vector<1x16xf32>
    %add3A_1465 = arith.constant 0.000000e+00 : f32
    %add3A_1466 = vector.broadcast %add3A_1465 : f32 to vector<1x16xf32>
    %add3A_1467 = arith.addf %add3A_1466, %mul3A_1464 : vector<1x16xf32>
    %mul3A_1468 = vector.broadcast %mul3A_1430 : vector<1x1xf32> to vector<1x16xf32>
    %mul3A_1469 = arith.mulf %slice3A_1401, %mul3A_1468 : vector<1x16xf32>
    %add3A_1470 = arith.addf %add3A_1467, %mul3A_1469 : vector<1x16xf32>
    %mul3A_1471 = vector.broadcast %slice3A_1404 : vector<1x1xf32> to vector<1x16xf32>
    %mul3A_1472 = arith.mulf %slice3A_1400, %mul3A_1471 : vector<1x16xf32>
    %add3A_1473 = arith.constant 0.000000e+00 : f32
    %add3A_1474 = vector.broadcast %add3A_1473 : f32 to vector<1x16xf32>
    %add3A_1475 = arith.addf %add3A_1474, %mul3A_1472 : vector<1x16xf32>
    %mul3A_1476 = vector.broadcast %mul3A_1431 : vector<1x1xf32> to vector<1x16xf32>
    %mul3A_1477 = arith.mulf %slice3A_1401, %mul3A_1476 : vector<1x16xf32>
    %add3A_1478 = arith.addf %add3A_1475, %mul3A_1477 : vector<1x16xf32>
    %mul3A_1479 = vector.broadcast %broadcast_in_dim3A_1414 : vector<1x1xf32> to vector<1x16xf32>
    %mul3A_1480 = arith.mulf %slice3A_1400, %mul3A_1479 : vector<1x16xf32>
    %add3A_1481 = arith.constant 1.000000e+00 : f32
    %add3A_1482 = vector.broadcast %add3A_1481 : f32 to vector<1x16xf32>
    %add3A_1483 = arith.addf %add3A_1482, %mul3A_1480 : vector<1x16xf32>
    %mul3A_1484 = vector.broadcast %neg3A_1437 : vector<1x1xf32> to vector<1x16xf32>
    %mul3A_1485 = arith.mulf %slice3A_1401, %mul3A_1484 : vector<1x16xf32>
    %add3A_1486 = arith.addf %add3A_1483, %mul3A_1485 : vector<1x16xf32>
    %mul3A_1487 = vector.broadcast %neg3A_1417 : vector<1x1xf32> to vector<1x16xf32>
    %mul3A_1488 = arith.mulf %slice3A_1400, %mul3A_1487 : vector<1x16xf32>
    %add3A_1489 = arith.constant 0.000000e+00 : f32
    %add3A_1490 = vector.broadcast %add3A_1489 : f32 to vector<1x16xf32>
    %add3A_1491 = arith.addf %add3A_1490, %mul3A_1488 : vector<1x16xf32>
    %mul3A_1492 = vector.broadcast %mul3A_1438 : vector<1x1xf32> to vector<1x16xf32>
    %mul3A_1493 = arith.mulf %slice3A_1401, %mul3A_1492 : vector<1x16xf32>
    %add3A_1494 = arith.addf %add3A_1491, %mul3A_1493 : vector<1x16xf32>
    %mul3A_1495 = vector.broadcast %neg3A_1420 : vector<1x1xf32> to vector<1x16xf32>
    %mul3A_1496 = arith.mulf %slice3A_1400, %mul3A_1495 : vector<1x16xf32>
    %add3A_1497 = arith.constant 0.000000e+00 : f32
    %add3A_1498 = vector.broadcast %add3A_1497 : f32 to vector<1x16xf32>
    %add3A_1499 = arith.addf %add3A_1498, %mul3A_1496 : vector<1x16xf32>
    %mul3A_1500 = vector.broadcast %mul3A_1439 : vector<1x1xf32> to vector<1x16xf32>
    %mul3A_1501 = arith.mulf %slice3A_1401, %mul3A_1500 : vector<1x16xf32>
    %add3A_1502 = arith.addf %add3A_1499, %mul3A_1501 : vector<1x16xf32>
    %mul3A_1503 = vector.broadcast %slice3A_1402 : vector<1x1xf32> to vector<1x16xf32>
    %mul3A_1504 = arith.mulf %slice3A_1400, %mul3A_1503 : vector<1x16xf32>
    %add3A_1505 = arith.constant 0.000000e+00 : f32
    %add3A_1506 = vector.broadcast %add3A_1505 : f32 to vector<1x16xf32>
    %add3A_1507 = arith.addf %add3A_1506, %mul3A_1504 : vector<1x16xf32>
    %mul3A_1508 = vector.broadcast %mul3A_1440 : vector<1x1xf32> to vector<1x16xf32>
    %mul3A_1509 = arith.mulf %slice3A_1401, %mul3A_1508 : vector<1x16xf32>
    %add3A_1510 = arith.addf %add3A_1507, %mul3A_1509 : vector<1x16xf32>
    %mul3A_1511 = vector.broadcast %broadcast_in_dim3A_1422 : vector<1x1xf32> to vector<1x16xf32>
    %mul3A_1512 = arith.mulf %slice3A_1400, %mul3A_1511 : vector<1x16xf32>
    %add3A_1513 = arith.constant 1.000000e+00 : f32
    %add3A_1514 = vector.broadcast %add3A_1513 : f32 to vector<1x16xf32>
    %add3A_1515 = arith.addf %add3A_1514, %mul3A_1512 : vector<1x16xf32>
    %mul3A_1516 = vector.broadcast %neg3A_1446 : vector<1x1xf32> to vector<1x16xf32>
    %mul3A_1517 = arith.mulf %slice3A_1401, %mul3A_1516 : vector<1x16xf32>
    %add3A_1518 = arith.addf %add3A_1515, %mul3A_1517 : vector<1x16xf32>
    %mul3A_1519 = vector.broadcast %slice3A_1405 : vector<1x1xf32> to vector<1x16xf32>
    %mul3A_1520 = arith.mulf %add3A_1454, %mul3A_1519 : vector<1x16xf32>
    %mul3A_1521 = vector.broadcast %slice3A_1406 : vector<1x1xf32> to vector<1x16xf32>
    %mul3A_1522 = arith.mulf %add3A_1462, %mul3A_1521 : vector<1x16xf32>
    %add3A_1523 = arith.addf %mul3A_1520, %mul3A_1522 : vector<1x16xf32>
    %mul3A_1524 = vector.broadcast %slice3A_1407 : vector<1x1xf32> to vector<1x16xf32>
    %mul3A_1525 = arith.mulf %add3A_1470, %mul3A_1524 : vector<1x16xf32>
    %add3A_1526 = arith.addf %add3A_1523, %mul3A_1525 : vector<1x16xf32>
    %sub3A_1527 = vector.broadcast %slice3A_1405 : vector<1x1xf32> to vector<1x16xf32>
    %sub3A_1528 = arith.subf %sub3A_1527, %add3A_1526 : vector<1x16xf32>
    %mul3A_1529 = vector.broadcast %slice3A_1405 : vector<1x1xf32> to vector<1x16xf32>
    %mul3A_1530 = arith.mulf %add3A_1478, %mul3A_1529 : vector<1x16xf32>
    %mul3A_1531 = vector.broadcast %slice3A_1406 : vector<1x1xf32> to vector<1x16xf32>
    %mul3A_1532 = arith.mulf %add3A_1486, %mul3A_1531 : vector<1x16xf32>
    %add3A_1533 = arith.addf %mul3A_1530, %mul3A_1532 : vector<1x16xf32>
    %mul3A_1534 = vector.broadcast %slice3A_1407 : vector<1x1xf32> to vector<1x16xf32>
    %mul3A_1535 = arith.mulf %add3A_1494, %mul3A_1534 : vector<1x16xf32>
    %add3A_1536 = arith.addf %add3A_1533, %mul3A_1535 : vector<1x16xf32>
    %sub3A_1537 = vector.broadcast %slice3A_1406 : vector<1x1xf32> to vector<1x16xf32>
    %sub3A_1538 = arith.subf %sub3A_1537, %add3A_1536 : vector<1x16xf32>
    %mul3A_1539 = vector.broadcast %slice3A_1405 : vector<1x1xf32> to vector<1x16xf32>
    %mul3A_1540 = arith.mulf %add3A_1502, %mul3A_1539 : vector<1x16xf32>
    %mul3A_1541 = vector.broadcast %slice3A_1406 : vector<1x1xf32> to vector<1x16xf32>
    %mul3A_1542 = arith.mulf %add3A_1510, %mul3A_1541 : vector<1x16xf32>
    %add3A_1543 = arith.addf %mul3A_1540, %mul3A_1542 : vector<1x16xf32>
    %mul3A_1544 = vector.broadcast %slice3A_1407 : vector<1x1xf32> to vector<1x16xf32>
    %mul3A_1545 = arith.mulf %add3A_1518, %mul3A_1544 : vector<1x16xf32>
    %add3A_1546 = arith.addf %add3A_1543, %mul3A_1545 : vector<1x16xf32>
    %sub3A_1547 = vector.broadcast %slice3A_1407 : vector<1x1xf32> to vector<1x16xf32>
    %sub3A_1548 = arith.subf %sub3A_1547, %add3A_1546 : vector<1x16xf32>
    %slice3A_1549 = vector.extract_strided_slice %sin3A {offsets = [10, 0], sizes = [1, 16], strides = [1, 1]} : vector<11x16xf32> to vector<1x16xf32>
    %slice3A_1550 = vector.extract_strided_slice %sub3A_36 {offsets = [10, 0], sizes = [1, 16], strides = [1, 1]} : vector<11x16xf32> to vector<1x16xf32>
    %slice3A_1551 = vector.extract_strided_slice %slice3A_17 {offsets = [10, 0], sizes = [1, 1], strides = [1, 1]} : vector<11x1xf32> to vector<1x1xf32>
    %slice3A_1552 = vector.extract_strided_slice %slice3A_18 {offsets = [10, 0], sizes = [1, 1], strides = [1, 1]} : vector<11x1xf32> to vector<1x1xf32>
    %slice3A_1553 = vector.extract_strided_slice %slice3A_19 {offsets = [10, 0], sizes = [1, 1], strides = [1, 1]} : vector<11x1xf32> to vector<1x1xf32>
    %slice3A_1554 = vector.extract_strided_slice %sub3A {offsets = [10, 0], sizes = [1, 1], strides = [1, 1]} : vector<11x1xf32> to vector<1x1xf32>
    %slice3A_1555 = vector.extract_strided_slice %sub3A_27 {offsets = [10, 0], sizes = [1, 1], strides = [1, 1]} : vector<11x1xf32> to vector<1x1xf32>
    %slice3A_1556 = vector.extract_strided_slice %sub3A_30 {offsets = [10, 0], sizes = [1, 1], strides = [1, 1]} : vector<11x1xf32> to vector<1x1xf32>
    %broadcast_in_dim3A_1557 = arith.constant 0.000000e+00 : f32
    %broadcast_in_dim3A_1558 = vector.broadcast %broadcast_in_dim3A_1557 : f32 to vector<1x1xf32>
    %neg3A_1559 = arith.constant 0.000000e+00 : f32
    %neg3A_1560 = vector.broadcast %neg3A_1559 : f32 to vector<1x1xf32>
    %neg3A_1561 = arith.subf %neg3A_1560, %slice3A_1553 : vector<1x1xf32>
    %broadcast_in_dim3A_1562 = arith.constant 0.000000e+00 : f32
    %broadcast_in_dim3A_1563 = vector.broadcast %broadcast_in_dim3A_1562 : f32 to vector<1x1xf32>
    %neg3A_1564 = arith.constant 0.000000e+00 : f32
    %neg3A_1565 = vector.broadcast %neg3A_1564 : f32 to vector<1x1xf32>
    %neg3A_1566 = arith.subf %neg3A_1565, %slice3A_1551 : vector<1x1xf32>
    %neg3A_1567 = arith.constant 0.000000e+00 : f32
    %neg3A_1568 = vector.broadcast %neg3A_1567 : f32 to vector<1x1xf32>
    %neg3A_1569 = arith.subf %neg3A_1568, %slice3A_1552 : vector<1x1xf32>
    %broadcast_in_dim3A_1570 = arith.constant 0.000000e+00 : f32
    %broadcast_in_dim3A_1571 = vector.broadcast %broadcast_in_dim3A_1570 : f32 to vector<1x1xf32>
    %mul3A_1572 = arith.mulf %slice3A_1553, %slice3A_1553 : vector<1x1xf32>
    %mul3A_1573 = arith.mulf %slice3A_1552, %slice3A_1552 : vector<1x1xf32>
    %add3A_1574 = arith.addf %mul3A_1572, %mul3A_1573 : vector<1x1xf32>
    %neg3A_1575 = arith.constant 0.000000e+00 : f32
    %neg3A_1576 = vector.broadcast %neg3A_1575 : f32 to vector<1x1xf32>
    %neg3A_1577 = arith.subf %neg3A_1576, %add3A_1574 : vector<1x1xf32>
    %mul3A_1578 = arith.mulf %slice3A_1551, %slice3A_1552 : vector<1x1xf32>
    %mul3A_1579 = arith.mulf %slice3A_1551, %slice3A_1553 : vector<1x1xf32>
    %mul3A_1580 = arith.mulf %slice3A_1551, %slice3A_1552 : vector<1x1xf32>
    %mul3A_1581 = arith.mulf %slice3A_1553, %slice3A_1553 : vector<1x1xf32>
    %mul3A_1582 = arith.mulf %slice3A_1551, %slice3A_1551 : vector<1x1xf32>
    %add3A_1583 = arith.addf %mul3A_1581, %mul3A_1582 : vector<1x1xf32>
    %neg3A_1584 = arith.constant 0.000000e+00 : f32
    %neg3A_1585 = vector.broadcast %neg3A_1584 : f32 to vector<1x1xf32>
    %neg3A_1586 = arith.subf %neg3A_1585, %add3A_1583 : vector<1x1xf32>
    %mul3A_1587 = arith.mulf %slice3A_1552, %slice3A_1553 : vector<1x1xf32>
    %mul3A_1588 = arith.mulf %slice3A_1551, %slice3A_1553 : vector<1x1xf32>
    %mul3A_1589 = arith.mulf %slice3A_1552, %slice3A_1553 : vector<1x1xf32>
    %mul3A_1590 = arith.mulf %slice3A_1552, %slice3A_1552 : vector<1x1xf32>
    %mul3A_1591 = arith.mulf %slice3A_1551, %slice3A_1551 : vector<1x1xf32>
    %add3A_1592 = arith.addf %mul3A_1590, %mul3A_1591 : vector<1x1xf32>
    %neg3A_1593 = arith.constant 0.000000e+00 : f32
    %neg3A_1594 = vector.broadcast %neg3A_1593 : f32 to vector<1x1xf32>
    %neg3A_1595 = arith.subf %neg3A_1594, %add3A_1592 : vector<1x1xf32>
    %mul3A_1596 = vector.broadcast %broadcast_in_dim3A_1558 : vector<1x1xf32> to vector<1x16xf32>
    %mul3A_1597 = arith.mulf %slice3A_1549, %mul3A_1596 : vector<1x16xf32>
    %add3A_1598 = arith.constant 1.000000e+00 : f32
    %add3A_1599 = vector.broadcast %add3A_1598 : f32 to vector<1x16xf32>
    %add3A_1600 = arith.addf %add3A_1599, %mul3A_1597 : vector<1x16xf32>
    %mul3A_1601 = vector.broadcast %neg3A_1577 : vector<1x1xf32> to vector<1x16xf32>
    %mul3A_1602 = arith.mulf %slice3A_1550, %mul3A_1601 : vector<1x16xf32>
    %add3A_1603 = arith.addf %add3A_1600, %mul3A_1602 : vector<1x16xf32>
    %mul3A_1604 = vector.broadcast %neg3A_1561 : vector<1x1xf32> to vector<1x16xf32>
    %mul3A_1605 = arith.mulf %slice3A_1549, %mul3A_1604 : vector<1x16xf32>
    %add3A_1606 = arith.constant 0.000000e+00 : f32
    %add3A_1607 = vector.broadcast %add3A_1606 : f32 to vector<1x16xf32>
    %add3A_1608 = arith.addf %add3A_1607, %mul3A_1605 : vector<1x16xf32>
    %mul3A_1609 = vector.broadcast %mul3A_1578 : vector<1x1xf32> to vector<1x16xf32>
    %mul3A_1610 = arith.mulf %slice3A_1550, %mul3A_1609 : vector<1x16xf32>
    %add3A_1611 = arith.addf %add3A_1608, %mul3A_1610 : vector<1x16xf32>
    %mul3A_1612 = vector.broadcast %slice3A_1552 : vector<1x1xf32> to vector<1x16xf32>
    %mul3A_1613 = arith.mulf %slice3A_1549, %mul3A_1612 : vector<1x16xf32>
    %add3A_1614 = arith.constant 0.000000e+00 : f32
    %add3A_1615 = vector.broadcast %add3A_1614 : f32 to vector<1x16xf32>
    %add3A_1616 = arith.addf %add3A_1615, %mul3A_1613 : vector<1x16xf32>
    %mul3A_1617 = vector.broadcast %mul3A_1579 : vector<1x1xf32> to vector<1x16xf32>
    %mul3A_1618 = arith.mulf %slice3A_1550, %mul3A_1617 : vector<1x16xf32>
    %add3A_1619 = arith.addf %add3A_1616, %mul3A_1618 : vector<1x16xf32>
    %mul3A_1620 = vector.broadcast %slice3A_1553 : vector<1x1xf32> to vector<1x16xf32>
    %mul3A_1621 = arith.mulf %slice3A_1549, %mul3A_1620 : vector<1x16xf32>
    %add3A_1622 = arith.constant 0.000000e+00 : f32
    %add3A_1623 = vector.broadcast %add3A_1622 : f32 to vector<1x16xf32>
    %add3A_1624 = arith.addf %add3A_1623, %mul3A_1621 : vector<1x16xf32>
    %mul3A_1625 = vector.broadcast %mul3A_1580 : vector<1x1xf32> to vector<1x16xf32>
    %mul3A_1626 = arith.mulf %slice3A_1550, %mul3A_1625 : vector<1x16xf32>
    %add3A_1627 = arith.addf %add3A_1624, %mul3A_1626 : vector<1x16xf32>
    %mul3A_1628 = vector.broadcast %broadcast_in_dim3A_1563 : vector<1x1xf32> to vector<1x16xf32>
    %mul3A_1629 = arith.mulf %slice3A_1549, %mul3A_1628 : vector<1x16xf32>
    %add3A_1630 = arith.constant 1.000000e+00 : f32
    %add3A_1631 = vector.broadcast %add3A_1630 : f32 to vector<1x16xf32>
    %add3A_1632 = arith.addf %add3A_1631, %mul3A_1629 : vector<1x16xf32>
    %mul3A_1633 = vector.broadcast %neg3A_1586 : vector<1x1xf32> to vector<1x16xf32>
    %mul3A_1634 = arith.mulf %slice3A_1550, %mul3A_1633 : vector<1x16xf32>
    %add3A_1635 = arith.addf %add3A_1632, %mul3A_1634 : vector<1x16xf32>
    %mul3A_1636 = vector.broadcast %neg3A_1566 : vector<1x1xf32> to vector<1x16xf32>
    %mul3A_1637 = arith.mulf %slice3A_1549, %mul3A_1636 : vector<1x16xf32>
    %add3A_1638 = arith.constant 0.000000e+00 : f32
    %add3A_1639 = vector.broadcast %add3A_1638 : f32 to vector<1x16xf32>
    %add3A_1640 = arith.addf %add3A_1639, %mul3A_1637 : vector<1x16xf32>
    %mul3A_1641 = vector.broadcast %mul3A_1587 : vector<1x1xf32> to vector<1x16xf32>
    %mul3A_1642 = arith.mulf %slice3A_1550, %mul3A_1641 : vector<1x16xf32>
    %add3A_1643 = arith.addf %add3A_1640, %mul3A_1642 : vector<1x16xf32>
    %mul3A_1644 = vector.broadcast %neg3A_1569 : vector<1x1xf32> to vector<1x16xf32>
    %mul3A_1645 = arith.mulf %slice3A_1549, %mul3A_1644 : vector<1x16xf32>
    %add3A_1646 = arith.constant 0.000000e+00 : f32
    %add3A_1647 = vector.broadcast %add3A_1646 : f32 to vector<1x16xf32>
    %add3A_1648 = arith.addf %add3A_1647, %mul3A_1645 : vector<1x16xf32>
    %mul3A_1649 = vector.broadcast %mul3A_1588 : vector<1x1xf32> to vector<1x16xf32>
    %mul3A_1650 = arith.mulf %slice3A_1550, %mul3A_1649 : vector<1x16xf32>
    %add3A_1651 = arith.addf %add3A_1648, %mul3A_1650 : vector<1x16xf32>
    %mul3A_1652 = vector.broadcast %slice3A_1551 : vector<1x1xf32> to vector<1x16xf32>
    %mul3A_1653 = arith.mulf %slice3A_1549, %mul3A_1652 : vector<1x16xf32>
    %add3A_1654 = arith.constant 0.000000e+00 : f32
    %add3A_1655 = vector.broadcast %add3A_1654 : f32 to vector<1x16xf32>
    %add3A_1656 = arith.addf %add3A_1655, %mul3A_1653 : vector<1x16xf32>
    %mul3A_1657 = vector.broadcast %mul3A_1589 : vector<1x1xf32> to vector<1x16xf32>
    %mul3A_1658 = arith.mulf %slice3A_1550, %mul3A_1657 : vector<1x16xf32>
    %add3A_1659 = arith.addf %add3A_1656, %mul3A_1658 : vector<1x16xf32>
    %mul3A_1660 = vector.broadcast %broadcast_in_dim3A_1571 : vector<1x1xf32> to vector<1x16xf32>
    %mul3A_1661 = arith.mulf %slice3A_1549, %mul3A_1660 : vector<1x16xf32>
    %add3A_1662 = arith.constant 1.000000e+00 : f32
    %add3A_1663 = vector.broadcast %add3A_1662 : f32 to vector<1x16xf32>
    %add3A_1664 = arith.addf %add3A_1663, %mul3A_1661 : vector<1x16xf32>
    %mul3A_1665 = vector.broadcast %neg3A_1595 : vector<1x1xf32> to vector<1x16xf32>
    %mul3A_1666 = arith.mulf %slice3A_1550, %mul3A_1665 : vector<1x16xf32>
    %add3A_1667 = arith.addf %add3A_1664, %mul3A_1666 : vector<1x16xf32>
    %mul3A_1668 = vector.broadcast %slice3A_1554 : vector<1x1xf32> to vector<1x16xf32>
    %mul3A_1669 = arith.mulf %add3A_1603, %mul3A_1668 : vector<1x16xf32>
    %mul3A_1670 = vector.broadcast %slice3A_1555 : vector<1x1xf32> to vector<1x16xf32>
    %mul3A_1671 = arith.mulf %add3A_1611, %mul3A_1670 : vector<1x16xf32>
    %add3A_1672 = arith.addf %mul3A_1669, %mul3A_1671 : vector<1x16xf32>
    %mul3A_1673 = vector.broadcast %slice3A_1556 : vector<1x1xf32> to vector<1x16xf32>
    %mul3A_1674 = arith.mulf %add3A_1619, %mul3A_1673 : vector<1x16xf32>
    %add3A_1675 = arith.addf %add3A_1672, %mul3A_1674 : vector<1x16xf32>
    %sub3A_1676 = vector.broadcast %slice3A_1554 : vector<1x1xf32> to vector<1x16xf32>
    %sub3A_1677 = arith.subf %sub3A_1676, %add3A_1675 : vector<1x16xf32>
    %mul3A_1678 = vector.broadcast %slice3A_1554 : vector<1x1xf32> to vector<1x16xf32>
    %mul3A_1679 = arith.mulf %add3A_1627, %mul3A_1678 : vector<1x16xf32>
    %mul3A_1680 = vector.broadcast %slice3A_1555 : vector<1x1xf32> to vector<1x16xf32>
    %mul3A_1681 = arith.mulf %add3A_1635, %mul3A_1680 : vector<1x16xf32>
    %add3A_1682 = arith.addf %mul3A_1679, %mul3A_1681 : vector<1x16xf32>
    %mul3A_1683 = vector.broadcast %slice3A_1556 : vector<1x1xf32> to vector<1x16xf32>
    %mul3A_1684 = arith.mulf %add3A_1643, %mul3A_1683 : vector<1x16xf32>
    %add3A_1685 = arith.addf %add3A_1682, %mul3A_1684 : vector<1x16xf32>
    %sub3A_1686 = vector.broadcast %slice3A_1555 : vector<1x1xf32> to vector<1x16xf32>
    %sub3A_1687 = arith.subf %sub3A_1686, %add3A_1685 : vector<1x16xf32>
    %mul3A_1688 = vector.broadcast %slice3A_1554 : vector<1x1xf32> to vector<1x16xf32>
    %mul3A_1689 = arith.mulf %add3A_1651, %mul3A_1688 : vector<1x16xf32>
    %mul3A_1690 = vector.broadcast %slice3A_1555 : vector<1x1xf32> to vector<1x16xf32>
    %mul3A_1691 = arith.mulf %add3A_1659, %mul3A_1690 : vector<1x16xf32>
    %add3A_1692 = arith.addf %mul3A_1689, %mul3A_1691 : vector<1x16xf32>
    %mul3A_1693 = vector.broadcast %slice3A_1556 : vector<1x1xf32> to vector<1x16xf32>
    %mul3A_1694 = arith.mulf %add3A_1667, %mul3A_1693 : vector<1x16xf32>
    %add3A_1695 = arith.addf %add3A_1692, %mul3A_1694 : vector<1x16xf32>
    %sub3A_1696 = vector.broadcast %slice3A_1556 : vector<1x1xf32> to vector<1x16xf32>
    %sub3A_1697 = arith.subf %sub3A_1696, %add3A_1695 : vector<1x16xf32>
    %mul3A_1698 = arith.mulf %broadcast_in_dim3A_37, %add3A_113 : vector<1x16xf32>
    %mul3A_1699 = arith.mulf %broadcast_in_dim3A_39, %add3A_137 : vector<1x16xf32>
    %add3A_1700 = arith.addf %mul3A_1698, %mul3A_1699 : vector<1x16xf32>
    %mul3A_1701 = arith.mulf %broadcast_in_dim3A_41, %add3A_161 : vector<1x16xf32>
    %add3A_1702 = arith.addf %add3A_1700, %mul3A_1701 : vector<1x16xf32>
    %mul3A_1703 = arith.mulf %broadcast_in_dim3A_37, %add3A_121 : vector<1x16xf32>
    %mul3A_1704 = arith.mulf %broadcast_in_dim3A_39, %add3A_145 : vector<1x16xf32>
    %add3A_1705 = arith.addf %mul3A_1703, %mul3A_1704 : vector<1x16xf32>
    %mul3A_1706 = arith.mulf %broadcast_in_dim3A_41, %add3A_169 : vector<1x16xf32>
    %add3A_1707 = arith.addf %add3A_1705, %mul3A_1706 : vector<1x16xf32>
    %mul3A_1708 = arith.mulf %broadcast_in_dim3A_37, %add3A_129 : vector<1x16xf32>
    %mul3A_1709 = arith.mulf %broadcast_in_dim3A_39, %add3A_153 : vector<1x16xf32>
    %add3A_1710 = arith.addf %mul3A_1708, %mul3A_1709 : vector<1x16xf32>
    %mul3A_1711 = arith.mulf %broadcast_in_dim3A_41, %add3A_177 : vector<1x16xf32>
    %add3A_1712 = arith.addf %add3A_1710, %mul3A_1711 : vector<1x16xf32>
    %mul3A_1713 = arith.mulf %broadcast_in_dim3A_43, %add3A_113 : vector<1x16xf32>
    %mul3A_1714 = arith.mulf %broadcast_in_dim3A_45, %add3A_137 : vector<1x16xf32>
    %add3A_1715 = arith.addf %mul3A_1713, %mul3A_1714 : vector<1x16xf32>
    %mul3A_1716 = arith.mulf %broadcast_in_dim3A_47, %add3A_161 : vector<1x16xf32>
    %add3A_1717 = arith.addf %add3A_1715, %mul3A_1716 : vector<1x16xf32>
    %mul3A_1718 = arith.mulf %broadcast_in_dim3A_43, %add3A_121 : vector<1x16xf32>
    %mul3A_1719 = arith.mulf %broadcast_in_dim3A_45, %add3A_145 : vector<1x16xf32>
    %add3A_1720 = arith.addf %mul3A_1718, %mul3A_1719 : vector<1x16xf32>
    %mul3A_1721 = arith.mulf %broadcast_in_dim3A_47, %add3A_169 : vector<1x16xf32>
    %add3A_1722 = arith.addf %add3A_1720, %mul3A_1721 : vector<1x16xf32>
    %mul3A_1723 = arith.mulf %broadcast_in_dim3A_43, %add3A_129 : vector<1x16xf32>
    %mul3A_1724 = arith.mulf %broadcast_in_dim3A_45, %add3A_153 : vector<1x16xf32>
    %add3A_1725 = arith.addf %mul3A_1723, %mul3A_1724 : vector<1x16xf32>
    %mul3A_1726 = arith.mulf %broadcast_in_dim3A_47, %add3A_177 : vector<1x16xf32>
    %add3A_1727 = arith.addf %add3A_1725, %mul3A_1726 : vector<1x16xf32>
    %mul3A_1728 = arith.mulf %broadcast_in_dim3A_49, %add3A_113 : vector<1x16xf32>
    %mul3A_1729 = arith.mulf %broadcast_in_dim3A_51, %add3A_137 : vector<1x16xf32>
    %add3A_1730 = arith.addf %mul3A_1728, %mul3A_1729 : vector<1x16xf32>
    %mul3A_1731 = arith.mulf %broadcast_in_dim3A_53, %add3A_161 : vector<1x16xf32>
    %add3A_1732 = arith.addf %add3A_1730, %mul3A_1731 : vector<1x16xf32>
    %mul3A_1733 = arith.mulf %broadcast_in_dim3A_49, %add3A_121 : vector<1x16xf32>
    %mul3A_1734 = arith.mulf %broadcast_in_dim3A_51, %add3A_145 : vector<1x16xf32>
    %add3A_1735 = arith.addf %mul3A_1733, %mul3A_1734 : vector<1x16xf32>
    %mul3A_1736 = arith.mulf %broadcast_in_dim3A_53, %add3A_169 : vector<1x16xf32>
    %add3A_1737 = arith.addf %add3A_1735, %mul3A_1736 : vector<1x16xf32>
    %mul3A_1738 = arith.mulf %broadcast_in_dim3A_49, %add3A_129 : vector<1x16xf32>
    %mul3A_1739 = arith.mulf %broadcast_in_dim3A_51, %add3A_153 : vector<1x16xf32>
    %add3A_1740 = arith.addf %mul3A_1738, %mul3A_1739 : vector<1x16xf32>
    %mul3A_1741 = arith.mulf %broadcast_in_dim3A_53, %add3A_177 : vector<1x16xf32>
    %add3A_1742 = arith.addf %add3A_1740, %mul3A_1741 : vector<1x16xf32>
    %mul3A_1743 = arith.mulf %broadcast_in_dim3A_37, %sub3A_187 : vector<1x16xf32>
    %mul3A_1744 = arith.mulf %broadcast_in_dim3A_39, %sub3A_197 : vector<1x16xf32>
    %add3A_1745 = arith.addf %mul3A_1743, %mul3A_1744 : vector<1x16xf32>
    %mul3A_1746 = arith.mulf %broadcast_in_dim3A_41, %sub3A_207 : vector<1x16xf32>
    %add3A_1747 = arith.addf %add3A_1745, %mul3A_1746 : vector<1x16xf32>
    %add3A_1748 = arith.addf %broadcast_in_dim3A_55, %add3A_1747 : vector<1x16xf32>
    %mul3A_1749 = arith.mulf %broadcast_in_dim3A_43, %sub3A_187 : vector<1x16xf32>
    %mul3A_1750 = arith.mulf %broadcast_in_dim3A_45, %sub3A_197 : vector<1x16xf32>
    %add3A_1751 = arith.addf %mul3A_1749, %mul3A_1750 : vector<1x16xf32>
    %mul3A_1752 = arith.mulf %broadcast_in_dim3A_47, %sub3A_207 : vector<1x16xf32>
    %add3A_1753 = arith.addf %add3A_1751, %mul3A_1752 : vector<1x16xf32>
    %add3A_1754 = arith.addf %broadcast_in_dim3A_57, %add3A_1753 : vector<1x16xf32>
    %mul3A_1755 = arith.mulf %broadcast_in_dim3A_49, %sub3A_187 : vector<1x16xf32>
    %mul3A_1756 = arith.mulf %broadcast_in_dim3A_51, %sub3A_197 : vector<1x16xf32>
    %add3A_1757 = arith.addf %mul3A_1755, %mul3A_1756 : vector<1x16xf32>
    %mul3A_1758 = arith.mulf %broadcast_in_dim3A_53, %sub3A_207 : vector<1x16xf32>
    %add3A_1759 = arith.addf %add3A_1757, %mul3A_1758 : vector<1x16xf32>
    %add3A_1760 = arith.addf %broadcast_in_dim3A_59, %add3A_1759 : vector<1x16xf32>
    %mul3A_1761 = arith.mulf %broadcast_in_dim3A_37, %add3A_113 : vector<1x16xf32>
    %mul3A_1762 = arith.mulf %broadcast_in_dim3A_39, %add3A_137 : vector<1x16xf32>
    %add3A_1763 = arith.addf %mul3A_1761, %mul3A_1762 : vector<1x16xf32>
    %mul3A_1764 = arith.mulf %broadcast_in_dim3A_41, %add3A_161 : vector<1x16xf32>
    %add3A_1765 = arith.addf %add3A_1763, %mul3A_1764 : vector<1x16xf32>
    %mul3A_1766 = arith.mulf %broadcast_in_dim3A_37, %add3A_121 : vector<1x16xf32>
    %mul3A_1767 = arith.mulf %broadcast_in_dim3A_39, %add3A_145 : vector<1x16xf32>
    %add3A_1768 = arith.addf %mul3A_1766, %mul3A_1767 : vector<1x16xf32>
    %mul3A_1769 = arith.mulf %broadcast_in_dim3A_41, %add3A_169 : vector<1x16xf32>
    %add3A_1770 = arith.addf %add3A_1768, %mul3A_1769 : vector<1x16xf32>
    %mul3A_1771 = arith.mulf %broadcast_in_dim3A_37, %add3A_129 : vector<1x16xf32>
    %mul3A_1772 = arith.mulf %broadcast_in_dim3A_39, %add3A_153 : vector<1x16xf32>
    %add3A_1773 = arith.addf %mul3A_1771, %mul3A_1772 : vector<1x16xf32>
    %mul3A_1774 = arith.mulf %broadcast_in_dim3A_41, %add3A_177 : vector<1x16xf32>
    %add3A_1775 = arith.addf %add3A_1773, %mul3A_1774 : vector<1x16xf32>
    %mul3A_1776 = arith.mulf %broadcast_in_dim3A_43, %add3A_113 : vector<1x16xf32>
    %mul3A_1777 = arith.mulf %broadcast_in_dim3A_45, %add3A_137 : vector<1x16xf32>
    %add3A_1778 = arith.addf %mul3A_1776, %mul3A_1777 : vector<1x16xf32>
    %mul3A_1779 = arith.mulf %broadcast_in_dim3A_47, %add3A_161 : vector<1x16xf32>
    %add3A_1780 = arith.addf %add3A_1778, %mul3A_1779 : vector<1x16xf32>
    %mul3A_1781 = arith.mulf %broadcast_in_dim3A_43, %add3A_121 : vector<1x16xf32>
    %mul3A_1782 = arith.mulf %broadcast_in_dim3A_45, %add3A_145 : vector<1x16xf32>
    %add3A_1783 = arith.addf %mul3A_1781, %mul3A_1782 : vector<1x16xf32>
    %mul3A_1784 = arith.mulf %broadcast_in_dim3A_47, %add3A_169 : vector<1x16xf32>
    %add3A_1785 = arith.addf %add3A_1783, %mul3A_1784 : vector<1x16xf32>
    %mul3A_1786 = arith.mulf %broadcast_in_dim3A_43, %add3A_129 : vector<1x16xf32>
    %mul3A_1787 = arith.mulf %broadcast_in_dim3A_45, %add3A_153 : vector<1x16xf32>
    %add3A_1788 = arith.addf %mul3A_1786, %mul3A_1787 : vector<1x16xf32>
    %mul3A_1789 = arith.mulf %broadcast_in_dim3A_47, %add3A_177 : vector<1x16xf32>
    %add3A_1790 = arith.addf %add3A_1788, %mul3A_1789 : vector<1x16xf32>
    %mul3A_1791 = arith.mulf %broadcast_in_dim3A_49, %add3A_113 : vector<1x16xf32>
    %mul3A_1792 = arith.mulf %broadcast_in_dim3A_51, %add3A_137 : vector<1x16xf32>
    %add3A_1793 = arith.addf %mul3A_1791, %mul3A_1792 : vector<1x16xf32>
    %mul3A_1794 = arith.mulf %broadcast_in_dim3A_53, %add3A_161 : vector<1x16xf32>
    %add3A_1795 = arith.addf %add3A_1793, %mul3A_1794 : vector<1x16xf32>
    %mul3A_1796 = arith.mulf %broadcast_in_dim3A_49, %add3A_121 : vector<1x16xf32>
    %mul3A_1797 = arith.mulf %broadcast_in_dim3A_51, %add3A_145 : vector<1x16xf32>
    %add3A_1798 = arith.addf %mul3A_1796, %mul3A_1797 : vector<1x16xf32>
    %mul3A_1799 = arith.mulf %broadcast_in_dim3A_53, %add3A_169 : vector<1x16xf32>
    %add3A_1800 = arith.addf %add3A_1798, %mul3A_1799 : vector<1x16xf32>
    %mul3A_1801 = arith.mulf %broadcast_in_dim3A_49, %add3A_129 : vector<1x16xf32>
    %mul3A_1802 = arith.mulf %broadcast_in_dim3A_51, %add3A_153 : vector<1x16xf32>
    %add3A_1803 = arith.addf %mul3A_1801, %mul3A_1802 : vector<1x16xf32>
    %mul3A_1804 = arith.mulf %broadcast_in_dim3A_53, %add3A_177 : vector<1x16xf32>
    %add3A_1805 = arith.addf %add3A_1803, %mul3A_1804 : vector<1x16xf32>
    %mul3A_1806 = arith.mulf %broadcast_in_dim3A_37, %sub3A_187 : vector<1x16xf32>
    %mul3A_1807 = arith.mulf %broadcast_in_dim3A_39, %sub3A_197 : vector<1x16xf32>
    %add3A_1808 = arith.addf %mul3A_1806, %mul3A_1807 : vector<1x16xf32>
    %mul3A_1809 = arith.mulf %broadcast_in_dim3A_41, %sub3A_207 : vector<1x16xf32>
    %add3A_1810 = arith.addf %add3A_1808, %mul3A_1809 : vector<1x16xf32>
    %add3A_1811 = arith.addf %broadcast_in_dim3A_55, %add3A_1810 : vector<1x16xf32>
    %mul3A_1812 = arith.mulf %broadcast_in_dim3A_43, %sub3A_187 : vector<1x16xf32>
    %mul3A_1813 = arith.mulf %broadcast_in_dim3A_45, %sub3A_197 : vector<1x16xf32>
    %add3A_1814 = arith.addf %mul3A_1812, %mul3A_1813 : vector<1x16xf32>
    %mul3A_1815 = arith.mulf %broadcast_in_dim3A_47, %sub3A_207 : vector<1x16xf32>
    %add3A_1816 = arith.addf %add3A_1814, %mul3A_1815 : vector<1x16xf32>
    %add3A_1817 = arith.addf %broadcast_in_dim3A_57, %add3A_1816 : vector<1x16xf32>
    %mul3A_1818 = arith.mulf %broadcast_in_dim3A_49, %sub3A_187 : vector<1x16xf32>
    %mul3A_1819 = arith.mulf %broadcast_in_dim3A_51, %sub3A_197 : vector<1x16xf32>
    %add3A_1820 = arith.addf %mul3A_1818, %mul3A_1819 : vector<1x16xf32>
    %mul3A_1821 = arith.mulf %broadcast_in_dim3A_53, %sub3A_207 : vector<1x16xf32>
    %add3A_1822 = arith.addf %add3A_1820, %mul3A_1821 : vector<1x16xf32>
    %add3A_1823 = arith.addf %broadcast_in_dim3A_59, %add3A_1822 : vector<1x16xf32>
    %mul3A_1824 = arith.mulf %add3A_1765, %add3A_262 : vector<1x16xf32>
    %mul3A_1825 = arith.mulf %add3A_1770, %add3A_286 : vector<1x16xf32>
    %add3A_1826 = arith.addf %mul3A_1824, %mul3A_1825 : vector<1x16xf32>
    %mul3A_1827 = arith.mulf %add3A_1775, %add3A_310 : vector<1x16xf32>
    %add3A_1828 = arith.addf %add3A_1826, %mul3A_1827 : vector<1x16xf32>
    %mul3A_1829 = arith.mulf %add3A_1765, %add3A_270 : vector<1x16xf32>
    %mul3A_1830 = arith.mulf %add3A_1770, %add3A_294 : vector<1x16xf32>
    %add3A_1831 = arith.addf %mul3A_1829, %mul3A_1830 : vector<1x16xf32>
    %mul3A_1832 = arith.mulf %add3A_1775, %add3A_318 : vector<1x16xf32>
    %add3A_1833 = arith.addf %add3A_1831, %mul3A_1832 : vector<1x16xf32>
    %mul3A_1834 = arith.mulf %add3A_1765, %add3A_278 : vector<1x16xf32>
    %mul3A_1835 = arith.mulf %add3A_1770, %add3A_302 : vector<1x16xf32>
    %add3A_1836 = arith.addf %mul3A_1834, %mul3A_1835 : vector<1x16xf32>
    %mul3A_1837 = arith.mulf %add3A_1775, %add3A_326 : vector<1x16xf32>
    %add3A_1838 = arith.addf %add3A_1836, %mul3A_1837 : vector<1x16xf32>
    %mul3A_1839 = arith.mulf %add3A_1780, %add3A_262 : vector<1x16xf32>
    %mul3A_1840 = arith.mulf %add3A_1785, %add3A_286 : vector<1x16xf32>
    %add3A_1841 = arith.addf %mul3A_1839, %mul3A_1840 : vector<1x16xf32>
    %mul3A_1842 = arith.mulf %add3A_1790, %add3A_310 : vector<1x16xf32>
    %add3A_1843 = arith.addf %add3A_1841, %mul3A_1842 : vector<1x16xf32>
    %mul3A_1844 = arith.mulf %add3A_1780, %add3A_270 : vector<1x16xf32>
    %mul3A_1845 = arith.mulf %add3A_1785, %add3A_294 : vector<1x16xf32>
    %add3A_1846 = arith.addf %mul3A_1844, %mul3A_1845 : vector<1x16xf32>
    %mul3A_1847 = arith.mulf %add3A_1790, %add3A_318 : vector<1x16xf32>
    %add3A_1848 = arith.addf %add3A_1846, %mul3A_1847 : vector<1x16xf32>
    %mul3A_1849 = arith.mulf %add3A_1780, %add3A_278 : vector<1x16xf32>
    %mul3A_1850 = arith.mulf %add3A_1785, %add3A_302 : vector<1x16xf32>
    %add3A_1851 = arith.addf %mul3A_1849, %mul3A_1850 : vector<1x16xf32>
    %mul3A_1852 = arith.mulf %add3A_1790, %add3A_326 : vector<1x16xf32>
    %add3A_1853 = arith.addf %add3A_1851, %mul3A_1852 : vector<1x16xf32>
    %mul3A_1854 = arith.mulf %add3A_1795, %add3A_262 : vector<1x16xf32>
    %mul3A_1855 = arith.mulf %add3A_1800, %add3A_286 : vector<1x16xf32>
    %add3A_1856 = arith.addf %mul3A_1854, %mul3A_1855 : vector<1x16xf32>
    %mul3A_1857 = arith.mulf %add3A_1805, %add3A_310 : vector<1x16xf32>
    %add3A_1858 = arith.addf %add3A_1856, %mul3A_1857 : vector<1x16xf32>
    %mul3A_1859 = arith.mulf %add3A_1795, %add3A_270 : vector<1x16xf32>
    %mul3A_1860 = arith.mulf %add3A_1800, %add3A_294 : vector<1x16xf32>
    %add3A_1861 = arith.addf %mul3A_1859, %mul3A_1860 : vector<1x16xf32>
    %mul3A_1862 = arith.mulf %add3A_1805, %add3A_318 : vector<1x16xf32>
    %add3A_1863 = arith.addf %add3A_1861, %mul3A_1862 : vector<1x16xf32>
    %mul3A_1864 = arith.mulf %add3A_1795, %add3A_278 : vector<1x16xf32>
    %mul3A_1865 = arith.mulf %add3A_1800, %add3A_302 : vector<1x16xf32>
    %add3A_1866 = arith.addf %mul3A_1864, %mul3A_1865 : vector<1x16xf32>
    %mul3A_1867 = arith.mulf %add3A_1805, %add3A_326 : vector<1x16xf32>
    %add3A_1868 = arith.addf %add3A_1866, %mul3A_1867 : vector<1x16xf32>
    %mul3A_1869 = arith.mulf %add3A_1765, %sub3A_336 : vector<1x16xf32>
    %mul3A_1870 = arith.mulf %add3A_1770, %sub3A_346 : vector<1x16xf32>
    %add3A_1871 = arith.addf %mul3A_1869, %mul3A_1870 : vector<1x16xf32>
    %mul3A_1872 = arith.mulf %add3A_1775, %sub3A_356 : vector<1x16xf32>
    %add3A_1873 = arith.addf %add3A_1871, %mul3A_1872 : vector<1x16xf32>
    %add3A_1874 = arith.addf %add3A_1811, %add3A_1873 : vector<1x16xf32>
    %mul3A_1875 = arith.mulf %add3A_1780, %sub3A_336 : vector<1x16xf32>
    %mul3A_1876 = arith.mulf %add3A_1785, %sub3A_346 : vector<1x16xf32>
    %add3A_1877 = arith.addf %mul3A_1875, %mul3A_1876 : vector<1x16xf32>
    %mul3A_1878 = arith.mulf %add3A_1790, %sub3A_356 : vector<1x16xf32>
    %add3A_1879 = arith.addf %add3A_1877, %mul3A_1878 : vector<1x16xf32>
    %add3A_1880 = arith.addf %add3A_1817, %add3A_1879 : vector<1x16xf32>
    %mul3A_1881 = arith.mulf %add3A_1795, %sub3A_336 : vector<1x16xf32>
    %mul3A_1882 = arith.mulf %add3A_1800, %sub3A_346 : vector<1x16xf32>
    %add3A_1883 = arith.addf %mul3A_1881, %mul3A_1882 : vector<1x16xf32>
    %mul3A_1884 = arith.mulf %add3A_1805, %sub3A_356 : vector<1x16xf32>
    %add3A_1885 = arith.addf %add3A_1883, %mul3A_1884 : vector<1x16xf32>
    %add3A_1886 = arith.addf %add3A_1823, %add3A_1885 : vector<1x16xf32>
    %mul3A_1887 = arith.mulf %broadcast_in_dim3A_37, %add3A_113 : vector<1x16xf32>
    %mul3A_1888 = arith.mulf %broadcast_in_dim3A_39, %add3A_137 : vector<1x16xf32>
    %add3A_1889 = arith.addf %mul3A_1887, %mul3A_1888 : vector<1x16xf32>
    %mul3A_1890 = arith.mulf %broadcast_in_dim3A_41, %add3A_161 : vector<1x16xf32>
    %add3A_1891 = arith.addf %add3A_1889, %mul3A_1890 : vector<1x16xf32>
    %mul3A_1892 = arith.mulf %broadcast_in_dim3A_37, %add3A_121 : vector<1x16xf32>
    %mul3A_1893 = arith.mulf %broadcast_in_dim3A_39, %add3A_145 : vector<1x16xf32>
    %add3A_1894 = arith.addf %mul3A_1892, %mul3A_1893 : vector<1x16xf32>
    %mul3A_1895 = arith.mulf %broadcast_in_dim3A_41, %add3A_169 : vector<1x16xf32>
    %add3A_1896 = arith.addf %add3A_1894, %mul3A_1895 : vector<1x16xf32>
    %mul3A_1897 = arith.mulf %broadcast_in_dim3A_37, %add3A_129 : vector<1x16xf32>
    %mul3A_1898 = arith.mulf %broadcast_in_dim3A_39, %add3A_153 : vector<1x16xf32>
    %add3A_1899 = arith.addf %mul3A_1897, %mul3A_1898 : vector<1x16xf32>
    %mul3A_1900 = arith.mulf %broadcast_in_dim3A_41, %add3A_177 : vector<1x16xf32>
    %add3A_1901 = arith.addf %add3A_1899, %mul3A_1900 : vector<1x16xf32>
    %mul3A_1902 = arith.mulf %broadcast_in_dim3A_43, %add3A_113 : vector<1x16xf32>
    %mul3A_1903 = arith.mulf %broadcast_in_dim3A_45, %add3A_137 : vector<1x16xf32>
    %add3A_1904 = arith.addf %mul3A_1902, %mul3A_1903 : vector<1x16xf32>
    %mul3A_1905 = arith.mulf %broadcast_in_dim3A_47, %add3A_161 : vector<1x16xf32>
    %add3A_1906 = arith.addf %add3A_1904, %mul3A_1905 : vector<1x16xf32>
    %mul3A_1907 = arith.mulf %broadcast_in_dim3A_43, %add3A_121 : vector<1x16xf32>
    %mul3A_1908 = arith.mulf %broadcast_in_dim3A_45, %add3A_145 : vector<1x16xf32>
    %add3A_1909 = arith.addf %mul3A_1907, %mul3A_1908 : vector<1x16xf32>
    %mul3A_1910 = arith.mulf %broadcast_in_dim3A_47, %add3A_169 : vector<1x16xf32>
    %add3A_1911 = arith.addf %add3A_1909, %mul3A_1910 : vector<1x16xf32>
    %mul3A_1912 = arith.mulf %broadcast_in_dim3A_43, %add3A_129 : vector<1x16xf32>
    %mul3A_1913 = arith.mulf %broadcast_in_dim3A_45, %add3A_153 : vector<1x16xf32>
    %add3A_1914 = arith.addf %mul3A_1912, %mul3A_1913 : vector<1x16xf32>
    %mul3A_1915 = arith.mulf %broadcast_in_dim3A_47, %add3A_177 : vector<1x16xf32>
    %add3A_1916 = arith.addf %add3A_1914, %mul3A_1915 : vector<1x16xf32>
    %mul3A_1917 = arith.mulf %broadcast_in_dim3A_49, %add3A_113 : vector<1x16xf32>
    %mul3A_1918 = arith.mulf %broadcast_in_dim3A_51, %add3A_137 : vector<1x16xf32>
    %add3A_1919 = arith.addf %mul3A_1917, %mul3A_1918 : vector<1x16xf32>
    %mul3A_1920 = arith.mulf %broadcast_in_dim3A_53, %add3A_161 : vector<1x16xf32>
    %add3A_1921 = arith.addf %add3A_1919, %mul3A_1920 : vector<1x16xf32>
    %mul3A_1922 = arith.mulf %broadcast_in_dim3A_49, %add3A_121 : vector<1x16xf32>
    %mul3A_1923 = arith.mulf %broadcast_in_dim3A_51, %add3A_145 : vector<1x16xf32>
    %add3A_1924 = arith.addf %mul3A_1922, %mul3A_1923 : vector<1x16xf32>
    %mul3A_1925 = arith.mulf %broadcast_in_dim3A_53, %add3A_169 : vector<1x16xf32>
    %add3A_1926 = arith.addf %add3A_1924, %mul3A_1925 : vector<1x16xf32>
    %mul3A_1927 = arith.mulf %broadcast_in_dim3A_49, %add3A_129 : vector<1x16xf32>
    %mul3A_1928 = arith.mulf %broadcast_in_dim3A_51, %add3A_153 : vector<1x16xf32>
    %add3A_1929 = arith.addf %mul3A_1927, %mul3A_1928 : vector<1x16xf32>
    %mul3A_1930 = arith.mulf %broadcast_in_dim3A_53, %add3A_177 : vector<1x16xf32>
    %add3A_1931 = arith.addf %add3A_1929, %mul3A_1930 : vector<1x16xf32>
    %mul3A_1932 = arith.mulf %broadcast_in_dim3A_37, %sub3A_187 : vector<1x16xf32>
    %mul3A_1933 = arith.mulf %broadcast_in_dim3A_39, %sub3A_197 : vector<1x16xf32>
    %add3A_1934 = arith.addf %mul3A_1932, %mul3A_1933 : vector<1x16xf32>
    %mul3A_1935 = arith.mulf %broadcast_in_dim3A_41, %sub3A_207 : vector<1x16xf32>
    %add3A_1936 = arith.addf %add3A_1934, %mul3A_1935 : vector<1x16xf32>
    %add3A_1937 = arith.addf %broadcast_in_dim3A_55, %add3A_1936 : vector<1x16xf32>
    %mul3A_1938 = arith.mulf %broadcast_in_dim3A_43, %sub3A_187 : vector<1x16xf32>
    %mul3A_1939 = arith.mulf %broadcast_in_dim3A_45, %sub3A_197 : vector<1x16xf32>
    %add3A_1940 = arith.addf %mul3A_1938, %mul3A_1939 : vector<1x16xf32>
    %mul3A_1941 = arith.mulf %broadcast_in_dim3A_47, %sub3A_207 : vector<1x16xf32>
    %add3A_1942 = arith.addf %add3A_1940, %mul3A_1941 : vector<1x16xf32>
    %add3A_1943 = arith.addf %broadcast_in_dim3A_57, %add3A_1942 : vector<1x16xf32>
    %mul3A_1944 = arith.mulf %broadcast_in_dim3A_49, %sub3A_187 : vector<1x16xf32>
    %mul3A_1945 = arith.mulf %broadcast_in_dim3A_51, %sub3A_197 : vector<1x16xf32>
    %add3A_1946 = arith.addf %mul3A_1944, %mul3A_1945 : vector<1x16xf32>
    %mul3A_1947 = arith.mulf %broadcast_in_dim3A_53, %sub3A_207 : vector<1x16xf32>
    %add3A_1948 = arith.addf %add3A_1946, %mul3A_1947 : vector<1x16xf32>
    %add3A_1949 = arith.addf %broadcast_in_dim3A_59, %add3A_1948 : vector<1x16xf32>
    %mul3A_1950 = arith.mulf %add3A_1891, %add3A_262 : vector<1x16xf32>
    %mul3A_1951 = arith.mulf %add3A_1896, %add3A_286 : vector<1x16xf32>
    %add3A_1952 = arith.addf %mul3A_1950, %mul3A_1951 : vector<1x16xf32>
    %mul3A_1953 = arith.mulf %add3A_1901, %add3A_310 : vector<1x16xf32>
    %add3A_1954 = arith.addf %add3A_1952, %mul3A_1953 : vector<1x16xf32>
    %mul3A_1955 = arith.mulf %add3A_1891, %add3A_270 : vector<1x16xf32>
    %mul3A_1956 = arith.mulf %add3A_1896, %add3A_294 : vector<1x16xf32>
    %add3A_1957 = arith.addf %mul3A_1955, %mul3A_1956 : vector<1x16xf32>
    %mul3A_1958 = arith.mulf %add3A_1901, %add3A_318 : vector<1x16xf32>
    %add3A_1959 = arith.addf %add3A_1957, %mul3A_1958 : vector<1x16xf32>
    %mul3A_1960 = arith.mulf %add3A_1891, %add3A_278 : vector<1x16xf32>
    %mul3A_1961 = arith.mulf %add3A_1896, %add3A_302 : vector<1x16xf32>
    %add3A_1962 = arith.addf %mul3A_1960, %mul3A_1961 : vector<1x16xf32>
    %mul3A_1963 = arith.mulf %add3A_1901, %add3A_326 : vector<1x16xf32>
    %add3A_1964 = arith.addf %add3A_1962, %mul3A_1963 : vector<1x16xf32>
    %mul3A_1965 = arith.mulf %add3A_1906, %add3A_262 : vector<1x16xf32>
    %mul3A_1966 = arith.mulf %add3A_1911, %add3A_286 : vector<1x16xf32>
    %add3A_1967 = arith.addf %mul3A_1965, %mul3A_1966 : vector<1x16xf32>
    %mul3A_1968 = arith.mulf %add3A_1916, %add3A_310 : vector<1x16xf32>
    %add3A_1969 = arith.addf %add3A_1967, %mul3A_1968 : vector<1x16xf32>
    %mul3A_1970 = arith.mulf %add3A_1906, %add3A_270 : vector<1x16xf32>
    %mul3A_1971 = arith.mulf %add3A_1911, %add3A_294 : vector<1x16xf32>
    %add3A_1972 = arith.addf %mul3A_1970, %mul3A_1971 : vector<1x16xf32>
    %mul3A_1973 = arith.mulf %add3A_1916, %add3A_318 : vector<1x16xf32>
    %add3A_1974 = arith.addf %add3A_1972, %mul3A_1973 : vector<1x16xf32>
    %mul3A_1975 = arith.mulf %add3A_1906, %add3A_278 : vector<1x16xf32>
    %mul3A_1976 = arith.mulf %add3A_1911, %add3A_302 : vector<1x16xf32>
    %add3A_1977 = arith.addf %mul3A_1975, %mul3A_1976 : vector<1x16xf32>
    %mul3A_1978 = arith.mulf %add3A_1916, %add3A_326 : vector<1x16xf32>
    %add3A_1979 = arith.addf %add3A_1977, %mul3A_1978 : vector<1x16xf32>
    %mul3A_1980 = arith.mulf %add3A_1921, %add3A_262 : vector<1x16xf32>
    %mul3A_1981 = arith.mulf %add3A_1926, %add3A_286 : vector<1x16xf32>
    %add3A_1982 = arith.addf %mul3A_1980, %mul3A_1981 : vector<1x16xf32>
    %mul3A_1983 = arith.mulf %add3A_1931, %add3A_310 : vector<1x16xf32>
    %add3A_1984 = arith.addf %add3A_1982, %mul3A_1983 : vector<1x16xf32>
    %mul3A_1985 = arith.mulf %add3A_1921, %add3A_270 : vector<1x16xf32>
    %mul3A_1986 = arith.mulf %add3A_1926, %add3A_294 : vector<1x16xf32>
    %add3A_1987 = arith.addf %mul3A_1985, %mul3A_1986 : vector<1x16xf32>
    %mul3A_1988 = arith.mulf %add3A_1931, %add3A_318 : vector<1x16xf32>
    %add3A_1989 = arith.addf %add3A_1987, %mul3A_1988 : vector<1x16xf32>
    %mul3A_1990 = arith.mulf %add3A_1921, %add3A_278 : vector<1x16xf32>
    %mul3A_1991 = arith.mulf %add3A_1926, %add3A_302 : vector<1x16xf32>
    %add3A_1992 = arith.addf %mul3A_1990, %mul3A_1991 : vector<1x16xf32>
    %mul3A_1993 = arith.mulf %add3A_1931, %add3A_326 : vector<1x16xf32>
    %add3A_1994 = arith.addf %add3A_1992, %mul3A_1993 : vector<1x16xf32>
    %mul3A_1995 = arith.mulf %add3A_1891, %sub3A_336 : vector<1x16xf32>
    %mul3A_1996 = arith.mulf %add3A_1896, %sub3A_346 : vector<1x16xf32>
    %add3A_1997 = arith.addf %mul3A_1995, %mul3A_1996 : vector<1x16xf32>
    %mul3A_1998 = arith.mulf %add3A_1901, %sub3A_356 : vector<1x16xf32>
    %add3A_1999 = arith.addf %add3A_1997, %mul3A_1998 : vector<1x16xf32>
    %add3A_2000 = arith.addf %add3A_1937, %add3A_1999 : vector<1x16xf32>
    %mul3A_2001 = arith.mulf %add3A_1906, %sub3A_336 : vector<1x16xf32>
    %mul3A_2002 = arith.mulf %add3A_1911, %sub3A_346 : vector<1x16xf32>
    %add3A_2003 = arith.addf %mul3A_2001, %mul3A_2002 : vector<1x16xf32>
    %mul3A_2004 = arith.mulf %add3A_1916, %sub3A_356 : vector<1x16xf32>
    %add3A_2005 = arith.addf %add3A_2003, %mul3A_2004 : vector<1x16xf32>
    %add3A_2006 = arith.addf %add3A_1943, %add3A_2005 : vector<1x16xf32>
    %mul3A_2007 = arith.mulf %add3A_1921, %sub3A_336 : vector<1x16xf32>
    %mul3A_2008 = arith.mulf %add3A_1926, %sub3A_346 : vector<1x16xf32>
    %add3A_2009 = arith.addf %mul3A_2007, %mul3A_2008 : vector<1x16xf32>
    %mul3A_2010 = arith.mulf %add3A_1931, %sub3A_356 : vector<1x16xf32>
    %add3A_2011 = arith.addf %add3A_2009, %mul3A_2010 : vector<1x16xf32>
    %add3A_2012 = arith.addf %add3A_1949, %add3A_2011 : vector<1x16xf32>
    %mul3A_2013 = arith.mulf %add3A_1954, %add3A_411 : vector<1x16xf32>
    %mul3A_2014 = arith.mulf %add3A_1959, %add3A_435 : vector<1x16xf32>
    %add3A_2015 = arith.addf %mul3A_2013, %mul3A_2014 : vector<1x16xf32>
    %mul3A_2016 = arith.mulf %add3A_1964, %add3A_459 : vector<1x16xf32>
    %add3A_2017 = arith.addf %add3A_2015, %mul3A_2016 : vector<1x16xf32>
    %mul3A_2018 = arith.mulf %add3A_1954, %add3A_419 : vector<1x16xf32>
    %mul3A_2019 = arith.mulf %add3A_1959, %add3A_443 : vector<1x16xf32>
    %add3A_2020 = arith.addf %mul3A_2018, %mul3A_2019 : vector<1x16xf32>
    %mul3A_2021 = arith.mulf %add3A_1964, %add3A_467 : vector<1x16xf32>
    %add3A_2022 = arith.addf %add3A_2020, %mul3A_2021 : vector<1x16xf32>
    %mul3A_2023 = arith.mulf %add3A_1954, %add3A_427 : vector<1x16xf32>
    %mul3A_2024 = arith.mulf %add3A_1959, %add3A_451 : vector<1x16xf32>
    %add3A_2025 = arith.addf %mul3A_2023, %mul3A_2024 : vector<1x16xf32>
    %mul3A_2026 = arith.mulf %add3A_1964, %add3A_475 : vector<1x16xf32>
    %add3A_2027 = arith.addf %add3A_2025, %mul3A_2026 : vector<1x16xf32>
    %mul3A_2028 = arith.mulf %add3A_1969, %add3A_411 : vector<1x16xf32>
    %mul3A_2029 = arith.mulf %add3A_1974, %add3A_435 : vector<1x16xf32>
    %add3A_2030 = arith.addf %mul3A_2028, %mul3A_2029 : vector<1x16xf32>
    %mul3A_2031 = arith.mulf %add3A_1979, %add3A_459 : vector<1x16xf32>
    %add3A_2032 = arith.addf %add3A_2030, %mul3A_2031 : vector<1x16xf32>
    %mul3A_2033 = arith.mulf %add3A_1969, %add3A_419 : vector<1x16xf32>
    %mul3A_2034 = arith.mulf %add3A_1974, %add3A_443 : vector<1x16xf32>
    %add3A_2035 = arith.addf %mul3A_2033, %mul3A_2034 : vector<1x16xf32>
    %mul3A_2036 = arith.mulf %add3A_1979, %add3A_467 : vector<1x16xf32>
    %add3A_2037 = arith.addf %add3A_2035, %mul3A_2036 : vector<1x16xf32>
    %mul3A_2038 = arith.mulf %add3A_1969, %add3A_427 : vector<1x16xf32>
    %mul3A_2039 = arith.mulf %add3A_1974, %add3A_451 : vector<1x16xf32>
    %add3A_2040 = arith.addf %mul3A_2038, %mul3A_2039 : vector<1x16xf32>
    %mul3A_2041 = arith.mulf %add3A_1979, %add3A_475 : vector<1x16xf32>
    %add3A_2042 = arith.addf %add3A_2040, %mul3A_2041 : vector<1x16xf32>
    %mul3A_2043 = arith.mulf %add3A_1984, %add3A_411 : vector<1x16xf32>
    %mul3A_2044 = arith.mulf %add3A_1989, %add3A_435 : vector<1x16xf32>
    %add3A_2045 = arith.addf %mul3A_2043, %mul3A_2044 : vector<1x16xf32>
    %mul3A_2046 = arith.mulf %add3A_1994, %add3A_459 : vector<1x16xf32>
    %add3A_2047 = arith.addf %add3A_2045, %mul3A_2046 : vector<1x16xf32>
    %mul3A_2048 = arith.mulf %add3A_1984, %add3A_419 : vector<1x16xf32>
    %mul3A_2049 = arith.mulf %add3A_1989, %add3A_443 : vector<1x16xf32>
    %add3A_2050 = arith.addf %mul3A_2048, %mul3A_2049 : vector<1x16xf32>
    %mul3A_2051 = arith.mulf %add3A_1994, %add3A_467 : vector<1x16xf32>
    %add3A_2052 = arith.addf %add3A_2050, %mul3A_2051 : vector<1x16xf32>
    %mul3A_2053 = arith.mulf %add3A_1984, %add3A_427 : vector<1x16xf32>
    %mul3A_2054 = arith.mulf %add3A_1989, %add3A_451 : vector<1x16xf32>
    %add3A_2055 = arith.addf %mul3A_2053, %mul3A_2054 : vector<1x16xf32>
    %mul3A_2056 = arith.mulf %add3A_1994, %add3A_475 : vector<1x16xf32>
    %add3A_2057 = arith.addf %add3A_2055, %mul3A_2056 : vector<1x16xf32>
    %mul3A_2058 = arith.mulf %add3A_1954, %sub3A_485 : vector<1x16xf32>
    %mul3A_2059 = arith.mulf %add3A_1959, %sub3A_495 : vector<1x16xf32>
    %add3A_2060 = arith.addf %mul3A_2058, %mul3A_2059 : vector<1x16xf32>
    %mul3A_2061 = arith.mulf %add3A_1964, %sub3A_505 : vector<1x16xf32>
    %add3A_2062 = arith.addf %add3A_2060, %mul3A_2061 : vector<1x16xf32>
    %add3A_2063 = arith.addf %add3A_2000, %add3A_2062 : vector<1x16xf32>
    %mul3A_2064 = arith.mulf %add3A_1969, %sub3A_485 : vector<1x16xf32>
    %mul3A_2065 = arith.mulf %add3A_1974, %sub3A_495 : vector<1x16xf32>
    %add3A_2066 = arith.addf %mul3A_2064, %mul3A_2065 : vector<1x16xf32>
    %mul3A_2067 = arith.mulf %add3A_1979, %sub3A_505 : vector<1x16xf32>
    %add3A_2068 = arith.addf %add3A_2066, %mul3A_2067 : vector<1x16xf32>
    %add3A_2069 = arith.addf %add3A_2006, %add3A_2068 : vector<1x16xf32>
    %mul3A_2070 = arith.mulf %add3A_1984, %sub3A_485 : vector<1x16xf32>
    %mul3A_2071 = arith.mulf %add3A_1989, %sub3A_495 : vector<1x16xf32>
    %add3A_2072 = arith.addf %mul3A_2070, %mul3A_2071 : vector<1x16xf32>
    %mul3A_2073 = arith.mulf %add3A_1994, %sub3A_505 : vector<1x16xf32>
    %add3A_2074 = arith.addf %add3A_2072, %mul3A_2073 : vector<1x16xf32>
    %add3A_2075 = arith.addf %add3A_2012, %add3A_2074 : vector<1x16xf32>
    %mul3A_2076 = arith.mulf %broadcast_in_dim3A_37, %add3A_560 : vector<1x16xf32>
    %mul3A_2077 = arith.mulf %broadcast_in_dim3A_39, %add3A_584 : vector<1x16xf32>
    %add3A_2078 = arith.addf %mul3A_2076, %mul3A_2077 : vector<1x16xf32>
    %mul3A_2079 = arith.mulf %broadcast_in_dim3A_41, %add3A_608 : vector<1x16xf32>
    %add3A_2080 = arith.addf %add3A_2078, %mul3A_2079 : vector<1x16xf32>
    %mul3A_2081 = arith.mulf %broadcast_in_dim3A_37, %add3A_568 : vector<1x16xf32>
    %mul3A_2082 = arith.mulf %broadcast_in_dim3A_39, %add3A_592 : vector<1x16xf32>
    %add3A_2083 = arith.addf %mul3A_2081, %mul3A_2082 : vector<1x16xf32>
    %mul3A_2084 = arith.mulf %broadcast_in_dim3A_41, %add3A_616 : vector<1x16xf32>
    %add3A_2085 = arith.addf %add3A_2083, %mul3A_2084 : vector<1x16xf32>
    %mul3A_2086 = arith.mulf %broadcast_in_dim3A_37, %add3A_576 : vector<1x16xf32>
    %mul3A_2087 = arith.mulf %broadcast_in_dim3A_39, %add3A_600 : vector<1x16xf32>
    %add3A_2088 = arith.addf %mul3A_2086, %mul3A_2087 : vector<1x16xf32>
    %mul3A_2089 = arith.mulf %broadcast_in_dim3A_41, %add3A_624 : vector<1x16xf32>
    %add3A_2090 = arith.addf %add3A_2088, %mul3A_2089 : vector<1x16xf32>
    %mul3A_2091 = arith.mulf %broadcast_in_dim3A_43, %add3A_560 : vector<1x16xf32>
    %mul3A_2092 = arith.mulf %broadcast_in_dim3A_45, %add3A_584 : vector<1x16xf32>
    %add3A_2093 = arith.addf %mul3A_2091, %mul3A_2092 : vector<1x16xf32>
    %mul3A_2094 = arith.mulf %broadcast_in_dim3A_47, %add3A_608 : vector<1x16xf32>
    %add3A_2095 = arith.addf %add3A_2093, %mul3A_2094 : vector<1x16xf32>
    %mul3A_2096 = arith.mulf %broadcast_in_dim3A_43, %add3A_568 : vector<1x16xf32>
    %mul3A_2097 = arith.mulf %broadcast_in_dim3A_45, %add3A_592 : vector<1x16xf32>
    %add3A_2098 = arith.addf %mul3A_2096, %mul3A_2097 : vector<1x16xf32>
    %mul3A_2099 = arith.mulf %broadcast_in_dim3A_47, %add3A_616 : vector<1x16xf32>
    %add3A_2100 = arith.addf %add3A_2098, %mul3A_2099 : vector<1x16xf32>
    %mul3A_2101 = arith.mulf %broadcast_in_dim3A_43, %add3A_576 : vector<1x16xf32>
    %mul3A_2102 = arith.mulf %broadcast_in_dim3A_45, %add3A_600 : vector<1x16xf32>
    %add3A_2103 = arith.addf %mul3A_2101, %mul3A_2102 : vector<1x16xf32>
    %mul3A_2104 = arith.mulf %broadcast_in_dim3A_47, %add3A_624 : vector<1x16xf32>
    %add3A_2105 = arith.addf %add3A_2103, %mul3A_2104 : vector<1x16xf32>
    %mul3A_2106 = arith.mulf %broadcast_in_dim3A_49, %add3A_560 : vector<1x16xf32>
    %mul3A_2107 = arith.mulf %broadcast_in_dim3A_51, %add3A_584 : vector<1x16xf32>
    %add3A_2108 = arith.addf %mul3A_2106, %mul3A_2107 : vector<1x16xf32>
    %mul3A_2109 = arith.mulf %broadcast_in_dim3A_53, %add3A_608 : vector<1x16xf32>
    %add3A_2110 = arith.addf %add3A_2108, %mul3A_2109 : vector<1x16xf32>
    %mul3A_2111 = arith.mulf %broadcast_in_dim3A_49, %add3A_568 : vector<1x16xf32>
    %mul3A_2112 = arith.mulf %broadcast_in_dim3A_51, %add3A_592 : vector<1x16xf32>
    %add3A_2113 = arith.addf %mul3A_2111, %mul3A_2112 : vector<1x16xf32>
    %mul3A_2114 = arith.mulf %broadcast_in_dim3A_53, %add3A_616 : vector<1x16xf32>
    %add3A_2115 = arith.addf %add3A_2113, %mul3A_2114 : vector<1x16xf32>
    %mul3A_2116 = arith.mulf %broadcast_in_dim3A_49, %add3A_576 : vector<1x16xf32>
    %mul3A_2117 = arith.mulf %broadcast_in_dim3A_51, %add3A_600 : vector<1x16xf32>
    %add3A_2118 = arith.addf %mul3A_2116, %mul3A_2117 : vector<1x16xf32>
    %mul3A_2119 = arith.mulf %broadcast_in_dim3A_53, %add3A_624 : vector<1x16xf32>
    %add3A_2120 = arith.addf %add3A_2118, %mul3A_2119 : vector<1x16xf32>
    %mul3A_2121 = arith.mulf %broadcast_in_dim3A_37, %sub3A_634 : vector<1x16xf32>
    %mul3A_2122 = arith.mulf %broadcast_in_dim3A_39, %sub3A_644 : vector<1x16xf32>
    %add3A_2123 = arith.addf %mul3A_2121, %mul3A_2122 : vector<1x16xf32>
    %mul3A_2124 = arith.mulf %broadcast_in_dim3A_41, %sub3A_654 : vector<1x16xf32>
    %add3A_2125 = arith.addf %add3A_2123, %mul3A_2124 : vector<1x16xf32>
    %add3A_2126 = arith.addf %broadcast_in_dim3A_55, %add3A_2125 : vector<1x16xf32>
    %mul3A_2127 = arith.mulf %broadcast_in_dim3A_43, %sub3A_634 : vector<1x16xf32>
    %mul3A_2128 = arith.mulf %broadcast_in_dim3A_45, %sub3A_644 : vector<1x16xf32>
    %add3A_2129 = arith.addf %mul3A_2127, %mul3A_2128 : vector<1x16xf32>
    %mul3A_2130 = arith.mulf %broadcast_in_dim3A_47, %sub3A_654 : vector<1x16xf32>
    %add3A_2131 = arith.addf %add3A_2129, %mul3A_2130 : vector<1x16xf32>
    %add3A_2132 = arith.addf %broadcast_in_dim3A_57, %add3A_2131 : vector<1x16xf32>
    %mul3A_2133 = arith.mulf %broadcast_in_dim3A_49, %sub3A_634 : vector<1x16xf32>
    %mul3A_2134 = arith.mulf %broadcast_in_dim3A_51, %sub3A_644 : vector<1x16xf32>
    %add3A_2135 = arith.addf %mul3A_2133, %mul3A_2134 : vector<1x16xf32>
    %mul3A_2136 = arith.mulf %broadcast_in_dim3A_53, %sub3A_654 : vector<1x16xf32>
    %add3A_2137 = arith.addf %add3A_2135, %mul3A_2136 : vector<1x16xf32>
    %add3A_2138 = arith.addf %broadcast_in_dim3A_59, %add3A_2137 : vector<1x16xf32>
    %mul3A_2139 = arith.mulf %broadcast_in_dim3A_37, %add3A_560 : vector<1x16xf32>
    %mul3A_2140 = arith.mulf %broadcast_in_dim3A_39, %add3A_584 : vector<1x16xf32>
    %add3A_2141 = arith.addf %mul3A_2139, %mul3A_2140 : vector<1x16xf32>
    %mul3A_2142 = arith.mulf %broadcast_in_dim3A_41, %add3A_608 : vector<1x16xf32>
    %add3A_2143 = arith.addf %add3A_2141, %mul3A_2142 : vector<1x16xf32>
    %mul3A_2144 = arith.mulf %broadcast_in_dim3A_37, %add3A_568 : vector<1x16xf32>
    %mul3A_2145 = arith.mulf %broadcast_in_dim3A_39, %add3A_592 : vector<1x16xf32>
    %add3A_2146 = arith.addf %mul3A_2144, %mul3A_2145 : vector<1x16xf32>
    %mul3A_2147 = arith.mulf %broadcast_in_dim3A_41, %add3A_616 : vector<1x16xf32>
    %add3A_2148 = arith.addf %add3A_2146, %mul3A_2147 : vector<1x16xf32>
    %mul3A_2149 = arith.mulf %broadcast_in_dim3A_37, %add3A_576 : vector<1x16xf32>
    %mul3A_2150 = arith.mulf %broadcast_in_dim3A_39, %add3A_600 : vector<1x16xf32>
    %add3A_2151 = arith.addf %mul3A_2149, %mul3A_2150 : vector<1x16xf32>
    %mul3A_2152 = arith.mulf %broadcast_in_dim3A_41, %add3A_624 : vector<1x16xf32>
    %add3A_2153 = arith.addf %add3A_2151, %mul3A_2152 : vector<1x16xf32>
    %mul3A_2154 = arith.mulf %broadcast_in_dim3A_43, %add3A_560 : vector<1x16xf32>
    %mul3A_2155 = arith.mulf %broadcast_in_dim3A_45, %add3A_584 : vector<1x16xf32>
    %add3A_2156 = arith.addf %mul3A_2154, %mul3A_2155 : vector<1x16xf32>
    %mul3A_2157 = arith.mulf %broadcast_in_dim3A_47, %add3A_608 : vector<1x16xf32>
    %add3A_2158 = arith.addf %add3A_2156, %mul3A_2157 : vector<1x16xf32>
    %mul3A_2159 = arith.mulf %broadcast_in_dim3A_43, %add3A_568 : vector<1x16xf32>
    %mul3A_2160 = arith.mulf %broadcast_in_dim3A_45, %add3A_592 : vector<1x16xf32>
    %add3A_2161 = arith.addf %mul3A_2159, %mul3A_2160 : vector<1x16xf32>
    %mul3A_2162 = arith.mulf %broadcast_in_dim3A_47, %add3A_616 : vector<1x16xf32>
    %add3A_2163 = arith.addf %add3A_2161, %mul3A_2162 : vector<1x16xf32>
    %mul3A_2164 = arith.mulf %broadcast_in_dim3A_43, %add3A_576 : vector<1x16xf32>
    %mul3A_2165 = arith.mulf %broadcast_in_dim3A_45, %add3A_600 : vector<1x16xf32>
    %add3A_2166 = arith.addf %mul3A_2164, %mul3A_2165 : vector<1x16xf32>
    %mul3A_2167 = arith.mulf %broadcast_in_dim3A_47, %add3A_624 : vector<1x16xf32>
    %add3A_2168 = arith.addf %add3A_2166, %mul3A_2167 : vector<1x16xf32>
    %mul3A_2169 = arith.mulf %broadcast_in_dim3A_49, %add3A_560 : vector<1x16xf32>
    %mul3A_2170 = arith.mulf %broadcast_in_dim3A_51, %add3A_584 : vector<1x16xf32>
    %add3A_2171 = arith.addf %mul3A_2169, %mul3A_2170 : vector<1x16xf32>
    %mul3A_2172 = arith.mulf %broadcast_in_dim3A_53, %add3A_608 : vector<1x16xf32>
    %add3A_2173 = arith.addf %add3A_2171, %mul3A_2172 : vector<1x16xf32>
    %mul3A_2174 = arith.mulf %broadcast_in_dim3A_49, %add3A_568 : vector<1x16xf32>
    %mul3A_2175 = arith.mulf %broadcast_in_dim3A_51, %add3A_592 : vector<1x16xf32>
    %add3A_2176 = arith.addf %mul3A_2174, %mul3A_2175 : vector<1x16xf32>
    %mul3A_2177 = arith.mulf %broadcast_in_dim3A_53, %add3A_616 : vector<1x16xf32>
    %add3A_2178 = arith.addf %add3A_2176, %mul3A_2177 : vector<1x16xf32>
    %mul3A_2179 = arith.mulf %broadcast_in_dim3A_49, %add3A_576 : vector<1x16xf32>
    %mul3A_2180 = arith.mulf %broadcast_in_dim3A_51, %add3A_600 : vector<1x16xf32>
    %add3A_2181 = arith.addf %mul3A_2179, %mul3A_2180 : vector<1x16xf32>
    %mul3A_2182 = arith.mulf %broadcast_in_dim3A_53, %add3A_624 : vector<1x16xf32>
    %add3A_2183 = arith.addf %add3A_2181, %mul3A_2182 : vector<1x16xf32>
    %mul3A_2184 = arith.mulf %broadcast_in_dim3A_37, %sub3A_634 : vector<1x16xf32>
    %mul3A_2185 = arith.mulf %broadcast_in_dim3A_39, %sub3A_644 : vector<1x16xf32>
    %add3A_2186 = arith.addf %mul3A_2184, %mul3A_2185 : vector<1x16xf32>
    %mul3A_2187 = arith.mulf %broadcast_in_dim3A_41, %sub3A_654 : vector<1x16xf32>
    %add3A_2188 = arith.addf %add3A_2186, %mul3A_2187 : vector<1x16xf32>
    %add3A_2189 = arith.addf %broadcast_in_dim3A_55, %add3A_2188 : vector<1x16xf32>
    %mul3A_2190 = arith.mulf %broadcast_in_dim3A_43, %sub3A_634 : vector<1x16xf32>
    %mul3A_2191 = arith.mulf %broadcast_in_dim3A_45, %sub3A_644 : vector<1x16xf32>
    %add3A_2192 = arith.addf %mul3A_2190, %mul3A_2191 : vector<1x16xf32>
    %mul3A_2193 = arith.mulf %broadcast_in_dim3A_47, %sub3A_654 : vector<1x16xf32>
    %add3A_2194 = arith.addf %add3A_2192, %mul3A_2193 : vector<1x16xf32>
    %add3A_2195 = arith.addf %broadcast_in_dim3A_57, %add3A_2194 : vector<1x16xf32>
    %mul3A_2196 = arith.mulf %broadcast_in_dim3A_49, %sub3A_634 : vector<1x16xf32>
    %mul3A_2197 = arith.mulf %broadcast_in_dim3A_51, %sub3A_644 : vector<1x16xf32>
    %add3A_2198 = arith.addf %mul3A_2196, %mul3A_2197 : vector<1x16xf32>
    %mul3A_2199 = arith.mulf %broadcast_in_dim3A_53, %sub3A_654 : vector<1x16xf32>
    %add3A_2200 = arith.addf %add3A_2198, %mul3A_2199 : vector<1x16xf32>
    %add3A_2201 = arith.addf %broadcast_in_dim3A_59, %add3A_2200 : vector<1x16xf32>
    %mul3A_2202 = arith.mulf %add3A_2143, %add3A_709 : vector<1x16xf32>
    %mul3A_2203 = arith.mulf %add3A_2148, %add3A_733 : vector<1x16xf32>
    %add3A_2204 = arith.addf %mul3A_2202, %mul3A_2203 : vector<1x16xf32>
    %mul3A_2205 = arith.mulf %add3A_2153, %add3A_757 : vector<1x16xf32>
    %add3A_2206 = arith.addf %add3A_2204, %mul3A_2205 : vector<1x16xf32>
    %mul3A_2207 = arith.mulf %add3A_2143, %add3A_717 : vector<1x16xf32>
    %mul3A_2208 = arith.mulf %add3A_2148, %add3A_741 : vector<1x16xf32>
    %add3A_2209 = arith.addf %mul3A_2207, %mul3A_2208 : vector<1x16xf32>
    %mul3A_2210 = arith.mulf %add3A_2153, %add3A_765 : vector<1x16xf32>
    %add3A_2211 = arith.addf %add3A_2209, %mul3A_2210 : vector<1x16xf32>
    %mul3A_2212 = arith.mulf %add3A_2143, %add3A_725 : vector<1x16xf32>
    %mul3A_2213 = arith.mulf %add3A_2148, %add3A_749 : vector<1x16xf32>
    %add3A_2214 = arith.addf %mul3A_2212, %mul3A_2213 : vector<1x16xf32>
    %mul3A_2215 = arith.mulf %add3A_2153, %add3A_773 : vector<1x16xf32>
    %add3A_2216 = arith.addf %add3A_2214, %mul3A_2215 : vector<1x16xf32>
    %mul3A_2217 = arith.mulf %add3A_2158, %add3A_709 : vector<1x16xf32>
    %mul3A_2218 = arith.mulf %add3A_2163, %add3A_733 : vector<1x16xf32>
    %add3A_2219 = arith.addf %mul3A_2217, %mul3A_2218 : vector<1x16xf32>
    %mul3A_2220 = arith.mulf %add3A_2168, %add3A_757 : vector<1x16xf32>
    %add3A_2221 = arith.addf %add3A_2219, %mul3A_2220 : vector<1x16xf32>
    %mul3A_2222 = arith.mulf %add3A_2158, %add3A_717 : vector<1x16xf32>
    %mul3A_2223 = arith.mulf %add3A_2163, %add3A_741 : vector<1x16xf32>
    %add3A_2224 = arith.addf %mul3A_2222, %mul3A_2223 : vector<1x16xf32>
    %mul3A_2225 = arith.mulf %add3A_2168, %add3A_765 : vector<1x16xf32>
    %add3A_2226 = arith.addf %add3A_2224, %mul3A_2225 : vector<1x16xf32>
    %mul3A_2227 = arith.mulf %add3A_2158, %add3A_725 : vector<1x16xf32>
    %mul3A_2228 = arith.mulf %add3A_2163, %add3A_749 : vector<1x16xf32>
    %add3A_2229 = arith.addf %mul3A_2227, %mul3A_2228 : vector<1x16xf32>
    %mul3A_2230 = arith.mulf %add3A_2168, %add3A_773 : vector<1x16xf32>
    %add3A_2231 = arith.addf %add3A_2229, %mul3A_2230 : vector<1x16xf32>
    %mul3A_2232 = arith.mulf %add3A_2173, %add3A_709 : vector<1x16xf32>
    %mul3A_2233 = arith.mulf %add3A_2178, %add3A_733 : vector<1x16xf32>
    %add3A_2234 = arith.addf %mul3A_2232, %mul3A_2233 : vector<1x16xf32>
    %mul3A_2235 = arith.mulf %add3A_2183, %add3A_757 : vector<1x16xf32>
    %add3A_2236 = arith.addf %add3A_2234, %mul3A_2235 : vector<1x16xf32>
    %mul3A_2237 = arith.mulf %add3A_2173, %add3A_717 : vector<1x16xf32>
    %mul3A_2238 = arith.mulf %add3A_2178, %add3A_741 : vector<1x16xf32>
    %add3A_2239 = arith.addf %mul3A_2237, %mul3A_2238 : vector<1x16xf32>
    %mul3A_2240 = arith.mulf %add3A_2183, %add3A_765 : vector<1x16xf32>
    %add3A_2241 = arith.addf %add3A_2239, %mul3A_2240 : vector<1x16xf32>
    %mul3A_2242 = arith.mulf %add3A_2173, %add3A_725 : vector<1x16xf32>
    %mul3A_2243 = arith.mulf %add3A_2178, %add3A_749 : vector<1x16xf32>
    %add3A_2244 = arith.addf %mul3A_2242, %mul3A_2243 : vector<1x16xf32>
    %mul3A_2245 = arith.mulf %add3A_2183, %add3A_773 : vector<1x16xf32>
    %add3A_2246 = arith.addf %add3A_2244, %mul3A_2245 : vector<1x16xf32>
    %mul3A_2247 = arith.mulf %add3A_2143, %sub3A_783 : vector<1x16xf32>
    %mul3A_2248 = arith.mulf %add3A_2148, %sub3A_793 : vector<1x16xf32>
    %add3A_2249 = arith.addf %mul3A_2247, %mul3A_2248 : vector<1x16xf32>
    %mul3A_2250 = arith.mulf %add3A_2153, %sub3A_803 : vector<1x16xf32>
    %add3A_2251 = arith.addf %add3A_2249, %mul3A_2250 : vector<1x16xf32>
    %add3A_2252 = arith.addf %add3A_2189, %add3A_2251 : vector<1x16xf32>
    %mul3A_2253 = arith.mulf %add3A_2158, %sub3A_783 : vector<1x16xf32>
    %mul3A_2254 = arith.mulf %add3A_2163, %sub3A_793 : vector<1x16xf32>
    %add3A_2255 = arith.addf %mul3A_2253, %mul3A_2254 : vector<1x16xf32>
    %mul3A_2256 = arith.mulf %add3A_2168, %sub3A_803 : vector<1x16xf32>
    %add3A_2257 = arith.addf %add3A_2255, %mul3A_2256 : vector<1x16xf32>
    %add3A_2258 = arith.addf %add3A_2195, %add3A_2257 : vector<1x16xf32>
    %mul3A_2259 = arith.mulf %add3A_2173, %sub3A_783 : vector<1x16xf32>
    %mul3A_2260 = arith.mulf %add3A_2178, %sub3A_793 : vector<1x16xf32>
    %add3A_2261 = arith.addf %mul3A_2259, %mul3A_2260 : vector<1x16xf32>
    %mul3A_2262 = arith.mulf %add3A_2183, %sub3A_803 : vector<1x16xf32>
    %add3A_2263 = arith.addf %add3A_2261, %mul3A_2262 : vector<1x16xf32>
    %add3A_2264 = arith.addf %add3A_2201, %add3A_2263 : vector<1x16xf32>
    %mul3A_2265 = arith.mulf %broadcast_in_dim3A_37, %add3A_560 : vector<1x16xf32>
    %mul3A_2266 = arith.mulf %broadcast_in_dim3A_39, %add3A_584 : vector<1x16xf32>
    %add3A_2267 = arith.addf %mul3A_2265, %mul3A_2266 : vector<1x16xf32>
    %mul3A_2268 = arith.mulf %broadcast_in_dim3A_41, %add3A_608 : vector<1x16xf32>
    %add3A_2269 = arith.addf %add3A_2267, %mul3A_2268 : vector<1x16xf32>
    %mul3A_2270 = arith.mulf %broadcast_in_dim3A_37, %add3A_568 : vector<1x16xf32>
    %mul3A_2271 = arith.mulf %broadcast_in_dim3A_39, %add3A_592 : vector<1x16xf32>
    %add3A_2272 = arith.addf %mul3A_2270, %mul3A_2271 : vector<1x16xf32>
    %mul3A_2273 = arith.mulf %broadcast_in_dim3A_41, %add3A_616 : vector<1x16xf32>
    %add3A_2274 = arith.addf %add3A_2272, %mul3A_2273 : vector<1x16xf32>
    %mul3A_2275 = arith.mulf %broadcast_in_dim3A_37, %add3A_576 : vector<1x16xf32>
    %mul3A_2276 = arith.mulf %broadcast_in_dim3A_39, %add3A_600 : vector<1x16xf32>
    %add3A_2277 = arith.addf %mul3A_2275, %mul3A_2276 : vector<1x16xf32>
    %mul3A_2278 = arith.mulf %broadcast_in_dim3A_41, %add3A_624 : vector<1x16xf32>
    %add3A_2279 = arith.addf %add3A_2277, %mul3A_2278 : vector<1x16xf32>
    %mul3A_2280 = arith.mulf %broadcast_in_dim3A_43, %add3A_560 : vector<1x16xf32>
    %mul3A_2281 = arith.mulf %broadcast_in_dim3A_45, %add3A_584 : vector<1x16xf32>
    %add3A_2282 = arith.addf %mul3A_2280, %mul3A_2281 : vector<1x16xf32>
    %mul3A_2283 = arith.mulf %broadcast_in_dim3A_47, %add3A_608 : vector<1x16xf32>
    %add3A_2284 = arith.addf %add3A_2282, %mul3A_2283 : vector<1x16xf32>
    %mul3A_2285 = arith.mulf %broadcast_in_dim3A_43, %add3A_568 : vector<1x16xf32>
    %mul3A_2286 = arith.mulf %broadcast_in_dim3A_45, %add3A_592 : vector<1x16xf32>
    %add3A_2287 = arith.addf %mul3A_2285, %mul3A_2286 : vector<1x16xf32>
    %mul3A_2288 = arith.mulf %broadcast_in_dim3A_47, %add3A_616 : vector<1x16xf32>
    %add3A_2289 = arith.addf %add3A_2287, %mul3A_2288 : vector<1x16xf32>
    %mul3A_2290 = arith.mulf %broadcast_in_dim3A_43, %add3A_576 : vector<1x16xf32>
    %mul3A_2291 = arith.mulf %broadcast_in_dim3A_45, %add3A_600 : vector<1x16xf32>
    %add3A_2292 = arith.addf %mul3A_2290, %mul3A_2291 : vector<1x16xf32>
    %mul3A_2293 = arith.mulf %broadcast_in_dim3A_47, %add3A_624 : vector<1x16xf32>
    %add3A_2294 = arith.addf %add3A_2292, %mul3A_2293 : vector<1x16xf32>
    %mul3A_2295 = arith.mulf %broadcast_in_dim3A_49, %add3A_560 : vector<1x16xf32>
    %mul3A_2296 = arith.mulf %broadcast_in_dim3A_51, %add3A_584 : vector<1x16xf32>
    %add3A_2297 = arith.addf %mul3A_2295, %mul3A_2296 : vector<1x16xf32>
    %mul3A_2298 = arith.mulf %broadcast_in_dim3A_53, %add3A_608 : vector<1x16xf32>
    %add3A_2299 = arith.addf %add3A_2297, %mul3A_2298 : vector<1x16xf32>
    %mul3A_2300 = arith.mulf %broadcast_in_dim3A_49, %add3A_568 : vector<1x16xf32>
    %mul3A_2301 = arith.mulf %broadcast_in_dim3A_51, %add3A_592 : vector<1x16xf32>
    %add3A_2302 = arith.addf %mul3A_2300, %mul3A_2301 : vector<1x16xf32>
    %mul3A_2303 = arith.mulf %broadcast_in_dim3A_53, %add3A_616 : vector<1x16xf32>
    %add3A_2304 = arith.addf %add3A_2302, %mul3A_2303 : vector<1x16xf32>
    %mul3A_2305 = arith.mulf %broadcast_in_dim3A_49, %add3A_576 : vector<1x16xf32>
    %mul3A_2306 = arith.mulf %broadcast_in_dim3A_51, %add3A_600 : vector<1x16xf32>
    %add3A_2307 = arith.addf %mul3A_2305, %mul3A_2306 : vector<1x16xf32>
    %mul3A_2308 = arith.mulf %broadcast_in_dim3A_53, %add3A_624 : vector<1x16xf32>
    %add3A_2309 = arith.addf %add3A_2307, %mul3A_2308 : vector<1x16xf32>
    %mul3A_2310 = arith.mulf %broadcast_in_dim3A_37, %sub3A_634 : vector<1x16xf32>
    %mul3A_2311 = arith.mulf %broadcast_in_dim3A_39, %sub3A_644 : vector<1x16xf32>
    %add3A_2312 = arith.addf %mul3A_2310, %mul3A_2311 : vector<1x16xf32>
    %mul3A_2313 = arith.mulf %broadcast_in_dim3A_41, %sub3A_654 : vector<1x16xf32>
    %add3A_2314 = arith.addf %add3A_2312, %mul3A_2313 : vector<1x16xf32>
    %add3A_2315 = arith.addf %broadcast_in_dim3A_55, %add3A_2314 : vector<1x16xf32>
    %mul3A_2316 = arith.mulf %broadcast_in_dim3A_43, %sub3A_634 : vector<1x16xf32>
    %mul3A_2317 = arith.mulf %broadcast_in_dim3A_45, %sub3A_644 : vector<1x16xf32>
    %add3A_2318 = arith.addf %mul3A_2316, %mul3A_2317 : vector<1x16xf32>
    %mul3A_2319 = arith.mulf %broadcast_in_dim3A_47, %sub3A_654 : vector<1x16xf32>
    %add3A_2320 = arith.addf %add3A_2318, %mul3A_2319 : vector<1x16xf32>
    %add3A_2321 = arith.addf %broadcast_in_dim3A_57, %add3A_2320 : vector<1x16xf32>
    %mul3A_2322 = arith.mulf %broadcast_in_dim3A_49, %sub3A_634 : vector<1x16xf32>
    %mul3A_2323 = arith.mulf %broadcast_in_dim3A_51, %sub3A_644 : vector<1x16xf32>
    %add3A_2324 = arith.addf %mul3A_2322, %mul3A_2323 : vector<1x16xf32>
    %mul3A_2325 = arith.mulf %broadcast_in_dim3A_53, %sub3A_654 : vector<1x16xf32>
    %add3A_2326 = arith.addf %add3A_2324, %mul3A_2325 : vector<1x16xf32>
    %add3A_2327 = arith.addf %broadcast_in_dim3A_59, %add3A_2326 : vector<1x16xf32>
    %mul3A_2328 = arith.mulf %add3A_2269, %add3A_709 : vector<1x16xf32>
    %mul3A_2329 = arith.mulf %add3A_2274, %add3A_733 : vector<1x16xf32>
    %add3A_2330 = arith.addf %mul3A_2328, %mul3A_2329 : vector<1x16xf32>
    %mul3A_2331 = arith.mulf %add3A_2279, %add3A_757 : vector<1x16xf32>
    %add3A_2332 = arith.addf %add3A_2330, %mul3A_2331 : vector<1x16xf32>
    %mul3A_2333 = arith.mulf %add3A_2269, %add3A_717 : vector<1x16xf32>
    %mul3A_2334 = arith.mulf %add3A_2274, %add3A_741 : vector<1x16xf32>
    %add3A_2335 = arith.addf %mul3A_2333, %mul3A_2334 : vector<1x16xf32>
    %mul3A_2336 = arith.mulf %add3A_2279, %add3A_765 : vector<1x16xf32>
    %add3A_2337 = arith.addf %add3A_2335, %mul3A_2336 : vector<1x16xf32>
    %mul3A_2338 = arith.mulf %add3A_2269, %add3A_725 : vector<1x16xf32>
    %mul3A_2339 = arith.mulf %add3A_2274, %add3A_749 : vector<1x16xf32>
    %add3A_2340 = arith.addf %mul3A_2338, %mul3A_2339 : vector<1x16xf32>
    %mul3A_2341 = arith.mulf %add3A_2279, %add3A_773 : vector<1x16xf32>
    %add3A_2342 = arith.addf %add3A_2340, %mul3A_2341 : vector<1x16xf32>
    %mul3A_2343 = arith.mulf %add3A_2284, %add3A_709 : vector<1x16xf32>
    %mul3A_2344 = arith.mulf %add3A_2289, %add3A_733 : vector<1x16xf32>
    %add3A_2345 = arith.addf %mul3A_2343, %mul3A_2344 : vector<1x16xf32>
    %mul3A_2346 = arith.mulf %add3A_2294, %add3A_757 : vector<1x16xf32>
    %add3A_2347 = arith.addf %add3A_2345, %mul3A_2346 : vector<1x16xf32>
    %mul3A_2348 = arith.mulf %add3A_2284, %add3A_717 : vector<1x16xf32>
    %mul3A_2349 = arith.mulf %add3A_2289, %add3A_741 : vector<1x16xf32>
    %add3A_2350 = arith.addf %mul3A_2348, %mul3A_2349 : vector<1x16xf32>
    %mul3A_2351 = arith.mulf %add3A_2294, %add3A_765 : vector<1x16xf32>
    %add3A_2352 = arith.addf %add3A_2350, %mul3A_2351 : vector<1x16xf32>
    %mul3A_2353 = arith.mulf %add3A_2284, %add3A_725 : vector<1x16xf32>
    %mul3A_2354 = arith.mulf %add3A_2289, %add3A_749 : vector<1x16xf32>
    %add3A_2355 = arith.addf %mul3A_2353, %mul3A_2354 : vector<1x16xf32>
    %mul3A_2356 = arith.mulf %add3A_2294, %add3A_773 : vector<1x16xf32>
    %add3A_2357 = arith.addf %add3A_2355, %mul3A_2356 : vector<1x16xf32>
    %mul3A_2358 = arith.mulf %add3A_2299, %add3A_709 : vector<1x16xf32>
    %mul3A_2359 = arith.mulf %add3A_2304, %add3A_733 : vector<1x16xf32>
    %add3A_2360 = arith.addf %mul3A_2358, %mul3A_2359 : vector<1x16xf32>
    %mul3A_2361 = arith.mulf %add3A_2309, %add3A_757 : vector<1x16xf32>
    %add3A_2362 = arith.addf %add3A_2360, %mul3A_2361 : vector<1x16xf32>
    %mul3A_2363 = arith.mulf %add3A_2299, %add3A_717 : vector<1x16xf32>
    %mul3A_2364 = arith.mulf %add3A_2304, %add3A_741 : vector<1x16xf32>
    %add3A_2365 = arith.addf %mul3A_2363, %mul3A_2364 : vector<1x16xf32>
    %mul3A_2366 = arith.mulf %add3A_2309, %add3A_765 : vector<1x16xf32>
    %add3A_2367 = arith.addf %add3A_2365, %mul3A_2366 : vector<1x16xf32>
    %mul3A_2368 = arith.mulf %add3A_2299, %add3A_725 : vector<1x16xf32>
    %mul3A_2369 = arith.mulf %add3A_2304, %add3A_749 : vector<1x16xf32>
    %add3A_2370 = arith.addf %mul3A_2368, %mul3A_2369 : vector<1x16xf32>
    %mul3A_2371 = arith.mulf %add3A_2309, %add3A_773 : vector<1x16xf32>
    %add3A_2372 = arith.addf %add3A_2370, %mul3A_2371 : vector<1x16xf32>
    %mul3A_2373 = arith.mulf %add3A_2269, %sub3A_783 : vector<1x16xf32>
    %mul3A_2374 = arith.mulf %add3A_2274, %sub3A_793 : vector<1x16xf32>
    %add3A_2375 = arith.addf %mul3A_2373, %mul3A_2374 : vector<1x16xf32>
    %mul3A_2376 = arith.mulf %add3A_2279, %sub3A_803 : vector<1x16xf32>
    %add3A_2377 = arith.addf %add3A_2375, %mul3A_2376 : vector<1x16xf32>
    %add3A_2378 = arith.addf %add3A_2315, %add3A_2377 : vector<1x16xf32>
    %mul3A_2379 = arith.mulf %add3A_2284, %sub3A_783 : vector<1x16xf32>
    %mul3A_2380 = arith.mulf %add3A_2289, %sub3A_793 : vector<1x16xf32>
    %add3A_2381 = arith.addf %mul3A_2379, %mul3A_2380 : vector<1x16xf32>
    %mul3A_2382 = arith.mulf %add3A_2294, %sub3A_803 : vector<1x16xf32>
    %add3A_2383 = arith.addf %add3A_2381, %mul3A_2382 : vector<1x16xf32>
    %add3A_2384 = arith.addf %add3A_2321, %add3A_2383 : vector<1x16xf32>
    %mul3A_2385 = arith.mulf %add3A_2299, %sub3A_783 : vector<1x16xf32>
    %mul3A_2386 = arith.mulf %add3A_2304, %sub3A_793 : vector<1x16xf32>
    %add3A_2387 = arith.addf %mul3A_2385, %mul3A_2386 : vector<1x16xf32>
    %mul3A_2388 = arith.mulf %add3A_2309, %sub3A_803 : vector<1x16xf32>
    %add3A_2389 = arith.addf %add3A_2387, %mul3A_2388 : vector<1x16xf32>
    %add3A_2390 = arith.addf %add3A_2327, %add3A_2389 : vector<1x16xf32>
    %mul3A_2391 = arith.mulf %add3A_2332, %add3A_858 : vector<1x16xf32>
    %mul3A_2392 = arith.mulf %add3A_2337, %add3A_882 : vector<1x16xf32>
    %add3A_2393 = arith.addf %mul3A_2391, %mul3A_2392 : vector<1x16xf32>
    %mul3A_2394 = arith.mulf %add3A_2342, %add3A_906 : vector<1x16xf32>
    %add3A_2395 = arith.addf %add3A_2393, %mul3A_2394 : vector<1x16xf32>
    %mul3A_2396 = arith.mulf %add3A_2332, %add3A_866 : vector<1x16xf32>
    %mul3A_2397 = arith.mulf %add3A_2337, %add3A_890 : vector<1x16xf32>
    %add3A_2398 = arith.addf %mul3A_2396, %mul3A_2397 : vector<1x16xf32>
    %mul3A_2399 = arith.mulf %add3A_2342, %add3A_914 : vector<1x16xf32>
    %add3A_2400 = arith.addf %add3A_2398, %mul3A_2399 : vector<1x16xf32>
    %mul3A_2401 = arith.mulf %add3A_2332, %add3A_874 : vector<1x16xf32>
    %mul3A_2402 = arith.mulf %add3A_2337, %add3A_898 : vector<1x16xf32>
    %add3A_2403 = arith.addf %mul3A_2401, %mul3A_2402 : vector<1x16xf32>
    %mul3A_2404 = arith.mulf %add3A_2342, %add3A_922 : vector<1x16xf32>
    %add3A_2405 = arith.addf %add3A_2403, %mul3A_2404 : vector<1x16xf32>
    %mul3A_2406 = arith.mulf %add3A_2347, %add3A_858 : vector<1x16xf32>
    %mul3A_2407 = arith.mulf %add3A_2352, %add3A_882 : vector<1x16xf32>
    %add3A_2408 = arith.addf %mul3A_2406, %mul3A_2407 : vector<1x16xf32>
    %mul3A_2409 = arith.mulf %add3A_2357, %add3A_906 : vector<1x16xf32>
    %add3A_2410 = arith.addf %add3A_2408, %mul3A_2409 : vector<1x16xf32>
    %mul3A_2411 = arith.mulf %add3A_2347, %add3A_866 : vector<1x16xf32>
    %mul3A_2412 = arith.mulf %add3A_2352, %add3A_890 : vector<1x16xf32>
    %add3A_2413 = arith.addf %mul3A_2411, %mul3A_2412 : vector<1x16xf32>
    %mul3A_2414 = arith.mulf %add3A_2357, %add3A_914 : vector<1x16xf32>
    %add3A_2415 = arith.addf %add3A_2413, %mul3A_2414 : vector<1x16xf32>
    %mul3A_2416 = arith.mulf %add3A_2347, %add3A_874 : vector<1x16xf32>
    %mul3A_2417 = arith.mulf %add3A_2352, %add3A_898 : vector<1x16xf32>
    %add3A_2418 = arith.addf %mul3A_2416, %mul3A_2417 : vector<1x16xf32>
    %mul3A_2419 = arith.mulf %add3A_2357, %add3A_922 : vector<1x16xf32>
    %add3A_2420 = arith.addf %add3A_2418, %mul3A_2419 : vector<1x16xf32>
    %mul3A_2421 = arith.mulf %add3A_2362, %add3A_858 : vector<1x16xf32>
    %mul3A_2422 = arith.mulf %add3A_2367, %add3A_882 : vector<1x16xf32>
    %add3A_2423 = arith.addf %mul3A_2421, %mul3A_2422 : vector<1x16xf32>
    %mul3A_2424 = arith.mulf %add3A_2372, %add3A_906 : vector<1x16xf32>
    %add3A_2425 = arith.addf %add3A_2423, %mul3A_2424 : vector<1x16xf32>
    %mul3A_2426 = arith.mulf %add3A_2362, %add3A_866 : vector<1x16xf32>
    %mul3A_2427 = arith.mulf %add3A_2367, %add3A_890 : vector<1x16xf32>
    %add3A_2428 = arith.addf %mul3A_2426, %mul3A_2427 : vector<1x16xf32>
    %mul3A_2429 = arith.mulf %add3A_2372, %add3A_914 : vector<1x16xf32>
    %add3A_2430 = arith.addf %add3A_2428, %mul3A_2429 : vector<1x16xf32>
    %mul3A_2431 = arith.mulf %add3A_2362, %add3A_874 : vector<1x16xf32>
    %mul3A_2432 = arith.mulf %add3A_2367, %add3A_898 : vector<1x16xf32>
    %add3A_2433 = arith.addf %mul3A_2431, %mul3A_2432 : vector<1x16xf32>
    %mul3A_2434 = arith.mulf %add3A_2372, %add3A_922 : vector<1x16xf32>
    %add3A_2435 = arith.addf %add3A_2433, %mul3A_2434 : vector<1x16xf32>
    %mul3A_2436 = arith.mulf %add3A_2332, %sub3A_932 : vector<1x16xf32>
    %mul3A_2437 = arith.mulf %add3A_2337, %sub3A_942 : vector<1x16xf32>
    %add3A_2438 = arith.addf %mul3A_2436, %mul3A_2437 : vector<1x16xf32>
    %mul3A_2439 = arith.mulf %add3A_2342, %sub3A_952 : vector<1x16xf32>
    %add3A_2440 = arith.addf %add3A_2438, %mul3A_2439 : vector<1x16xf32>
    %add3A_2441 = arith.addf %add3A_2378, %add3A_2440 : vector<1x16xf32>
    %mul3A_2442 = arith.mulf %add3A_2347, %sub3A_932 : vector<1x16xf32>
    %mul3A_2443 = arith.mulf %add3A_2352, %sub3A_942 : vector<1x16xf32>
    %add3A_2444 = arith.addf %mul3A_2442, %mul3A_2443 : vector<1x16xf32>
    %mul3A_2445 = arith.mulf %add3A_2357, %sub3A_952 : vector<1x16xf32>
    %add3A_2446 = arith.addf %add3A_2444, %mul3A_2445 : vector<1x16xf32>
    %add3A_2447 = arith.addf %add3A_2384, %add3A_2446 : vector<1x16xf32>
    %mul3A_2448 = arith.mulf %add3A_2362, %sub3A_932 : vector<1x16xf32>
    %mul3A_2449 = arith.mulf %add3A_2367, %sub3A_942 : vector<1x16xf32>
    %add3A_2450 = arith.addf %mul3A_2448, %mul3A_2449 : vector<1x16xf32>
    %mul3A_2451 = arith.mulf %add3A_2372, %sub3A_952 : vector<1x16xf32>
    %add3A_2452 = arith.addf %add3A_2450, %mul3A_2451 : vector<1x16xf32>
    %add3A_2453 = arith.addf %add3A_2390, %add3A_2452 : vector<1x16xf32>
    %mul3A_2454 = arith.mulf %broadcast_in_dim3A_37, %add3A_1007 : vector<1x16xf32>
    %mul3A_2455 = arith.mulf %broadcast_in_dim3A_39, %add3A_1031 : vector<1x16xf32>
    %add3A_2456 = arith.addf %mul3A_2454, %mul3A_2455 : vector<1x16xf32>
    %mul3A_2457 = arith.mulf %broadcast_in_dim3A_41, %add3A_1055 : vector<1x16xf32>
    %add3A_2458 = arith.addf %add3A_2456, %mul3A_2457 : vector<1x16xf32>
    %mul3A_2459 = arith.mulf %broadcast_in_dim3A_37, %add3A_1015 : vector<1x16xf32>
    %mul3A_2460 = arith.mulf %broadcast_in_dim3A_39, %add3A_1039 : vector<1x16xf32>
    %add3A_2461 = arith.addf %mul3A_2459, %mul3A_2460 : vector<1x16xf32>
    %mul3A_2462 = arith.mulf %broadcast_in_dim3A_41, %add3A_1063 : vector<1x16xf32>
    %add3A_2463 = arith.addf %add3A_2461, %mul3A_2462 : vector<1x16xf32>
    %mul3A_2464 = arith.mulf %broadcast_in_dim3A_37, %add3A_1023 : vector<1x16xf32>
    %mul3A_2465 = arith.mulf %broadcast_in_dim3A_39, %add3A_1047 : vector<1x16xf32>
    %add3A_2466 = arith.addf %mul3A_2464, %mul3A_2465 : vector<1x16xf32>
    %mul3A_2467 = arith.mulf %broadcast_in_dim3A_41, %add3A_1071 : vector<1x16xf32>
    %add3A_2468 = arith.addf %add3A_2466, %mul3A_2467 : vector<1x16xf32>
    %mul3A_2469 = arith.mulf %broadcast_in_dim3A_43, %add3A_1007 : vector<1x16xf32>
    %mul3A_2470 = arith.mulf %broadcast_in_dim3A_45, %add3A_1031 : vector<1x16xf32>
    %add3A_2471 = arith.addf %mul3A_2469, %mul3A_2470 : vector<1x16xf32>
    %mul3A_2472 = arith.mulf %broadcast_in_dim3A_47, %add3A_1055 : vector<1x16xf32>
    %add3A_2473 = arith.addf %add3A_2471, %mul3A_2472 : vector<1x16xf32>
    %mul3A_2474 = arith.mulf %broadcast_in_dim3A_43, %add3A_1015 : vector<1x16xf32>
    %mul3A_2475 = arith.mulf %broadcast_in_dim3A_45, %add3A_1039 : vector<1x16xf32>
    %add3A_2476 = arith.addf %mul3A_2474, %mul3A_2475 : vector<1x16xf32>
    %mul3A_2477 = arith.mulf %broadcast_in_dim3A_47, %add3A_1063 : vector<1x16xf32>
    %add3A_2478 = arith.addf %add3A_2476, %mul3A_2477 : vector<1x16xf32>
    %mul3A_2479 = arith.mulf %broadcast_in_dim3A_43, %add3A_1023 : vector<1x16xf32>
    %mul3A_2480 = arith.mulf %broadcast_in_dim3A_45, %add3A_1047 : vector<1x16xf32>
    %add3A_2481 = arith.addf %mul3A_2479, %mul3A_2480 : vector<1x16xf32>
    %mul3A_2482 = arith.mulf %broadcast_in_dim3A_47, %add3A_1071 : vector<1x16xf32>
    %add3A_2483 = arith.addf %add3A_2481, %mul3A_2482 : vector<1x16xf32>
    %mul3A_2484 = arith.mulf %broadcast_in_dim3A_49, %add3A_1007 : vector<1x16xf32>
    %mul3A_2485 = arith.mulf %broadcast_in_dim3A_51, %add3A_1031 : vector<1x16xf32>
    %add3A_2486 = arith.addf %mul3A_2484, %mul3A_2485 : vector<1x16xf32>
    %mul3A_2487 = arith.mulf %broadcast_in_dim3A_53, %add3A_1055 : vector<1x16xf32>
    %add3A_2488 = arith.addf %add3A_2486, %mul3A_2487 : vector<1x16xf32>
    %mul3A_2489 = arith.mulf %broadcast_in_dim3A_49, %add3A_1015 : vector<1x16xf32>
    %mul3A_2490 = arith.mulf %broadcast_in_dim3A_51, %add3A_1039 : vector<1x16xf32>
    %add3A_2491 = arith.addf %mul3A_2489, %mul3A_2490 : vector<1x16xf32>
    %mul3A_2492 = arith.mulf %broadcast_in_dim3A_53, %add3A_1063 : vector<1x16xf32>
    %add3A_2493 = arith.addf %add3A_2491, %mul3A_2492 : vector<1x16xf32>
    %mul3A_2494 = arith.mulf %broadcast_in_dim3A_49, %add3A_1023 : vector<1x16xf32>
    %mul3A_2495 = arith.mulf %broadcast_in_dim3A_51, %add3A_1047 : vector<1x16xf32>
    %add3A_2496 = arith.addf %mul3A_2494, %mul3A_2495 : vector<1x16xf32>
    %mul3A_2497 = arith.mulf %broadcast_in_dim3A_53, %add3A_1071 : vector<1x16xf32>
    %add3A_2498 = arith.addf %add3A_2496, %mul3A_2497 : vector<1x16xf32>
    %mul3A_2499 = arith.mulf %broadcast_in_dim3A_37, %sub3A_1081 : vector<1x16xf32>
    %mul3A_2500 = arith.mulf %broadcast_in_dim3A_39, %sub3A_1091 : vector<1x16xf32>
    %add3A_2501 = arith.addf %mul3A_2499, %mul3A_2500 : vector<1x16xf32>
    %mul3A_2502 = arith.mulf %broadcast_in_dim3A_41, %sub3A_1101 : vector<1x16xf32>
    %add3A_2503 = arith.addf %add3A_2501, %mul3A_2502 : vector<1x16xf32>
    %add3A_2504 = arith.addf %broadcast_in_dim3A_55, %add3A_2503 : vector<1x16xf32>
    %mul3A_2505 = arith.mulf %broadcast_in_dim3A_43, %sub3A_1081 : vector<1x16xf32>
    %mul3A_2506 = arith.mulf %broadcast_in_dim3A_45, %sub3A_1091 : vector<1x16xf32>
    %add3A_2507 = arith.addf %mul3A_2505, %mul3A_2506 : vector<1x16xf32>
    %mul3A_2508 = arith.mulf %broadcast_in_dim3A_47, %sub3A_1101 : vector<1x16xf32>
    %add3A_2509 = arith.addf %add3A_2507, %mul3A_2508 : vector<1x16xf32>
    %add3A_2510 = arith.addf %broadcast_in_dim3A_57, %add3A_2509 : vector<1x16xf32>
    %mul3A_2511 = arith.mulf %broadcast_in_dim3A_49, %sub3A_1081 : vector<1x16xf32>
    %mul3A_2512 = arith.mulf %broadcast_in_dim3A_51, %sub3A_1091 : vector<1x16xf32>
    %add3A_2513 = arith.addf %mul3A_2511, %mul3A_2512 : vector<1x16xf32>
    %mul3A_2514 = arith.mulf %broadcast_in_dim3A_53, %sub3A_1101 : vector<1x16xf32>
    %add3A_2515 = arith.addf %add3A_2513, %mul3A_2514 : vector<1x16xf32>
    %add3A_2516 = arith.addf %broadcast_in_dim3A_59, %add3A_2515 : vector<1x16xf32>
    %mul3A_2517 = arith.mulf %broadcast_in_dim3A_37, %add3A_1007 : vector<1x16xf32>
    %mul3A_2518 = arith.mulf %broadcast_in_dim3A_39, %add3A_1031 : vector<1x16xf32>
    %add3A_2519 = arith.addf %mul3A_2517, %mul3A_2518 : vector<1x16xf32>
    %mul3A_2520 = arith.mulf %broadcast_in_dim3A_41, %add3A_1055 : vector<1x16xf32>
    %add3A_2521 = arith.addf %add3A_2519, %mul3A_2520 : vector<1x16xf32>
    %mul3A_2522 = arith.mulf %broadcast_in_dim3A_37, %add3A_1015 : vector<1x16xf32>
    %mul3A_2523 = arith.mulf %broadcast_in_dim3A_39, %add3A_1039 : vector<1x16xf32>
    %add3A_2524 = arith.addf %mul3A_2522, %mul3A_2523 : vector<1x16xf32>
    %mul3A_2525 = arith.mulf %broadcast_in_dim3A_41, %add3A_1063 : vector<1x16xf32>
    %add3A_2526 = arith.addf %add3A_2524, %mul3A_2525 : vector<1x16xf32>
    %mul3A_2527 = arith.mulf %broadcast_in_dim3A_37, %add3A_1023 : vector<1x16xf32>
    %mul3A_2528 = arith.mulf %broadcast_in_dim3A_39, %add3A_1047 : vector<1x16xf32>
    %add3A_2529 = arith.addf %mul3A_2527, %mul3A_2528 : vector<1x16xf32>
    %mul3A_2530 = arith.mulf %broadcast_in_dim3A_41, %add3A_1071 : vector<1x16xf32>
    %add3A_2531 = arith.addf %add3A_2529, %mul3A_2530 : vector<1x16xf32>
    %mul3A_2532 = arith.mulf %broadcast_in_dim3A_43, %add3A_1007 : vector<1x16xf32>
    %mul3A_2533 = arith.mulf %broadcast_in_dim3A_45, %add3A_1031 : vector<1x16xf32>
    %add3A_2534 = arith.addf %mul3A_2532, %mul3A_2533 : vector<1x16xf32>
    %mul3A_2535 = arith.mulf %broadcast_in_dim3A_47, %add3A_1055 : vector<1x16xf32>
    %add3A_2536 = arith.addf %add3A_2534, %mul3A_2535 : vector<1x16xf32>
    %mul3A_2537 = arith.mulf %broadcast_in_dim3A_43, %add3A_1015 : vector<1x16xf32>
    %mul3A_2538 = arith.mulf %broadcast_in_dim3A_45, %add3A_1039 : vector<1x16xf32>
    %add3A_2539 = arith.addf %mul3A_2537, %mul3A_2538 : vector<1x16xf32>
    %mul3A_2540 = arith.mulf %broadcast_in_dim3A_47, %add3A_1063 : vector<1x16xf32>
    %add3A_2541 = arith.addf %add3A_2539, %mul3A_2540 : vector<1x16xf32>
    %mul3A_2542 = arith.mulf %broadcast_in_dim3A_43, %add3A_1023 : vector<1x16xf32>
    %mul3A_2543 = arith.mulf %broadcast_in_dim3A_45, %add3A_1047 : vector<1x16xf32>
    %add3A_2544 = arith.addf %mul3A_2542, %mul3A_2543 : vector<1x16xf32>
    %mul3A_2545 = arith.mulf %broadcast_in_dim3A_47, %add3A_1071 : vector<1x16xf32>
    %add3A_2546 = arith.addf %add3A_2544, %mul3A_2545 : vector<1x16xf32>
    %mul3A_2547 = arith.mulf %broadcast_in_dim3A_49, %add3A_1007 : vector<1x16xf32>
    %mul3A_2548 = arith.mulf %broadcast_in_dim3A_51, %add3A_1031 : vector<1x16xf32>
    %add3A_2549 = arith.addf %mul3A_2547, %mul3A_2548 : vector<1x16xf32>
    %mul3A_2550 = arith.mulf %broadcast_in_dim3A_53, %add3A_1055 : vector<1x16xf32>
    %add3A_2551 = arith.addf %add3A_2549, %mul3A_2550 : vector<1x16xf32>
    %mul3A_2552 = arith.mulf %broadcast_in_dim3A_49, %add3A_1015 : vector<1x16xf32>
    %mul3A_2553 = arith.mulf %broadcast_in_dim3A_51, %add3A_1039 : vector<1x16xf32>
    %add3A_2554 = arith.addf %mul3A_2552, %mul3A_2553 : vector<1x16xf32>
    %mul3A_2555 = arith.mulf %broadcast_in_dim3A_53, %add3A_1063 : vector<1x16xf32>
    %add3A_2556 = arith.addf %add3A_2554, %mul3A_2555 : vector<1x16xf32>
    %mul3A_2557 = arith.mulf %broadcast_in_dim3A_49, %add3A_1023 : vector<1x16xf32>
    %mul3A_2558 = arith.mulf %broadcast_in_dim3A_51, %add3A_1047 : vector<1x16xf32>
    %add3A_2559 = arith.addf %mul3A_2557, %mul3A_2558 : vector<1x16xf32>
    %mul3A_2560 = arith.mulf %broadcast_in_dim3A_53, %add3A_1071 : vector<1x16xf32>
    %add3A_2561 = arith.addf %add3A_2559, %mul3A_2560 : vector<1x16xf32>
    %mul3A_2562 = arith.mulf %broadcast_in_dim3A_37, %sub3A_1081 : vector<1x16xf32>
    %mul3A_2563 = arith.mulf %broadcast_in_dim3A_39, %sub3A_1091 : vector<1x16xf32>
    %add3A_2564 = arith.addf %mul3A_2562, %mul3A_2563 : vector<1x16xf32>
    %mul3A_2565 = arith.mulf %broadcast_in_dim3A_41, %sub3A_1101 : vector<1x16xf32>
    %add3A_2566 = arith.addf %add3A_2564, %mul3A_2565 : vector<1x16xf32>
    %add3A_2567 = arith.addf %broadcast_in_dim3A_55, %add3A_2566 : vector<1x16xf32>
    %mul3A_2568 = arith.mulf %broadcast_in_dim3A_43, %sub3A_1081 : vector<1x16xf32>
    %mul3A_2569 = arith.mulf %broadcast_in_dim3A_45, %sub3A_1091 : vector<1x16xf32>
    %add3A_2570 = arith.addf %mul3A_2568, %mul3A_2569 : vector<1x16xf32>
    %mul3A_2571 = arith.mulf %broadcast_in_dim3A_47, %sub3A_1101 : vector<1x16xf32>
    %add3A_2572 = arith.addf %add3A_2570, %mul3A_2571 : vector<1x16xf32>
    %add3A_2573 = arith.addf %broadcast_in_dim3A_57, %add3A_2572 : vector<1x16xf32>
    %mul3A_2574 = arith.mulf %broadcast_in_dim3A_49, %sub3A_1081 : vector<1x16xf32>
    %mul3A_2575 = arith.mulf %broadcast_in_dim3A_51, %sub3A_1091 : vector<1x16xf32>
    %add3A_2576 = arith.addf %mul3A_2574, %mul3A_2575 : vector<1x16xf32>
    %mul3A_2577 = arith.mulf %broadcast_in_dim3A_53, %sub3A_1101 : vector<1x16xf32>
    %add3A_2578 = arith.addf %add3A_2576, %mul3A_2577 : vector<1x16xf32>
    %add3A_2579 = arith.addf %broadcast_in_dim3A_59, %add3A_2578 : vector<1x16xf32>
    %mul3A_2580 = arith.mulf %add3A_2521, %add3A_1156 : vector<1x16xf32>
    %mul3A_2581 = arith.mulf %add3A_2526, %add3A_1180 : vector<1x16xf32>
    %add3A_2582 = arith.addf %mul3A_2580, %mul3A_2581 : vector<1x16xf32>
    %mul3A_2583 = arith.mulf %add3A_2531, %add3A_1204 : vector<1x16xf32>
    %add3A_2584 = arith.addf %add3A_2582, %mul3A_2583 : vector<1x16xf32>
    %mul3A_2585 = arith.mulf %add3A_2521, %add3A_1164 : vector<1x16xf32>
    %mul3A_2586 = arith.mulf %add3A_2526, %add3A_1188 : vector<1x16xf32>
    %add3A_2587 = arith.addf %mul3A_2585, %mul3A_2586 : vector<1x16xf32>
    %mul3A_2588 = arith.mulf %add3A_2531, %add3A_1212 : vector<1x16xf32>
    %add3A_2589 = arith.addf %add3A_2587, %mul3A_2588 : vector<1x16xf32>
    %mul3A_2590 = arith.mulf %add3A_2521, %add3A_1172 : vector<1x16xf32>
    %mul3A_2591 = arith.mulf %add3A_2526, %add3A_1196 : vector<1x16xf32>
    %add3A_2592 = arith.addf %mul3A_2590, %mul3A_2591 : vector<1x16xf32>
    %mul3A_2593 = arith.mulf %add3A_2531, %add3A_1220 : vector<1x16xf32>
    %add3A_2594 = arith.addf %add3A_2592, %mul3A_2593 : vector<1x16xf32>
    %mul3A_2595 = arith.mulf %add3A_2536, %add3A_1156 : vector<1x16xf32>
    %mul3A_2596 = arith.mulf %add3A_2541, %add3A_1180 : vector<1x16xf32>
    %add3A_2597 = arith.addf %mul3A_2595, %mul3A_2596 : vector<1x16xf32>
    %mul3A_2598 = arith.mulf %add3A_2546, %add3A_1204 : vector<1x16xf32>
    %add3A_2599 = arith.addf %add3A_2597, %mul3A_2598 : vector<1x16xf32>
    %mul3A_2600 = arith.mulf %add3A_2536, %add3A_1164 : vector<1x16xf32>
    %mul3A_2601 = arith.mulf %add3A_2541, %add3A_1188 : vector<1x16xf32>
    %add3A_2602 = arith.addf %mul3A_2600, %mul3A_2601 : vector<1x16xf32>
    %mul3A_2603 = arith.mulf %add3A_2546, %add3A_1212 : vector<1x16xf32>
    %add3A_2604 = arith.addf %add3A_2602, %mul3A_2603 : vector<1x16xf32>
    %mul3A_2605 = arith.mulf %add3A_2536, %add3A_1172 : vector<1x16xf32>
    %mul3A_2606 = arith.mulf %add3A_2541, %add3A_1196 : vector<1x16xf32>
    %add3A_2607 = arith.addf %mul3A_2605, %mul3A_2606 : vector<1x16xf32>
    %mul3A_2608 = arith.mulf %add3A_2546, %add3A_1220 : vector<1x16xf32>
    %add3A_2609 = arith.addf %add3A_2607, %mul3A_2608 : vector<1x16xf32>
    %mul3A_2610 = arith.mulf %add3A_2551, %add3A_1156 : vector<1x16xf32>
    %mul3A_2611 = arith.mulf %add3A_2556, %add3A_1180 : vector<1x16xf32>
    %add3A_2612 = arith.addf %mul3A_2610, %mul3A_2611 : vector<1x16xf32>
    %mul3A_2613 = arith.mulf %add3A_2561, %add3A_1204 : vector<1x16xf32>
    %add3A_2614 = arith.addf %add3A_2612, %mul3A_2613 : vector<1x16xf32>
    %mul3A_2615 = arith.mulf %add3A_2551, %add3A_1164 : vector<1x16xf32>
    %mul3A_2616 = arith.mulf %add3A_2556, %add3A_1188 : vector<1x16xf32>
    %add3A_2617 = arith.addf %mul3A_2615, %mul3A_2616 : vector<1x16xf32>
    %mul3A_2618 = arith.mulf %add3A_2561, %add3A_1212 : vector<1x16xf32>
    %add3A_2619 = arith.addf %add3A_2617, %mul3A_2618 : vector<1x16xf32>
    %mul3A_2620 = arith.mulf %add3A_2551, %add3A_1172 : vector<1x16xf32>
    %mul3A_2621 = arith.mulf %add3A_2556, %add3A_1196 : vector<1x16xf32>
    %add3A_2622 = arith.addf %mul3A_2620, %mul3A_2621 : vector<1x16xf32>
    %mul3A_2623 = arith.mulf %add3A_2561, %add3A_1220 : vector<1x16xf32>
    %add3A_2624 = arith.addf %add3A_2622, %mul3A_2623 : vector<1x16xf32>
    %mul3A_2625 = arith.mulf %add3A_2521, %sub3A_1230 : vector<1x16xf32>
    %mul3A_2626 = arith.mulf %add3A_2526, %sub3A_1240 : vector<1x16xf32>
    %add3A_2627 = arith.addf %mul3A_2625, %mul3A_2626 : vector<1x16xf32>
    %mul3A_2628 = arith.mulf %add3A_2531, %sub3A_1250 : vector<1x16xf32>
    %add3A_2629 = arith.addf %add3A_2627, %mul3A_2628 : vector<1x16xf32>
    %add3A_2630 = arith.addf %add3A_2567, %add3A_2629 : vector<1x16xf32>
    %mul3A_2631 = arith.mulf %add3A_2536, %sub3A_1230 : vector<1x16xf32>
    %mul3A_2632 = arith.mulf %add3A_2541, %sub3A_1240 : vector<1x16xf32>
    %add3A_2633 = arith.addf %mul3A_2631, %mul3A_2632 : vector<1x16xf32>
    %mul3A_2634 = arith.mulf %add3A_2546, %sub3A_1250 : vector<1x16xf32>
    %add3A_2635 = arith.addf %add3A_2633, %mul3A_2634 : vector<1x16xf32>
    %add3A_2636 = arith.addf %add3A_2573, %add3A_2635 : vector<1x16xf32>
    %mul3A_2637 = arith.mulf %add3A_2551, %sub3A_1230 : vector<1x16xf32>
    %mul3A_2638 = arith.mulf %add3A_2556, %sub3A_1240 : vector<1x16xf32>
    %add3A_2639 = arith.addf %mul3A_2637, %mul3A_2638 : vector<1x16xf32>
    %mul3A_2640 = arith.mulf %add3A_2561, %sub3A_1250 : vector<1x16xf32>
    %add3A_2641 = arith.addf %add3A_2639, %mul3A_2640 : vector<1x16xf32>
    %add3A_2642 = arith.addf %add3A_2579, %add3A_2641 : vector<1x16xf32>
    %mul3A_2643 = arith.mulf %broadcast_in_dim3A_37, %add3A_1007 : vector<1x16xf32>
    %mul3A_2644 = arith.mulf %broadcast_in_dim3A_39, %add3A_1031 : vector<1x16xf32>
    %add3A_2645 = arith.addf %mul3A_2643, %mul3A_2644 : vector<1x16xf32>
    %mul3A_2646 = arith.mulf %broadcast_in_dim3A_41, %add3A_1055 : vector<1x16xf32>
    %add3A_2647 = arith.addf %add3A_2645, %mul3A_2646 : vector<1x16xf32>
    %mul3A_2648 = arith.mulf %broadcast_in_dim3A_37, %add3A_1015 : vector<1x16xf32>
    %mul3A_2649 = arith.mulf %broadcast_in_dim3A_39, %add3A_1039 : vector<1x16xf32>
    %add3A_2650 = arith.addf %mul3A_2648, %mul3A_2649 : vector<1x16xf32>
    %mul3A_2651 = arith.mulf %broadcast_in_dim3A_41, %add3A_1063 : vector<1x16xf32>
    %add3A_2652 = arith.addf %add3A_2650, %mul3A_2651 : vector<1x16xf32>
    %mul3A_2653 = arith.mulf %broadcast_in_dim3A_37, %add3A_1023 : vector<1x16xf32>
    %mul3A_2654 = arith.mulf %broadcast_in_dim3A_39, %add3A_1047 : vector<1x16xf32>
    %add3A_2655 = arith.addf %mul3A_2653, %mul3A_2654 : vector<1x16xf32>
    %mul3A_2656 = arith.mulf %broadcast_in_dim3A_41, %add3A_1071 : vector<1x16xf32>
    %add3A_2657 = arith.addf %add3A_2655, %mul3A_2656 : vector<1x16xf32>
    %mul3A_2658 = arith.mulf %broadcast_in_dim3A_43, %add3A_1007 : vector<1x16xf32>
    %mul3A_2659 = arith.mulf %broadcast_in_dim3A_45, %add3A_1031 : vector<1x16xf32>
    %add3A_2660 = arith.addf %mul3A_2658, %mul3A_2659 : vector<1x16xf32>
    %mul3A_2661 = arith.mulf %broadcast_in_dim3A_47, %add3A_1055 : vector<1x16xf32>
    %add3A_2662 = arith.addf %add3A_2660, %mul3A_2661 : vector<1x16xf32>
    %mul3A_2663 = arith.mulf %broadcast_in_dim3A_43, %add3A_1015 : vector<1x16xf32>
    %mul3A_2664 = arith.mulf %broadcast_in_dim3A_45, %add3A_1039 : vector<1x16xf32>
    %add3A_2665 = arith.addf %mul3A_2663, %mul3A_2664 : vector<1x16xf32>
    %mul3A_2666 = arith.mulf %broadcast_in_dim3A_47, %add3A_1063 : vector<1x16xf32>
    %add3A_2667 = arith.addf %add3A_2665, %mul3A_2666 : vector<1x16xf32>
    %mul3A_2668 = arith.mulf %broadcast_in_dim3A_43, %add3A_1023 : vector<1x16xf32>
    %mul3A_2669 = arith.mulf %broadcast_in_dim3A_45, %add3A_1047 : vector<1x16xf32>
    %add3A_2670 = arith.addf %mul3A_2668, %mul3A_2669 : vector<1x16xf32>
    %mul3A_2671 = arith.mulf %broadcast_in_dim3A_47, %add3A_1071 : vector<1x16xf32>
    %add3A_2672 = arith.addf %add3A_2670, %mul3A_2671 : vector<1x16xf32>
    %mul3A_2673 = arith.mulf %broadcast_in_dim3A_49, %add3A_1007 : vector<1x16xf32>
    %mul3A_2674 = arith.mulf %broadcast_in_dim3A_51, %add3A_1031 : vector<1x16xf32>
    %add3A_2675 = arith.addf %mul3A_2673, %mul3A_2674 : vector<1x16xf32>
    %mul3A_2676 = arith.mulf %broadcast_in_dim3A_53, %add3A_1055 : vector<1x16xf32>
    %add3A_2677 = arith.addf %add3A_2675, %mul3A_2676 : vector<1x16xf32>
    %mul3A_2678 = arith.mulf %broadcast_in_dim3A_49, %add3A_1015 : vector<1x16xf32>
    %mul3A_2679 = arith.mulf %broadcast_in_dim3A_51, %add3A_1039 : vector<1x16xf32>
    %add3A_2680 = arith.addf %mul3A_2678, %mul3A_2679 : vector<1x16xf32>
    %mul3A_2681 = arith.mulf %broadcast_in_dim3A_53, %add3A_1063 : vector<1x16xf32>
    %add3A_2682 = arith.addf %add3A_2680, %mul3A_2681 : vector<1x16xf32>
    %mul3A_2683 = arith.mulf %broadcast_in_dim3A_49, %add3A_1023 : vector<1x16xf32>
    %mul3A_2684 = arith.mulf %broadcast_in_dim3A_51, %add3A_1047 : vector<1x16xf32>
    %add3A_2685 = arith.addf %mul3A_2683, %mul3A_2684 : vector<1x16xf32>
    %mul3A_2686 = arith.mulf %broadcast_in_dim3A_53, %add3A_1071 : vector<1x16xf32>
    %add3A_2687 = arith.addf %add3A_2685, %mul3A_2686 : vector<1x16xf32>
    %mul3A_2688 = arith.mulf %broadcast_in_dim3A_37, %sub3A_1081 : vector<1x16xf32>
    %mul3A_2689 = arith.mulf %broadcast_in_dim3A_39, %sub3A_1091 : vector<1x16xf32>
    %add3A_2690 = arith.addf %mul3A_2688, %mul3A_2689 : vector<1x16xf32>
    %mul3A_2691 = arith.mulf %broadcast_in_dim3A_41, %sub3A_1101 : vector<1x16xf32>
    %add3A_2692 = arith.addf %add3A_2690, %mul3A_2691 : vector<1x16xf32>
    %add3A_2693 = arith.addf %broadcast_in_dim3A_55, %add3A_2692 : vector<1x16xf32>
    %mul3A_2694 = arith.mulf %broadcast_in_dim3A_43, %sub3A_1081 : vector<1x16xf32>
    %mul3A_2695 = arith.mulf %broadcast_in_dim3A_45, %sub3A_1091 : vector<1x16xf32>
    %add3A_2696 = arith.addf %mul3A_2694, %mul3A_2695 : vector<1x16xf32>
    %mul3A_2697 = arith.mulf %broadcast_in_dim3A_47, %sub3A_1101 : vector<1x16xf32>
    %add3A_2698 = arith.addf %add3A_2696, %mul3A_2697 : vector<1x16xf32>
    %add3A_2699 = arith.addf %broadcast_in_dim3A_57, %add3A_2698 : vector<1x16xf32>
    %mul3A_2700 = arith.mulf %broadcast_in_dim3A_49, %sub3A_1081 : vector<1x16xf32>
    %mul3A_2701 = arith.mulf %broadcast_in_dim3A_51, %sub3A_1091 : vector<1x16xf32>
    %add3A_2702 = arith.addf %mul3A_2700, %mul3A_2701 : vector<1x16xf32>
    %mul3A_2703 = arith.mulf %broadcast_in_dim3A_53, %sub3A_1101 : vector<1x16xf32>
    %add3A_2704 = arith.addf %add3A_2702, %mul3A_2703 : vector<1x16xf32>
    %add3A_2705 = arith.addf %broadcast_in_dim3A_59, %add3A_2704 : vector<1x16xf32>
    %mul3A_2706 = arith.mulf %add3A_2647, %add3A_1156 : vector<1x16xf32>
    %mul3A_2707 = arith.mulf %add3A_2652, %add3A_1180 : vector<1x16xf32>
    %add3A_2708 = arith.addf %mul3A_2706, %mul3A_2707 : vector<1x16xf32>
    %mul3A_2709 = arith.mulf %add3A_2657, %add3A_1204 : vector<1x16xf32>
    %add3A_2710 = arith.addf %add3A_2708, %mul3A_2709 : vector<1x16xf32>
    %mul3A_2711 = arith.mulf %add3A_2647, %add3A_1164 : vector<1x16xf32>
    %mul3A_2712 = arith.mulf %add3A_2652, %add3A_1188 : vector<1x16xf32>
    %add3A_2713 = arith.addf %mul3A_2711, %mul3A_2712 : vector<1x16xf32>
    %mul3A_2714 = arith.mulf %add3A_2657, %add3A_1212 : vector<1x16xf32>
    %add3A_2715 = arith.addf %add3A_2713, %mul3A_2714 : vector<1x16xf32>
    %mul3A_2716 = arith.mulf %add3A_2647, %add3A_1172 : vector<1x16xf32>
    %mul3A_2717 = arith.mulf %add3A_2652, %add3A_1196 : vector<1x16xf32>
    %add3A_2718 = arith.addf %mul3A_2716, %mul3A_2717 : vector<1x16xf32>
    %mul3A_2719 = arith.mulf %add3A_2657, %add3A_1220 : vector<1x16xf32>
    %add3A_2720 = arith.addf %add3A_2718, %mul3A_2719 : vector<1x16xf32>
    %mul3A_2721 = arith.mulf %add3A_2662, %add3A_1156 : vector<1x16xf32>
    %mul3A_2722 = arith.mulf %add3A_2667, %add3A_1180 : vector<1x16xf32>
    %add3A_2723 = arith.addf %mul3A_2721, %mul3A_2722 : vector<1x16xf32>
    %mul3A_2724 = arith.mulf %add3A_2672, %add3A_1204 : vector<1x16xf32>
    %add3A_2725 = arith.addf %add3A_2723, %mul3A_2724 : vector<1x16xf32>
    %mul3A_2726 = arith.mulf %add3A_2662, %add3A_1164 : vector<1x16xf32>
    %mul3A_2727 = arith.mulf %add3A_2667, %add3A_1188 : vector<1x16xf32>
    %add3A_2728 = arith.addf %mul3A_2726, %mul3A_2727 : vector<1x16xf32>
    %mul3A_2729 = arith.mulf %add3A_2672, %add3A_1212 : vector<1x16xf32>
    %add3A_2730 = arith.addf %add3A_2728, %mul3A_2729 : vector<1x16xf32>
    %mul3A_2731 = arith.mulf %add3A_2662, %add3A_1172 : vector<1x16xf32>
    %mul3A_2732 = arith.mulf %add3A_2667, %add3A_1196 : vector<1x16xf32>
    %add3A_2733 = arith.addf %mul3A_2731, %mul3A_2732 : vector<1x16xf32>
    %mul3A_2734 = arith.mulf %add3A_2672, %add3A_1220 : vector<1x16xf32>
    %add3A_2735 = arith.addf %add3A_2733, %mul3A_2734 : vector<1x16xf32>
    %mul3A_2736 = arith.mulf %add3A_2677, %add3A_1156 : vector<1x16xf32>
    %mul3A_2737 = arith.mulf %add3A_2682, %add3A_1180 : vector<1x16xf32>
    %add3A_2738 = arith.addf %mul3A_2736, %mul3A_2737 : vector<1x16xf32>
    %mul3A_2739 = arith.mulf %add3A_2687, %add3A_1204 : vector<1x16xf32>
    %add3A_2740 = arith.addf %add3A_2738, %mul3A_2739 : vector<1x16xf32>
    %mul3A_2741 = arith.mulf %add3A_2677, %add3A_1164 : vector<1x16xf32>
    %mul3A_2742 = arith.mulf %add3A_2682, %add3A_1188 : vector<1x16xf32>
    %add3A_2743 = arith.addf %mul3A_2741, %mul3A_2742 : vector<1x16xf32>
    %mul3A_2744 = arith.mulf %add3A_2687, %add3A_1212 : vector<1x16xf32>
    %add3A_2745 = arith.addf %add3A_2743, %mul3A_2744 : vector<1x16xf32>
    %mul3A_2746 = arith.mulf %add3A_2677, %add3A_1172 : vector<1x16xf32>
    %mul3A_2747 = arith.mulf %add3A_2682, %add3A_1196 : vector<1x16xf32>
    %add3A_2748 = arith.addf %mul3A_2746, %mul3A_2747 : vector<1x16xf32>
    %mul3A_2749 = arith.mulf %add3A_2687, %add3A_1220 : vector<1x16xf32>
    %add3A_2750 = arith.addf %add3A_2748, %mul3A_2749 : vector<1x16xf32>
    %mul3A_2751 = arith.mulf %add3A_2647, %sub3A_1230 : vector<1x16xf32>
    %mul3A_2752 = arith.mulf %add3A_2652, %sub3A_1240 : vector<1x16xf32>
    %add3A_2753 = arith.addf %mul3A_2751, %mul3A_2752 : vector<1x16xf32>
    %mul3A_2754 = arith.mulf %add3A_2657, %sub3A_1250 : vector<1x16xf32>
    %add3A_2755 = arith.addf %add3A_2753, %mul3A_2754 : vector<1x16xf32>
    %add3A_2756 = arith.addf %add3A_2693, %add3A_2755 : vector<1x16xf32>
    %mul3A_2757 = arith.mulf %add3A_2662, %sub3A_1230 : vector<1x16xf32>
    %mul3A_2758 = arith.mulf %add3A_2667, %sub3A_1240 : vector<1x16xf32>
    %add3A_2759 = arith.addf %mul3A_2757, %mul3A_2758 : vector<1x16xf32>
    %mul3A_2760 = arith.mulf %add3A_2672, %sub3A_1250 : vector<1x16xf32>
    %add3A_2761 = arith.addf %add3A_2759, %mul3A_2760 : vector<1x16xf32>
    %add3A_2762 = arith.addf %add3A_2699, %add3A_2761 : vector<1x16xf32>
    %mul3A_2763 = arith.mulf %add3A_2677, %sub3A_1230 : vector<1x16xf32>
    %mul3A_2764 = arith.mulf %add3A_2682, %sub3A_1240 : vector<1x16xf32>
    %add3A_2765 = arith.addf %mul3A_2763, %mul3A_2764 : vector<1x16xf32>
    %mul3A_2766 = arith.mulf %add3A_2687, %sub3A_1250 : vector<1x16xf32>
    %add3A_2767 = arith.addf %add3A_2765, %mul3A_2766 : vector<1x16xf32>
    %add3A_2768 = arith.addf %add3A_2705, %add3A_2767 : vector<1x16xf32>
    %mul3A_2769 = arith.mulf %add3A_2710, %add3A_1305 : vector<1x16xf32>
    %mul3A_2770 = arith.mulf %add3A_2715, %add3A_1329 : vector<1x16xf32>
    %add3A_2771 = arith.addf %mul3A_2769, %mul3A_2770 : vector<1x16xf32>
    %mul3A_2772 = arith.mulf %add3A_2720, %add3A_1353 : vector<1x16xf32>
    %add3A_2773 = arith.addf %add3A_2771, %mul3A_2772 : vector<1x16xf32>
    %mul3A_2774 = arith.mulf %add3A_2710, %add3A_1313 : vector<1x16xf32>
    %mul3A_2775 = arith.mulf %add3A_2715, %add3A_1337 : vector<1x16xf32>
    %add3A_2776 = arith.addf %mul3A_2774, %mul3A_2775 : vector<1x16xf32>
    %mul3A_2777 = arith.mulf %add3A_2720, %add3A_1361 : vector<1x16xf32>
    %add3A_2778 = arith.addf %add3A_2776, %mul3A_2777 : vector<1x16xf32>
    %mul3A_2779 = arith.mulf %add3A_2710, %add3A_1321 : vector<1x16xf32>
    %mul3A_2780 = arith.mulf %add3A_2715, %add3A_1345 : vector<1x16xf32>
    %add3A_2781 = arith.addf %mul3A_2779, %mul3A_2780 : vector<1x16xf32>
    %mul3A_2782 = arith.mulf %add3A_2720, %add3A_1369 : vector<1x16xf32>
    %add3A_2783 = arith.addf %add3A_2781, %mul3A_2782 : vector<1x16xf32>
    %mul3A_2784 = arith.mulf %add3A_2725, %add3A_1305 : vector<1x16xf32>
    %mul3A_2785 = arith.mulf %add3A_2730, %add3A_1329 : vector<1x16xf32>
    %add3A_2786 = arith.addf %mul3A_2784, %mul3A_2785 : vector<1x16xf32>
    %mul3A_2787 = arith.mulf %add3A_2735, %add3A_1353 : vector<1x16xf32>
    %add3A_2788 = arith.addf %add3A_2786, %mul3A_2787 : vector<1x16xf32>
    %mul3A_2789 = arith.mulf %add3A_2725, %add3A_1313 : vector<1x16xf32>
    %mul3A_2790 = arith.mulf %add3A_2730, %add3A_1337 : vector<1x16xf32>
    %add3A_2791 = arith.addf %mul3A_2789, %mul3A_2790 : vector<1x16xf32>
    %mul3A_2792 = arith.mulf %add3A_2735, %add3A_1361 : vector<1x16xf32>
    %add3A_2793 = arith.addf %add3A_2791, %mul3A_2792 : vector<1x16xf32>
    %mul3A_2794 = arith.mulf %add3A_2725, %add3A_1321 : vector<1x16xf32>
    %mul3A_2795 = arith.mulf %add3A_2730, %add3A_1345 : vector<1x16xf32>
    %add3A_2796 = arith.addf %mul3A_2794, %mul3A_2795 : vector<1x16xf32>
    %mul3A_2797 = arith.mulf %add3A_2735, %add3A_1369 : vector<1x16xf32>
    %add3A_2798 = arith.addf %add3A_2796, %mul3A_2797 : vector<1x16xf32>
    %mul3A_2799 = arith.mulf %add3A_2740, %add3A_1305 : vector<1x16xf32>
    %mul3A_2800 = arith.mulf %add3A_2745, %add3A_1329 : vector<1x16xf32>
    %add3A_2801 = arith.addf %mul3A_2799, %mul3A_2800 : vector<1x16xf32>
    %mul3A_2802 = arith.mulf %add3A_2750, %add3A_1353 : vector<1x16xf32>
    %add3A_2803 = arith.addf %add3A_2801, %mul3A_2802 : vector<1x16xf32>
    %mul3A_2804 = arith.mulf %add3A_2740, %add3A_1313 : vector<1x16xf32>
    %mul3A_2805 = arith.mulf %add3A_2745, %add3A_1337 : vector<1x16xf32>
    %add3A_2806 = arith.addf %mul3A_2804, %mul3A_2805 : vector<1x16xf32>
    %mul3A_2807 = arith.mulf %add3A_2750, %add3A_1361 : vector<1x16xf32>
    %add3A_2808 = arith.addf %add3A_2806, %mul3A_2807 : vector<1x16xf32>
    %mul3A_2809 = arith.mulf %add3A_2740, %add3A_1321 : vector<1x16xf32>
    %mul3A_2810 = arith.mulf %add3A_2745, %add3A_1345 : vector<1x16xf32>
    %add3A_2811 = arith.addf %mul3A_2809, %mul3A_2810 : vector<1x16xf32>
    %mul3A_2812 = arith.mulf %add3A_2750, %add3A_1369 : vector<1x16xf32>
    %add3A_2813 = arith.addf %add3A_2811, %mul3A_2812 : vector<1x16xf32>
    %mul3A_2814 = arith.mulf %add3A_2710, %sub3A_1379 : vector<1x16xf32>
    %mul3A_2815 = arith.mulf %add3A_2715, %sub3A_1389 : vector<1x16xf32>
    %add3A_2816 = arith.addf %mul3A_2814, %mul3A_2815 : vector<1x16xf32>
    %mul3A_2817 = arith.mulf %add3A_2720, %sub3A_1399 : vector<1x16xf32>
    %add3A_2818 = arith.addf %add3A_2816, %mul3A_2817 : vector<1x16xf32>
    %add3A_2819 = arith.addf %add3A_2756, %add3A_2818 : vector<1x16xf32>
    %mul3A_2820 = arith.mulf %add3A_2725, %sub3A_1379 : vector<1x16xf32>
    %mul3A_2821 = arith.mulf %add3A_2730, %sub3A_1389 : vector<1x16xf32>
    %add3A_2822 = arith.addf %mul3A_2820, %mul3A_2821 : vector<1x16xf32>
    %mul3A_2823 = arith.mulf %add3A_2735, %sub3A_1399 : vector<1x16xf32>
    %add3A_2824 = arith.addf %add3A_2822, %mul3A_2823 : vector<1x16xf32>
    %add3A_2825 = arith.addf %add3A_2762, %add3A_2824 : vector<1x16xf32>
    %mul3A_2826 = arith.mulf %add3A_2740, %sub3A_1379 : vector<1x16xf32>
    %mul3A_2827 = arith.mulf %add3A_2745, %sub3A_1389 : vector<1x16xf32>
    %add3A_2828 = arith.addf %mul3A_2826, %mul3A_2827 : vector<1x16xf32>
    %mul3A_2829 = arith.mulf %add3A_2750, %sub3A_1399 : vector<1x16xf32>
    %add3A_2830 = arith.addf %add3A_2828, %mul3A_2829 : vector<1x16xf32>
    %add3A_2831 = arith.addf %add3A_2768, %add3A_2830 : vector<1x16xf32>
    %mul3A_2832 = arith.mulf %broadcast_in_dim3A_37, %add3A_1454 : vector<1x16xf32>
    %mul3A_2833 = arith.mulf %broadcast_in_dim3A_39, %add3A_1478 : vector<1x16xf32>
    %add3A_2834 = arith.addf %mul3A_2832, %mul3A_2833 : vector<1x16xf32>
    %mul3A_2835 = arith.mulf %broadcast_in_dim3A_41, %add3A_1502 : vector<1x16xf32>
    %add3A_2836 = arith.addf %add3A_2834, %mul3A_2835 : vector<1x16xf32>
    %mul3A_2837 = arith.mulf %broadcast_in_dim3A_37, %add3A_1462 : vector<1x16xf32>
    %mul3A_2838 = arith.mulf %broadcast_in_dim3A_39, %add3A_1486 : vector<1x16xf32>
    %add3A_2839 = arith.addf %mul3A_2837, %mul3A_2838 : vector<1x16xf32>
    %mul3A_2840 = arith.mulf %broadcast_in_dim3A_41, %add3A_1510 : vector<1x16xf32>
    %add3A_2841 = arith.addf %add3A_2839, %mul3A_2840 : vector<1x16xf32>
    %mul3A_2842 = arith.mulf %broadcast_in_dim3A_37, %add3A_1470 : vector<1x16xf32>
    %mul3A_2843 = arith.mulf %broadcast_in_dim3A_39, %add3A_1494 : vector<1x16xf32>
    %add3A_2844 = arith.addf %mul3A_2842, %mul3A_2843 : vector<1x16xf32>
    %mul3A_2845 = arith.mulf %broadcast_in_dim3A_41, %add3A_1518 : vector<1x16xf32>
    %add3A_2846 = arith.addf %add3A_2844, %mul3A_2845 : vector<1x16xf32>
    %mul3A_2847 = arith.mulf %broadcast_in_dim3A_43, %add3A_1454 : vector<1x16xf32>
    %mul3A_2848 = arith.mulf %broadcast_in_dim3A_45, %add3A_1478 : vector<1x16xf32>
    %add3A_2849 = arith.addf %mul3A_2847, %mul3A_2848 : vector<1x16xf32>
    %mul3A_2850 = arith.mulf %broadcast_in_dim3A_47, %add3A_1502 : vector<1x16xf32>
    %add3A_2851 = arith.addf %add3A_2849, %mul3A_2850 : vector<1x16xf32>
    %mul3A_2852 = arith.mulf %broadcast_in_dim3A_43, %add3A_1462 : vector<1x16xf32>
    %mul3A_2853 = arith.mulf %broadcast_in_dim3A_45, %add3A_1486 : vector<1x16xf32>
    %add3A_2854 = arith.addf %mul3A_2852, %mul3A_2853 : vector<1x16xf32>
    %mul3A_2855 = arith.mulf %broadcast_in_dim3A_47, %add3A_1510 : vector<1x16xf32>
    %add3A_2856 = arith.addf %add3A_2854, %mul3A_2855 : vector<1x16xf32>
    %mul3A_2857 = arith.mulf %broadcast_in_dim3A_43, %add3A_1470 : vector<1x16xf32>
    %mul3A_2858 = arith.mulf %broadcast_in_dim3A_45, %add3A_1494 : vector<1x16xf32>
    %add3A_2859 = arith.addf %mul3A_2857, %mul3A_2858 : vector<1x16xf32>
    %mul3A_2860 = arith.mulf %broadcast_in_dim3A_47, %add3A_1518 : vector<1x16xf32>
    %add3A_2861 = arith.addf %add3A_2859, %mul3A_2860 : vector<1x16xf32>
    %mul3A_2862 = arith.mulf %broadcast_in_dim3A_49, %add3A_1454 : vector<1x16xf32>
    %mul3A_2863 = arith.mulf %broadcast_in_dim3A_51, %add3A_1478 : vector<1x16xf32>
    %add3A_2864 = arith.addf %mul3A_2862, %mul3A_2863 : vector<1x16xf32>
    %mul3A_2865 = arith.mulf %broadcast_in_dim3A_53, %add3A_1502 : vector<1x16xf32>
    %add3A_2866 = arith.addf %add3A_2864, %mul3A_2865 : vector<1x16xf32>
    %mul3A_2867 = arith.mulf %broadcast_in_dim3A_49, %add3A_1462 : vector<1x16xf32>
    %mul3A_2868 = arith.mulf %broadcast_in_dim3A_51, %add3A_1486 : vector<1x16xf32>
    %add3A_2869 = arith.addf %mul3A_2867, %mul3A_2868 : vector<1x16xf32>
    %mul3A_2870 = arith.mulf %broadcast_in_dim3A_53, %add3A_1510 : vector<1x16xf32>
    %add3A_2871 = arith.addf %add3A_2869, %mul3A_2870 : vector<1x16xf32>
    %mul3A_2872 = arith.mulf %broadcast_in_dim3A_49, %add3A_1470 : vector<1x16xf32>
    %mul3A_2873 = arith.mulf %broadcast_in_dim3A_51, %add3A_1494 : vector<1x16xf32>
    %add3A_2874 = arith.addf %mul3A_2872, %mul3A_2873 : vector<1x16xf32>
    %mul3A_2875 = arith.mulf %broadcast_in_dim3A_53, %add3A_1518 : vector<1x16xf32>
    %add3A_2876 = arith.addf %add3A_2874, %mul3A_2875 : vector<1x16xf32>
    %mul3A_2877 = arith.mulf %broadcast_in_dim3A_37, %sub3A_1528 : vector<1x16xf32>
    %mul3A_2878 = arith.mulf %broadcast_in_dim3A_39, %sub3A_1538 : vector<1x16xf32>
    %add3A_2879 = arith.addf %mul3A_2877, %mul3A_2878 : vector<1x16xf32>
    %mul3A_2880 = arith.mulf %broadcast_in_dim3A_41, %sub3A_1548 : vector<1x16xf32>
    %add3A_2881 = arith.addf %add3A_2879, %mul3A_2880 : vector<1x16xf32>
    %add3A_2882 = arith.addf %broadcast_in_dim3A_55, %add3A_2881 : vector<1x16xf32>
    %mul3A_2883 = arith.mulf %broadcast_in_dim3A_43, %sub3A_1528 : vector<1x16xf32>
    %mul3A_2884 = arith.mulf %broadcast_in_dim3A_45, %sub3A_1538 : vector<1x16xf32>
    %add3A_2885 = arith.addf %mul3A_2883, %mul3A_2884 : vector<1x16xf32>
    %mul3A_2886 = arith.mulf %broadcast_in_dim3A_47, %sub3A_1548 : vector<1x16xf32>
    %add3A_2887 = arith.addf %add3A_2885, %mul3A_2886 : vector<1x16xf32>
    %add3A_2888 = arith.addf %broadcast_in_dim3A_57, %add3A_2887 : vector<1x16xf32>
    %mul3A_2889 = arith.mulf %broadcast_in_dim3A_49, %sub3A_1528 : vector<1x16xf32>
    %mul3A_2890 = arith.mulf %broadcast_in_dim3A_51, %sub3A_1538 : vector<1x16xf32>
    %add3A_2891 = arith.addf %mul3A_2889, %mul3A_2890 : vector<1x16xf32>
    %mul3A_2892 = arith.mulf %broadcast_in_dim3A_53, %sub3A_1548 : vector<1x16xf32>
    %add3A_2893 = arith.addf %add3A_2891, %mul3A_2892 : vector<1x16xf32>
    %add3A_2894 = arith.addf %broadcast_in_dim3A_59, %add3A_2893 : vector<1x16xf32>
    %mul3A_2895 = arith.mulf %broadcast_in_dim3A_37, %add3A_1454 : vector<1x16xf32>
    %mul3A_2896 = arith.mulf %broadcast_in_dim3A_39, %add3A_1478 : vector<1x16xf32>
    %add3A_2897 = arith.addf %mul3A_2895, %mul3A_2896 : vector<1x16xf32>
    %mul3A_2898 = arith.mulf %broadcast_in_dim3A_41, %add3A_1502 : vector<1x16xf32>
    %add3A_2899 = arith.addf %add3A_2897, %mul3A_2898 : vector<1x16xf32>
    %mul3A_2900 = arith.mulf %broadcast_in_dim3A_37, %add3A_1462 : vector<1x16xf32>
    %mul3A_2901 = arith.mulf %broadcast_in_dim3A_39, %add3A_1486 : vector<1x16xf32>
    %add3A_2902 = arith.addf %mul3A_2900, %mul3A_2901 : vector<1x16xf32>
    %mul3A_2903 = arith.mulf %broadcast_in_dim3A_41, %add3A_1510 : vector<1x16xf32>
    %add3A_2904 = arith.addf %add3A_2902, %mul3A_2903 : vector<1x16xf32>
    %mul3A_2905 = arith.mulf %broadcast_in_dim3A_37, %add3A_1470 : vector<1x16xf32>
    %mul3A_2906 = arith.mulf %broadcast_in_dim3A_39, %add3A_1494 : vector<1x16xf32>
    %add3A_2907 = arith.addf %mul3A_2905, %mul3A_2906 : vector<1x16xf32>
    %mul3A_2908 = arith.mulf %broadcast_in_dim3A_41, %add3A_1518 : vector<1x16xf32>
    %add3A_2909 = arith.addf %add3A_2907, %mul3A_2908 : vector<1x16xf32>
    %mul3A_2910 = arith.mulf %broadcast_in_dim3A_43, %add3A_1454 : vector<1x16xf32>
    %mul3A_2911 = arith.mulf %broadcast_in_dim3A_45, %add3A_1478 : vector<1x16xf32>
    %add3A_2912 = arith.addf %mul3A_2910, %mul3A_2911 : vector<1x16xf32>
    %mul3A_2913 = arith.mulf %broadcast_in_dim3A_47, %add3A_1502 : vector<1x16xf32>
    %add3A_2914 = arith.addf %add3A_2912, %mul3A_2913 : vector<1x16xf32>
    %mul3A_2915 = arith.mulf %broadcast_in_dim3A_43, %add3A_1462 : vector<1x16xf32>
    %mul3A_2916 = arith.mulf %broadcast_in_dim3A_45, %add3A_1486 : vector<1x16xf32>
    %add3A_2917 = arith.addf %mul3A_2915, %mul3A_2916 : vector<1x16xf32>
    %mul3A_2918 = arith.mulf %broadcast_in_dim3A_47, %add3A_1510 : vector<1x16xf32>
    %add3A_2919 = arith.addf %add3A_2917, %mul3A_2918 : vector<1x16xf32>
    %mul3A_2920 = arith.mulf %broadcast_in_dim3A_43, %add3A_1470 : vector<1x16xf32>
    %mul3A_2921 = arith.mulf %broadcast_in_dim3A_45, %add3A_1494 : vector<1x16xf32>
    %add3A_2922 = arith.addf %mul3A_2920, %mul3A_2921 : vector<1x16xf32>
    %mul3A_2923 = arith.mulf %broadcast_in_dim3A_47, %add3A_1518 : vector<1x16xf32>
    %add3A_2924 = arith.addf %add3A_2922, %mul3A_2923 : vector<1x16xf32>
    %mul3A_2925 = arith.mulf %broadcast_in_dim3A_49, %add3A_1454 : vector<1x16xf32>
    %mul3A_2926 = arith.mulf %broadcast_in_dim3A_51, %add3A_1478 : vector<1x16xf32>
    %add3A_2927 = arith.addf %mul3A_2925, %mul3A_2926 : vector<1x16xf32>
    %mul3A_2928 = arith.mulf %broadcast_in_dim3A_53, %add3A_1502 : vector<1x16xf32>
    %add3A_2929 = arith.addf %add3A_2927, %mul3A_2928 : vector<1x16xf32>
    %mul3A_2930 = arith.mulf %broadcast_in_dim3A_49, %add3A_1462 : vector<1x16xf32>
    %mul3A_2931 = arith.mulf %broadcast_in_dim3A_51, %add3A_1486 : vector<1x16xf32>
    %add3A_2932 = arith.addf %mul3A_2930, %mul3A_2931 : vector<1x16xf32>
    %mul3A_2933 = arith.mulf %broadcast_in_dim3A_53, %add3A_1510 : vector<1x16xf32>
    %add3A_2934 = arith.addf %add3A_2932, %mul3A_2933 : vector<1x16xf32>
    %mul3A_2935 = arith.mulf %broadcast_in_dim3A_49, %add3A_1470 : vector<1x16xf32>
    %mul3A_2936 = arith.mulf %broadcast_in_dim3A_51, %add3A_1494 : vector<1x16xf32>
    %add3A_2937 = arith.addf %mul3A_2935, %mul3A_2936 : vector<1x16xf32>
    %mul3A_2938 = arith.mulf %broadcast_in_dim3A_53, %add3A_1518 : vector<1x16xf32>
    %add3A_2939 = arith.addf %add3A_2937, %mul3A_2938 : vector<1x16xf32>
    %mul3A_2940 = arith.mulf %broadcast_in_dim3A_37, %sub3A_1528 : vector<1x16xf32>
    %mul3A_2941 = arith.mulf %broadcast_in_dim3A_39, %sub3A_1538 : vector<1x16xf32>
    %add3A_2942 = arith.addf %mul3A_2940, %mul3A_2941 : vector<1x16xf32>
    %mul3A_2943 = arith.mulf %broadcast_in_dim3A_41, %sub3A_1548 : vector<1x16xf32>
    %add3A_2944 = arith.addf %add3A_2942, %mul3A_2943 : vector<1x16xf32>
    %add3A_2945 = arith.addf %broadcast_in_dim3A_55, %add3A_2944 : vector<1x16xf32>
    %mul3A_2946 = arith.mulf %broadcast_in_dim3A_43, %sub3A_1528 : vector<1x16xf32>
    %mul3A_2947 = arith.mulf %broadcast_in_dim3A_45, %sub3A_1538 : vector<1x16xf32>
    %add3A_2948 = arith.addf %mul3A_2946, %mul3A_2947 : vector<1x16xf32>
    %mul3A_2949 = arith.mulf %broadcast_in_dim3A_47, %sub3A_1548 : vector<1x16xf32>
    %add3A_2950 = arith.addf %add3A_2948, %mul3A_2949 : vector<1x16xf32>
    %add3A_2951 = arith.addf %broadcast_in_dim3A_57, %add3A_2950 : vector<1x16xf32>
    %mul3A_2952 = arith.mulf %broadcast_in_dim3A_49, %sub3A_1528 : vector<1x16xf32>
    %mul3A_2953 = arith.mulf %broadcast_in_dim3A_51, %sub3A_1538 : vector<1x16xf32>
    %add3A_2954 = arith.addf %mul3A_2952, %mul3A_2953 : vector<1x16xf32>
    %mul3A_2955 = arith.mulf %broadcast_in_dim3A_53, %sub3A_1548 : vector<1x16xf32>
    %add3A_2956 = arith.addf %add3A_2954, %mul3A_2955 : vector<1x16xf32>
    %add3A_2957 = arith.addf %broadcast_in_dim3A_59, %add3A_2956 : vector<1x16xf32>
    %mul3A_2958 = arith.mulf %add3A_2899, %add3A_1603 : vector<1x16xf32>
    %mul3A_2959 = arith.mulf %add3A_2904, %add3A_1627 : vector<1x16xf32>
    %add3A_2960 = arith.addf %mul3A_2958, %mul3A_2959 : vector<1x16xf32>
    %mul3A_2961 = arith.mulf %add3A_2909, %add3A_1651 : vector<1x16xf32>
    %add3A_2962 = arith.addf %add3A_2960, %mul3A_2961 : vector<1x16xf32>
    %mul3A_2963 = arith.mulf %add3A_2899, %add3A_1611 : vector<1x16xf32>
    %mul3A_2964 = arith.mulf %add3A_2904, %add3A_1635 : vector<1x16xf32>
    %add3A_2965 = arith.addf %mul3A_2963, %mul3A_2964 : vector<1x16xf32>
    %mul3A_2966 = arith.mulf %add3A_2909, %add3A_1659 : vector<1x16xf32>
    %add3A_2967 = arith.addf %add3A_2965, %mul3A_2966 : vector<1x16xf32>
    %mul3A_2968 = arith.mulf %add3A_2899, %add3A_1619 : vector<1x16xf32>
    %mul3A_2969 = arith.mulf %add3A_2904, %add3A_1643 : vector<1x16xf32>
    %add3A_2970 = arith.addf %mul3A_2968, %mul3A_2969 : vector<1x16xf32>
    %mul3A_2971 = arith.mulf %add3A_2909, %add3A_1667 : vector<1x16xf32>
    %add3A_2972 = arith.addf %add3A_2970, %mul3A_2971 : vector<1x16xf32>
    %mul3A_2973 = arith.mulf %add3A_2914, %add3A_1603 : vector<1x16xf32>
    %mul3A_2974 = arith.mulf %add3A_2919, %add3A_1627 : vector<1x16xf32>
    %add3A_2975 = arith.addf %mul3A_2973, %mul3A_2974 : vector<1x16xf32>
    %mul3A_2976 = arith.mulf %add3A_2924, %add3A_1651 : vector<1x16xf32>
    %add3A_2977 = arith.addf %add3A_2975, %mul3A_2976 : vector<1x16xf32>
    %mul3A_2978 = arith.mulf %add3A_2914, %add3A_1611 : vector<1x16xf32>
    %mul3A_2979 = arith.mulf %add3A_2919, %add3A_1635 : vector<1x16xf32>
    %add3A_2980 = arith.addf %mul3A_2978, %mul3A_2979 : vector<1x16xf32>
    %mul3A_2981 = arith.mulf %add3A_2924, %add3A_1659 : vector<1x16xf32>
    %add3A_2982 = arith.addf %add3A_2980, %mul3A_2981 : vector<1x16xf32>
    %mul3A_2983 = arith.mulf %add3A_2914, %add3A_1619 : vector<1x16xf32>
    %mul3A_2984 = arith.mulf %add3A_2919, %add3A_1643 : vector<1x16xf32>
    %add3A_2985 = arith.addf %mul3A_2983, %mul3A_2984 : vector<1x16xf32>
    %mul3A_2986 = arith.mulf %add3A_2924, %add3A_1667 : vector<1x16xf32>
    %add3A_2987 = arith.addf %add3A_2985, %mul3A_2986 : vector<1x16xf32>
    %mul3A_2988 = arith.mulf %add3A_2929, %add3A_1603 : vector<1x16xf32>
    %mul3A_2989 = arith.mulf %add3A_2934, %add3A_1627 : vector<1x16xf32>
    %add3A_2990 = arith.addf %mul3A_2988, %mul3A_2989 : vector<1x16xf32>
    %mul3A_2991 = arith.mulf %add3A_2939, %add3A_1651 : vector<1x16xf32>
    %add3A_2992 = arith.addf %add3A_2990, %mul3A_2991 : vector<1x16xf32>
    %mul3A_2993 = arith.mulf %add3A_2929, %add3A_1611 : vector<1x16xf32>
    %mul3A_2994 = arith.mulf %add3A_2934, %add3A_1635 : vector<1x16xf32>
    %add3A_2995 = arith.addf %mul3A_2993, %mul3A_2994 : vector<1x16xf32>
    %mul3A_2996 = arith.mulf %add3A_2939, %add3A_1659 : vector<1x16xf32>
    %add3A_2997 = arith.addf %add3A_2995, %mul3A_2996 : vector<1x16xf32>
    %mul3A_2998 = arith.mulf %add3A_2929, %add3A_1619 : vector<1x16xf32>
    %mul3A_2999 = arith.mulf %add3A_2934, %add3A_1643 : vector<1x16xf32>
    %add3A_3000 = arith.addf %mul3A_2998, %mul3A_2999 : vector<1x16xf32>
    %mul3A_3001 = arith.mulf %add3A_2939, %add3A_1667 : vector<1x16xf32>
    %add3A_3002 = arith.addf %add3A_3000, %mul3A_3001 : vector<1x16xf32>
    %mul3A_3003 = arith.mulf %add3A_2899, %sub3A_1677 : vector<1x16xf32>
    %mul3A_3004 = arith.mulf %add3A_2904, %sub3A_1687 : vector<1x16xf32>
    %add3A_3005 = arith.addf %mul3A_3003, %mul3A_3004 : vector<1x16xf32>
    %mul3A_3006 = arith.mulf %add3A_2909, %sub3A_1697 : vector<1x16xf32>
    %add3A_3007 = arith.addf %add3A_3005, %mul3A_3006 : vector<1x16xf32>
    %add3A_3008 = arith.addf %add3A_2945, %add3A_3007 : vector<1x16xf32>
    %mul3A_3009 = arith.mulf %add3A_2914, %sub3A_1677 : vector<1x16xf32>
    %mul3A_3010 = arith.mulf %add3A_2919, %sub3A_1687 : vector<1x16xf32>
    %add3A_3011 = arith.addf %mul3A_3009, %mul3A_3010 : vector<1x16xf32>
    %mul3A_3012 = arith.mulf %add3A_2924, %sub3A_1697 : vector<1x16xf32>
    %add3A_3013 = arith.addf %add3A_3011, %mul3A_3012 : vector<1x16xf32>
    %add3A_3014 = arith.addf %add3A_2951, %add3A_3013 : vector<1x16xf32>
    %mul3A_3015 = arith.mulf %add3A_2929, %sub3A_1677 : vector<1x16xf32>
    %mul3A_3016 = arith.mulf %add3A_2934, %sub3A_1687 : vector<1x16xf32>
    %add3A_3017 = arith.addf %mul3A_3015, %mul3A_3016 : vector<1x16xf32>
    %mul3A_3018 = arith.mulf %add3A_2939, %sub3A_1697 : vector<1x16xf32>
    %add3A_3019 = arith.addf %add3A_3017, %mul3A_3018 : vector<1x16xf32>
    %add3A_3020 = arith.addf %add3A_2957, %add3A_3019 : vector<1x16xf32>
    %broadcast_in_dim3A_3021 = arith.constant 0.000000e+00 : f32
    %broadcast_in_dim3A_3022 = vector.broadcast %broadcast_in_dim3A_3021 : f32 to vector<1x16xf32>
    %broadcast_in_dim3A_3023 = arith.constant 1.000000e+00 : f32
    %broadcast_in_dim3A_3024 = vector.broadcast %broadcast_in_dim3A_3023 : f32 to vector<1x16xf32>
    %add3A_3025 = arith.addf %broadcast_in_dim3A_37, %broadcast_in_dim3A_3022 : vector<1x16xf32>
    %add3A_3026 = arith.addf %broadcast_in_dim3A_39, %broadcast_in_dim3A_3022 : vector<1x16xf32>
    %add3A_3027 = arith.addf %broadcast_in_dim3A_41, %broadcast_in_dim3A_3022 : vector<1x16xf32>
    %add3A_3028 = arith.addf %broadcast_in_dim3A_55, %broadcast_in_dim3A_3022 : vector<1x16xf32>
    %add3A_3029 = arith.addf %broadcast_in_dim3A_43, %broadcast_in_dim3A_3022 : vector<1x16xf32>
    %add3A_3030 = arith.addf %broadcast_in_dim3A_45, %broadcast_in_dim3A_3022 : vector<1x16xf32>
    %add3A_3031 = arith.addf %broadcast_in_dim3A_47, %broadcast_in_dim3A_3022 : vector<1x16xf32>
    %add3A_3032 = arith.addf %broadcast_in_dim3A_57, %broadcast_in_dim3A_3022 : vector<1x16xf32>
    %add3A_3033 = arith.addf %broadcast_in_dim3A_49, %broadcast_in_dim3A_3022 : vector<1x16xf32>
    %add3A_3034 = arith.addf %broadcast_in_dim3A_51, %broadcast_in_dim3A_3022 : vector<1x16xf32>
    %add3A_3035 = arith.addf %broadcast_in_dim3A_53, %broadcast_in_dim3A_3022 : vector<1x16xf32>
    %add3A_3036 = arith.addf %broadcast_in_dim3A_59, %broadcast_in_dim3A_3022 : vector<1x16xf32>
    %add3A_3037 = arith.addf %add3A_1702, %broadcast_in_dim3A_3022 : vector<1x16xf32>
    %add3A_3038 = arith.addf %add3A_1707, %broadcast_in_dim3A_3022 : vector<1x16xf32>
    %add3A_3039 = arith.addf %add3A_1712, %broadcast_in_dim3A_3022 : vector<1x16xf32>
    %add3A_3040 = arith.addf %add3A_1748, %broadcast_in_dim3A_3022 : vector<1x16xf32>
    %add3A_3041 = arith.addf %add3A_1717, %broadcast_in_dim3A_3022 : vector<1x16xf32>
    %add3A_3042 = arith.addf %add3A_1722, %broadcast_in_dim3A_3022 : vector<1x16xf32>
    %add3A_3043 = arith.addf %add3A_1727, %broadcast_in_dim3A_3022 : vector<1x16xf32>
    %add3A_3044 = arith.addf %add3A_1754, %broadcast_in_dim3A_3022 : vector<1x16xf32>
    %add3A_3045 = arith.addf %add3A_1732, %broadcast_in_dim3A_3022 : vector<1x16xf32>
    %add3A_3046 = arith.addf %add3A_1737, %broadcast_in_dim3A_3022 : vector<1x16xf32>
    %add3A_3047 = arith.addf %add3A_1742, %broadcast_in_dim3A_3022 : vector<1x16xf32>
    %add3A_3048 = arith.addf %add3A_1760, %broadcast_in_dim3A_3022 : vector<1x16xf32>
    %add3A_3049 = arith.addf %add3A_1828, %broadcast_in_dim3A_3022 : vector<1x16xf32>
    %add3A_3050 = arith.addf %add3A_1833, %broadcast_in_dim3A_3022 : vector<1x16xf32>
    %add3A_3051 = arith.addf %add3A_1838, %broadcast_in_dim3A_3022 : vector<1x16xf32>
    %add3A_3052 = arith.addf %add3A_1874, %broadcast_in_dim3A_3022 : vector<1x16xf32>
    %add3A_3053 = arith.addf %add3A_1843, %broadcast_in_dim3A_3022 : vector<1x16xf32>
    %add3A_3054 = arith.addf %add3A_1848, %broadcast_in_dim3A_3022 : vector<1x16xf32>
    %add3A_3055 = arith.addf %add3A_1853, %broadcast_in_dim3A_3022 : vector<1x16xf32>
    %add3A_3056 = arith.addf %add3A_1880, %broadcast_in_dim3A_3022 : vector<1x16xf32>
    %add3A_3057 = arith.addf %add3A_1858, %broadcast_in_dim3A_3022 : vector<1x16xf32>
    %add3A_3058 = arith.addf %add3A_1863, %broadcast_in_dim3A_3022 : vector<1x16xf32>
    %add3A_3059 = arith.addf %add3A_1868, %broadcast_in_dim3A_3022 : vector<1x16xf32>
    %add3A_3060 = arith.addf %add3A_1886, %broadcast_in_dim3A_3022 : vector<1x16xf32>
    %add3A_3061 = arith.addf %add3A_2017, %broadcast_in_dim3A_3022 : vector<1x16xf32>
    %add3A_3062 = arith.addf %add3A_2022, %broadcast_in_dim3A_3022 : vector<1x16xf32>
    %add3A_3063 = arith.addf %add3A_2027, %broadcast_in_dim3A_3022 : vector<1x16xf32>
    %add3A_3064 = arith.addf %add3A_2063, %broadcast_in_dim3A_3022 : vector<1x16xf32>
    %add3A_3065 = arith.addf %add3A_2032, %broadcast_in_dim3A_3022 : vector<1x16xf32>
    %add3A_3066 = arith.addf %add3A_2037, %broadcast_in_dim3A_3022 : vector<1x16xf32>
    %add3A_3067 = arith.addf %add3A_2042, %broadcast_in_dim3A_3022 : vector<1x16xf32>
    %add3A_3068 = arith.addf %add3A_2069, %broadcast_in_dim3A_3022 : vector<1x16xf32>
    %add3A_3069 = arith.addf %add3A_2047, %broadcast_in_dim3A_3022 : vector<1x16xf32>
    %add3A_3070 = arith.addf %add3A_2052, %broadcast_in_dim3A_3022 : vector<1x16xf32>
    %add3A_3071 = arith.addf %add3A_2057, %broadcast_in_dim3A_3022 : vector<1x16xf32>
    %add3A_3072 = arith.addf %add3A_2075, %broadcast_in_dim3A_3022 : vector<1x16xf32>
    %add3A_3073 = arith.addf %add3A_2080, %broadcast_in_dim3A_3022 : vector<1x16xf32>
    %add3A_3074 = arith.addf %add3A_2085, %broadcast_in_dim3A_3022 : vector<1x16xf32>
    %add3A_3075 = arith.addf %add3A_2090, %broadcast_in_dim3A_3022 : vector<1x16xf32>
    %add3A_3076 = arith.addf %add3A_2126, %broadcast_in_dim3A_3022 : vector<1x16xf32>
    %add3A_3077 = arith.addf %add3A_2095, %broadcast_in_dim3A_3022 : vector<1x16xf32>
    %add3A_3078 = arith.addf %add3A_2100, %broadcast_in_dim3A_3022 : vector<1x16xf32>
    %add3A_3079 = arith.addf %add3A_2105, %broadcast_in_dim3A_3022 : vector<1x16xf32>
    %add3A_3080 = arith.addf %add3A_2132, %broadcast_in_dim3A_3022 : vector<1x16xf32>
    %add3A_3081 = arith.addf %add3A_2110, %broadcast_in_dim3A_3022 : vector<1x16xf32>
    %add3A_3082 = arith.addf %add3A_2115, %broadcast_in_dim3A_3022 : vector<1x16xf32>
    %add3A_3083 = arith.addf %add3A_2120, %broadcast_in_dim3A_3022 : vector<1x16xf32>
    %add3A_3084 = arith.addf %add3A_2138, %broadcast_in_dim3A_3022 : vector<1x16xf32>
    %add3A_3085 = arith.addf %add3A_2206, %broadcast_in_dim3A_3022 : vector<1x16xf32>
    %add3A_3086 = arith.addf %add3A_2211, %broadcast_in_dim3A_3022 : vector<1x16xf32>
    %add3A_3087 = arith.addf %add3A_2216, %broadcast_in_dim3A_3022 : vector<1x16xf32>
    %add3A_3088 = arith.addf %add3A_2252, %broadcast_in_dim3A_3022 : vector<1x16xf32>
    %add3A_3089 = arith.addf %add3A_2221, %broadcast_in_dim3A_3022 : vector<1x16xf32>
    %add3A_3090 = arith.addf %add3A_2226, %broadcast_in_dim3A_3022 : vector<1x16xf32>
    %add3A_3091 = arith.addf %add3A_2231, %broadcast_in_dim3A_3022 : vector<1x16xf32>
    %add3A_3092 = arith.addf %add3A_2258, %broadcast_in_dim3A_3022 : vector<1x16xf32>
    %add3A_3093 = arith.addf %add3A_2236, %broadcast_in_dim3A_3022 : vector<1x16xf32>
    %add3A_3094 = arith.addf %add3A_2241, %broadcast_in_dim3A_3022 : vector<1x16xf32>
    %add3A_3095 = arith.addf %add3A_2246, %broadcast_in_dim3A_3022 : vector<1x16xf32>
    %add3A_3096 = arith.addf %add3A_2264, %broadcast_in_dim3A_3022 : vector<1x16xf32>
    %add3A_3097 = arith.addf %add3A_2395, %broadcast_in_dim3A_3022 : vector<1x16xf32>
    %add3A_3098 = arith.addf %add3A_2400, %broadcast_in_dim3A_3022 : vector<1x16xf32>
    %add3A_3099 = arith.addf %add3A_2405, %broadcast_in_dim3A_3022 : vector<1x16xf32>
    %add3A_3100 = arith.addf %add3A_2441, %broadcast_in_dim3A_3022 : vector<1x16xf32>
    %add3A_3101 = arith.addf %add3A_2410, %broadcast_in_dim3A_3022 : vector<1x16xf32>
    %add3A_3102 = arith.addf %add3A_2415, %broadcast_in_dim3A_3022 : vector<1x16xf32>
    %add3A_3103 = arith.addf %add3A_2420, %broadcast_in_dim3A_3022 : vector<1x16xf32>
    %add3A_3104 = arith.addf %add3A_2447, %broadcast_in_dim3A_3022 : vector<1x16xf32>
    %add3A_3105 = arith.addf %add3A_2425, %broadcast_in_dim3A_3022 : vector<1x16xf32>
    %add3A_3106 = arith.addf %add3A_2430, %broadcast_in_dim3A_3022 : vector<1x16xf32>
    %add3A_3107 = arith.addf %add3A_2435, %broadcast_in_dim3A_3022 : vector<1x16xf32>
    %add3A_3108 = arith.addf %add3A_2453, %broadcast_in_dim3A_3022 : vector<1x16xf32>
    %add3A_3109 = arith.addf %add3A_2458, %broadcast_in_dim3A_3022 : vector<1x16xf32>
    %add3A_3110 = arith.addf %add3A_2463, %broadcast_in_dim3A_3022 : vector<1x16xf32>
    %add3A_3111 = arith.addf %add3A_2468, %broadcast_in_dim3A_3022 : vector<1x16xf32>
    %add3A_3112 = arith.addf %add3A_2504, %broadcast_in_dim3A_3022 : vector<1x16xf32>
    %add3A_3113 = arith.addf %add3A_2473, %broadcast_in_dim3A_3022 : vector<1x16xf32>
    %add3A_3114 = arith.addf %add3A_2478, %broadcast_in_dim3A_3022 : vector<1x16xf32>
    %add3A_3115 = arith.addf %add3A_2483, %broadcast_in_dim3A_3022 : vector<1x16xf32>
    %add3A_3116 = arith.addf %add3A_2510, %broadcast_in_dim3A_3022 : vector<1x16xf32>
    %add3A_3117 = arith.addf %add3A_2488, %broadcast_in_dim3A_3022 : vector<1x16xf32>
    %add3A_3118 = arith.addf %add3A_2493, %broadcast_in_dim3A_3022 : vector<1x16xf32>
    %add3A_3119 = arith.addf %add3A_2498, %broadcast_in_dim3A_3022 : vector<1x16xf32>
    %add3A_3120 = arith.addf %add3A_2516, %broadcast_in_dim3A_3022 : vector<1x16xf32>
    %add3A_3121 = arith.addf %add3A_2584, %broadcast_in_dim3A_3022 : vector<1x16xf32>
    %add3A_3122 = arith.addf %add3A_2589, %broadcast_in_dim3A_3022 : vector<1x16xf32>
    %add3A_3123 = arith.addf %add3A_2594, %broadcast_in_dim3A_3022 : vector<1x16xf32>
    %add3A_3124 = arith.addf %add3A_2630, %broadcast_in_dim3A_3022 : vector<1x16xf32>
    %add3A_3125 = arith.addf %add3A_2599, %broadcast_in_dim3A_3022 : vector<1x16xf32>
    %add3A_3126 = arith.addf %add3A_2604, %broadcast_in_dim3A_3022 : vector<1x16xf32>
    %add3A_3127 = arith.addf %add3A_2609, %broadcast_in_dim3A_3022 : vector<1x16xf32>
    %add3A_3128 = arith.addf %add3A_2636, %broadcast_in_dim3A_3022 : vector<1x16xf32>
    %add3A_3129 = arith.addf %add3A_2614, %broadcast_in_dim3A_3022 : vector<1x16xf32>
    %add3A_3130 = arith.addf %add3A_2619, %broadcast_in_dim3A_3022 : vector<1x16xf32>
    %add3A_3131 = arith.addf %add3A_2624, %broadcast_in_dim3A_3022 : vector<1x16xf32>
    %add3A_3132 = arith.addf %add3A_2642, %broadcast_in_dim3A_3022 : vector<1x16xf32>
    %add3A_3133 = arith.addf %add3A_2773, %broadcast_in_dim3A_3022 : vector<1x16xf32>
    %add3A_3134 = arith.addf %add3A_2778, %broadcast_in_dim3A_3022 : vector<1x16xf32>
    %add3A_3135 = arith.addf %add3A_2783, %broadcast_in_dim3A_3022 : vector<1x16xf32>
    %add3A_3136 = arith.addf %add3A_2819, %broadcast_in_dim3A_3022 : vector<1x16xf32>
    %add3A_3137 = arith.addf %add3A_2788, %broadcast_in_dim3A_3022 : vector<1x16xf32>
    %add3A_3138 = arith.addf %add3A_2793, %broadcast_in_dim3A_3022 : vector<1x16xf32>
    %add3A_3139 = arith.addf %add3A_2798, %broadcast_in_dim3A_3022 : vector<1x16xf32>
    %add3A_3140 = arith.addf %add3A_2825, %broadcast_in_dim3A_3022 : vector<1x16xf32>
    %add3A_3141 = arith.addf %add3A_2803, %broadcast_in_dim3A_3022 : vector<1x16xf32>
    %add3A_3142 = arith.addf %add3A_2808, %broadcast_in_dim3A_3022 : vector<1x16xf32>
    %add3A_3143 = arith.addf %add3A_2813, %broadcast_in_dim3A_3022 : vector<1x16xf32>
    %add3A_3144 = arith.addf %add3A_2831, %broadcast_in_dim3A_3022 : vector<1x16xf32>
    %add3A_3145 = arith.addf %add3A_2836, %broadcast_in_dim3A_3022 : vector<1x16xf32>
    %add3A_3146 = arith.addf %add3A_2841, %broadcast_in_dim3A_3022 : vector<1x16xf32>
    %add3A_3147 = arith.addf %add3A_2846, %broadcast_in_dim3A_3022 : vector<1x16xf32>
    %add3A_3148 = arith.addf %add3A_2882, %broadcast_in_dim3A_3022 : vector<1x16xf32>
    %add3A_3149 = arith.addf %add3A_2851, %broadcast_in_dim3A_3022 : vector<1x16xf32>
    %add3A_3150 = arith.addf %add3A_2856, %broadcast_in_dim3A_3022 : vector<1x16xf32>
    %add3A_3151 = arith.addf %add3A_2861, %broadcast_in_dim3A_3022 : vector<1x16xf32>
    %add3A_3152 = arith.addf %add3A_2888, %broadcast_in_dim3A_3022 : vector<1x16xf32>
    %add3A_3153 = arith.addf %add3A_2866, %broadcast_in_dim3A_3022 : vector<1x16xf32>
    %add3A_3154 = arith.addf %add3A_2871, %broadcast_in_dim3A_3022 : vector<1x16xf32>
    %add3A_3155 = arith.addf %add3A_2876, %broadcast_in_dim3A_3022 : vector<1x16xf32>
    %add3A_3156 = arith.addf %add3A_2894, %broadcast_in_dim3A_3022 : vector<1x16xf32>
    %add3A_3157 = arith.addf %add3A_2962, %broadcast_in_dim3A_3022 : vector<1x16xf32>
    %add3A_3158 = arith.addf %add3A_2967, %broadcast_in_dim3A_3022 : vector<1x16xf32>
    %add3A_3159 = arith.addf %add3A_2972, %broadcast_in_dim3A_3022 : vector<1x16xf32>
    %add3A_3160 = arith.addf %add3A_3008, %broadcast_in_dim3A_3022 : vector<1x16xf32>
    %add3A_3161 = arith.addf %add3A_2977, %broadcast_in_dim3A_3022 : vector<1x16xf32>
    %add3A_3162 = arith.addf %add3A_2982, %broadcast_in_dim3A_3022 : vector<1x16xf32>
    %add3A_3163 = arith.addf %add3A_2987, %broadcast_in_dim3A_3022 : vector<1x16xf32>
    %add3A_3164 = arith.addf %add3A_3014, %broadcast_in_dim3A_3022 : vector<1x16xf32>
    %add3A_3165 = arith.addf %add3A_2992, %broadcast_in_dim3A_3022 : vector<1x16xf32>
    %add3A_3166 = arith.addf %add3A_2997, %broadcast_in_dim3A_3022 : vector<1x16xf32>
    %add3A_3167 = arith.addf %add3A_3002, %broadcast_in_dim3A_3022 : vector<1x16xf32>
    %add3A_3168 = arith.addf %add3A_3020, %broadcast_in_dim3A_3022 : vector<1x16xf32>
    %concatenate3A = tpu.concatenate %add3A_3025, %add3A_3026, %add3A_3027, %add3A_3028, %add3A_3029, %add3A_3030, %add3A_3031, %add3A_3032, %add3A_3033, %add3A_3034, %add3A_3035, %add3A_3036, %broadcast_in_dim3A_3022, %broadcast_in_dim3A_3022, %broadcast_in_dim3A_3022, %broadcast_in_dim3A_3024, %add3A_3037, %add3A_3038, %add3A_3039, %add3A_3040, %add3A_3041, %add3A_3042, %add3A_3043, %add3A_3044, %add3A_3045, %add3A_3046, %add3A_3047, %add3A_3048, %broadcast_in_dim3A_3022, %broadcast_in_dim3A_3022, %broadcast_in_dim3A_3022, %broadcast_in_dim3A_3024, %add3A_3049, %add3A_3050, %add3A_3051, %add3A_3052, %add3A_3053, %add3A_3054, %add3A_3055, %add3A_3056, %add3A_3057, %add3A_3058, %add3A_3059, %add3A_3060, %broadcast_in_dim3A_3022, %broadcast_in_dim3A_3022, %broadcast_in_dim3A_3022, %broadcast_in_dim3A_3024, %add3A_3061, %add3A_3062, %add3A_3063, %add3A_3064, %add3A_3065, %add3A_3066, %add3A_3067, %add3A_3068, %add3A_3069, %add3A_3070, %add3A_3071, %add3A_3072, %broadcast_in_dim3A_3022, %broadcast_in_dim3A_3022, %broadcast_in_dim3A_3022, %broadcast_in_dim3A_3024, %add3A_3073, %add3A_3074, %add3A_3075, %add3A_3076, %add3A_3077, %add3A_3078, %add3A_3079, %add3A_3080, %add3A_3081, %add3A_3082, %add3A_3083, %add3A_3084, %broadcast_in_dim3A_3022, %broadcast_in_dim3A_3022, %broadcast_in_dim3A_3022, %broadcast_in_dim3A_3024, %add3A_3085, %add3A_3086, %add3A_3087, %add3A_3088, %add3A_3089, %add3A_3090, %add3A_3091, %add3A_3092, %add3A_3093, %add3A_3094, %add3A_3095, %add3A_3096, %broadcast_in_dim3A_3022, %broadcast_in_dim3A_3022, %broadcast_in_dim3A_3022, %broadcast_in_dim3A_3024, %add3A_3097, %add3A_3098, %add3A_3099, %add3A_3100, %add3A_3101, %add3A_3102, %add3A_3103, %add3A_3104, %add3A_3105, %add3A_3106, %add3A_3107, %add3A_3108, %broadcast_in_dim3A_3022, %broadcast_in_dim3A_3022, %broadcast_in_dim3A_3022, %broadcast_in_dim3A_3024, %add3A_3109, %add3A_3110, %add3A_3111, %add3A_3112, %add3A_3113, %add3A_3114, %add3A_3115, %add3A_3116, %add3A_3117, %add3A_3118, %add3A_3119, %add3A_3120, %broadcast_in_dim3A_3022, %broadcast_in_dim3A_3022, %broadcast_in_dim3A_3022, %broadcast_in_dim3A_3024, %add3A_3121, %add3A_3122, %add3A_3123, %add3A_3124, %add3A_3125, %add3A_3126, %add3A_3127, %add3A_3128, %add3A_3129, %add3A_3130, %add3A_3131, %add3A_3132, %broadcast_in_dim3A_3022, %broadcast_in_dim3A_3022, %broadcast_in_dim3A_3022, %broadcast_in_dim3A_3024, %add3A_3133, %add3A_3134, %add3A_3135, %add3A_3136, %add3A_3137, %add3A_3138, %add3A_3139, %add3A_3140, %add3A_3141, %add3A_3142, %add3A_3143, %add3A_3144, %broadcast_in_dim3A_3022, %broadcast_in_dim3A_3022, %broadcast_in_dim3A_3022, %broadcast_in_dim3A_3024, %add3A_3145, %add3A_3146, %add3A_3147, %add3A_3148, %add3A_3149, %add3A_3150, %add3A_3151, %add3A_3152, %add3A_3153, %add3A_3154, %add3A_3155, %add3A_3156, %broadcast_in_dim3A_3022, %broadcast_in_dim3A_3022, %broadcast_in_dim3A_3022, %broadcast_in_dim3A_3024, %add3A_3157, %add3A_3158, %add3A_3159, %add3A_3160, %add3A_3161, %add3A_3162, %add3A_3163, %add3A_3164, %add3A_3165, %add3A_3166, %add3A_3167, %add3A_3168, %broadcast_in_dim3A_3022, %broadcast_in_dim3A_3022, %broadcast_in_dim3A_3022, %broadcast_in_dim3A_3024 in 0 : vector<1x16xf32>, vector<1x16xf32>, vector<1x16xf32>, vector<1x16xf32>, vector<1x16xf32>, vector<1x16xf32>, vector<1x16xf32>, vector<1x16xf32>, vector<1x16xf32>, vector<1x16xf32>, vector<1x16xf32>, vector<1x16xf32>, vector<1x16xf32>, vector<1x16xf32>, vector<1x16xf32>, vector<1x16xf32>, vector<1x16xf32>, vector<1x16xf32>, vector<1x16xf32>, vector<1x16xf32>, vector<1x16xf32>, vector<1x16xf32>, vector<1x16xf32>, vector<1x16xf32>, vector<1x16xf32>, vector<1x16xf32>, vector<1x16xf32>, vector<1x16xf32>, vector<1x16xf32>, vector<1x16xf32>, vector<1x16xf32>, vector<1x16xf32>, vector<1x16xf32>, vector<1x16xf32>, vector<1x16xf32>, vector<1x16xf32>, vector<1x16xf32>, vector<1x16xf32>, vector<1x16xf32>, vector<1x16xf32>, vector<1x16xf32>, vector<1x16xf32>, vector<1x16xf32>, vector<1x16xf32>, vector<1x16xf32>, vector<1x16xf32>, vector<1x16xf32>, vector<1x16xf32>, vector<1x16xf32>, vector<1x16xf32>, vector<1x16xf32>, vector<1x16xf32>, vector<1x16xf32>, vector<1x16xf32>, vector<1x16xf32>, vector<1x16xf32>, vector<1x16xf32>, vector<1x16xf32>, vector<1x16xf32>, vector<1x16xf32>, vector<1x16xf32>, vector<1x16xf32>, vector<1x16xf32>, vector<1x16xf32>, vector<1x16xf32>, vector<1x16xf32>, vector<1x16xf32>, vector<1x16xf32>, vector<1x16xf32>, vector<1x16xf32>, vector<1x16xf32>, vector<1x16xf32>, vector<1x16xf32>, vector<1x16xf32>, vector<1x16xf32>, vector<1x16xf32>, vector<1x16xf32>, vector<1x16xf32>, vector<1x16xf32>, vector<1x16xf32>, vector<1x16xf32>, vector<1x16xf32>, vector<1x16xf32>, vector<1x16xf32>, vector<1x16xf32>, vector<1x16xf32>, vector<1x16xf32>, vector<1x16xf32>, vector<1x16xf32>, vector<1x16xf32>, vector<1x16xf32>, vector<1x16xf32>, vector<1x16xf32>, vector<1x16xf32>, vector<1x16xf32>, vector<1x16xf32>, vector<1x16xf32>, vector<1x16xf32>, vector<1x16xf32>, vector<1x16xf32>, vector<1x16xf32>, vector<1x16xf32>, vector<1x16xf32>, vector<1x16xf32>, vector<1x16xf32>, vector<1x16xf32>, vector<1x16xf32>, vector<1x16xf32>, vector<1x16xf32>, vector<1x16xf32>, vector<1x16xf32>, vector<1x16xf32>, vector<1x16xf32>, vector<1x16xf32>, vector<1x16xf32>, vector<1x16xf32>, vector<1x16xf32>, vector<1x16xf32>, vector<1x16xf32>, vector<1x16xf32>, vector<1x16xf32>, vector<1x16xf32>, vector<1x16xf32>, vector<1x16xf32>, vector<1x16xf32>, vector<1x16xf32>, vector<1x16xf32>, vector<1x16xf32>, vector<1x16xf32>, vector<1x16xf32>, vector<1x16xf32>, vector<1x16xf32>, vector<1x16xf32>, vector<1x16xf32>, vector<1x16xf32>, vector<1x16xf32>, vector<1x16xf32>, vector<1x16xf32>, vector<1x16xf32>, vector<1x16xf32>, vector<1x16xf32>, vector<1x16xf32>, vector<1x16xf32>, vector<1x16xf32>, vector<1x16xf32>, vector<1x16xf32>, vector<1x16xf32>, vector<1x16xf32>, vector<1x16xf32>, vector<1x16xf32>, vector<1x16xf32>, vector<1x16xf32>, vector<1x16xf32>, vector<1x16xf32>, vector<1x16xf32>, vector<1x16xf32>, vector<1x16xf32>, vector<1x16xf32>, vector<1x16xf32>, vector<1x16xf32>, vector<1x16xf32>, vector<1x16xf32>, vector<1x16xf32>, vector<1x16xf32>, vector<1x16xf32>, vector<1x16xf32>, vector<1x16xf32>, vector<1x16xf32>, vector<1x16xf32>, vector<1x16xf32>, vector<1x16xf32>, vector<1x16xf32>, vector<1x16xf32>, vector<1x16xf32>, vector<1x16xf32>, vector<1x16xf32>, vector<1x16xf32>, vector<1x16xf32>, vector<1x16xf32>, vector<1x16xf32>, vector<1x16xf32>, vector<1x16xf32>, vector<1x16xf32>, vector<1x16xf32>, vector<1x16xf32>, vector<1x16xf32>, vector<1x16xf32>, vector<1x16xf32>, vector<1x16xf32>, vector<1x16xf32>, vector<1x16xf32>, vector<1x16xf32> -> vector<192x16xf32>
    %swap3A = arith.constant 0 : index
    %swap3A_3169 = arith.constant 0 : index
    %swap3A_3170 = vector.load %arg3[%swap3A, %swap3A_3169] : memref<192x16xf32, #tpu.memory_space<vmem>>, vector<192x16xf32>
    tpu.vector_store %arg3[%swap3A, %swap3A_3169], %concatenate3A {strides = array<i32>} : memref<192x16xf32, #tpu.memory_space<vmem>>, vector<192x16xf32>,
    %add3A_3171 = arith.addf %broadcast_in_dim3A_37, %broadcast_in_dim3A_3022 : vector<1x16xf32>
    %add3A_3172 = arith.addf %broadcast_in_dim3A_43, %broadcast_in_dim3A_3022 : vector<1x16xf32>
    %add3A_3173 = arith.addf %broadcast_in_dim3A_49, %broadcast_in_dim3A_3022 : vector<1x16xf32>
    %concatenate3A_3174 = tpu.concatenate %add3A_3171, %add3A_3172, %add3A_3173 in 1 : vector<1x16xf32>, vector<1x16xf32>, vector<1x16xf32> -> vector<1x48xf32>
    %add3A_3175 = arith.addf %broadcast_in_dim3A_39, %broadcast_in_dim3A_3022 : vector<1x16xf32>
    %add3A_3176 = arith.addf %broadcast_in_dim3A_45, %broadcast_in_dim3A_3022 : vector<1x16xf32>
    %add3A_3177 = arith.addf %broadcast_in_dim3A_51, %broadcast_in_dim3A_3022 : vector<1x16xf32>
    %concatenate3A_3178 = tpu.concatenate %add3A_3175, %add3A_3176, %add3A_3177 in 1 : vector<1x16xf32>, vector<1x16xf32>, vector<1x16xf32> -> vector<1x48xf32>
    %add3A_3179 = arith.addf %broadcast_in_dim3A_41, %broadcast_in_dim3A_3022 : vector<1x16xf32>
    %add3A_3180 = arith.addf %broadcast_in_dim3A_47, %broadcast_in_dim3A_3022 : vector<1x16xf32>
    %add3A_3181 = arith.addf %broadcast_in_dim3A_53, %broadcast_in_dim3A_3022 : vector<1x16xf32>
    %concatenate3A_3182 = tpu.concatenate %add3A_3179, %add3A_3180, %add3A_3181 in 1 : vector<1x16xf32>, vector<1x16xf32>, vector<1x16xf32> -> vector<1x48xf32>
    %add3A_3183 = arith.addf %broadcast_in_dim3A_55, %broadcast_in_dim3A_3022 : vector<1x16xf32>
    %add3A_3184 = arith.addf %broadcast_in_dim3A_57, %broadcast_in_dim3A_3022 : vector<1x16xf32>
    %add3A_3185 = arith.addf %broadcast_in_dim3A_59, %broadcast_in_dim3A_3022 : vector<1x16xf32>
    %concatenate3A_3186 = tpu.concatenate %add3A_3183, %add3A_3184, %add3A_3185 in 1 : vector<1x16xf32>, vector<1x16xf32>, vector<1x16xf32> -> vector<1x48xf32>
    %add3A_3187 = arith.addf %add3A_1702, %broadcast_in_dim3A_3022 : vector<1x16xf32>
    %add3A_3188 = arith.addf %add3A_1717, %broadcast_in_dim3A_3022 : vector<1x16xf32>
    %add3A_3189 = arith.addf %add3A_1732, %broadcast_in_dim3A_3022 : vector<1x16xf32>
    %concatenate3A_3190 = tpu.concatenate %add3A_3187, %add3A_3188, %add3A_3189 in 1 : vector<1x16xf32>, vector<1x16xf32>, vector<1x16xf32> -> vector<1x48xf32>
    %add3A_3191 = arith.addf %add3A_1707, %broadcast_in_dim3A_3022 : vector<1x16xf32>
    %add3A_3192 = arith.addf %add3A_1722, %broadcast_in_dim3A_3022 : vector<1x16xf32>
    %add3A_3193 = arith.addf %add3A_1737, %broadcast_in_dim3A_3022 : vector<1x16xf32>
    %concatenate3A_3194 = tpu.concatenate %add3A_3191, %add3A_3192, %add3A_3193 in 1 : vector<1x16xf32>, vector<1x16xf32>, vector<1x16xf32> -> vector<1x48xf32>
    %add3A_3195 = arith.addf %add3A_1712, %broadcast_in_dim3A_3022 : vector<1x16xf32>
    %add3A_3196 = arith.addf %add3A_1727, %broadcast_in_dim3A_3022 : vector<1x16xf32>
    %add3A_3197 = arith.addf %add3A_1742, %broadcast_in_dim3A_3022 : vector<1x16xf32>
    %concatenate3A_3198 = tpu.concatenate %add3A_3195, %add3A_3196, %add3A_3197 in 1 : vector<1x16xf32>, vector<1x16xf32>, vector<1x16xf32> -> vector<1x48xf32>
    %add3A_3199 = arith.addf %add3A_1748, %broadcast_in_dim3A_3022 : vector<1x16xf32>
    %add3A_3200 = arith.addf %add3A_1754, %broadcast_in_dim3A_3022 : vector<1x16xf32>
    %add3A_3201 = arith.addf %add3A_1760, %broadcast_in_dim3A_3022 : vector<1x16xf32>
    %concatenate3A_3202 = tpu.concatenate %add3A_3199, %add3A_3200, %add3A_3201 in 1 : vector<1x16xf32>, vector<1x16xf32>, vector<1x16xf32> -> vector<1x48xf32>
    %add3A_3203 = arith.addf %add3A_1828, %broadcast_in_dim3A_3022 : vector<1x16xf32>
    %add3A_3204 = arith.addf %add3A_1843, %broadcast_in_dim3A_3022 : vector<1x16xf32>
    %add3A_3205 = arith.addf %add3A_1858, %broadcast_in_dim3A_3022 : vector<1x16xf32>
    %concatenate3A_3206 = tpu.concatenate %add3A_3203, %add3A_3204, %add3A_3205 in 1 : vector<1x16xf32>, vector<1x16xf32>, vector<1x16xf32> -> vector<1x48xf32>
    %add3A_3207 = arith.addf %add3A_1833, %broadcast_in_dim3A_3022 : vector<1x16xf32>
    %add3A_3208 = arith.addf %add3A_1848, %broadcast_in_dim3A_3022 : vector<1x16xf32>
    %add3A_3209 = arith.addf %add3A_1863, %broadcast_in_dim3A_3022 : vector<1x16xf32>
    %concatenate3A_3210 = tpu.concatenate %add3A_3207, %add3A_3208, %add3A_3209 in 1 : vector<1x16xf32>, vector<1x16xf32>, vector<1x16xf32> -> vector<1x48xf32>
    %add3A_3211 = arith.addf %add3A_1838, %broadcast_in_dim3A_3022 : vector<1x16xf32>
    %add3A_3212 = arith.addf %add3A_1853, %broadcast_in_dim3A_3022 : vector<1x16xf32>
    %add3A_3213 = arith.addf %add3A_1868, %broadcast_in_dim3A_3022 : vector<1x16xf32>
    %concatenate3A_3214 = tpu.concatenate %add3A_3211, %add3A_3212, %add3A_3213 in 1 : vector<1x16xf32>, vector<1x16xf32>, vector<1x16xf32> -> vector<1x48xf32>
    %add3A_3215 = arith.addf %add3A_1874, %broadcast_in_dim3A_3022 : vector<1x16xf32>
    %add3A_3216 = arith.addf %add3A_1880, %broadcast_in_dim3A_3022 : vector<1x16xf32>
    %add3A_3217 = arith.addf %add3A_1886, %broadcast_in_dim3A_3022 : vector<1x16xf32>
    %concatenate3A_3218 = tpu.concatenate %add3A_3215, %add3A_3216, %add3A_3217 in 1 : vector<1x16xf32>, vector<1x16xf32>, vector<1x16xf32> -> vector<1x48xf32>
    %add3A_3219 = arith.addf %add3A_2017, %broadcast_in_dim3A_3022 : vector<1x16xf32>
    %add3A_3220 = arith.addf %add3A_2032, %broadcast_in_dim3A_3022 : vector<1x16xf32>
    %add3A_3221 = arith.addf %add3A_2047, %broadcast_in_dim3A_3022 : vector<1x16xf32>
    %concatenate3A_3222 = tpu.concatenate %add3A_3219, %add3A_3220, %add3A_3221 in 1 : vector<1x16xf32>, vector<1x16xf32>, vector<1x16xf32> -> vector<1x48xf32>
    %add3A_3223 = arith.addf %add3A_2022, %broadcast_in_dim3A_3022 : vector<1x16xf32>
    %add3A_3224 = arith.addf %add3A_2037, %broadcast_in_dim3A_3022 : vector<1x16xf32>
    %add3A_3225 = arith.addf %add3A_2052, %broadcast_in_dim3A_3022 : vector<1x16xf32>
    %concatenate3A_3226 = tpu.concatenate %add3A_3223, %add3A_3224, %add3A_3225 in 1 : vector<1x16xf32>, vector<1x16xf32>, vector<1x16xf32> -> vector<1x48xf32>
    %add3A_3227 = arith.addf %add3A_2027, %broadcast_in_dim3A_3022 : vector<1x16xf32>
    %add3A_3228 = arith.addf %add3A_2042, %broadcast_in_dim3A_3022 : vector<1x16xf32>
    %add3A_3229 = arith.addf %add3A_2057, %broadcast_in_dim3A_3022 : vector<1x16xf32>
    %concatenate3A_3230 = tpu.concatenate %add3A_3227, %add3A_3228, %add3A_3229 in 1 : vector<1x16xf32>, vector<1x16xf32>, vector<1x16xf32> -> vector<1x48xf32>
    %add3A_3231 = arith.addf %add3A_2063, %broadcast_in_dim3A_3022 : vector<1x16xf32>
    %add3A_3232 = arith.addf %add3A_2069, %broadcast_in_dim3A_3022 : vector<1x16xf32>
    %add3A_3233 = arith.addf %add3A_2075, %broadcast_in_dim3A_3022 : vector<1x16xf32>
    %concatenate3A_3234 = tpu.concatenate %add3A_3231, %add3A_3232, %add3A_3233 in 1 : vector<1x16xf32>, vector<1x16xf32>, vector<1x16xf32> -> vector<1x48xf32>
    %add3A_3235 = arith.addf %add3A_2080, %broadcast_in_dim3A_3022 : vector<1x16xf32>
    %add3A_3236 = arith.addf %add3A_2095, %broadcast_in_dim3A_3022 : vector<1x16xf32>
    %add3A_3237 = arith.addf %add3A_2110, %broadcast_in_dim3A_3022 : vector<1x16xf32>
    %concatenate3A_3238 = tpu.concatenate %add3A_3235, %add3A_3236, %add3A_3237 in 1 : vector<1x16xf32>, vector<1x16xf32>, vector<1x16xf32> -> vector<1x48xf32>
    %add3A_3239 = arith.addf %add3A_2085, %broadcast_in_dim3A_3022 : vector<1x16xf32>
    %add3A_3240 = arith.addf %add3A_2100, %broadcast_in_dim3A_3022 : vector<1x16xf32>
    %add3A_3241 = arith.addf %add3A_2115, %broadcast_in_dim3A_3022 : vector<1x16xf32>
    %concatenate3A_3242 = tpu.concatenate %add3A_3239, %add3A_3240, %add3A_3241 in 1 : vector<1x16xf32>, vector<1x16xf32>, vector<1x16xf32> -> vector<1x48xf32>
    %add3A_3243 = arith.addf %add3A_2090, %broadcast_in_dim3A_3022 : vector<1x16xf32>
    %add3A_3244 = arith.addf %add3A_2105, %broadcast_in_dim3A_3022 : vector<1x16xf32>
    %add3A_3245 = arith.addf %add3A_2120, %broadcast_in_dim3A_3022 : vector<1x16xf32>
    %concatenate3A_3246 = tpu.concatenate %add3A_3243, %add3A_3244, %add3A_3245 in 1 : vector<1x16xf32>, vector<1x16xf32>, vector<1x16xf32> -> vector<1x48xf32>
    %add3A_3247 = arith.addf %add3A_2126, %broadcast_in_dim3A_3022 : vector<1x16xf32>
    %add3A_3248 = arith.addf %add3A_2132, %broadcast_in_dim3A_3022 : vector<1x16xf32>
    %add3A_3249 = arith.addf %add3A_2138, %broadcast_in_dim3A_3022 : vector<1x16xf32>
    %concatenate3A_3250 = tpu.concatenate %add3A_3247, %add3A_3248, %add3A_3249 in 1 : vector<1x16xf32>, vector<1x16xf32>, vector<1x16xf32> -> vector<1x48xf32>
    %add3A_3251 = arith.addf %add3A_2206, %broadcast_in_dim3A_3022 : vector<1x16xf32>
    %add3A_3252 = arith.addf %add3A_2221, %broadcast_in_dim3A_3022 : vector<1x16xf32>
    %add3A_3253 = arith.addf %add3A_2236, %broadcast_in_dim3A_3022 : vector<1x16xf32>
    %concatenate3A_3254 = tpu.concatenate %add3A_3251, %add3A_3252, %add3A_3253 in 1 : vector<1x16xf32>, vector<1x16xf32>, vector<1x16xf32> -> vector<1x48xf32>
    %add3A_3255 = arith.addf %add3A_2211, %broadcast_in_dim3A_3022 : vector<1x16xf32>
    %add3A_3256 = arith.addf %add3A_2226, %broadcast_in_dim3A_3022 : vector<1x16xf32>
    %add3A_3257 = arith.addf %add3A_2241, %broadcast_in_dim3A_3022 : vector<1x16xf32>
    %concatenate3A_3258 = tpu.concatenate %add3A_3255, %add3A_3256, %add3A_3257 in 1 : vector<1x16xf32>, vector<1x16xf32>, vector<1x16xf32> -> vector<1x48xf32>
    %add3A_3259 = arith.addf %add3A_2216, %broadcast_in_dim3A_3022 : vector<1x16xf32>
    %add3A_3260 = arith.addf %add3A_2231, %broadcast_in_dim3A_3022 : vector<1x16xf32>
    %add3A_3261 = arith.addf %add3A_2246, %broadcast_in_dim3A_3022 : vector<1x16xf32>
    %concatenate3A_3262 = tpu.concatenate %add3A_3259, %add3A_3260, %add3A_3261 in 1 : vector<1x16xf32>, vector<1x16xf32>, vector<1x16xf32> -> vector<1x48xf32>
    %add3A_3263 = arith.addf %add3A_2252, %broadcast_in_dim3A_3022 : vector<1x16xf32>
    %add3A_3264 = arith.addf %add3A_2258, %broadcast_in_dim3A_3022 : vector<1x16xf32>
    %add3A_3265 = arith.addf %add3A_2264, %broadcast_in_dim3A_3022 : vector<1x16xf32>
    %concatenate3A_3266 = tpu.concatenate %add3A_3263, %add3A_3264, %add3A_3265 in 1 : vector<1x16xf32>, vector<1x16xf32>, vector<1x16xf32> -> vector<1x48xf32>
    %add3A_3267 = arith.addf %add3A_2395, %broadcast_in_dim3A_3022 : vector<1x16xf32>
    %add3A_3268 = arith.addf %add3A_2410, %broadcast_in_dim3A_3022 : vector<1x16xf32>
    %add3A_3269 = arith.addf %add3A_2425, %broadcast_in_dim3A_3022 : vector<1x16xf32>
    %concatenate3A_3270 = tpu.concatenate %add3A_3267, %add3A_3268, %add3A_3269 in 1 : vector<1x16xf32>, vector<1x16xf32>, vector<1x16xf32> -> vector<1x48xf32>
    %add3A_3271 = arith.addf %add3A_2400, %broadcast_in_dim3A_3022 : vector<1x16xf32>
    %add3A_3272 = arith.addf %add3A_2415, %broadcast_in_dim3A_3022 : vector<1x16xf32>
    %add3A_3273 = arith.addf %add3A_2430, %broadcast_in_dim3A_3022 : vector<1x16xf32>
    %concatenate3A_3274 = tpu.concatenate %add3A_3271, %add3A_3272, %add3A_3273 in 1 : vector<1x16xf32>, vector<1x16xf32>, vector<1x16xf32> -> vector<1x48xf32>
    %add3A_3275 = arith.addf %add3A_2405, %broadcast_in_dim3A_3022 : vector<1x16xf32>
    %add3A_3276 = arith.addf %add3A_2420, %broadcast_in_dim3A_3022 : vector<1x16xf32>
    %add3A_3277 = arith.addf %add3A_2435, %broadcast_in_dim3A_3022 : vector<1x16xf32>
    %concatenate3A_3278 = tpu.concatenate %add3A_3275, %add3A_3276, %add3A_3277 in 1 : vector<1x16xf32>, vector<1x16xf32>, vector<1x16xf32> -> vector<1x48xf32>
    %add3A_3279 = arith.addf %add3A_2441, %broadcast_in_dim3A_3022 : vector<1x16xf32>
    %add3A_3280 = arith.addf %add3A_2447, %broadcast_in_dim3A_3022 : vector<1x16xf32>
    %add3A_3281 = arith.addf %add3A_2453, %broadcast_in_dim3A_3022 : vector<1x16xf32>
    %concatenate3A_3282 = tpu.concatenate %add3A_3279, %add3A_3280, %add3A_3281 in 1 : vector<1x16xf32>, vector<1x16xf32>, vector<1x16xf32> -> vector<1x48xf32>
    %add3A_3283 = arith.addf %add3A_2458, %broadcast_in_dim3A_3022 : vector<1x16xf32>
    %add3A_3284 = arith.addf %add3A_2473, %broadcast_in_dim3A_3022 : vector<1x16xf32>
    %add3A_3285 = arith.addf %add3A_2488, %broadcast_in_dim3A_3022 : vector<1x16xf32>
    %concatenate3A_3286 = tpu.concatenate %add3A_3283, %add3A_3284, %add3A_3285 in 1 : vector<1x16xf32>, vector<1x16xf32>, vector<1x16xf32> -> vector<1x48xf32>
    %add3A_3287 = arith.addf %add3A_2463, %broadcast_in_dim3A_3022 : vector<1x16xf32>
    %add3A_3288 = arith.addf %add3A_2478, %broadcast_in_dim3A_3022 : vector<1x16xf32>
    %add3A_3289 = arith.addf %add3A_2493, %broadcast_in_dim3A_3022 : vector<1x16xf32>
    %concatenate3A_3290 = tpu.concatenate %add3A_3287, %add3A_3288, %add3A_3289 in 1 : vector<1x16xf32>, vector<1x16xf32>, vector<1x16xf32> -> vector<1x48xf32>
    %add3A_3291 = arith.addf %add3A_2468, %broadcast_in_dim3A_3022 : vector<1x16xf32>
    %add3A_3292 = arith.addf %add3A_2483, %broadcast_in_dim3A_3022 : vector<1x16xf32>
    %add3A_3293 = arith.addf %add3A_2498, %broadcast_in_dim3A_3022 : vector<1x16xf32>
    %concatenate3A_3294 = tpu.concatenate %add3A_3291, %add3A_3292, %add3A_3293 in 1 : vector<1x16xf32>, vector<1x16xf32>, vector<1x16xf32> -> vector<1x48xf32>
    %add3A_3295 = arith.addf %add3A_2504, %broadcast_in_dim3A_3022 : vector<1x16xf32>
    %add3A_3296 = arith.addf %add3A_2510, %broadcast_in_dim3A_3022 : vector<1x16xf32>
    %add3A_3297 = arith.addf %add3A_2516, %broadcast_in_dim3A_3022 : vector<1x16xf32>
    %concatenate3A_3298 = tpu.concatenate %add3A_3295, %add3A_3296, %add3A_3297 in 1 : vector<1x16xf32>, vector<1x16xf32>, vector<1x16xf32> -> vector<1x48xf32>
    %add3A_3299 = arith.addf %add3A_2584, %broadcast_in_dim3A_3022 : vector<1x16xf32>
    %add3A_3300 = arith.addf %add3A_2599, %broadcast_in_dim3A_3022 : vector<1x16xf32>
    %add3A_3301 = arith.addf %add3A_2614, %broadcast_in_dim3A_3022 : vector<1x16xf32>
    %concatenate3A_3302 = tpu.concatenate %add3A_3299, %add3A_3300, %add3A_3301 in 1 : vector<1x16xf32>, vector<1x16xf32>, vector<1x16xf32> -> vector<1x48xf32>
    %add3A_3303 = arith.addf %add3A_2589, %broadcast_in_dim3A_3022 : vector<1x16xf32>
    %add3A_3304 = arith.addf %add3A_2604, %broadcast_in_dim3A_3022 : vector<1x16xf32>
    %add3A_3305 = arith.addf %add3A_2619, %broadcast_in_dim3A_3022 : vector<1x16xf32>
    %concatenate3A_3306 = tpu.concatenate %add3A_3303, %add3A_3304, %add3A_3305 in 1 : vector<1x16xf32>, vector<1x16xf32>, vector<1x16xf32> -> vector<1x48xf32>
    %add3A_3307 = arith.addf %add3A_2594, %broadcast_in_dim3A_3022 : vector<1x16xf32>
    %add3A_3308 = arith.addf %add3A_2609, %broadcast_in_dim3A_3022 : vector<1x16xf32>
    %add3A_3309 = arith.addf %add3A_2624, %broadcast_in_dim3A_3022 : vector<1x16xf32>
    %concatenate3A_3310 = tpu.concatenate %add3A_3307, %add3A_3308, %add3A_3309 in 1 : vector<1x16xf32>, vector<1x16xf32>, vector<1x16xf32> -> vector<1x48xf32>
    %add3A_3311 = arith.addf %add3A_2630, %broadcast_in_dim3A_3022 : vector<1x16xf32>
    %add3A_3312 = arith.addf %add3A_2636, %broadcast_in_dim3A_3022 : vector<1x16xf32>
    %add3A_3313 = arith.addf %add3A_2642, %broadcast_in_dim3A_3022 : vector<1x16xf32>
    %concatenate3A_3314 = tpu.concatenate %add3A_3311, %add3A_3312, %add3A_3313 in 1 : vector<1x16xf32>, vector<1x16xf32>, vector<1x16xf32> -> vector<1x48xf32>
    %add3A_3315 = arith.addf %add3A_2773, %broadcast_in_dim3A_3022 : vector<1x16xf32>
    %add3A_3316 = arith.addf %add3A_2788, %broadcast_in_dim3A_3022 : vector<1x16xf32>
    %add3A_3317 = arith.addf %add3A_2803, %broadcast_in_dim3A_3022 : vector<1x16xf32>
    %concatenate3A_3318 = tpu.concatenate %add3A_3315, %add3A_3316, %add3A_3317 in 1 : vector<1x16xf32>, vector<1x16xf32>, vector<1x16xf32> -> vector<1x48xf32>
    %add3A_3319 = arith.addf %add3A_2778, %broadcast_in_dim3A_3022 : vector<1x16xf32>
    %add3A_3320 = arith.addf %add3A_2793, %broadcast_in_dim3A_3022 : vector<1x16xf32>
    %add3A_3321 = arith.addf %add3A_2808, %broadcast_in_dim3A_3022 : vector<1x16xf32>
    %concatenate3A_3322 = tpu.concatenate %add3A_3319, %add3A_3320, %add3A_3321 in 1 : vector<1x16xf32>, vector<1x16xf32>, vector<1x16xf32> -> vector<1x48xf32>
    %add3A_3323 = arith.addf %add3A_2783, %broadcast_in_dim3A_3022 : vector<1x16xf32>
    %add3A_3324 = arith.addf %add3A_2798, %broadcast_in_dim3A_3022 : vector<1x16xf32>
    %add3A_3325 = arith.addf %add3A_2813, %broadcast_in_dim3A_3022 : vector<1x16xf32>
    %concatenate3A_3326 = tpu.concatenate %add3A_3323, %add3A_3324, %add3A_3325 in 1 : vector<1x16xf32>, vector<1x16xf32>, vector<1x16xf32> -> vector<1x48xf32>
    %add3A_3327 = arith.addf %add3A_2819, %broadcast_in_dim3A_3022 : vector<1x16xf32>
    %add3A_3328 = arith.addf %add3A_2825, %broadcast_in_dim3A_3022 : vector<1x16xf32>
    %add3A_3329 = arith.addf %add3A_2831, %broadcast_in_dim3A_3022 : vector<1x16xf32>
    %concatenate3A_3330 = tpu.concatenate %add3A_3327, %add3A_3328, %add3A_3329 in 1 : vector<1x16xf32>, vector<1x16xf32>, vector<1x16xf32> -> vector<1x48xf32>
    %add3A_3331 = arith.addf %add3A_2836, %broadcast_in_dim3A_3022 : vector<1x16xf32>
    %add3A_3332 = arith.addf %add3A_2851, %broadcast_in_dim3A_3022 : vector<1x16xf32>
    %add3A_3333 = arith.addf %add3A_2866, %broadcast_in_dim3A_3022 : vector<1x16xf32>
    %concatenate3A_3334 = tpu.concatenate %add3A_3331, %add3A_3332, %add3A_3333 in 1 : vector<1x16xf32>, vector<1x16xf32>, vector<1x16xf32> -> vector<1x48xf32>
    %add3A_3335 = arith.addf %add3A_2841, %broadcast_in_dim3A_3022 : vector<1x16xf32>
    %add3A_3336 = arith.addf %add3A_2856, %broadcast_in_dim3A_3022 : vector<1x16xf32>
    %add3A_3337 = arith.addf %add3A_2871, %broadcast_in_dim3A_3022 : vector<1x16xf32>
    %concatenate3A_3338 = tpu.concatenate %add3A_3335, %add3A_3336, %add3A_3337 in 1 : vector<1x16xf32>, vector<1x16xf32>, vector<1x16xf32> -> vector<1x48xf32>
    %add3A_3339 = arith.addf %add3A_2846, %broadcast_in_dim3A_3022 : vector<1x16xf32>
    %add3A_3340 = arith.addf %add3A_2861, %broadcast_in_dim3A_3022 : vector<1x16xf32>
    %add3A_3341 = arith.addf %add3A_2876, %broadcast_in_dim3A_3022 : vector<1x16xf32>
    %concatenate3A_3342 = tpu.concatenate %add3A_3339, %add3A_3340, %add3A_3341 in 1 : vector<1x16xf32>, vector<1x16xf32>, vector<1x16xf32> -> vector<1x48xf32>
    %add3A_3343 = arith.addf %add3A_2882, %broadcast_in_dim3A_3022 : vector<1x16xf32>
    %add3A_3344 = arith.addf %add3A_2888, %broadcast_in_dim3A_3022 : vector<1x16xf32>
    %add3A_3345 = arith.addf %add3A_2894, %broadcast_in_dim3A_3022 : vector<1x16xf32>
    %concatenate3A_3346 = tpu.concatenate %add3A_3343, %add3A_3344, %add3A_3345 in 1 : vector<1x16xf32>, vector<1x16xf32>, vector<1x16xf32> -> vector<1x48xf32>
    %add3A_3347 = arith.addf %add3A_2962, %broadcast_in_dim3A_3022 : vector<1x16xf32>
    %add3A_3348 = arith.addf %add3A_2977, %broadcast_in_dim3A_3022 : vector<1x16xf32>
    %add3A_3349 = arith.addf %add3A_2992, %broadcast_in_dim3A_3022 : vector<1x16xf32>
    %concatenate3A_3350 = tpu.concatenate %add3A_3347, %add3A_3348, %add3A_3349 in 1 : vector<1x16xf32>, vector<1x16xf32>, vector<1x16xf32> -> vector<1x48xf32>
    %add3A_3351 = arith.addf %add3A_2967, %broadcast_in_dim3A_3022 : vector<1x16xf32>
    %add3A_3352 = arith.addf %add3A_2982, %broadcast_in_dim3A_3022 : vector<1x16xf32>
    %add3A_3353 = arith.addf %add3A_2997, %broadcast_in_dim3A_3022 : vector<1x16xf32>
    %concatenate3A_3354 = tpu.concatenate %add3A_3351, %add3A_3352, %add3A_3353 in 1 : vector<1x16xf32>, vector<1x16xf32>, vector<1x16xf32> -> vector<1x48xf32>
    %add3A_3355 = arith.addf %add3A_2972, %broadcast_in_dim3A_3022 : vector<1x16xf32>
    %add3A_3356 = arith.addf %add3A_2987, %broadcast_in_dim3A_3022 : vector<1x16xf32>
    %add3A_3357 = arith.addf %add3A_3002, %broadcast_in_dim3A_3022 : vector<1x16xf32>
    %concatenate3A_3358 = tpu.concatenate %add3A_3355, %add3A_3356, %add3A_3357 in 1 : vector<1x16xf32>, vector<1x16xf32>, vector<1x16xf32> -> vector<1x48xf32>
    %add3A_3359 = arith.addf %add3A_3008, %broadcast_in_dim3A_3022 : vector<1x16xf32>
    %add3A_3360 = arith.addf %add3A_3014, %broadcast_in_dim3A_3022 : vector<1x16xf32>
    %add3A_3361 = arith.addf %add3A_3020, %broadcast_in_dim3A_3022 : vector<1x16xf32>
    %concatenate3A_3362 = tpu.concatenate %add3A_3359, %add3A_3360, %add3A_3361 in 1 : vector<1x16xf32>, vector<1x16xf32>, vector<1x16xf32> -> vector<1x48xf32>
    %concatenate3A_3363 = tpu.concatenate %concatenate3A_3174, %concatenate3A_3178, %concatenate3A_3182, %concatenate3A_3186, %concatenate3A_3190, %concatenate3A_3194, %concatenate3A_3198, %concatenate3A_3202, %concatenate3A_3206, %concatenate3A_3210, %concatenate3A_3214, %concatenate3A_3218, %concatenate3A_3222, %concatenate3A_3226, %concatenate3A_3230, %concatenate3A_3234, %concatenate3A_3238, %concatenate3A_3242, %concatenate3A_3246, %concatenate3A_3250, %concatenate3A_3254, %concatenate3A_3258, %concatenate3A_3262, %concatenate3A_3266, %concatenate3A_3270, %concatenate3A_3274, %concatenate3A_3278, %concatenate3A_3282, %concatenate3A_3286, %concatenate3A_3290, %concatenate3A_3294, %concatenate3A_3298, %concatenate3A_3302, %concatenate3A_3306, %concatenate3A_3310, %concatenate3A_3314, %concatenate3A_3318, %concatenate3A_3322, %concatenate3A_3326, %concatenate3A_3330, %concatenate3A_3334, %concatenate3A_3338, %concatenate3A_3342, %concatenate3A_3346, %concatenate3A_3350, %concatenate3A_3354, %concatenate3A_3358, %concatenate3A_3362 in 0 : vector<1x48xf32>, vector<1x48xf32>, vector<1x48xf32>, vector<1x48xf32>, vector<1x48xf32>, vector<1x48xf32>, vector<1x48xf32>, vector<1x48xf32>, vector<1x48xf32>, vector<1x48xf32>, vector<1x48xf32>, vector<1x48xf32>, vector<1x48xf32>, vector<1x48xf32>, vector<1x48xf32>, vector<1x48xf32>, vector<1x48xf32>, vector<1x48xf32>, vector<1x48xf32>, vector<1x48xf32>, vector<1x48xf32>, vector<1x48xf32>, vector<1x48xf32>, vector<1x48xf32>, vector<1x48xf32>, vector<1x48xf32>, vector<1x48xf32>, vector<1x48xf32>, vector<1x48xf32>, vector<1x48xf32>, vector<1x48xf32>, vector<1x48xf32>, vector<1x48xf32>, vector<1x48xf32>, vector<1x48xf32>, vector<1x48xf32>, vector<1x48xf32>, vector<1x48xf32>, vector<1x48xf32>, vector<1x48xf32>, vector<1x48xf32>, vector<1x48xf32>, vector<1x48xf32>, vector<1x48xf32>, vector<1x48xf32>, vector<1x48xf32>, vector<1x48xf32>, vector<1x48xf32> -> vector<48x48xf32>
    %swap3A_3364 = arith.constant 0 : index
    %swap3A_3365 = arith.constant 0 : index
    %swap3A_3366 = vector.load %arg4[%swap3A_3364, %swap3A_3365] : memref<48x48xf32, #tpu.memory_space<vmem>>, vector<48x48xf32>
    tpu.vector_store %arg4[%swap3A_3364, %swap3A_3365], %concatenate3A_3363 {strides = array<i32>} : memref<48x48xf32, #tpu.memory_space<vmem>>, vector<48x48xf32>,
    return
  }
}

module attributes {stable_mosaic.version = 14 : i64} {
  func.func @_apply_body(%arg0: i32, %arg1: memref<512x3xf32, #tpu.memory_space<vmem>>, %arg2: memref<512x1xi32, #tpu.memory_space<vmem>>, %arg3: memref<48x48xf32, #tpu.memory_space<vmem>>, %arg4: memref<512x48xf32, #tpu.memory_space<vmem>>) attributes {dimension_semantics = [#tpu.dimension_semantics<arbitrary>], iteration_bounds = array<i64: 20>, scalar_prefetch = 0 : i64, scratch_operands = 0 : i64, tpu.core_type = #tpu.core_type<tc>, window_params = [{transform_indices = @transform_0, window_bounds = array<i64: 512, 3>}, {transform_indices = @transform_1, window_bounds = array<i64: 512, 1>}, {pipeline_mode = #tpu.pipeline_mode<synchronous>, transform_indices = @transform_2, window_bounds = array<i64: 48, 48>}, {transform_indices = @transform_3, window_bounds = array<i64: 512, 48>}]} {
    %get3A = arith.constant 0 : index
    %get3A_0 = arith.constant 0 : index
    %get3A_1 = vector.load %arg1[%get3A, %get3A_0] : memref<512x3xf32, #tpu.memory_space<vmem>>, vector<512x3xf32>
    %get3A_2 = arith.constant 0 : index
    %get3A_3 = arith.constant 0 : index
    %get3A_4 = vector.load %arg2[%get3A_2, %get3A_3] : memref<512x1xi32, #tpu.memory_space<vmem>>, vector<512x1xi32>
    %broadcast_in_dim3A = arith.constant 1.000000e+00 : f32
    %broadcast_in_dim3A_5 = vector.broadcast %broadcast_in_dim3A : f32 to vector<512x1xf32>
    %concatenate3A = tpu.concatenate %get3A_1, %broadcast_in_dim3A_5 in 1 : vector<512x3xf32>, vector<512x1xf32> -> vector<512x4xf32>
    %concatenate3A_6 = tpu.concatenate %concatenate3A, %concatenate3A, %concatenate3A, %concatenate3A, %concatenate3A, %concatenate3A, %concatenate3A, %concatenate3A, %concatenate3A, %concatenate3A, %concatenate3A, %concatenate3A in 1 : vector<512x4xf32>, vector<512x4xf32>, vector<512x4xf32>, vector<512x4xf32>, vector<512x4xf32>, vector<512x4xf32>, vector<512x4xf32>, vector<512x4xf32>, vector<512x4xf32>, vector<512x4xf32>, vector<512x4xf32>, vector<512x4xf32> -> vector<512x48xf32>
    %iota3A = tpu.iota {dimensions = array<i32: 1>} : vector<512x48xi32>
    %jit3A = arith.constant 4 : i32
    %div3A = vector.broadcast %jit3A : i32 to vector<512x48xi32>
    %div3A_7 = arith.divsi %iota3A, %div3A : vector<512x48xi32>
    %sign3A = arith.constant 0 : i32
    %sign3A_8 = vector.broadcast %sign3A : i32 to vector<512x48xi32>
    %sign3A_9 = arith.cmpi sgt, %iota3A, %sign3A_8 : vector<512x48xi32>
    %sign3A_10 = arith.extui %sign3A_9 : vector<512x48xi1> to vector<512x48xi32>
    %sign3A_11 = arith.constant 0 : i32
    %sign3A_12 = vector.broadcast %sign3A_11 : i32 to vector<512x48xi32>
    %sign3A_13 = arith.cmpi slt, %iota3A, %sign3A_12 : vector<512x48xi32>
    %sign3A_14 = arith.extui %sign3A_13 : vector<512x48xi1> to vector<512x48xi32>
    %sign3A_15 = arith.subi %sign3A_10, %sign3A_14 : vector<512x48xi32>
    %sign3A_16 = arith.constant 0 : i32
    %sign3A_17 = arith.cmpi sgt, %jit3A, %sign3A_16 : i32
    %sign3A_18 = arith.extui %sign3A_17 : i1 to i32
    %sign3A_19 = arith.constant 0 : i32
    %sign3A_20 = arith.cmpi slt, %jit3A, %sign3A_19 : i32
    %sign3A_21 = arith.extui %sign3A_20 : i1 to i32
    %sign3A_22 = arith.subi %sign3A_18, %sign3A_21 : i32
    %ne3A = vector.broadcast %sign3A_22 : i32 to vector<512x48xi32>
    %ne3A_23 = arith.cmpi ne, %sign3A_15, %ne3A : vector<512x48xi32>
    %rem3A = vector.broadcast %jit3A : i32 to vector<512x48xi32>
    %rem3A_24 = arith.remsi %iota3A, %rem3A : vector<512x48xi32>
    %ne3A_25 = arith.constant 0 : i32
    %ne3A_26 = vector.broadcast %ne3A_25 : i32 to vector<512x48xi32>
    %ne3A_27 = arith.cmpi ne, %rem3A_24, %ne3A_26 : vector<512x48xi32>
    %and3A = arith.andi %ne3A_23, %ne3A_27 : vector<512x48xi1>
    %sub3A = arith.constant 1 : i32
    %sub3A_28 = vector.broadcast %sub3A : i32 to vector<512x48xi32>
    %sub3A_29 = arith.subi %div3A_7, %sub3A_28 : vector<512x48xi32>
    %select_n3A = arith.select %and3A, %sub3A_29, %div3A_7 : vector<512x48xi1>, vector<512x48xi32>
    %eq3A = vector.broadcast %get3A_4 : vector<512x1xi32> to vector<512x48xi32>
    %eq3A_30 = arith.cmpi eq, %select_n3A, %eq3A : vector<512x48xi32>
    %jit3A_31 = arith.constant 0.000000e+00 : f32
    %broadcast_in_dim3A_32 = vector.broadcast %jit3A_31 : f32 to vector<512x48xf32>
    %select_n3A_33 = arith.select %eq3A_30, %concatenate3A_6, %broadcast_in_dim3A_32 : vector<512x48xi1>, vector<512x48xf32>
    %get3A_34 = arith.constant 0 : index
    %get3A_35 = arith.constant 0 : index
    %get3A_36 = vector.load %arg3[%get3A_34, %get3A_35] : memref<48x48xf32, #tpu.memory_space<vmem>>, vector<48x48xf32>
    %dot_general3A = arith.constant dense<0.000000e+00> : vector<512x48xf32>
    %dot_general3A_37 = tpu.matmul %select_n3A_33, %get3A_36, %dot_general3A {dimension_numbers = #tpu.dot_dimension_numbers<[1], [0], [0], [1], [0, 0, 1, 1], [], []>, transpose_lhs_hint = false} : vector<512x48xf32>, vector<48x48xf32>, vector<512x48xf32> -> vector<512x48xf32>
    %swap3A = arith.constant 0 : index
    %swap3A_38 = arith.constant 0 : index
    %swap3A_39 = vector.load %arg4[%swap3A, %swap3A_38] : memref<512x48xf32, #tpu.memory_space<vmem>>, vector<512x48xf32>
    tpu.vector_store %arg4[%swap3A, %swap3A_38], %dot_general3A_37 {strides = array<i32>} : memref<512x48xf32, #tpu.memory_space<vmem>>, vector<512x48xf32>,
    return
  }
  func.func @transform_0(%arg0: i32) -> (i32, i32) {
    %c0_i32 = arith.constant 0 : i32
    %c0_i32_0 = arith.constant 0 : i32
    return %arg0, %c0_i32 : i32, i32
  }
  func.func @transform_1(%arg0: i32) -> (i32, i32) {
    %c0_i32 = arith.constant 0 : i32
    %c0_i32_0 = arith.constant 0 : i32
    return %arg0, %c0_i32 : i32, i32
  }
  func.func @transform_2(%arg0: i32) -> (i32, i32) {
    %c0_i32 = arith.constant 0 : i32
    %c0_i32_0 = arith.constant 0 : i32
    %c0_i32_1 = arith.constant 0 : i32
    return %c0_i32, %c0_i32_0 : i32, i32
  }
  func.func @transform_3(%arg0: i32) -> (i32, i32) {
    %c0_i32 = arith.constant 0 : i32
    %c0_i32_0 = arith.constant 0 : i32
    return %arg0, %c0_i32 : i32, i32
  }
}

</mosaic_0001>

<sc_bundles>
// kernel: kernel.5.cloned.1.call-start
scs
__scs_entry_jumppad:
0x0: {  	(pc) =	sbr.rel $0x88, $3  }
0x1: {  	(tag) =	ssettag $0x0;
	lr =	simm.s32 $0x1  }
0x2: {  	[smem:$0x3F9B] =	sst lr;
	_ =	strace $0xD0000000  }
0x3: {  	_ = 	snop  }
0x4: {  	_ = 	snop  }
0x5: {  	_ = 	snop  }
0x6: {  	_ = 	snop  }
0x7: {  	_ = 	snop  }
__scs_overlays_trampoline_lowered:
0x8: {  	[smem:$0x3FAA] =	sst s0  }
0x9: {  	[smem:$0x3FAB] =	sst s1  }
0xa: {  	[smem:$0x3FAC] =	sst s2  }
0xb: {  	[smem:$0x3FAD] =	sst s3  }
0xc: {  	[smem:$0x3FAE] =	sst s4  }
0xd: {  	[smem:$0x3FAF] =	sst s5  }
0xe: {  	[smem:$0x3FB0] =	sst s6  }
0xf: {  	[smem:$0x3FB1] =	sst s7  }
0x10: {  	[smem:$0x3FB2] =	sst s8  }
0x11: {  	[smem:$0x3FB3] =	sst s9;
	s0 =	simm.s32 @!p0 $0x0  }
0x12: {  	s1 =	sld [smem:$0x3F99];
	s0 =	simm.s32 @p0 $0x1  }
0x13: {  	[smem:$0x3FB4] =	sst s0;
	s0 =	simm.s32 @!p1 $0x0  }
0x14: {  	s2 =	sld [smem:$0x3F98];
	s0 =	simm.s32 @p1 $0x1  }
0x15: {  	[smem:$0x3FB5] =	sst s0;
	s0 =	simm.s32 @!p2 $0x0  }
0x16: {  	s3 =	sld [smem:$0x3FDB];
	s0 =	simm.s32 @p2 $0x1  }
0x17: {  	s4 =	simm.s32 $0x1BF5;
	[smem:$0x3FB7] =	sst s0  }
0x18: {  	s0 =	sld [smem:$0x3F9A];
	_ =	swait.ge [sflag:s4], $0x0  }
0x19: {  	s7 =	sld [smem:$0x3F9B]  }
0x1a: {  	s8 =	sadd.s32 $0xFFFFE003, lr  }
0x1b: {  	s9 =	sadd.s32 $0xFFFFFEF7, lr;
	s5 =	simm.s32 $0xFFFFFFFF;
	p2 =	slt.u32 s8, $0xFFFFF086  }
0x1c: {  	p1 =	slt.u32 s9, $0xF7A;
	s5 =	simm.s32 @!p2 $0x0  }
0x1d: {  	s5 =	simm.s32 @p1 $0x1;
	p0 =	seq.s32 s7, s2  }
0x1e: {  	s7 =	smul.u32 @!p0 $0xF7A, s2;
	p2 =	seq.s32 @!p0 s5, $0x0  }
0x1f: {  	s9 =	smul.u32 $0xF7A, s1;
	s8 =	simm.s32 @!p0 $0x1BF5;
	p2 =	por !p2, p0  }
0x20: {  	[sflag:s8] =	ssyncset.s32 @!p0 $0xFFFFF086;
	s6 =	sadd.s32 @!p0 s3, s7;
	s7 =	simm.s32 @!p0 $0x108  }
0x21: {  	s3 =	sadd.s32 s3, s9;
	s6 =	sadd.s32 @!p0 $0x88, s6;
	s7 =	simm.s32 @p2 $0x1082  }
0x22: {  	[simem:s7], [sflag:s8] =	dma.local @!p0 [hbm:s6], $0xF7A  }
0x23: {  	s9 =	sor.u32 $0xD0000000, s2;
	s6 =	simm.s32 $0x108;
	_ =	swait.ge @!p0 [sflag:s8], $0x0  }
0x24: {  	s3 =	sadd.s32 $0x88, s3;
	s6 =	simm.s32 @!p1 $0x1082;
	[sflag:s4] =	ssyncset.s32 $0xFFFFF086  }
0x25: {  	[simem:s6], [sflag:s4] =	dma.local [hbm:s3], $0xF7A  }
0x26: {  	[smem:$0x3F9B] =	sst s1;
	(tag) =	ssettag s2;
	_ =	strace s9  }
0x27: {  	s1 =	sld [smem:$0x3FAB]  }
0x28: {  	s2 =	sld [smem:$0x3FAC]  }
0x29: {  	s4 =	sld [smem:$0x3FAE]  }
0x2a: {  	p0 =	seq.s32 s5, $0x0;
	s5 =	sld [smem:$0x3FAF]  }
0x2b: {  	s6 =	sld [smem:$0x3FB0]  }
0x2c: {  	s7 =	sld [smem:$0x3FB1]  }
0x2d: {  	s3 =	simm.s32 $0x108;
	s8 =	sld [smem:$0x3FB2]  }
0x2e: {  	s3 =	simm.s32 @!p0 $0x1082;
	s9 =	sld [smem:$0x3FB3]  }
0x2f: {  	lr =	sadd.s32 s0, s3;
	s0 =	sld [smem:$0x3FAA]  }
0x30: {  	s3 =	sld [smem:$0x3FAD]  }
0x31: {  	[smem:$0x3FB6] =	sst s10  }
0x32: {  	s10 =	sld [smem:$0x3FB4];
	_ =	sdelay $0x3  }
0x33: {  	p0 =	seq.s32 s10, $0x1;
	s10 =	sld [smem:$0x3FB6];
	_ =	sdelay $0x3  }
0x34: {  	[smem:$0x3FB6] =	sst s10  }
0x35: {  	s10 =	sld [smem:$0x3FB5];
	_ =	sdelay $0x3  }
0x36: {  	p1 =	seq.s32 s10, $0x1;
	s10 =	sld [smem:$0x3FB6];
	_ =	sdelay $0x3  }
0x37: {  	[smem:$0x3FB6] =	sst s10  }
0x38: {  	s10 =	sld [smem:$0x3FB7]  }
0x39: {  	_ = 	snop;
	(pc) =	sbr.ind lr, $3  }
0x3a: {  	_ = 	snop  }
0x3b: {  	_ = 	snop  }
0x3c: {  	p2 =	seq.s32 s10, $0x1;
	s10 =	sld [smem:$0x3FB6]  }
0x3d: {  	_ =	shalt  }
0x3e: {  	_ =	shalt  }
0x3f: {  	_ =	shalt  }
0x40: {  	_ =	shalt  }
0x41: {  	_ =	shalt  }
0x42: {  	_ =	shalt  }
0x43: {  	_ =	shalt  }
0x44: {  	_ =	shalt  }
0x45: {  	_ =	shalt  }
0x46: {  	_ =	shalt  }
0x47: {  	_ =	shalt  }
0x48: {  	_ =	shalt  }
0x49: {  	_ =	shalt  }
0x4a: {  	_ =	shalt  }
0x4b: {  	_ =	shalt  }
0x4c: {  	_ =	shalt  }
0x4d: {  	_ =	shalt  }
0x4e: {  	_ =	shalt  }
0x4f: {  	_ =	shalt  }
0x50: {  	_ =	shalt  }
0x51: {  	_ =	shalt  }
0x52: {  	_ =	shalt  }
0x53: {  	_ =	shalt  }
0x54: {  	_ =	shalt  }
0x55: {  	_ =	shalt  }
0x56: {  	_ =	shalt  }
0x57: {  	_ =	shalt  }
0x58: {  	_ =	shalt  }
0x59: {  	_ =	shalt  }
0x5a: {  	_ =	shalt  }
0x5b: {  	_ =	shalt  }
0x5c: {  	_ =	shalt  }
0x5d: {  	_ =	shalt  }
0x5e: {  	_ =	shalt  }
0x5f: {  	_ =	shalt  }
0x60: {  	_ =	shalt  }
0x61: {  	_ =	shalt  }
0x62: {  	_ =	shalt  }
0x63: {  	_ =	shalt  }
0x64: {  	_ =	shalt  }
0x65: {  	_ =	shalt  }
0x66: {  	_ =	shalt  }
0x67: {  	_ =	shalt  }
0x68: {  	_ =	shalt  }
0x69: {  	_ =	shalt  }
0x6a: {  	_ =	shalt  }
0x6b: {  	_ =	shalt  }
0x6c: {  	_ =	shalt  }
0x6d: {  	_ =	shalt  }
0x6e: {  	_ =	shalt  }
0x6f: {  	_ =	shalt  }
0x70: {  	_ =	shalt  }
0x71: {  	_ =	shalt  }
0x72: {  	_ =	shalt  }
0x73: {  	_ =	shalt  }
0x74: {  	_ =	shalt  }
0x75: {  	_ =	shalt  }
0x76: {  	_ =	shalt  }
0x77: {  	_ =	shalt  }
0x78: {  	_ =	shalt  }
0x79: {  	_ =	shalt  }
0x7a: {  	_ =	shalt  }
0x7b: {  	_ =	shalt  }
0x7c: {  	_ =	shalt  }
0x7d: {  	_ =	shalt  }
0x7e: {  	_ =	shalt  }
0x7f: {  	_ =	shalt  }
0x80: {  	_ =	shalt  }
0x81: {  	_ =	shalt  }
0x82: {  	_ =	shalt  }
0x83: {  	_ =	shalt  }
0x84: {  	_ =	shalt  }
0x85: {  	_ =	shalt  }
0x86: {  	_ =	shalt  }
0x87: {  	_ =	shalt  }
.Lfunc_end0:
.L_simem_size_0:
called_computation_lowered:
.L_overlay_start_0:
0x88: {  	s2 =	sld [smem:$0x3FD9]  }
0x89: {  	s3 =	sld [smem:$0x3FFE];
	_ =	sdelay $0x1  }
0x8a: {  	s1 =	srdreg.scid  }
0x8b: {  	s0 =	sand.u32 $0x1, s1  }
0x8c: {  	s14 =	sshll.u32 s0, $0xA;
	s2 =	sadd.s32 s3, s2  }
0x8d: {  	s2 =	sadd.s32 s2, s14  }
0x8e: {  	[smem:$0x3FC2] =	sst s2  }
0x8f: {  	_ = 	snop  }
0x90: {  	s2 =	sld [smem:$0x3FD0];
	_ =	sdelay $0x2  }
0x91: {  	s15 =	simm.s32 $0xA;
	s4 =	simm.s32 $0x10  }
0x92: {  	[smem:s4], [sflag:s15] =	dma.local [hbm:s2], $0x1  }
0x93: {  	_ =	swait.eq [sflag:s15], $0x1  }
0x94: {  	[sflag:s15] =	ssyncset.done $0x0  }
0x95: {  	s16 =	sld [smem:$0x10];
	[sflag:s15] =	ssyncadd.s32 $0xFFFFFFFF  }
0x96: {  	s17 =	sld [smem:$0x11];
	(tm) =	ssettm $0x1  }
0x97: {  	s18 =	sld [smem:$0x3FFB];
	_ =	sdelay $0x3  }
0x98: {  	_ =	strace s18  }
0x99: {  	s4 =	sld [smem:$0x3FFC];
	_ =	sdelay $0x3  }
0x9a: {  	_ =	strace s4  }
0x9b: {  	s4 =	sld [smem:$0x3FFD];
	_ =	sdelay $0x3  }
0x9c: {  	_ =	strace s4  }
0x9d: {  	_ =	strace $0x8FFFFFFF  }
0x9e: {  	s19 =	sld [smem:$0x3FDB];
	_ =	sdelay $0x1  }
0x9f: {  	s5 =	simm.s32 $_scs_section_size  }
0xa0: {  	s6 =	simm.s32 $_size__tile_overlayer_lowered;
	s7 =	simm.s32 $_tile_overlayer_lowered  }
0xa1: {  	s22 =	simm.s32 $0x1BFF;
	s21 =	sshll.u32 s7, $0x1;
	s4 =	sadd.s32 s5, s19  }
0xa2: {  	s8 =	simm.s32 $0x0;
	s20 =	sshll.u32 s6, $0x1;
	s6 =	sadd.s32 s21, s4  }
0xa3: {  	[timem:s8], [sflag:s22] =	dma.local [hbm:s6], s20  }
0xa4: {  	_ =	swait.ge [sflag:s22], s20  }
0xa5: {  	s5 =	ssub.s32 $0x0, s20;
	[sflag:s22] =	ssyncset.done $0x0  }
0xa6: {  	[sflag:s22] =	ssyncadd.s32 s5;
	_ =	sdelay $0x1  }
0xa7: {  	s23 =	simm.s32 $0x1B8B  }
0xa8: {  	_ =	swait.ge [sflag:s23], $0x1  }
0xa9: {  	[sflag:s23] =	ssyncset.done $0x0  }
0xaa: {  	s25 =	simm.s32 $0x1B8E;
	s24 =	sld [smem:$0x3FFE];
	[sflag:s23] =	ssyncadd.s32 $0xFFFFFFFF  }
0xab: {  	s26 =	simm.s32 $execute0_lowered;
	[smem:$0x3FD2] =	sst s25  }
0xac: {  	s6 =	sshll.u32 s26, $0x1;
	_ =	strace $0x80000046;
	[dreg:$0x1] =	wrdreg $0xFFFFFFFF  }
0xad: {  	s28 =	simm.s32 $_size_execute0_lowered;
	s4 =	sadd.s32 s4, s6;
	[dreg:$0x0] =	wrdreg $0x0  }
0xae: {  	s6 =	sshll.u32 s28, $0x1;
	[dreg:$0x2] =	wrdreg s4  }
0xaf: {  	[dreg:$0x3] =	wrdreg s6  }
0xb0: {  	[dreg:$0x4] =	wrdreg $0xC0  }
0xb1: {  	_ =	task [dreg:s8], $0x5FFFF  }
0xb2: {  	[dreg:$0x1] =	wrdreg $0xFFFFFFFF  }
0xb3: {  	[dreg:$0x0] =	wrdreg $0x60  }
0xb4: {  	[dreg:$0x2] =	wrdreg s16  }
0xb5: {  	[dreg:$0x3] =	wrdreg s24  }
0xb6: {  	[dreg:$0x4] =	wrdreg s17  }
0xb7: {  	[dreg:$0x5] =	wrdreg $0x9  }
0xb8: {  	_ =	task.clear_ibuf [dreg:s8], $0x6FFFF;
	_ =	strace $0x90000046  }
0xb9: {  	s29 =	simm.s32 $0x9;
	_ =	strace $0x80000048  }
0xba: {  	_ =	swait.ge [sflag:s29], $0x1  }
0xbb: {  	[sflag:s29] =	ssyncadd.s32 $0xFFFFFFFF  }
0xbc: {  	_ =	strace $0x90000048  }
0xbd: {  	_ =	sfence  }
0xbe: {  	s30 =	sld [smem:$0x0];
	_ =	sdelay $0x2  }
0xbf: {  	s31 =	sshll.u32 s1, $0xD;
	s1 =	sshrl.u32 s1, $0x2  }
0xc0: {  	s3 =	sand.u32 $0x4000, s31;
	s1 =	sadd.s32 s1, s30  }
0xc1: {  	s0 =	sor.u32 s3, s0;
	s1 =	sshll.u32 s1, $0x11  }
0xc2: {  	s0 =	sor.u32 s1, s0  }
0xc3: {  	s0 =	sadd.s32 $0x8F2B, s0  }
0xc4: {  	[sflag:s0] =	ssyncadd.remote.s32 $0x1  }
0xc5: {  	_ =	sfence.sel $0xFFFF  }
0xc6: {  	[dreg:$0x0] =	wrdreg $0xFFFFFFFF;
	(pc) =	sbr.abs _section_cstart, $3  }
0xc7: {  	[dreg:$0x1] =	wrdreg $0xFFFFFFFF  }
0xc8: {  	_ =	task.clear_ibuf [dreg:s8], $0x2FFFF;
	_ =	strace $0x9FFFFFFF  }
0xc9: {  	(tm) =	ssettm $0x7FFFFFFF  }
tec
execute0_lowered:
.L_overlay_start_1:
0x0: {  	(tag) =	ssettag $0x1  }
0x1: {  	s1 =	rddreg [dreg:$0x0]  }
0x2: {  	s2 =	srdreg.scid;
	s0 =	stileid.u32  }
0x3: {  	s4 =	rddreg [dreg:$0x1];
	s6 =	sand.u32 $0x1, s2;
	s30 =	sshll.u32 s0, $0x1  }
0x4: {  	s9 =	rddreg [dreg:$0x2];
	s3 =	simm.s32 $0x0;
	s5 =	sor.u32 s6, s30  }
0x5: {  	[smem:$0x7FF] =	sst s3;
	s10 =	smul.u32 $0x28, s5  }
0x6: {  	s2 =	rddreg [dreg:$0x3];
	_ =	strace $0x80000047  }
0x7: {  	s11 =	ssub.s32 $0x2, s6;
	s5 =	sadd.s32 s4, s10;
	s4 =	simm.s32 $0x2  }
0x8: {  	[tilespmem:s3], [sflag:$0x2] =	stream.linear.gather [hbm4b:s5+s3], $0x140, $0x38;
	[tilespmem:$0x300] =	vst v63  }
0x9: {  	s7 =	simm.s32 $0x180;
	s12 =	sshrl.u32 s11, $0x1;
	_ =	swait.ge [sflag:s4], $0x140  }
0xa: {  	s8 =	simm.s32 $0x1;
	s11 =	ssub.s32 s11, s12;
	[sflag:s4] =	ssyncset.done $0x0  }
0xb: {  	s6 =	simm.s32 $0x140;
	s31 =	smax.u32 s11, $0x1;
	[sflag:s4] =	ssyncadd.s32 $0xFFFFFEC0  }
0xc: {  	[tilespmem:s7], [sflag:$0x1] =	stream.indirect.gather [hbm4b:s1+s6], $0x1, s3, s6, $0xb8;
	[tilespmem:$0x300] =	vst v63  }
0xd: {  	p0 =	sne.s32 s31, $0x1;
	_ =	swait.ge [sflag:s8], $0x140  }
.Ltmp0:
0xe: {  	[sflag:s8] =	ssyncset.done $0x0;
	(pc) =	sbr.rel @!p0 .LBB2_2-.Ltmp0, $4  }
0xf: {  	s9 =	sadd.s32 s9, s10;
	[sflag:s8] =	ssyncadd.s32 $0xFFFFFEC0  }
0x10: {  	[hbm4b:s9+s3] =	stream.linear.scatter [tilespmem:s7], [sflag:$0x2], $0x140, $0x38;
	[tilespmem:$0x300] =	vst v63  }
0x11: {  	_ =	swait.ge [sflag:s4], $0x140  }
0x12: {  	s10 =	sadd.s32 $0xFFFFFFFF, s31;
	[sflag:s4] =	ssyncset.done $0x0  }
.LBB2_1:
0x13: {  	p0 =	sne.s32 s10, $0x1;
	s10 =	sadd.s32 $0xFFFFFFFF, s10;
	[sflag:s4] =	ssyncadd.s32 $0xFFFFFEC0  }
0x14: {  	[tilespmem:s3], [sflag:$0x2] =	stream.linear.gather [hbm4b:s5+s3], $0x140, $0x38;
	[tilespmem:$0x300] =	vst v63  }
0x15: {  	_ =	swait.ge [sflag:s4], $0x140  }
0x16: {  	[sflag:s4] =	ssyncset.done $0x0  }
0x17: {  	[sflag:s4] =	ssyncadd.s32 $0xFFFFFEC0  }
0x18: {  	[tilespmem:s7], [sflag:$0x1] =	stream.indirect.gather [hbm4b:s1+s6], $0x1, s3, s6, $0xb8;
	[tilespmem:$0x300] =	vst v63  }
0x19: {  	_ =	swait.ge [sflag:s8], $0x140  }
.Ltmp1:
0x1a: {  	[sflag:s8] =	ssyncset.done $0x0;
	(pc) =	sbr.rel @p0 .LBB2_1-.Ltmp1, $4  }
0x1b: {  	[sflag:s8] =	ssyncadd.s32 $0xFFFFFEC0  }
0x1c: {  	[hbm4b:s9+s3] =	stream.linear.scatter [tilespmem:s7], [sflag:$0x2], $0x140, $0x38;
	[tilespmem:$0x300] =	vst v63  }
0x1d: {  	_ =	swait.ge [sflag:s4], $0x140  }
0x1e: {  	[sflag:s4] =	ssyncset.done $0x0  }
.LBB2_2:
0x1f: {  	[sflag:s4] =	ssyncadd.s32 $0xFFFFFEC0  }
0x20: {  	_ =	sfence.sel $0x180000  }
0x21: {  	[bflag:$0x0] =	sbarrier.arrive $0xFFFF  }
0x22: {  	p0 =	sne.s32 s0, $0x0;
	_ =	strace $0x90000047  }
0x23: {  	s0 =	sadd.s32 @!p0 $0x100000, s2;
	[bflag:$0x2] =	sbarrier.arrive $0xFFFF  }
0x24: {  	[sflag:s0] =	ssyncadd.tile.s32 @!p0 $0x1;
	_ =	shalt  }
.Lfunc_end2:
_tile_overlayer_lowered:
.L_overlay_start_2:
0x25: {  	(tag) =	ssettag $0x2  }
0x26: {  	s0 =	rddreg [dreg:$0x0];
	s2 =	stileid.u32  }
0x27: {  	s1 =	rddreg [dreg:$0x1];
	p0 =	sne.s32 s2, $0x0  }
0x28: {  	s3 =	rddreg [dreg:$0x2];
	[bflag:$0x3] =	sbarrier.arrive $0xFFFF;
	s2 =	simm.s32 @!p0 $0x1C02  }
0x29: {  	[timem:s3], [sflag:s2] =	dma.local @!p0 [hbm:s0], s1  }
0x2a: {  	s0 =	simm.s32 @!p0 $0x2  }
0x2b: {  	_ =	swait.ge @!p0 [sflag:s0], s1  }
0x2c: {  	s1 =	ssub.s32 @!p0 $0x0, s1;
	[sflag:s0] =	ssyncset.done @!p0 $0x0  }
0x2d: {  	[sflag:s0] =	ssyncadd.s32 @!p0 s1  }
0x2e: {  	[bflag:$0x3] =	sbarrier.arrive $0xFFFF  }
0x2f: {  	_ =	shalt  }

</sc_bundles>
